<compile_context>
chip_gen: v7x
topology: tpu7x:2x2x1
jax: 0.10.2.dev20260603
libtpu: 0.0.44.dev20260713+nightly
codegen_flags: <defaults>
</compile_context>

<pallas_src>
import functools

import jax
import jax.numpy as jnp
from jax import lax
from jax.experimental import pallas as pl
from jax.experimental.pallas import tpu as pltpu
from jax.experimental.pallas import tpu_sc as plsc

N = 10000
E = 320000
NC = 2
NS = 16
CH = 80
FW = 128
RPT = 632
R = 1000
NR = N // R

EPA = E // (NC * NS)
EPA_P = -(-EPA // CH) * CH
NCH_A = EPA_P // CH
EPB = E // NS
EPB_P = -(-EPB // CH) * CH
NCH_B = EPB_P // CH



@functools.lru_cache(None)
def _deg_kernel():
    NCH = NCH_A
    mesh = plsc.VectorSubcoreMesh(core_axis_name="c", subcore_axis_name="s")

    @functools.partial(
        pl.kernel,
        out_type=jax.ShapeDtypeStruct((NC, N, 16), jnp.float32),
        mesh=mesh,
        scratch_types=[
            pltpu.VMEM_SHARED((N, 16), jnp.float32),
            pltpu.VMEM((8, 16), jnp.float32),
            pltpu.VMEM((CH, 16), jnp.float32),
            pltpu.VMEM((CH,), jnp.int32),
            pltpu.VMEM((CH,), jnp.int32),
            pltpu.SemaphoreType.DMA,
            pltpu.SemaphoreType.DMA,
        ],
    )
    def deg(dst, ones_in, zeros_in, out, acc, zbuf, ones_v, dst_v0, dst_v1,
            sem0, sem1):
        c = lax.axis_index("c")
        s = lax.axis_index("s")
        pltpu.sync_copy(zeros_in, zbuf)
        pltpu.sync_copy(ones_in, ones_v)
        r0 = jnp.minimum(s * RPT, N - RPT)

        def zbody(i, carry):
            pltpu.sync_copy(zbuf, acc.at[pl.ds(r0 + i * 8, 8)])
            return carry

        lax.fori_loop(0, RPT // 8, zbody, 0)
        plsc.subcore_barrier()
        plsc.subcore_barrier()
        e0 = (s * NC + c) * EPA_P
        last = NCH - 1

        def body(k, carry):
            pltpu.sync_copy(dst.at[pl.ds(e0 + k * CH, CH)], dst_v0)
            pltpu.sync_copy(ones_v, acc.at[dst_v0], add=True)
            return carry

        lax.fori_loop(0, NCH, body, 0)
        plsc.subcore_barrier()
        plsc.subcore_barrier()

        @pl.when(s < NS - 1)
        def _wmain():
            pltpu.sync_copy(acc.at[pl.ds(s * RPT, RPT)],
                            out.at[c, pl.ds(s * RPT, RPT)])

        @pl.when(s == NS - 1)
        def _wlast():
            pltpu.sync_copy(acc.at[pl.ds((NS - 1) * RPT, N - (NS - 1) * RPT)],
                            out.at[c, pl.ds((NS - 1) * RPT, N - (NS - 1) * RPT)])

    return deg


@functools.lru_cache(None)
def _agg_kernel(col_split):
    EPT = EPB_P if col_split else EPA_P
    NCH = NCH_B if col_split else NCH_A
    mesh = plsc.VectorSubcoreMesh(core_axis_name="c", subcore_axis_name="s")

    @functools.partial(
        pl.kernel,
        out_type=jax.ShapeDtypeStruct((NC, N, FW), jnp.float32),
        mesh=mesh,
        scratch_types=[
            pltpu.VMEM_SHARED((N, FW), jnp.float32),
            pltpu.VMEM((8, FW), jnp.float32),
            pltpu.VMEM((CH,), jnp.int32),
            pltpu.VMEM((CH,), jnp.int32),
            pltpu.VMEM((CH,), jnp.int32),
            pltpu.VMEM((CH,), jnp.int32),
            pltpu.VMEM((CH,), jnp.int32),
            pltpu.VMEM((CH,), jnp.int32),
            pltpu.VMEM((CH, FW), jnp.float32),
            pltpu.VMEM((CH, FW), jnp.float32),
            pltpu.SemaphoreType.DMA,
            pltpu.SemaphoreType.DMA,
            pltpu.SemaphoreType.DMA,
            pltpu.SemaphoreType.DMA,
        ],
    )
    def agg(y2, src, dst, zeros_in, tok, out, acc, zbuf, src_v0, src_v1,
            dst_v0, dst_v1, gidx_v0, gidx_v1, rows_v0, rows_v1,
            gs0, gs1, is0, is1):
        c = lax.axis_index("c")
        s = lax.axis_index("s")
        pltpu.sync_copy(tok, gidx_v0)
        pltpu.sync_copy(zeros_in, zbuf)
        r0 = jnp.minimum(s * RPT, N - RPT)

        def zbody(i, carry):
            pltpu.sync_copy(zbuf, acc.at[pl.ds(r0 + i * 8, 8)])
            return carry

        lax.fori_loop(0, RPT // 8, zbody, 0)
        plsc.subcore_barrier()
        plsc.subcore_barrier()
        e0 = s * EPT if col_split else (s * NC + c) * EPT

        def body(k, carry):
            eo = e0 + k * CH
            if col_split:
                pltpu.sync_copy(src.at[pl.ds(c * (NS * EPT) + eo, CH)], src_v0)
            else:
                pltpu.sync_copy(src.at[pl.ds(eo, CH)], src_v0)
            pltpu.sync_copy(dst.at[pl.ds(eo, CH)], dst_v0)
            pltpu.async_copy(y2.at[src_v0], rows_v0, gs0).wait()
            pltpu.sync_copy(rows_v0, acc.at[dst_v0], add=True)
            return carry

        lax.fori_loop(0, NCH, body, 0)
        plsc.subcore_barrier()
        plsc.subcore_barrier()

        @pl.when(s < NS - 1)
        def _wmain():
            pltpu.sync_copy(acc.at[pl.ds(s * RPT, RPT)],
                            out.at[c, pl.ds(s * RPT, RPT)])

        @pl.when(s == NS - 1)
        def _wlast():
            pltpu.sync_copy(acc.at[pl.ds((NS - 1) * RPT, N - (NS - 1) * RPT)],
                            out.at[c, pl.ds((NS - 1) * RPT, N - (NS - 1) * RPT)])

    return agg



def _dinv_body(d0_ref, d1_ref, o_ref):
    o_ref[...] = lax.rsqrt(d0_ref[:, 0:1] + d1_ref[:, 0:1] + 1.0)


@functools.lru_cache(None)
def _dinv_kernel():
    return pl.pallas_call(
        _dinv_body,
        grid=(NR,),
        in_specs=[pl.BlockSpec((R, 16), lambda r: (r, 0)),
                  pl.BlockSpec((R, 16), lambda r: (r, 0))],
        out_specs=pl.BlockSpec((R, 1), lambda r: (r, 0)),
        out_shape=jax.ShapeDtypeStruct((N, 1), jnp.float32),
    )


def _lin2_body(a_ref, p_ref, wg_ref, wp_ref, bp_ref, dinv_ref, y_ref, h0_ref):
    y_ref[...] = jnp.dot(a_ref[...], wg_ref[...],
                         preferred_element_type=jnp.float32) * dinv_ref[...]
    h0_ref[...] = jnp.dot(p_ref[...], wp_ref[...],
                          preferred_element_type=jnp.float32) + bp_ref[...]


@functools.lru_cache(None)
def _lin2_kernel(da, dp, F, Fp):
    return pl.pallas_call(
        _lin2_body,
        grid=(NR,),
        in_specs=[
            pl.BlockSpec((R, da), lambda r: (r, 0)),
            pl.BlockSpec((R, dp), lambda r: (r, 0)),
            pl.BlockSpec((da, F), lambda r: (0, 0)),
            pl.BlockSpec((dp, Fp), lambda r: (0, 0)),
            pl.BlockSpec((1, Fp), lambda r: (0, 0)),
            pl.BlockSpec((R, 1), lambda r: (r, 0)),
        ],
        out_specs=[pl.BlockSpec((R, F), lambda r: (r, 0)),
                   pl.BlockSpec((R, Fp), lambda r: (r, 0))],
        out_shape=[jax.ShapeDtypeStruct((N, F), jnp.float32),
                   jax.ShapeDtypeStruct((N, Fp), jnp.float32)],
    )


def _lin1_body(a_ref, w_ref, dinv_ref, y_ref):
    y_ref[...] = jnp.dot(a_ref[...], w_ref[...],
                         preferred_element_type=jnp.float32) * dinv_ref[...]


@functools.lru_cache(None)
def _lin1_kernel(da, F):
    return pl.pallas_call(
        _lin1_body,
        grid=(NR,),
        in_specs=[
            pl.BlockSpec((R, da), lambda r: (r, 0)),
            pl.BlockSpec((da, F), lambda r: (0, 0)),
            pl.BlockSpec((R, 1), lambda r: (r, 0)),
        ],
        out_specs=pl.BlockSpec((R, F), lambda r: (r, 0)),
        out_shape=jax.ShapeDtypeStruct((N, F), jnp.float32),
    )


def _lin2p_body(a0_ref, a1_ref, wg_ref, wp_ref, bpp_ref, dinv_ref,
                y_ref, h0_ref):
    y_ref[...] = jnp.concatenate(
        [jnp.dot(a0_ref[...], wg_ref[...], preferred_element_type=jnp.float32),
         jnp.dot(a1_ref[...], wg_ref[...], preferred_element_type=jnp.float32)],
        axis=1) * dinv_ref[...]
    h0_ref[...] = jnp.concatenate(
        [jnp.dot(a0_ref[...], wp_ref[...], preferred_element_type=jnp.float32),
         jnp.dot(a1_ref[...], wp_ref[...], preferred_element_type=jnp.float32)],
        axis=1) + bpp_ref[...]


@functools.lru_cache(None)
def _lin2p_kernel(da, Fh):
    return pl.pallas_call(
        _lin2p_body,
        grid=(NR,),
        in_specs=[
            pl.BlockSpec((R, da), lambda r: (r, 0)),
            pl.BlockSpec((R, da), lambda r: (r, 0)),
            pl.BlockSpec((da, Fh), lambda r: (0, 0)),
            pl.BlockSpec((da, Fh), lambda r: (0, 0)),
            pl.BlockSpec((1, 2 * Fh), lambda r: (0, 0)),
            pl.BlockSpec((R, 1), lambda r: (r, 0)),
        ],
        out_specs=[pl.BlockSpec((R, 2 * Fh), lambda r: (r, 0)),
                   pl.BlockSpec((R, 2 * Fh), lambda r: (r, 0))],
        out_shape=[jax.ShapeDtypeStruct((N, 2 * Fh), jnp.float32),
                   jax.ShapeDtypeStruct((N, 2 * Fh), jnp.float32)],
    )


def _lin1p_body(a0_ref, a1_ref, w_ref, dinv_ref, y_ref):
    y_ref[...] = jnp.concatenate(
        [jnp.dot(a0_ref[...], w_ref[...], preferred_element_type=jnp.float32),
         jnp.dot(a1_ref[...], w_ref[...], preferred_element_type=jnp.float32)],
        axis=1) * dinv_ref[...]


@functools.lru_cache(None)
def _lin1p_kernel(da, Fh):
    return pl.pallas_call(
        _lin1p_body,
        grid=(NR,),
        in_specs=[
            pl.BlockSpec((R, da), lambda r: (r, 0)),
            pl.BlockSpec((R, da), lambda r: (r, 0)),
            pl.BlockSpec((da, Fh), lambda r: (0, 0)),
            pl.BlockSpec((R, 1), lambda r: (r, 0)),
        ],
        out_specs=pl.BlockSpec((R, 2 * Fh), lambda r: (r, 0)),
        out_shape=jax.ShapeDtypeStruct((N, 2 * Fh), jnp.float32),
    )


def _make_post_body(cat):
    def _post_body(agg_ref, y_ref, dinv_ref, bg_ref, g_ref, s1_ref, s2_ref):
        if cat:
            a = jnp.concatenate([agg_ref[0], agg_ref[1]], axis=1)
        else:
            a = agg_ref[0] + agg_ref[1]
        g = (a + y_ref[...]) * dinv_ref[...] + bg_ref[...]
        g_ref[...] = g

        @pl.when(pl.program_id(0) == 0)
        def _init():
            s1_ref[...] = jnp.zeros_like(s1_ref[...])
            s2_ref[...] = jnp.zeros_like(s2_ref[...])

        s1_ref[...] += jnp.broadcast_to(jnp.sum(g, 0, keepdims=True),
                                        s1_ref.shape)
        s2_ref[...] += jnp.broadcast_to(jnp.sum(g * g, 0, keepdims=True),
                                        s2_ref.shape)

    return _post_body


@functools.lru_cache(None)
def _post_kernel(F, cat):
    return pl.pallas_call(
        _make_post_body(cat),
        grid=(NR,),
        in_specs=[
            pl.BlockSpec((NC, R, FW), lambda r: (0, r, 0)),
            pl.BlockSpec((R, F), lambda r: (r, 0)),
            pl.BlockSpec((R, 1), lambda r: (r, 0)),
            pl.BlockSpec((1, F), lambda r: (0, 0)),
        ],
        out_specs=[pl.BlockSpec((R, F), lambda r: (r, 0)),
                   pl.BlockSpec((8, F), lambda r: (0, 0)),
                   pl.BlockSpec((8, F), lambda r: (0, 0))],
        out_shape=[jax.ShapeDtypeStruct((N, F), jnp.float32),
                   jax.ShapeDtypeStruct((8, F), jnp.float32),
                   jax.ShapeDtypeStruct((8, F), jnp.float32)],
    )


def _bn_elu_body(g_ref, h0_ref, s1_ref, s2_ref, gam_ref, bet_ref, o_ref):
    m = s1_ref[0:1, :] * (1.0 / N)
    ms = s2_ref[0:1, :] * (1.0 / N)
    rstd = lax.rsqrt(ms - m * m + 1e-5)
    t = gam_ref[...] * (g_ref[...] - m) * rstd + bet_ref[...] + h0_ref[...]
    o_ref[...] = jnp.where(t > 0, t, jnp.exp(jnp.minimum(t, 0.0)) - 1.0)


@functools.lru_cache(None)
def _bn_elu_kernel(F):
    return pl.pallas_call(
        _bn_elu_body,
        grid=(NR,),
        in_specs=[
            pl.BlockSpec((R, F), lambda r: (r, 0)),
            pl.BlockSpec((R, F), lambda r: (r, 0)),
            pl.BlockSpec((8, F), lambda r: (0, 0)),
            pl.BlockSpec((8, F), lambda r: (0, 0)),
            pl.BlockSpec((1, F), lambda r: (0, 0)),
            pl.BlockSpec((1, F), lambda r: (0, 0)),
        ],
        out_specs=pl.BlockSpec((R, F), lambda r: (r, 0)),
        out_shape=jax.ShapeDtypeStruct((N, F), jnp.float32),
    )


def _bn_body(g_ref, s1_ref, s2_ref, gam_ref, bet_ref, o_ref):
    m = s1_ref[0:1, :] * (1.0 / N)
    ms = s2_ref[0:1, :] * (1.0 / N)
    rstd = lax.rsqrt(ms - m * m + 1e-5)
    o_ref[...] = gam_ref[...] * (g_ref[...] - m) * rstd + bet_ref[...]


@functools.lru_cache(None)
def _bn_kernel(F):
    return pl.pallas_call(
        _bn_body,
        grid=(NR,),
        in_specs=[
            pl.BlockSpec((R, F), lambda r: (r, 0)),
            pl.BlockSpec((8, F), lambda r: (0, 0)),
            pl.BlockSpec((8, F), lambda r: (0, 0)),
            pl.BlockSpec((1, F), lambda r: (0, 0)),
            pl.BlockSpec((1, F), lambda r: (0, 0)),
        ],
        out_specs=pl.BlockSpec((R, F), lambda r: (r, 0)),
        out_shape=jax.ShapeDtypeStruct((N, F), jnp.float32),
    )


def _head_body(mu_ref, lv_ref, ep_ref, mua_ref, lva_ref, epa_ref,
               wf_ref, bf_ref, wd_ref, bd_ref, rec_ref, ret_ref, reta_ref):
    z = mu_ref[...] + ep_ref[...] * jnp.exp(0.5 * lv_ref[...])
    za = mua_ref[...] + epa_ref[...] * jnp.exp(0.5 * lva_ref[...])
    rec_ref[...] = jnp.dot(z, wf_ref[...],
                           preferred_element_type=jnp.float32) + bf_ref[...]
    g = z / jnp.maximum(jnp.sqrt(jnp.sum(z * z, 1, keepdims=True)), 1e-12)
    ga = za / jnp.maximum(jnp.sqrt(jnp.sum(za * za, 1, keepdims=True)), 1e-12)
    zw = jnp.dot(z, wd_ref[...], preferred_element_type=jnp.float32)
    gaw = jnp.dot(ga, wd_ref[...], preferred_element_type=jnp.float32)
    b = bd_ref[0, 0]
    ret_ref[...] = jnp.concatenate(
        [jnp.sum(zw * g, 1, keepdims=True),
         jnp.sum(gaw * g, 1, keepdims=True)], 1) + b
    reta_ref[...] = jnp.concatenate(
        [jnp.sum(gaw * ga, 1, keepdims=True),
         jnp.sum(zw * ga, 1, keepdims=True)], 1) + b


@functools.lru_cache(None)
def _head_kernel():
    return pl.pallas_call(
        _head_body,
        grid=(NR,),
        in_specs=[pl.BlockSpec((R, 32), lambda r: (r, 0))] * 6 + [
            pl.BlockSpec((32, 128), lambda r: (0, 0)),
            pl.BlockSpec((1, 128), lambda r: (0, 0)),
            pl.BlockSpec((32, 32), lambda r: (0, 0)),
            pl.BlockSpec((1, 1), lambda r: (0, 0)),
        ],
        out_specs=[pl.BlockSpec((R, 128), lambda r: (r, 0)),
                   pl.BlockSpec((R, 2), lambda r: (r, 0)),
                   pl.BlockSpec((R, 2), lambda r: (r, 0))],
        out_shape=[jax.ShapeDtypeStruct((N, 128), jnp.float32),
                   jax.ShapeDtypeStruct((N, 2), jnp.float32),
                   jax.ShapeDtypeStruct((N, 2), jnp.float32)],
    )



def _pad_cols(w, to):
    return jnp.pad(w, ((0, 0), (0, to - w.shape[1])))


def _pad_rows(w, to):
    return jnp.pad(w, ((0, to - w.shape[0]), (0, 0)))


def _pad_vec(v, to, fill=0.0):
    return jnp.pad(v, (0, to - v.shape[0]), constant_values=fill).reshape(1, -1)


def kernel(x, x_a, eps_noise, eps_noise_a, params, edge_index):
    src = edge_index[0]
    dst = edge_index[1]
    src_a = jnp.pad(src.reshape(NC * NS, EPA),
                    ((0, 0), (0, EPA_P - EPA))).reshape(-1)
    dst_a = jnp.pad(dst.reshape(NC * NS, EPA),
                    ((0, 0), (0, EPA_P - EPA)), constant_values=N).reshape(-1)
    src_b = jnp.pad(src.reshape(NS, EPB),
                    ((0, 0), (0, EPB_P - EPB))).reshape(-1)
    dst_b = jnp.pad(dst.reshape(NS, EPB),
                    ((0, 0), (0, EPB_P - EPB)), constant_values=N).reshape(-1)
    src_b2 = jnp.concatenate([src_b * 2, src_b * 2 + 1])
    ones16 = jnp.ones((CH, 16), jnp.float32)
    zeros16 = jnp.zeros((8, 16), jnp.float32)
    zeros_fw = jnp.zeros((8, FW), jnp.float32)
    degacc = _deg_kernel()(dst_a, ones16, zeros16)
    dinv = _dinv_kernel()(degacc[0], degacc[1])
    tok = [degacc]

    def agg_an(y):
        t = tok[0][0, :CH, 0].astype(jnp.int32)
        r = _agg_kernel(False)(y, src_a, dst_a, zeros_fw, t)
        tok[0] = r
        return r

    def agg_bn(y):
        t = tok[0][0, :CH, 0].astype(jnp.int32)
        r = _agg_kernel(True)(y.reshape(NC * N, FW), src_b2, dst_b, zeros_fw, t)
        tok[0] = r
        return r

    P = params
    H1 = P["gcn1"]["W"].shape[1]

    def _two(v):
        return jnp.concatenate([v, v]).reshape(1, -1)

    wg1 = P["gcn1"]["W"]
    wp1 = P["proj1"]["W"]
    bp1 = _two(P["proj1"]["b"])
    bg1 = _two(P["gcn1"]["b"])
    gm1 = _two(P["bn1"]["g"])
    bt1 = _two(P["bn1"]["b"])
    wg2t = _pad_rows(P["gcn2"]["W"], FW)
    wg2b = jnp.pad(P["gcn2"]["W"], ((FW - H1, 0), (0, 0)))
    wp2t = _pad_rows(P["proj2"]["W"], FW)
    wp2b = jnp.pad(P["proj2"]["W"], ((FW - H1, 0), (0, 0)))
    bg2 = P["gcn2"]["b"].reshape(1, -1)
    bp2 = P["proj2"]["b"].reshape(1, -1)
    gm2 = P["bn2"]["g"].reshape(1, -1)
    bt2 = P["bn2"]["b"].reshape(1, -1)
    wg3 = P["gcn3"]["W"]
    wp3 = P["proj3"]["W"]
    bg3 = P["gcn3"]["b"].reshape(1, -1)
    bp3 = P["proj3"]["b"].reshape(1, -1)
    gm3 = P["bn3"]["g"].reshape(1, -1)
    bt3 = P["bn3"]["b"].reshape(1, -1)
    wml = jnp.concatenate([P["gcn_mu"]["W"], P["gcn_lv"]["W"]], 1)
    bml = _two(jnp.concatenate([P["gcn_mu"]["b"], P["gcn_lv"]["b"]]))
    gml = _two(jnp.concatenate([P["bn_mu"]["g"], P["bn_lv"]["g"]]))
    btl = _two(jnp.concatenate([P["bn_mu"]["b"], P["bn_lv"]["b"]]))

    y, h0 = _lin2p_kernel(FW, H1)(x, x_a, wg1, wp1, bp1, dinv)
    g, s1, s2 = _post_kernel(FW, False)(agg_an(y), y, dinv, bg1)
    hp = _bn_elu_kernel(FW)(g, h0, s1, s2, gm1, bt1)

    h3s = []
    for wg2e, wp2e in ((wg2t, wp2t), (wg2b, wp2b)):
        y, h0 = _lin2_kernel(FW, FW, FW, FW)(hp, hp, wg2e, wp2e, bp2, dinv)
        g, s1, s2 = _post_kernel(FW, False)(agg_an(y), y, dinv, bg2)
        h = _bn_elu_kernel(FW)(g, h0, s1, s2, gm2, bt2)
        y, h0 = _lin2_kernel(FW, FW, 2 * FW, 2 * FW)(h, h0, wg3, wp3, bp3, dinv)
        g, s1, s2 = _post_kernel(2 * FW, True)(agg_bn(y), y, dinv, bg3)
        h3s.append(_bn_elu_kernel(2 * FW)(g, h0, s1, s2, gm3, bt3))
    h3, h3_a = h3s

    y = _lin1p_kernel(2 * FW, H1)(h3, h3_a, wml, dinv)
    g, s1, s2 = _post_kernel(FW, False)(agg_an(y), y, dinv, bml)
    ml = _bn_kernel(FW)(g, s1, s2, gml, btl)
    mu, lv = ml[:, :32], ml[:, 32:64]
    mu_a, lv_a = ml[:, 64:96], ml[:, 96:128]

    rec, ret, ret_a = _head_kernel()(
        mu, lv, eps_noise, mu_a, lv_a, eps_noise_a,
        P["fc2"]["W"], P["fc2"]["b"].reshape(1, -1),
        P["disc"]["W"], P["disc"]["b"].reshape(1, 1))
    return (mu, lv, h3, rec, ret, ret_a)

# --- scband reference (transcript-rebuilt; emitter-appended) ---
"""Pipeline reference for scband-graph-cvaeencoder-1099511628360 (READ-ONLY COPY).

The authoritative reference and input builder live on the scoring server;
editing this copy changes nothing except your own understanding.
"""

import jax, jax.numpy as jnp
import numpy as np

N = 10000
E = 320000
D_IN = 128
D_OUT = 32
H1, H2, H3 = 2 * D_OUT, 4 * D_OUT, 8 * D_OUT


def _lin_init(key, din, dout):
    k1, k2 = jax.random.split(key)
    s = 1.0 / np.sqrt(din)
    return {"W": jax.random.uniform(k1, (din, dout), minval=-s, maxval=s, dtype=jnp.float32),
            "b": jax.random.uniform(k2, (dout,), minval=-s, maxval=s, dtype=jnp.float32)}


def setup_inputs(seed: int = 0) -> dict:
    key = jax.random.key(seed)
    ks = jax.random.split(key, 20)
    x = jax.random.normal(ks[0], (N, D_IN), dtype=jnp.float32)
    x_a = jax.random.normal(ks[1], (N, D_IN), dtype=jnp.float32)
    edge_index = jax.random.randint(ks[2], (2, E), 0, N, dtype=jnp.int32)
    eps_noise = jax.random.normal(ks[3], (N, D_OUT), dtype=jnp.float32)
    eps_noise_a = jax.random.normal(ks[4], (N, D_OUT), dtype=jnp.float32)
    params = {
        "proj1": _lin_init(ks[5], D_IN, H1),
        "proj2": _lin_init(ks[6], H1, H2),
        "proj3": _lin_init(ks[7], H2, H3),
        "gcn1": _lin_init(ks[8], D_IN, H1),
        "gcn2": _lin_init(ks[9], H1, H2),
        "gcn3": _lin_init(ks[10], H2, H3),
        "gcn_mu": _lin_init(ks[11], H3, D_OUT),
        "gcn_lv": _lin_init(ks[12], H3, D_OUT),
        "bn1": {"g": jnp.ones(H1, jnp.float32), "b": jnp.zeros(H1, jnp.float32)},
        "bn2": {"g": jnp.ones(H2, jnp.float32), "b": jnp.zeros(H2, jnp.float32)},
        "bn3": {"g": jnp.ones(H3, jnp.float32), "b": jnp.zeros(H3, jnp.float32)},
        "bn_mu": {"g": jnp.ones(D_OUT, jnp.float32), "b": jnp.zeros(D_OUT, jnp.float32)},
        "bn_lv": {"g": jnp.ones(D_OUT, jnp.float32), "b": jnp.zeros(D_OUT, jnp.float32)},
        "fc2": _lin_init(ks[13], D_OUT, D_IN),
        "disc": {"W": jax.random.normal(ks[14], (D_OUT, D_OUT), dtype=jnp.float32) * (1.0 / np.sqrt(D_OUT)),
                  "b": jnp.zeros((1,), jnp.float32)},
    }
    return {"x": x, "x_a": x_a, "eps_noise": eps_noise, "eps_noise_a": eps_noise_a,
            "params": params, "edge_index": edge_index}


def _lin(h, p):
    return h @ p["W"] + p["b"]


def _gcn(x, p, ei):
    # Faithful PyG GCNConv: linear, add self loops, sym-normalized scatter-add, bias.
    n = x.shape[0]
    xw = x @ p["W"]
    loops = jnp.arange(n, dtype=ei.dtype)
    src = jnp.concatenate([ei[0], loops])
    dst = jnp.concatenate([ei[1], loops])
    deg = jnp.zeros(n, xw.dtype).at[dst].add(1.0)
    dinv = jnp.where(deg > 0, deg ** -0.5, 0.0)
    norm = dinv[src] * dinv[dst]
    out = jnp.zeros_like(xw).at[dst].add(norm[:, None] * xw[src])
    return out + p["b"]


def _bn(h, p, eps=1e-5):
    # BatchNorm in training mode: batch statistics (biased variance).
    m = h.mean(0)
    v = ((h - m) ** 2).mean(0)
    return p["g"] * (h - m) / jnp.sqrt(v + eps) + p["b"]


def _encode(x, params, ei):
    h0 = _lin(x, params["proj1"])
    h = _gcn(x, params["gcn1"], ei)
    h = jax.nn.elu(_bn(h, params["bn1"]) + h0)
    h0 = _lin(h, params["proj2"])
    h = _gcn(h, params["gcn2"], ei)
    h = jax.nn.elu(_bn(h, params["bn2"]) + h0)
    h0 = _lin(h0, params["proj3"])  # note: proj3 applied to previous h0, as in the original
    h = _gcn(h, params["gcn3"], ei)
    h = jax.nn.elu(_bn(h, params["bn3"]) + h0)
    mu = _bn(_gcn(h, params["gcn_mu"], ei), params["bn_mu"])
    lv = _bn(_gcn(h, params["gcn_lv"], ei), params["bn_lv"])
    return mu, lv, h


def _read(emb, mask):
    # AvgReadout with mask=None -> identity mask, faithful mm + row-sum normalize + L2 normalize.
    vsum = mask @ emb
    row_sum = mask.sum(1)[:, None]
    ge = vsum / row_sum
    nrm = jnp.sqrt((ge ** 2).sum(1, keepdims=True))
    return ge / jnp.maximum(nrm, 1e-12)


def _disc(c, h_pl, h_mi, p):
    cx = c  # expand_as over identical shape
    sc1 = jnp.einsum('nj,jk,nk->n', h_pl, p["W"], cx)[:, None] + p["b"]
    sc2 = jnp.einsum('nj,jk,nk->n', h_mi, p["W"], cx)[:, None] + p["b"]
    return jnp.concatenate([sc1, sc2], axis=1)


def reference(x, x_a, eps_noise, eps_noise_a, params, edge_index):
    mu, logvar, hidden_emb = _encode(x, params, edge_index)
    std = jnp.exp(0.5 * logvar)
    z = mu + eps_noise * std  # reparameterize with externally supplied noise
    reconstructed = _lin(z, params["fc2"])  # dropout in eval mode = identity
    mask = jnp.eye(z.shape[0], dtype=z.dtype)
    global_emb = _read(z, mask)
    mu_a, logvar_a, _ = _encode(x_a, params, edge_index)
    z_a = mu_a + eps_noise_a * jnp.exp(0.5 * logvar_a)
    global_emb_a = _read(z_a, mask)
    ret = _disc(global_emb, z, global_emb_a, params["disc"])
    ret_a = _disc(global_emb_a, global_emb_a, z, params["disc"])
    return (mu, logvar, hidden_emb, reconstructed, ret, ret_a)

if __name__ == "__main__":
    import jax
    _d = setup_inputs()
    print(jax.jit(kernel)(*tuple(_d.values())))

</pallas_src>

<mosaic_0001>
#map = affine_map<(d0, d1) -> (0, 0)>
#map1 = affine_map<(d0, d1) -> (0)>
#map2 = affine_map<(d0, d1) -> (0, 0, 0)>
module attributes {stable_mosaic.version = 14 : i64} {
  func.func @agg(%arg0: i32, %arg1: i32, %arg2: memref<20000x128xf32, #tpu.memory_space<hbm>>, %arg3: memref<640000xi32, #tpu.memory_space<hbm>>, %arg4: memref<320000xi32, #tpu.memory_space<hbm>>, %arg5: memref<8x128xf32, #tpu.memory_space<hbm>>, %arg6: memref<80xi32, #tpu.memory_space<hbm>>, %arg7: memref<2x10000x128xf32, #tpu.memory_space<hbm>>, %arg8: memref<10000x128xf32, #tpu.memory_space<vmem_shared>>, %arg9: memref<8x128xf32, #tpu.memory_space<vmem>>, %arg10: memref<80xi32, #tpu.memory_space<vmem>>, %arg11: memref<80xi32, #tpu.memory_space<vmem>>, %arg12: memref<80xi32, #tpu.memory_space<vmem>>, %arg13: memref<80xi32, #tpu.memory_space<vmem>>, %arg14: memref<80xi32, #tpu.memory_space<vmem>>, %arg15: memref<80xi32, #tpu.memory_space<vmem>>, %arg16: memref<80x128xf32, #tpu.memory_space<vmem>>, %arg17: memref<80x128xf32, #tpu.memory_space<vmem>>, %arg18: memref<!tpu.dma_semaphore, #tpu.memory_space<semaphore_mem>>, %arg19: memref<!tpu.dma_semaphore, #tpu.memory_space<semaphore_mem>>, %arg20: memref<!tpu.dma_semaphore, #tpu.memory_space<semaphore_mem>>, %arg21: memref<!tpu.dma_semaphore, #tpu.memory_space<semaphore_mem>>) attributes {dimension_semantics = [#tpu.dimension_semantics<core_parallel>, #tpu.dimension_semantics<subcore_parallel>], iteration_bounds = array<i64: 2, 16>, scalar_prefetch = 0 : i64, scratch_operands = 14 : i64, tpu.core_type = #tpu.core_type<sc_vector_subcore>, window_params = [{transform_indices = #map}, {transform_indices = #map1}, {transform_indices = #map1}, {transform_indices = #map}, {transform_indices = #map1}, {transform_indices = #map2}]} {
    "tpu.region"() ({
      %run_scoped3A = tpu.sem_alloc : memref<!tpu.dma_semaphore, #tpu.memory_space<semaphore_mem>>
      tpu.enqueue_dma source(%arg6 : memref<80xi32, #tpu.memory_space<hbm>>) target(%arg14 : memref<80xi32, #tpu.memory_space<vmem>>) target_semaphore(%run_scoped3A : memref<!tpu.dma_semaphore, #tpu.memory_space<semaphore_mem>>)
      tpu.wait_dma2 semaphore(%run_scoped3A : memref<!tpu.dma_semaphore, #tpu.memory_space<semaphore_mem>>) src(%arg6 : memref<80xi32, #tpu.memory_space<hbm>>) dst(%arg14 : memref<80xi32, #tpu.memory_space<vmem>>)
      tpu.yield
    }) : () -> ()
    "tpu.region"() ({
      %run_scoped3A = tpu.sem_alloc : memref<!tpu.dma_semaphore, #tpu.memory_space<semaphore_mem>>
      tpu.enqueue_dma source(%arg5 : memref<8x128xf32, #tpu.memory_space<hbm>>) target(%arg9 : memref<8x128xf32, #tpu.memory_space<vmem>>) target_semaphore(%run_scoped3A : memref<!tpu.dma_semaphore, #tpu.memory_space<semaphore_mem>>)
      tpu.wait_dma2 semaphore(%run_scoped3A : memref<!tpu.dma_semaphore, #tpu.memory_space<semaphore_mem>>) src(%arg5 : memref<8x128xf32, #tpu.memory_space<hbm>>) dst(%arg9 : memref<8x128xf32, #tpu.memory_space<vmem>>)
      tpu.yield
    }) : () -> ()
    %mul3A = arith.constant 632 : i32
    %mul3A_0 = arith.muli %arg1, %mul3A : i32
    %min3A = arith.constant 9368 : i32
    %min3A_1 = arith.minsi %mul3A_0, %min3A : i32
    %scan3A = arith.constant 0 : i32
    %scan3A_2 = arith.constant 0 : i32
    %scan3A_3 = arith.constant 79 : i32
    %scan3A_4 = arith.addi %scan3A_2, %scan3A_3 : i32
    %scan3A_5 = arith.constant 1 : i32
    scf.for %scan3A_24 = %scan3A_2 to %scan3A_4 step %scan3A_5  : i32 {
      %mul3A_25 = arith.constant 8 : i32
      %mul3A_26 = arith.muli %scan3A_24, %mul3A_25 : i32
      %add3A = arith.addi %min3A_1, %mul3A_26 : i32
      "tpu.region"() ({
        %run_scoped3A = tpu.sem_alloc : memref<!tpu.dma_semaphore, #tpu.memory_space<semaphore_mem>>
        %dma_start3A = arith.constant 0 : i32
        %dma_start3A_27 = tpu.memref_slice %arg8[%add3A, %dma_start3A] : memref<10000x128xf32, #tpu.memory_space<vmem_shared>> -> memref<8x128xf32, #tpu.memory_space<vmem_shared>>
        %dma_start3A_28 = arith.constant 0 : i32
        %dma_start3A_29 = tpu.memref_slice %arg8[%add3A, %dma_start3A_28] : memref<10000x128xf32, #tpu.memory_space<vmem_shared>> -> memref<8x128xf32, #tpu.memory_space<vmem_shared>>
        tpu.enqueue_dma source(%arg9 : memref<8x128xf32, #tpu.memory_space<vmem>>) target(%dma_start3A_29 : memref<8x128xf32, #tpu.memory_space<vmem_shared>>) target_semaphore(%run_scoped3A : memref<!tpu.dma_semaphore, #tpu.memory_space<semaphore_mem>>)
        %dma_wait3A = arith.constant 0 : i32
        %dma_wait3A_30 = tpu.memref_slice %arg8[%add3A, %dma_wait3A] : memref<10000x128xf32, #tpu.memory_space<vmem_shared>> -> memref<8x128xf32, #tpu.memory_space<vmem_shared>>
        %dma_wait3A_31 = arith.constant 0 : i32
        %dma_wait3A_32 = tpu.memref_slice %arg8[%add3A, %dma_wait3A_31] : memref<10000x128xf32, #tpu.memory_space<vmem_shared>> -> memref<8x128xf32, #tpu.memory_space<vmem_shared>>
        tpu.wait_dma2 semaphore(%run_scoped3A : memref<!tpu.dma_semaphore, #tpu.memory_space<semaphore_mem>>) src(%arg9 : memref<8x128xf32, #tpu.memory_space<vmem>>) dst(%dma_wait3A_32 : memref<8x128xf32, #tpu.memory_space<vmem_shared>>)
        tpu.yield
      }) : () -> ()
    }
    %scan3A_6 = arith.constant 79 : i32
    %barrier3A = arith.constant 0 : index
    tpu.barrier barrier_id(%barrier3A)
    %barrier3A_7 = arith.constant 0 : index
    tpu.barrier barrier_id(%barrier3A_7)
    %mul3A_8 = arith.constant 20000 : i32
    %mul3A_9 = arith.muli %arg1, %mul3A_8 : i32
    %scan3A_10 = arith.constant 0 : i32
    %scan3A_11 = arith.constant 0 : i32
    %scan3A_12 = arith.constant 250 : i32
    %scan3A_13 = arith.addi %scan3A_11, %scan3A_12 : i32
    %scan3A_14 = arith.constant 1 : i32
    scf.for %scan3A_24 = %scan3A_11 to %scan3A_13 step %scan3A_14  : i32 {
      %mul3A_25 = arith.constant 80 : i32
      %mul3A_26 = arith.muli %scan3A_24, %mul3A_25 : i32
      %add3A = arith.addi %mul3A_9, %mul3A_26 : i32
      %mul3A_27 = arith.constant 320000 : i32
      %mul3A_28 = arith.muli %arg0, %mul3A_27 : i32
      %add3A_29 = arith.addi %mul3A_28, %add3A : i32
      "tpu.region"() ({
        %run_scoped3A = tpu.sem_alloc : memref<!tpu.dma_semaphore, #tpu.memory_space<semaphore_mem>>
        %dma_start3A_34 = tpu.memref_slice %arg3[%add3A_29] : memref<640000xi32, #tpu.memory_space<hbm>> -> memref<80xi32, #tpu.memory_space<hbm>>
        %dma_start3A_35 = tpu.memref_slice %arg3[%add3A_29] : memref<640000xi32, #tpu.memory_space<hbm>> -> memref<80xi32, #tpu.memory_space<hbm>>
        tpu.enqueue_dma source(%dma_start3A_35 : memref<80xi32, #tpu.memory_space<hbm>>) target(%arg10 : memref<80xi32, #tpu.memory_space<vmem>>) target_semaphore(%run_scoped3A : memref<!tpu.dma_semaphore, #tpu.memory_space<semaphore_mem>>)
        %dma_wait3A_36 = tpu.memref_slice %arg3[%add3A_29] : memref<640000xi32, #tpu.memory_space<hbm>> -> memref<80xi32, #tpu.memory_space<hbm>>
        %dma_wait3A_37 = tpu.memref_slice %arg3[%add3A_29] : memref<640000xi32, #tpu.memory_space<hbm>> -> memref<80xi32, #tpu.memory_space<hbm>>
        tpu.wait_dma2 semaphore(%run_scoped3A : memref<!tpu.dma_semaphore, #tpu.memory_space<semaphore_mem>>) src(%dma_wait3A_37 : memref<80xi32, #tpu.memory_space<hbm>>) dst(%arg10 : memref<80xi32, #tpu.memory_space<vmem>>)
        tpu.yield
      }) : () -> ()
      "tpu.region"() ({
        %run_scoped3A = tpu.sem_alloc : memref<!tpu.dma_semaphore, #tpu.memory_space<semaphore_mem>>
        %dma_start3A_34 = tpu.memref_slice %arg4[%add3A] : memref<320000xi32, #tpu.memory_space<hbm>> -> memref<80xi32, #tpu.memory_space<hbm>>
        %dma_start3A_35 = tpu.memref_slice %arg4[%add3A] : memref<320000xi32, #tpu.memory_space<hbm>> -> memref<80xi32, #tpu.memory_space<hbm>>
        tpu.enqueue_dma source(%dma_start3A_35 : memref<80xi32, #tpu.memory_space<hbm>>) target(%arg12 : memref<80xi32, #tpu.memory_space<vmem>>) target_semaphore(%run_scoped3A : memref<!tpu.dma_semaphore, #tpu.memory_space<semaphore_mem>>)
        %dma_wait3A_36 = tpu.memref_slice %arg4[%add3A] : memref<320000xi32, #tpu.memory_space<hbm>> -> memref<80xi32, #tpu.memory_space<hbm>>
        %dma_wait3A_37 = tpu.memref_slice %arg4[%add3A] : memref<320000xi32, #tpu.memory_space<hbm>> -> memref<80xi32, #tpu.memory_space<hbm>>
        tpu.wait_dma2 semaphore(%run_scoped3A : memref<!tpu.dma_semaphore, #tpu.memory_space<semaphore_mem>>) src(%dma_wait3A_37 : memref<80xi32, #tpu.memory_space<hbm>>) dst(%arg12 : memref<80xi32, #tpu.memory_space<vmem>>)
        tpu.yield
      }) : () -> ()
      %dma_start3A = arith.constant 0 : i32
      %dma_start3A_30 = arith.constant 0 : i32
      %dma_start3A_31 = tpu.memref_slice %arg2[%dma_start3A, %dma_start3A_30] : memref<20000x128xf32, #tpu.memory_space<hbm>> -> memref<20000x128xf32, #tpu.memory_space<hbm>>
      tpu.enqueue_indirect_dma source(%dma_start3A_31 : memref<20000x128xf32, #tpu.memory_space<hbm>>) target(%arg16 : memref<80x128xf32, #tpu.memory_space<vmem>>) offsets(%arg10 : memref<80xi32, #tpu.memory_space<vmem>>) semaphore(%arg18 : memref<!tpu.dma_semaphore, #tpu.memory_space<semaphore_mem>>)
      %dma_wait3A = arith.constant 0 : i32
      %dma_wait3A_32 = arith.constant 0 : i32
      %dma_wait3A_33 = tpu.memref_slice %arg2[%dma_wait3A, %dma_wait3A_32] : memref<20000x128xf32, #tpu.memory_space<hbm>> -> memref<20000x128xf32, #tpu.memory_space<hbm>>
      tpu.wait_indirect_dma semaphore(%arg18 : memref<!tpu.dma_semaphore, #tpu.memory_space<semaphore_mem>>) src(%dma_wait3A_33 : memref<20000x128xf32, #tpu.memory_space<hbm>>) dst(%arg16 : memref<80x128xf32, #tpu.memory_space<vmem>>)
      "tpu.region"() ({
        %run_scoped3A = tpu.sem_alloc : memref<!tpu.dma_semaphore, #tpu.memory_space<semaphore_mem>>
        %dma_start3A_34 = arith.constant 0 : i32
        %dma_start3A_35 = arith.constant 0 : i32
        %dma_start3A_36 = tpu.memref_slice %arg8[%dma_start3A_34, %dma_start3A_35] : memref<10000x128xf32, #tpu.memory_space<vmem_shared>> -> memref<10000x128xf32, #tpu.memory_space<vmem_shared>>
        tpu.enqueue_indirect_dma source(%arg16 : memref<80x128xf32, #tpu.memory_space<vmem>>) target(%dma_start3A_36 : memref<10000x128xf32, #tpu.memory_space<vmem_shared>>) offsets(%arg12 : memref<80xi32, #tpu.memory_space<vmem>>) semaphore(%run_scoped3A : memref<!tpu.dma_semaphore, #tpu.memory_space<semaphore_mem>>) {add = true}
        %dma_wait3A_37 = arith.constant 0 : i32
        %dma_wait3A_38 = arith.constant 0 : i32
        %dma_wait3A_39 = tpu.memref_slice %arg8[%dma_wait3A_37, %dma_wait3A_38] : memref<10000x128xf32, #tpu.memory_space<vmem_shared>> -> memref<10000x128xf32, #tpu.memory_space<vmem_shared>>
        tpu.wait_indirect_dma semaphore(%run_scoped3A : memref<!tpu.dma_semaphore, #tpu.memory_space<semaphore_mem>>) src(%arg16 : memref<80x128xf32, #tpu.memory_space<vmem>>) dst(%dma_wait3A_39 : memref<10000x128xf32, #tpu.memory_space<vmem_shared>>)
        tpu.yield
      }) : () -> ()
    }
    %scan3A_15 = arith.constant 250 : i32
    %barrier3A_16 = arith.constant 0 : index
    tpu.barrier barrier_id(%barrier3A_16)
    %barrier3A_17 = arith.constant 0 : index
    tpu.barrier barrier_id(%barrier3A_17)
    %lt3A = arith.constant 15 : i32
    %lt3A_18 = arith.cmpi slt, %arg1, %lt3A : i32
    %convert_element_type3A = arith.extui %lt3A_18 : i1 to i32
    %cond3A = arith.constant 0 : i32
    %cond3A_19 = arith.cmpi ne, %convert_element_type3A, %cond3A : i32
    scf.if %cond3A_19 {
      %mul3A_24 = arith.constant 632 : i32
      %mul3A_25 = arith.muli %arg1, %mul3A_24 : i32
      %mul3A_26 = arith.constant 632 : i32
      %mul3A_27 = arith.muli %arg1, %mul3A_26 : i32
      "tpu.region"() ({
        %run_scoped3A = tpu.sem_alloc : memref<!tpu.dma_semaphore, #tpu.memory_space<semaphore_mem>>
        %dma_start3A = arith.constant 0 : i32
        %dma_start3A_28 = tpu.memref_slice %arg7[%arg0, %mul3A_27, %dma_start3A] : memref<2x10000x128xf32, #tpu.memory_space<hbm>> -> memref<1x632x128xf32, #tpu.memory_space<hbm>>
        %dma_start3A_29 = tpu.memref_squeeze %dma_start3A_28 : memref<1x632x128xf32, #tpu.memory_space<hbm>> -> memref<632x128xf32, #tpu.memory_space<hbm>>
        %dma_start3A_30 = arith.constant 0 : i32
        %dma_start3A_31 = tpu.memref_slice %arg8[%mul3A_25, %dma_start3A_30] : memref<10000x128xf32, #tpu.memory_space<vmem_shared>> -> memref<632x128xf32, #tpu.memory_space<vmem_shared>>
        tpu.enqueue_dma source(%dma_start3A_31 : memref<632x128xf32, #tpu.memory_space<vmem_shared>>) target(%dma_start3A_29 : memref<632x128xf32, #tpu.memory_space<hbm>>) target_semaphore(%run_scoped3A : memref<!tpu.dma_semaphore, #tpu.memory_space<semaphore_mem>>)
        %dma_wait3A = arith.constant 0 : i32
        %dma_wait3A_32 = tpu.memref_slice %arg7[%arg0, %mul3A_27, %dma_wait3A] : memref<2x10000x128xf32, #tpu.memory_space<hbm>> -> memref<1x632x128xf32, #tpu.memory_space<hbm>>
        %dma_wait3A_33 = tpu.memref_squeeze %dma_wait3A_32 : memref<1x632x128xf32, #tpu.memory_space<hbm>> -> memref<632x128xf32, #tpu.memory_space<hbm>>
        %dma_wait3A_34 = arith.constant 0 : i32
        %dma_wait3A_35 = tpu.memref_slice %arg8[%mul3A_25, %dma_wait3A_34] : memref<10000x128xf32, #tpu.memory_space<vmem_shared>> -> memref<632x128xf32, #tpu.memory_space<vmem_shared>>
        tpu.wait_dma2 semaphore(%run_scoped3A : memref<!tpu.dma_semaphore, #tpu.memory_space<semaphore_mem>>) src(%dma_wait3A_35 : memref<632x128xf32, #tpu.memory_space<vmem_shared>>) dst(%dma_wait3A_33 : memref<632x128xf32, #tpu.memory_space<hbm>>)
        tpu.yield
      }) : () -> ()
    } else {
    }
    %eq3A = arith.constant 15 : i32
    %eq3A_20 = arith.cmpi eq, %arg1, %eq3A : i32
    %convert_element_type3A_21 = arith.extui %eq3A_20 : i1 to i32
    %cond3A_22 = arith.constant 0 : i32
    %cond3A_23 = arith.cmpi ne, %convert_element_type3A_21, %cond3A_22 : i32
    scf.if %cond3A_23 {
      "tpu.region"() ({
        %run_scoped3A = tpu.sem_alloc : memref<!tpu.dma_semaphore, #tpu.memory_space<semaphore_mem>>
        %dma_start3A = arith.constant 9480 : i32
        %dma_start3A_24 = arith.constant 0 : i32
        %dma_start3A_25 = tpu.memref_slice %arg7[%arg0, %dma_start3A, %dma_start3A_24] : memref<2x10000x128xf32, #tpu.memory_space<hbm>> -> memref<1x520x128xf32, #tpu.memory_space<hbm>>
        %dma_start3A_26 = tpu.memref_squeeze %dma_start3A_25 : memref<1x520x128xf32, #tpu.memory_space<hbm>> -> memref<520x128xf32, #tpu.memory_space<hbm>>
        %dma_start3A_27 = arith.constant 9480 : i32
        %dma_start3A_28 = arith.constant 0 : i32
        %dma_start3A_29 = tpu.memref_slice %arg8[%dma_start3A_27, %dma_start3A_28] : memref<10000x128xf32, #tpu.memory_space<vmem_shared>> -> memref<520x128xf32, #tpu.memory_space<vmem_shared>>
        tpu.enqueue_dma source(%dma_start3A_29 : memref<520x128xf32, #tpu.memory_space<vmem_shared>>) target(%dma_start3A_26 : memref<520x128xf32, #tpu.memory_space<hbm>>) target_semaphore(%run_scoped3A : memref<!tpu.dma_semaphore, #tpu.memory_space<semaphore_mem>>)
        %dma_wait3A = arith.constant 9480 : i32
        %dma_wait3A_30 = arith.constant 0 : i32
        %dma_wait3A_31 = tpu.memref_slice %arg7[%arg0, %dma_wait3A, %dma_wait3A_30] : memref<2x10000x128xf32, #tpu.memory_space<hbm>> -> memref<1x520x128xf32, #tpu.memory_space<hbm>>
        %dma_wait3A_32 = tpu.memref_squeeze %dma_wait3A_31 : memref<1x520x128xf32, #tpu.memory_space<hbm>> -> memref<520x128xf32, #tpu.memory_space<hbm>>
        %dma_wait3A_33 = arith.constant 9480 : i32
        %dma_wait3A_34 = arith.constant 0 : i32
        %dma_wait3A_35 = tpu.memref_slice %arg8[%dma_wait3A_33, %dma_wait3A_34] : memref<10000x128xf32, #tpu.memory_space<vmem_shared>> -> memref<520x128xf32, #tpu.memory_space<vmem_shared>>
        tpu.wait_dma2 semaphore(%run_scoped3A : memref<!tpu.dma_semaphore, #tpu.memory_space<semaphore_mem>>) src(%dma_wait3A_35 : memref<520x128xf32, #tpu.memory_space<vmem_shared>>) dst(%dma_wait3A_32 : memref<520x128xf32, #tpu.memory_space<hbm>>)
        tpu.yield
      }) : () -> ()
    } else {
    }
    return
  }
}

#map = affine_map<(d0, d1) -> (0)>
#map1 = affine_map<(d0, d1) -> (0, 0)>
#map2 = affine_map<(d0, d1) -> (0, 0, 0)>
module attributes {stable_mosaic.version = 14 : i64} {
  func.func @deg(%arg0: i32, %arg1: i32, %arg2: memref<320000xi32, #tpu.memory_space<hbm>>, %arg3: memref<80x16xf32, #tpu.memory_space<hbm>>, %arg4: memref<8x16xf32, #tpu.memory_space<hbm>>, %arg5: memref<2x10000x16xf32, #tpu.memory_space<hbm>>, %arg6: memref<10000x16xf32, #tpu.memory_space<vmem_shared>>, %arg7: memref<8x16xf32, #tpu.memory_space<vmem>>, %arg8: memref<80x16xf32, #tpu.memory_space<vmem>>, %arg9: memref<80xi32, #tpu.memory_space<vmem>>, %arg10: memref<80xi32, #tpu.memory_space<vmem>>, %arg11: memref<!tpu.dma_semaphore, #tpu.memory_space<semaphore_mem>>, %arg12: memref<!tpu.dma_semaphore, #tpu.memory_space<semaphore_mem>>) attributes {dimension_semantics = [#tpu.dimension_semantics<core_parallel>, #tpu.dimension_semantics<subcore_parallel>], iteration_bounds = array<i64: 2, 16>, scalar_prefetch = 0 : i64, scratch_operands = 7 : i64, tpu.core_type = #tpu.core_type<sc_vector_subcore>, window_params = [{transform_indices = #map}, {transform_indices = #map1}, {transform_indices = #map1}, {transform_indices = #map2}]} {
    "tpu.region"() ({
      %run_scoped3A = tpu.sem_alloc : memref<!tpu.dma_semaphore, #tpu.memory_space<semaphore_mem>>
      tpu.enqueue_dma source(%arg4 : memref<8x16xf32, #tpu.memory_space<hbm>>) target(%arg7 : memref<8x16xf32, #tpu.memory_space<vmem>>) target_semaphore(%run_scoped3A : memref<!tpu.dma_semaphore, #tpu.memory_space<semaphore_mem>>)
      tpu.wait_dma2 semaphore(%run_scoped3A : memref<!tpu.dma_semaphore, #tpu.memory_space<semaphore_mem>>) src(%arg4 : memref<8x16xf32, #tpu.memory_space<hbm>>) dst(%arg7 : memref<8x16xf32, #tpu.memory_space<vmem>>)
      tpu.yield
    }) : () -> ()
    "tpu.region"() ({
      %run_scoped3A = tpu.sem_alloc : memref<!tpu.dma_semaphore, #tpu.memory_space<semaphore_mem>>
      tpu.enqueue_dma source(%arg3 : memref<80x16xf32, #tpu.memory_space<hbm>>) target(%arg8 : memref<80x16xf32, #tpu.memory_space<vmem>>) target_semaphore(%run_scoped3A : memref<!tpu.dma_semaphore, #tpu.memory_space<semaphore_mem>>)
      tpu.wait_dma2 semaphore(%run_scoped3A : memref<!tpu.dma_semaphore, #tpu.memory_space<semaphore_mem>>) src(%arg3 : memref<80x16xf32, #tpu.memory_space<hbm>>) dst(%arg8 : memref<80x16xf32, #tpu.memory_space<vmem>>)
      tpu.yield
    }) : () -> ()
    %mul3A = arith.constant 632 : i32
    %mul3A_0 = arith.muli %arg1, %mul3A : i32
    %min3A = arith.constant 9368 : i32
    %min3A_1 = arith.minsi %mul3A_0, %min3A : i32
    %scan3A = arith.constant 0 : i32
    %scan3A_2 = arith.constant 0 : i32
    %scan3A_3 = arith.constant 79 : i32
    %scan3A_4 = arith.addi %scan3A_2, %scan3A_3 : i32
    %scan3A_5 = arith.constant 1 : i32
    scf.for %scan3A_26 = %scan3A_2 to %scan3A_4 step %scan3A_5  : i32 {
      %mul3A_27 = arith.constant 8 : i32
      %mul3A_28 = arith.muli %scan3A_26, %mul3A_27 : i32
      %add3A_29 = arith.addi %min3A_1, %mul3A_28 : i32
      "tpu.region"() ({
        %run_scoped3A = tpu.sem_alloc : memref<!tpu.dma_semaphore, #tpu.memory_space<semaphore_mem>>
        %dma_start3A = arith.constant 0 : i32
        %dma_start3A_30 = tpu.memref_slice %arg6[%add3A_29, %dma_start3A] : memref<10000x16xf32, #tpu.memory_space<vmem_shared>> -> memref<8x16xf32, #tpu.memory_space<vmem_shared>>
        %dma_start3A_31 = arith.constant 0 : i32
        %dma_start3A_32 = tpu.memref_slice %arg6[%add3A_29, %dma_start3A_31] : memref<10000x16xf32, #tpu.memory_space<vmem_shared>> -> memref<8x16xf32, #tpu.memory_space<vmem_shared>>
        tpu.enqueue_dma source(%arg7 : memref<8x16xf32, #tpu.memory_space<vmem>>) target(%dma_start3A_32 : memref<8x16xf32, #tpu.memory_space<vmem_shared>>) target_semaphore(%run_scoped3A : memref<!tpu.dma_semaphore, #tpu.memory_space<semaphore_mem>>)
        %dma_wait3A = arith.constant 0 : i32
        %dma_wait3A_33 = tpu.memref_slice %arg6[%add3A_29, %dma_wait3A] : memref<10000x16xf32, #tpu.memory_space<vmem_shared>> -> memref<8x16xf32, #tpu.memory_space<vmem_shared>>
        %dma_wait3A_34 = arith.constant 0 : i32
        %dma_wait3A_35 = tpu.memref_slice %arg6[%add3A_29, %dma_wait3A_34] : memref<10000x16xf32, #tpu.memory_space<vmem_shared>> -> memref<8x16xf32, #tpu.memory_space<vmem_shared>>
        tpu.wait_dma2 semaphore(%run_scoped3A : memref<!tpu.dma_semaphore, #tpu.memory_space<semaphore_mem>>) src(%arg7 : memref<8x16xf32, #tpu.memory_space<vmem>>) dst(%dma_wait3A_35 : memref<8x16xf32, #tpu.memory_space<vmem_shared>>)
        tpu.yield
      }) : () -> ()
    }
    %scan3A_6 = arith.constant 79 : i32
    %barrier3A = arith.constant 0 : index
    tpu.barrier barrier_id(%barrier3A)
    %barrier3A_7 = arith.constant 0 : index
    tpu.barrier barrier_id(%barrier3A_7)
    %mul3A_8 = arith.constant 2 : i32
    %mul3A_9 = arith.muli %arg1, %mul3A_8 : i32
    %add3A = arith.addi %mul3A_9, %arg0 : i32
    %mul3A_10 = arith.constant 10000 : i32
    %mul3A_11 = arith.muli %add3A, %mul3A_10 : i32
    %scan3A_12 = arith.constant 0 : i32
    %scan3A_13 = arith.constant 0 : i32
    %scan3A_14 = arith.constant 125 : i32
    %scan3A_15 = arith.addi %scan3A_13, %scan3A_14 : i32
    %scan3A_16 = arith.constant 1 : i32
    scf.for %scan3A_26 = %scan3A_13 to %scan3A_15 step %scan3A_16  : i32 {
      %mul3A_27 = arith.constant 80 : i32
      %mul3A_28 = arith.muli %scan3A_26, %mul3A_27 : i32
      %add3A_29 = arith.addi %mul3A_11, %mul3A_28 : i32
      "tpu.region"() ({
        %run_scoped3A = tpu.sem_alloc : memref<!tpu.dma_semaphore, #tpu.memory_space<semaphore_mem>>
        %dma_start3A = tpu.memref_slice %arg2[%add3A_29] : memref<320000xi32, #tpu.memory_space<hbm>> -> memref<80xi32, #tpu.memory_space<hbm>>
        %dma_start3A_30 = tpu.memref_slice %arg2[%add3A_29] : memref<320000xi32, #tpu.memory_space<hbm>> -> memref<80xi32, #tpu.memory_space<hbm>>
        tpu.enqueue_dma source(%dma_start3A_30 : memref<80xi32, #tpu.memory_space<hbm>>) target(%arg9 : memref<80xi32, #tpu.memory_space<vmem>>) target_semaphore(%run_scoped3A : memref<!tpu.dma_semaphore, #tpu.memory_space<semaphore_mem>>)
        %dma_wait3A = tpu.memref_slice %arg2[%add3A_29] : memref<320000xi32, #tpu.memory_space<hbm>> -> memref<80xi32, #tpu.memory_space<hbm>>
        %dma_wait3A_31 = tpu.memref_slice %arg2[%add3A_29] : memref<320000xi32, #tpu.memory_space<hbm>> -> memref<80xi32, #tpu.memory_space<hbm>>
        tpu.wait_dma2 semaphore(%run_scoped3A : memref<!tpu.dma_semaphore, #tpu.memory_space<semaphore_mem>>) src(%dma_wait3A_31 : memref<80xi32, #tpu.memory_space<hbm>>) dst(%arg9 : memref<80xi32, #tpu.memory_space<vmem>>)
        tpu.yield
      }) : () -> ()
      "tpu.region"() ({
        %run_scoped3A = tpu.sem_alloc : memref<!tpu.dma_semaphore, #tpu.memory_space<semaphore_mem>>
        %dma_start3A = arith.constant 0 : i32
        %dma_start3A_30 = arith.constant 0 : i32
        %dma_start3A_31 = tpu.memref_slice %arg6[%dma_start3A, %dma_start3A_30] : memref<10000x16xf32, #tpu.memory_space<vmem_shared>> -> memref<10000x16xf32, #tpu.memory_space<vmem_shared>>
        tpu.enqueue_indirect_dma source(%arg8 : memref<80x16xf32, #tpu.memory_space<vmem>>) target(%dma_start3A_31 : memref<10000x16xf32, #tpu.memory_space<vmem_shared>>) offsets(%arg9 : memref<80xi32, #tpu.memory_space<vmem>>) semaphore(%run_scoped3A : memref<!tpu.dma_semaphore, #tpu.memory_space<semaphore_mem>>) {add = true}
        %dma_wait3A = arith.constant 0 : i32
        %dma_wait3A_32 = arith.constant 0 : i32
        %dma_wait3A_33 = tpu.memref_slice %arg6[%dma_wait3A, %dma_wait3A_32] : memref<10000x16xf32, #tpu.memory_space<vmem_shared>> -> memref<10000x16xf32, #tpu.memory_space<vmem_shared>>
        tpu.wait_indirect_dma semaphore(%run_scoped3A : memref<!tpu.dma_semaphore, #tpu.memory_space<semaphore_mem>>) src(%arg8 : memref<80x16xf32, #tpu.memory_space<vmem>>) dst(%dma_wait3A_33 : memref<10000x16xf32, #tpu.memory_space<vmem_shared>>)
        tpu.yield
      }) : () -> ()
    }
    %scan3A_17 = arith.constant 125 : i32
    %barrier3A_18 = arith.constant 0 : index
    tpu.barrier barrier_id(%barrier3A_18)
    %barrier3A_19 = arith.constant 0 : index
    tpu.barrier barrier_id(%barrier3A_19)
    %lt3A = arith.constant 15 : i32
    %lt3A_20 = arith.cmpi slt, %arg1, %lt3A : i32
    %convert_element_type3A = arith.extui %lt3A_20 : i1 to i32
    %cond3A = arith.constant 0 : i32
    %cond3A_21 = arith.cmpi ne, %convert_element_type3A, %cond3A : i32
    scf.if %cond3A_21 {
      %mul3A_26 = arith.constant 632 : i32
      %mul3A_27 = arith.muli %arg1, %mul3A_26 : i32
      %mul3A_28 = arith.constant 632 : i32
      %mul3A_29 = arith.muli %arg1, %mul3A_28 : i32
      "tpu.region"() ({
        %run_scoped3A = tpu.sem_alloc : memref<!tpu.dma_semaphore, #tpu.memory_space<semaphore_mem>>
        %dma_start3A = arith.constant 0 : i32
        %dma_start3A_30 = tpu.memref_slice %arg5[%arg0, %mul3A_29, %dma_start3A] : memref<2x10000x16xf32, #tpu.memory_space<hbm>> -> memref<1x632x16xf32, #tpu.memory_space<hbm>>
        %dma_start3A_31 = tpu.memref_squeeze %dma_start3A_30 : memref<1x632x16xf32, #tpu.memory_space<hbm>> -> memref<632x16xf32, #tpu.memory_space<hbm>>
        %dma_start3A_32 = arith.constant 0 : i32
        %dma_start3A_33 = tpu.memref_slice %arg6[%mul3A_27, %dma_start3A_32] : memref<10000x16xf32, #tpu.memory_space<vmem_shared>> -> memref<632x16xf32, #tpu.memory_space<vmem_shared>>
        tpu.enqueue_dma source(%dma_start3A_33 : memref<632x16xf32, #tpu.memory_space<vmem_shared>>) target(%dma_start3A_31 : memref<632x16xf32, #tpu.memory_space<hbm>>) target_semaphore(%run_scoped3A : memref<!tpu.dma_semaphore, #tpu.memory_space<semaphore_mem>>)
        %dma_wait3A = arith.constant 0 : i32
        %dma_wait3A_34 = tpu.memref_slice %arg5[%arg0, %mul3A_29, %dma_wait3A] : memref<2x10000x16xf32, #tpu.memory_space<hbm>> -> memref<1x632x16xf32, #tpu.memory_space<hbm>>
        %dma_wait3A_35 = tpu.memref_squeeze %dma_wait3A_34 : memref<1x632x16xf32, #tpu.memory_space<hbm>> -> memref<632x16xf32, #tpu.memory_space<hbm>>
        %dma_wait3A_36 = arith.constant 0 : i32
        %dma_wait3A_37 = tpu.memref_slice %arg6[%mul3A_27, %dma_wait3A_36] : memref<10000x16xf32, #tpu.memory_space<vmem_shared>> -> memref<632x16xf32, #tpu.memory_space<vmem_shared>>
        tpu.wait_dma2 semaphore(%run_scoped3A : memref<!tpu.dma_semaphore, #tpu.memory_space<semaphore_mem>>) src(%dma_wait3A_37 : memref<632x16xf32, #tpu.memory_space<vmem_shared>>) dst(%dma_wait3A_35 : memref<632x16xf32, #tpu.memory_space<hbm>>)
        tpu.yield
      }) : () -> ()
    } else {
    }
    %eq3A = arith.constant 15 : i32
    %eq3A_22 = arith.cmpi eq, %arg1, %eq3A : i32
    %convert_element_type3A_23 = arith.extui %eq3A_22 : i1 to i32
    %cond3A_24 = arith.constant 0 : i32
    %cond3A_25 = arith.cmpi ne, %convert_element_type3A_23, %cond3A_24 : i32
    scf.if %cond3A_25 {
      "tpu.region"() ({
        %run_scoped3A = tpu.sem_alloc : memref<!tpu.dma_semaphore, #tpu.memory_space<semaphore_mem>>
        %dma_start3A = arith.constant 9480 : i32
        %dma_start3A_26 = arith.constant 0 : i32
        %dma_start3A_27 = tpu.memref_slice %arg5[%arg0, %dma_start3A, %dma_start3A_26] : memref<2x10000x16xf32, #tpu.memory_space<hbm>> -> memref<1x520x16xf32, #tpu.memory_space<hbm>>
        %dma_start3A_28 = tpu.memref_squeeze %dma_start3A_27 : memref<1x520x16xf32, #tpu.memory_space<hbm>> -> memref<520x16xf32, #tpu.memory_space<hbm>>
        %dma_start3A_29 = arith.constant 9480 : i32
        %dma_start3A_30 = arith.constant 0 : i32
        %dma_start3A_31 = tpu.memref_slice %arg6[%dma_start3A_29, %dma_start3A_30] : memref<10000x16xf32, #tpu.memory_space<vmem_shared>> -> memref<520x16xf32, #tpu.memory_space<vmem_shared>>
        tpu.enqueue_dma source(%dma_start3A_31 : memref<520x16xf32, #tpu.memory_space<vmem_shared>>) target(%dma_start3A_28 : memref<520x16xf32, #tpu.memory_space<hbm>>) target_semaphore(%run_scoped3A : memref<!tpu.dma_semaphore, #tpu.memory_space<semaphore_mem>>)
        %dma_wait3A = arith.constant 9480 : i32
        %dma_wait3A_32 = arith.constant 0 : i32
        %dma_wait3A_33 = tpu.memref_slice %arg5[%arg0, %dma_wait3A, %dma_wait3A_32] : memref<2x10000x16xf32, #tpu.memory_space<hbm>> -> memref<1x520x16xf32, #tpu.memory_space<hbm>>
        %dma_wait3A_34 = tpu.memref_squeeze %dma_wait3A_33 : memref<1x520x16xf32, #tpu.memory_space<hbm>> -> memref<520x16xf32, #tpu.memory_space<hbm>>
        %dma_wait3A_35 = arith.constant 9480 : i32
        %dma_wait3A_36 = arith.constant 0 : i32
        %dma_wait3A_37 = tpu.memref_slice %arg6[%dma_wait3A_35, %dma_wait3A_36] : memref<10000x16xf32, #tpu.memory_space<vmem_shared>> -> memref<520x16xf32, #tpu.memory_space<vmem_shared>>
        tpu.wait_dma2 semaphore(%run_scoped3A : memref<!tpu.dma_semaphore, #tpu.memory_space<semaphore_mem>>) src(%dma_wait3A_37 : memref<520x16xf32, #tpu.memory_space<vmem_shared>>) dst(%dma_wait3A_34 : memref<520x16xf32, #tpu.memory_space<hbm>>)
        tpu.yield
      }) : () -> ()
    } else {
    }
    return
  }
}

#map = affine_map<(d0, d1) -> (0, 0)>
#map1 = affine_map<(d0, d1) -> (0)>
#map2 = affine_map<(d0, d1) -> (0, 0, 0)>
module attributes {stable_mosaic.version = 14 : i64} {
  func.func @agg(%arg0: i32, %arg1: i32, %arg2: memref<10000x128xf32, #tpu.memory_space<hbm>>, %arg3: memref<320000xi32, #tpu.memory_space<hbm>>, %arg4: memref<320000xi32, #tpu.memory_space<hbm>>, %arg5: memref<8x128xf32, #tpu.memory_space<hbm>>, %arg6: memref<80xi32, #tpu.memory_space<hbm>>, %arg7: memref<2x10000x128xf32, #tpu.memory_space<hbm>>, %arg8: memref<10000x128xf32, #tpu.memory_space<vmem_shared>>, %arg9: memref<8x128xf32, #tpu.memory_space<vmem>>, %arg10: memref<80xi32, #tpu.memory_space<vmem>>, %arg11: memref<80xi32, #tpu.memory_space<vmem>>, %arg12: memref<80xi32, #tpu.memory_space<vmem>>, %arg13: memref<80xi32, #tpu.memory_space<vmem>>, %arg14: memref<80xi32, #tpu.memory_space<vmem>>, %arg15: memref<80xi32, #tpu.memory_space<vmem>>, %arg16: memref<80x128xf32, #tpu.memory_space<vmem>>, %arg17: memref<80x128xf32, #tpu.memory_space<vmem>>, %arg18: memref<!tpu.dma_semaphore, #tpu.memory_space<semaphore_mem>>, %arg19: memref<!tpu.dma_semaphore, #tpu.memory_space<semaphore_mem>>, %arg20: memref<!tpu.dma_semaphore, #tpu.memory_space<semaphore_mem>>, %arg21: memref<!tpu.dma_semaphore, #tpu.memory_space<semaphore_mem>>) attributes {dimension_semantics = [#tpu.dimension_semantics<core_parallel>, #tpu.dimension_semantics<subcore_parallel>], iteration_bounds = array<i64: 2, 16>, scalar_prefetch = 0 : i64, scratch_operands = 14 : i64, tpu.core_type = #tpu.core_type<sc_vector_subcore>, window_params = [{transform_indices = #map}, {transform_indices = #map1}, {transform_indices = #map1}, {transform_indices = #map}, {transform_indices = #map1}, {transform_indices = #map2}]} {
    "tpu.region"() ({
      %run_scoped3A = tpu.sem_alloc : memref<!tpu.dma_semaphore, #tpu.memory_space<semaphore_mem>>
      tpu.enqueue_dma source(%arg6 : memref<80xi32, #tpu.memory_space<hbm>>) target(%arg14 : memref<80xi32, #tpu.memory_space<vmem>>) target_semaphore(%run_scoped3A : memref<!tpu.dma_semaphore, #tpu.memory_space<semaphore_mem>>)
      tpu.wait_dma2 semaphore(%run_scoped3A : memref<!tpu.dma_semaphore, #tpu.memory_space<semaphore_mem>>) src(%arg6 : memref<80xi32, #tpu.memory_space<hbm>>) dst(%arg14 : memref<80xi32, #tpu.memory_space<vmem>>)
      tpu.yield
    }) : () -> ()
    "tpu.region"() ({
      %run_scoped3A = tpu.sem_alloc : memref<!tpu.dma_semaphore, #tpu.memory_space<semaphore_mem>>
      tpu.enqueue_dma source(%arg5 : memref<8x128xf32, #tpu.memory_space<hbm>>) target(%arg9 : memref<8x128xf32, #tpu.memory_space<vmem>>) target_semaphore(%run_scoped3A : memref<!tpu.dma_semaphore, #tpu.memory_space<semaphore_mem>>)
      tpu.wait_dma2 semaphore(%run_scoped3A : memref<!tpu.dma_semaphore, #tpu.memory_space<semaphore_mem>>) src(%arg5 : memref<8x128xf32, #tpu.memory_space<hbm>>) dst(%arg9 : memref<8x128xf32, #tpu.memory_space<vmem>>)
      tpu.yield
    }) : () -> ()
    %mul3A = arith.constant 632 : i32
    %mul3A_0 = arith.muli %arg1, %mul3A : i32
    %min3A = arith.constant 9368 : i32
    %min3A_1 = arith.minsi %mul3A_0, %min3A : i32
    %scan3A = arith.constant 0 : i32
    %scan3A_2 = arith.constant 0 : i32
    %scan3A_3 = arith.constant 79 : i32
    %scan3A_4 = arith.addi %scan3A_2, %scan3A_3 : i32
    %scan3A_5 = arith.constant 1 : i32
    scf.for %scan3A_26 = %scan3A_2 to %scan3A_4 step %scan3A_5  : i32 {
      %mul3A_27 = arith.constant 8 : i32
      %mul3A_28 = arith.muli %scan3A_26, %mul3A_27 : i32
      %add3A_29 = arith.addi %min3A_1, %mul3A_28 : i32
      "tpu.region"() ({
        %run_scoped3A = tpu.sem_alloc : memref<!tpu.dma_semaphore, #tpu.memory_space<semaphore_mem>>
        %dma_start3A = arith.constant 0 : i32
        %dma_start3A_30 = tpu.memref_slice %arg8[%add3A_29, %dma_start3A] : memref<10000x128xf32, #tpu.memory_space<vmem_shared>> -> memref<8x128xf32, #tpu.memory_space<vmem_shared>>
        %dma_start3A_31 = arith.constant 0 : i32
        %dma_start3A_32 = tpu.memref_slice %arg8[%add3A_29, %dma_start3A_31] : memref<10000x128xf32, #tpu.memory_space<vmem_shared>> -> memref<8x128xf32, #tpu.memory_space<vmem_shared>>
        tpu.enqueue_dma source(%arg9 : memref<8x128xf32, #tpu.memory_space<vmem>>) target(%dma_start3A_32 : memref<8x128xf32, #tpu.memory_space<vmem_shared>>) target_semaphore(%run_scoped3A : memref<!tpu.dma_semaphore, #tpu.memory_space<semaphore_mem>>)
        %dma_wait3A = arith.constant 0 : i32
        %dma_wait3A_33 = tpu.memref_slice %arg8[%add3A_29, %dma_wait3A] : memref<10000x128xf32, #tpu.memory_space<vmem_shared>> -> memref<8x128xf32, #tpu.memory_space<vmem_shared>>
        %dma_wait3A_34 = arith.constant 0 : i32
        %dma_wait3A_35 = tpu.memref_slice %arg8[%add3A_29, %dma_wait3A_34] : memref<10000x128xf32, #tpu.memory_space<vmem_shared>> -> memref<8x128xf32, #tpu.memory_space<vmem_shared>>
        tpu.wait_dma2 semaphore(%run_scoped3A : memref<!tpu.dma_semaphore, #tpu.memory_space<semaphore_mem>>) src(%arg9 : memref<8x128xf32, #tpu.memory_space<vmem>>) dst(%dma_wait3A_35 : memref<8x128xf32, #tpu.memory_space<vmem_shared>>)
        tpu.yield
      }) : () -> ()
    }
    %scan3A_6 = arith.constant 79 : i32
    %barrier3A = arith.constant 0 : index
    tpu.barrier barrier_id(%barrier3A)
    %barrier3A_7 = arith.constant 0 : index
    tpu.barrier barrier_id(%barrier3A_7)
    %mul3A_8 = arith.constant 2 : i32
    %mul3A_9 = arith.muli %arg1, %mul3A_8 : i32
    %add3A = arith.addi %mul3A_9, %arg0 : i32
    %mul3A_10 = arith.constant 10000 : i32
    %mul3A_11 = arith.muli %add3A, %mul3A_10 : i32
    %scan3A_12 = arith.constant 0 : i32
    %scan3A_13 = arith.constant 0 : i32
    %scan3A_14 = arith.constant 125 : i32
    %scan3A_15 = arith.addi %scan3A_13, %scan3A_14 : i32
    %scan3A_16 = arith.constant 1 : i32
    scf.for %scan3A_26 = %scan3A_13 to %scan3A_15 step %scan3A_16  : i32 {
      %mul3A_27 = arith.constant 80 : i32
      %mul3A_28 = arith.muli %scan3A_26, %mul3A_27 : i32
      %add3A_29 = arith.addi %mul3A_11, %mul3A_28 : i32
      "tpu.region"() ({
        %run_scoped3A = tpu.sem_alloc : memref<!tpu.dma_semaphore, #tpu.memory_space<semaphore_mem>>
        %dma_start3A_34 = tpu.memref_slice %arg3[%add3A_29] : memref<320000xi32, #tpu.memory_space<hbm>> -> memref<80xi32, #tpu.memory_space<hbm>>
        %dma_start3A_35 = tpu.memref_slice %arg3[%add3A_29] : memref<320000xi32, #tpu.memory_space<hbm>> -> memref<80xi32, #tpu.memory_space<hbm>>
        tpu.enqueue_dma source(%dma_start3A_35 : memref<80xi32, #tpu.memory_space<hbm>>) target(%arg10 : memref<80xi32, #tpu.memory_space<vmem>>) target_semaphore(%run_scoped3A : memref<!tpu.dma_semaphore, #tpu.memory_space<semaphore_mem>>)
        %dma_wait3A_36 = tpu.memref_slice %arg3[%add3A_29] : memref<320000xi32, #tpu.memory_space<hbm>> -> memref<80xi32, #tpu.memory_space<hbm>>
        %dma_wait3A_37 = tpu.memref_slice %arg3[%add3A_29] : memref<320000xi32, #tpu.memory_space<hbm>> -> memref<80xi32, #tpu.memory_space<hbm>>
        tpu.wait_dma2 semaphore(%run_scoped3A : memref<!tpu.dma_semaphore, #tpu.memory_space<semaphore_mem>>) src(%dma_wait3A_37 : memref<80xi32, #tpu.memory_space<hbm>>) dst(%arg10 : memref<80xi32, #tpu.memory_space<vmem>>)
        tpu.yield
      }) : () -> ()
      "tpu.region"() ({
        %run_scoped3A = tpu.sem_alloc : memref<!tpu.dma_semaphore, #tpu.memory_space<semaphore_mem>>
        %dma_start3A_34 = tpu.memref_slice %arg4[%add3A_29] : memref<320000xi32, #tpu.memory_space<hbm>> -> memref<80xi32, #tpu.memory_space<hbm>>
        %dma_start3A_35 = tpu.memref_slice %arg4[%add3A_29] : memref<320000xi32, #tpu.memory_space<hbm>> -> memref<80xi32, #tpu.memory_space<hbm>>
        tpu.enqueue_dma source(%dma_start3A_35 : memref<80xi32, #tpu.memory_space<hbm>>) target(%arg12 : memref<80xi32, #tpu.memory_space<vmem>>) target_semaphore(%run_scoped3A : memref<!tpu.dma_semaphore, #tpu.memory_space<semaphore_mem>>)
        %dma_wait3A_36 = tpu.memref_slice %arg4[%add3A_29] : memref<320000xi32, #tpu.memory_space<hbm>> -> memref<80xi32, #tpu.memory_space<hbm>>
        %dma_wait3A_37 = tpu.memref_slice %arg4[%add3A_29] : memref<320000xi32, #tpu.memory_space<hbm>> -> memref<80xi32, #tpu.memory_space<hbm>>
        tpu.wait_dma2 semaphore(%run_scoped3A : memref<!tpu.dma_semaphore, #tpu.memory_space<semaphore_mem>>) src(%dma_wait3A_37 : memref<80xi32, #tpu.memory_space<hbm>>) dst(%arg12 : memref<80xi32, #tpu.memory_space<vmem>>)
        tpu.yield
      }) : () -> ()
      %dma_start3A = arith.constant 0 : i32
      %dma_start3A_30 = arith.constant 0 : i32
      %dma_start3A_31 = tpu.memref_slice %arg2[%dma_start3A, %dma_start3A_30] : memref<10000x128xf32, #tpu.memory_space<hbm>> -> memref<10000x128xf32, #tpu.memory_space<hbm>>
      tpu.enqueue_indirect_dma source(%dma_start3A_31 : memref<10000x128xf32, #tpu.memory_space<hbm>>) target(%arg16 : memref<80x128xf32, #tpu.memory_space<vmem>>) offsets(%arg10 : memref<80xi32, #tpu.memory_space<vmem>>) semaphore(%arg18 : memref<!tpu.dma_semaphore, #tpu.memory_space<semaphore_mem>>)
      %dma_wait3A = arith.constant 0 : i32
      %dma_wait3A_32 = arith.constant 0 : i32
      %dma_wait3A_33 = tpu.memref_slice %arg2[%dma_wait3A, %dma_wait3A_32] : memref<10000x128xf32, #tpu.memory_space<hbm>> -> memref<10000x128xf32, #tpu.memory_space<hbm>>
      tpu.wait_indirect_dma semaphore(%arg18 : memref<!tpu.dma_semaphore, #tpu.memory_space<semaphore_mem>>) src(%dma_wait3A_33 : memref<10000x128xf32, #tpu.memory_space<hbm>>) dst(%arg16 : memref<80x128xf32, #tpu.memory_space<vmem>>)
      "tpu.region"() ({
        %run_scoped3A = tpu.sem_alloc : memref<!tpu.dma_semaphore, #tpu.memory_space<semaphore_mem>>
        %dma_start3A_34 = arith.constant 0 : i32
        %dma_start3A_35 = arith.constant 0 : i32
        %dma_start3A_36 = tpu.memref_slice %arg8[%dma_start3A_34, %dma_start3A_35] : memref<10000x128xf32, #tpu.memory_space<vmem_shared>> -> memref<10000x128xf32, #tpu.memory_space<vmem_shared>>
        tpu.enqueue_indirect_dma source(%arg16 : memref<80x128xf32, #tpu.memory_space<vmem>>) target(%dma_start3A_36 : memref<10000x128xf32, #tpu.memory_space<vmem_shared>>) offsets(%arg12 : memref<80xi32, #tpu.memory_space<vmem>>) semaphore(%run_scoped3A : memref<!tpu.dma_semaphore, #tpu.memory_space<semaphore_mem>>) {add = true}
        %dma_wait3A_37 = arith.constant 0 : i32
        %dma_wait3A_38 = arith.constant 0 : i32
        %dma_wait3A_39 = tpu.memref_slice %arg8[%dma_wait3A_37, %dma_wait3A_38] : memref<10000x128xf32, #tpu.memory_space<vmem_shared>> -> memref<10000x128xf32, #tpu.memory_space<vmem_shared>>
        tpu.wait_indirect_dma semaphore(%run_scoped3A : memref<!tpu.dma_semaphore, #tpu.memory_space<semaphore_mem>>) src(%arg16 : memref<80x128xf32, #tpu.memory_space<vmem>>) dst(%dma_wait3A_39 : memref<10000x128xf32, #tpu.memory_space<vmem_shared>>)
        tpu.yield
      }) : () -> ()
    }
    %scan3A_17 = arith.constant 125 : i32
    %barrier3A_18 = arith.constant 0 : index
    tpu.barrier barrier_id(%barrier3A_18)
    %barrier3A_19 = arith.constant 0 : index
    tpu.barrier barrier_id(%barrier3A_19)
    %lt3A = arith.constant 15 : i32
    %lt3A_20 = arith.cmpi slt, %arg1, %lt3A : i32
    %convert_element_type3A = arith.extui %lt3A_20 : i1 to i32
    %cond3A = arith.constant 0 : i32
    %cond3A_21 = arith.cmpi ne, %convert_element_type3A, %cond3A : i32
    scf.if %cond3A_21 {
      %mul3A_26 = arith.constant 632 : i32
      %mul3A_27 = arith.muli %arg1, %mul3A_26 : i32
      %mul3A_28 = arith.constant 632 : i32
      %mul3A_29 = arith.muli %arg1, %mul3A_28 : i32
      "tpu.region"() ({
        %run_scoped3A = tpu.sem_alloc : memref<!tpu.dma_semaphore, #tpu.memory_space<semaphore_mem>>
        %dma_start3A = arith.constant 0 : i32
        %dma_start3A_30 = tpu.memref_slice %arg7[%arg0, %mul3A_29, %dma_start3A] : memref<2x10000x128xf32, #tpu.memory_space<hbm>> -> memref<1x632x128xf32, #tpu.memory_space<hbm>>
        %dma_start3A_31 = tpu.memref_squeeze %dma_start3A_30 : memref<1x632x128xf32, #tpu.memory_space<hbm>> -> memref<632x128xf32, #tpu.memory_space<hbm>>
        %dma_start3A_32 = arith.constant 0 : i32
        %dma_start3A_33 = tpu.memref_slice %arg8[%mul3A_27, %dma_start3A_32] : memref<10000x128xf32, #tpu.memory_space<vmem_shared>> -> memref<632x128xf32, #tpu.memory_space<vmem_shared>>
        tpu.enqueue_dma source(%dma_start3A_33 : memref<632x128xf32, #tpu.memory_space<vmem_shared>>) target(%dma_start3A_31 : memref<632x128xf32, #tpu.memory_space<hbm>>) target_semaphore(%run_scoped3A : memref<!tpu.dma_semaphore, #tpu.memory_space<semaphore_mem>>)
        %dma_wait3A = arith.constant 0 : i32
        %dma_wait3A_34 = tpu.memref_slice %arg7[%arg0, %mul3A_29, %dma_wait3A] : memref<2x10000x128xf32, #tpu.memory_space<hbm>> -> memref<1x632x128xf32, #tpu.memory_space<hbm>>
        %dma_wait3A_35 = tpu.memref_squeeze %dma_wait3A_34 : memref<1x632x128xf32, #tpu.memory_space<hbm>> -> memref<632x128xf32, #tpu.memory_space<hbm>>
        %dma_wait3A_36 = arith.constant 0 : i32
        %dma_wait3A_37 = tpu.memref_slice %arg8[%mul3A_27, %dma_wait3A_36] : memref<10000x128xf32, #tpu.memory_space<vmem_shared>> -> memref<632x128xf32, #tpu.memory_space<vmem_shared>>
        tpu.wait_dma2 semaphore(%run_scoped3A : memref<!tpu.dma_semaphore, #tpu.memory_space<semaphore_mem>>) src(%dma_wait3A_37 : memref<632x128xf32, #tpu.memory_space<vmem_shared>>) dst(%dma_wait3A_35 : memref<632x128xf32, #tpu.memory_space<hbm>>)
        tpu.yield
      }) : () -> ()
    } else {
    }
    %eq3A = arith.constant 15 : i32
    %eq3A_22 = arith.cmpi eq, %arg1, %eq3A : i32
    %convert_element_type3A_23 = arith.extui %eq3A_22 : i1 to i32
    %cond3A_24 = arith.constant 0 : i32
    %cond3A_25 = arith.cmpi ne, %convert_element_type3A_23, %cond3A_24 : i32
    scf.if %cond3A_25 {
      "tpu.region"() ({
        %run_scoped3A = tpu.sem_alloc : memref<!tpu.dma_semaphore, #tpu.memory_space<semaphore_mem>>
        %dma_start3A = arith.constant 9480 : i32
        %dma_start3A_26 = arith.constant 0 : i32
        %dma_start3A_27 = tpu.memref_slice %arg7[%arg0, %dma_start3A, %dma_start3A_26] : memref<2x10000x128xf32, #tpu.memory_space<hbm>> -> memref<1x520x128xf32, #tpu.memory_space<hbm>>
        %dma_start3A_28 = tpu.memref_squeeze %dma_start3A_27 : memref<1x520x128xf32, #tpu.memory_space<hbm>> -> memref<520x128xf32, #tpu.memory_space<hbm>>
        %dma_start3A_29 = arith.constant 9480 : i32
        %dma_start3A_30 = arith.constant 0 : i32
        %dma_start3A_31 = tpu.memref_slice %arg8[%dma_start3A_29, %dma_start3A_30] : memref<10000x128xf32, #tpu.memory_space<vmem_shared>> -> memref<520x128xf32, #tpu.memory_space<vmem_shared>>
        tpu.enqueue_dma source(%dma_start3A_31 : memref<520x128xf32, #tpu.memory_space<vmem_shared>>) target(%dma_start3A_28 : memref<520x128xf32, #tpu.memory_space<hbm>>) target_semaphore(%run_scoped3A : memref<!tpu.dma_semaphore, #tpu.memory_space<semaphore_mem>>)
        %dma_wait3A = arith.constant 9480 : i32
        %dma_wait3A_32 = arith.constant 0 : i32
        %dma_wait3A_33 = tpu.memref_slice %arg7[%arg0, %dma_wait3A, %dma_wait3A_32] : memref<2x10000x128xf32, #tpu.memory_space<hbm>> -> memref<1x520x128xf32, #tpu.memory_space<hbm>>
        %dma_wait3A_34 = tpu.memref_squeeze %dma_wait3A_33 : memref<1x520x128xf32, #tpu.memory_space<hbm>> -> memref<520x128xf32, #tpu.memory_space<hbm>>
        %dma_wait3A_35 = arith.constant 9480 : i32
        %dma_wait3A_36 = arith.constant 0 : i32
        %dma_wait3A_37 = tpu.memref_slice %arg8[%dma_wait3A_35, %dma_wait3A_36] : memref<10000x128xf32, #tpu.memory_space<vmem_shared>> -> memref<520x128xf32, #tpu.memory_space<vmem_shared>>
        tpu.wait_dma2 semaphore(%run_scoped3A : memref<!tpu.dma_semaphore, #tpu.memory_space<semaphore_mem>>) src(%dma_wait3A_37 : memref<520x128xf32, #tpu.memory_space<vmem_shared>>) dst(%dma_wait3A_34 : memref<520x128xf32, #tpu.memory_space<hbm>>)
        tpu.yield
      }) : () -> ()
    } else {
    }
    return
  }
}

#map = affine_map<(d0, d1) -> (0, 0)>
#map1 = affine_map<(d0, d1) -> (0)>
#map2 = affine_map<(d0, d1) -> (0, 0, 0)>
module attributes {stable_mosaic.version = 14 : i64} {
  func.func @agg(%arg0: i32, %arg1: i32, %arg2: memref<10000x128xf32, #tpu.memory_space<hbm>>, %arg3: memref<320000xi32, #tpu.memory_space<hbm>>, %arg4: memref<320000xi32, #tpu.memory_space<hbm>>, %arg5: memref<8x128xf32, #tpu.memory_space<hbm>>, %arg6: memref<80xi32, #tpu.memory_space<hbm>>, %arg7: memref<2x10000x128xf32, #tpu.memory_space<hbm>>, %arg8: memref<10000x128xf32, #tpu.memory_space<vmem_shared>>, %arg9: memref<8x128xf32, #tpu.memory_space<vmem>>, %arg10: memref<80xi32, #tpu.memory_space<vmem>>, %arg11: memref<80xi32, #tpu.memory_space<vmem>>, %arg12: memref<80xi32, #tpu.memory_space<vmem>>, %arg13: memref<80xi32, #tpu.memory_space<vmem>>, %arg14: memref<80xi32, #tpu.memory_space<vmem>>, %arg15: memref<80xi32, #tpu.memory_space<vmem>>, %arg16: memref<80x128xf32, #tpu.memory_space<vmem>>, %arg17: memref<80x128xf32, #tpu.memory_space<vmem>>, %arg18: memref<!tpu.dma_semaphore, #tpu.memory_space<semaphore_mem>>, %arg19: memref<!tpu.dma_semaphore, #tpu.memory_space<semaphore_mem>>, %arg20: memref<!tpu.dma_semaphore, #tpu.memory_space<semaphore_mem>>, %arg21: memref<!tpu.dma_semaphore, #tpu.memory_space<semaphore_mem>>) attributes {dimension_semantics = [#tpu.dimension_semantics<core_parallel>, #tpu.dimension_semantics<subcore_parallel>], iteration_bounds = array<i64: 2, 16>, scalar_prefetch = 0 : i64, scratch_operands = 14 : i64, tpu.core_type = #tpu.core_type<sc_vector_subcore>, window_params = [{transform_indices = #map}, {transform_indices = #map1}, {transform_indices = #map1}, {transform_indices = #map}, {transform_indices = #map1}, {transform_indices = #map2}]} {
    "tpu.region"() ({
      %run_scoped3A = tpu.sem_alloc : memref<!tpu.dma_semaphore, #tpu.memory_space<semaphore_mem>>
      tpu.enqueue_dma source(%arg6 : memref<80xi32, #tpu.memory_space<hbm>>) target(%arg14 : memref<80xi32, #tpu.memory_space<vmem>>) target_semaphore(%run_scoped3A : memref<!tpu.dma_semaphore, #tpu.memory_space<semaphore_mem>>)
      tpu.wait_dma2 semaphore(%run_scoped3A : memref<!tpu.dma_semaphore, #tpu.memory_space<semaphore_mem>>) src(%arg6 : memref<80xi32, #tpu.memory_space<hbm>>) dst(%arg14 : memref<80xi32, #tpu.memory_space<vmem>>)
      tpu.yield
    }) : () -> ()
    "tpu.region"() ({
      %run_scoped3A = tpu.sem_alloc : memref<!tpu.dma_semaphore, #tpu.memory_space<semaphore_mem>>
      tpu.enqueue_dma source(%arg5 : memref<8x128xf32, #tpu.memory_space<hbm>>) target(%arg9 : memref<8x128xf32, #tpu.memory_space<vmem>>) target_semaphore(%run_scoped3A : memref<!tpu.dma_semaphore, #tpu.memory_space<semaphore_mem>>)
      tpu.wait_dma2 semaphore(%run_scoped3A : memref<!tpu.dma_semaphore, #tpu.memory_space<semaphore_mem>>) src(%arg5 : memref<8x128xf32, #tpu.memory_space<hbm>>) dst(%arg9 : memref<8x128xf32, #tpu.memory_space<vmem>>)
      tpu.yield
    }) : () -> ()
    %mul3A = arith.constant 632 : i32
    %mul3A_0 = arith.muli %arg1, %mul3A : i32
    %min3A = arith.constant 9368 : i32
    %min3A_1 = arith.minsi %mul3A_0, %min3A : i32
    %scan3A = arith.constant 0 : i32
    %scan3A_2 = arith.constant 0 : i32
    %scan3A_3 = arith.constant 79 : i32
    %scan3A_4 = arith.addi %scan3A_2, %scan3A_3 : i32
    %scan3A_5 = arith.constant 1 : i32
    scf.for %scan3A_26 = %scan3A_2 to %scan3A_4 step %scan3A_5  : i32 {
      %mul3A_27 = arith.constant 8 : i32
      %mul3A_28 = arith.muli %scan3A_26, %mul3A_27 : i32
      %add3A_29 = arith.addi %min3A_1, %mul3A_28 : i32
      "tpu.region"() ({
        %run_scoped3A = tpu.sem_alloc : memref<!tpu.dma_semaphore, #tpu.memory_space<semaphore_mem>>
        %dma_start3A = arith.constant 0 : i32
        %dma_start3A_30 = tpu.memref_slice %arg8[%add3A_29, %dma_start3A] : memref<10000x128xf32, #tpu.memory_space<vmem_shared>> -> memref<8x128xf32, #tpu.memory_space<vmem_shared>>
        %dma_start3A_31 = arith.constant 0 : i32
        %dma_start3A_32 = tpu.memref_slice %arg8[%add3A_29, %dma_start3A_31] : memref<10000x128xf32, #tpu.memory_space<vmem_shared>> -> memref<8x128xf32, #tpu.memory_space<vmem_shared>>
        tpu.enqueue_dma source(%arg9 : memref<8x128xf32, #tpu.memory_space<vmem>>) target(%dma_start3A_32 : memref<8x128xf32, #tpu.memory_space<vmem_shared>>) target_semaphore(%run_scoped3A : memref<!tpu.dma_semaphore, #tpu.memory_space<semaphore_mem>>)
        %dma_wait3A = arith.constant 0 : i32
        %dma_wait3A_33 = tpu.memref_slice %arg8[%add3A_29, %dma_wait3A] : memref<10000x128xf32, #tpu.memory_space<vmem_shared>> -> memref<8x128xf32, #tpu.memory_space<vmem_shared>>
        %dma_wait3A_34 = arith.constant 0 : i32
        %dma_wait3A_35 = tpu.memref_slice %arg8[%add3A_29, %dma_wait3A_34] : memref<10000x128xf32, #tpu.memory_space<vmem_shared>> -> memref<8x128xf32, #tpu.memory_space<vmem_shared>>
        tpu.wait_dma2 semaphore(%run_scoped3A : memref<!tpu.dma_semaphore, #tpu.memory_space<semaphore_mem>>) src(%arg9 : memref<8x128xf32, #tpu.memory_space<vmem>>) dst(%dma_wait3A_35 : memref<8x128xf32, #tpu.memory_space<vmem_shared>>)
        tpu.yield
      }) : () -> ()
    }
    %scan3A_6 = arith.constant 79 : i32
    %barrier3A = arith.constant 0 : index
    tpu.barrier barrier_id(%barrier3A)
    %barrier3A_7 = arith.constant 0 : index
    tpu.barrier barrier_id(%barrier3A_7)
    %mul3A_8 = arith.constant 2 : i32
    %mul3A_9 = arith.muli %arg1, %mul3A_8 : i32
    %add3A = arith.addi %mul3A_9, %arg0 : i32
    %mul3A_10 = arith.constant 10000 : i32
    %mul3A_11 = arith.muli %add3A, %mul3A_10 : i32
    %scan3A_12 = arith.constant 0 : i32
    %scan3A_13 = arith.constant 0 : i32
    %scan3A_14 = arith.constant 125 : i32
    %scan3A_15 = arith.addi %scan3A_13, %scan3A_14 : i32
    %scan3A_16 = arith.constant 1 : i32
    scf.for %scan3A_26 = %scan3A_13 to %scan3A_15 step %scan3A_16  : i32 {
      %mul3A_27 = arith.constant 80 : i32
      %mul3A_28 = arith.muli %scan3A_26, %mul3A_27 : i32
      %add3A_29 = arith.addi %mul3A_11, %mul3A_28 : i32
      "tpu.region"() ({
        %run_scoped3A = tpu.sem_alloc : memref<!tpu.dma_semaphore, #tpu.memory_space<semaphore_mem>>
        %dma_start3A_34 = tpu.memref_slice %arg3[%add3A_29] : memref<320000xi32, #tpu.memory_space<hbm>> -> memref<80xi32, #tpu.memory_space<hbm>>
        %dma_start3A_35 = tpu.memref_slice %arg3[%add3A_29] : memref<320000xi32, #tpu.memory_space<hbm>> -> memref<80xi32, #tpu.memory_space<hbm>>
        tpu.enqueue_dma source(%dma_start3A_35 : memref<80xi32, #tpu.memory_space<hbm>>) target(%arg10 : memref<80xi32, #tpu.memory_space<vmem>>) target_semaphore(%run_scoped3A : memref<!tpu.dma_semaphore, #tpu.memory_space<semaphore_mem>>)
        %dma_wait3A_36 = tpu.memref_slice %arg3[%add3A_29] : memref<320000xi32, #tpu.memory_space<hbm>> -> memref<80xi32, #tpu.memory_space<hbm>>
        %dma_wait3A_37 = tpu.memref_slice %arg3[%add3A_29] : memref<320000xi32, #tpu.memory_space<hbm>> -> memref<80xi32, #tpu.memory_space<hbm>>
        tpu.wait_dma2 semaphore(%run_scoped3A : memref<!tpu.dma_semaphore, #tpu.memory_space<semaphore_mem>>) src(%dma_wait3A_37 : memref<80xi32, #tpu.memory_space<hbm>>) dst(%arg10 : memref<80xi32, #tpu.memory_space<vmem>>)
        tpu.yield
      }) : () -> ()
      "tpu.region"() ({
        %run_scoped3A = tpu.sem_alloc : memref<!tpu.dma_semaphore, #tpu.memory_space<semaphore_mem>>
        %dma_start3A_34 = tpu.memref_slice %arg4[%add3A_29] : memref<320000xi32, #tpu.memory_space<hbm>> -> memref<80xi32, #tpu.memory_space<hbm>>
        %dma_start3A_35 = tpu.memref_slice %arg4[%add3A_29] : memref<320000xi32, #tpu.memory_space<hbm>> -> memref<80xi32, #tpu.memory_space<hbm>>
        tpu.enqueue_dma source(%dma_start3A_35 : memref<80xi32, #tpu.memory_space<hbm>>) target(%arg12 : memref<80xi32, #tpu.memory_space<vmem>>) target_semaphore(%run_scoped3A : memref<!tpu.dma_semaphore, #tpu.memory_space<semaphore_mem>>)
        %dma_wait3A_36 = tpu.memref_slice %arg4[%add3A_29] : memref<320000xi32, #tpu.memory_space<hbm>> -> memref<80xi32, #tpu.memory_space<hbm>>
        %dma_wait3A_37 = tpu.memref_slice %arg4[%add3A_29] : memref<320000xi32, #tpu.memory_space<hbm>> -> memref<80xi32, #tpu.memory_space<hbm>>
        tpu.wait_dma2 semaphore(%run_scoped3A : memref<!tpu.dma_semaphore, #tpu.memory_space<semaphore_mem>>) src(%dma_wait3A_37 : memref<80xi32, #tpu.memory_space<hbm>>) dst(%arg12 : memref<80xi32, #tpu.memory_space<vmem>>)
        tpu.yield
      }) : () -> ()
      %dma_start3A = arith.constant 0 : i32
      %dma_start3A_30 = arith.constant 0 : i32
      %dma_start3A_31 = tpu.memref_slice %arg2[%dma_start3A, %dma_start3A_30] : memref<10000x128xf32, #tpu.memory_space<hbm>> -> memref<10000x128xf32, #tpu.memory_space<hbm>>
      tpu.enqueue_indirect_dma source(%dma_start3A_31 : memref<10000x128xf32, #tpu.memory_space<hbm>>) target(%arg16 : memref<80x128xf32, #tpu.memory_space<vmem>>) offsets(%arg10 : memref<80xi32, #tpu.memory_space<vmem>>) semaphore(%arg18 : memref<!tpu.dma_semaphore, #tpu.memory_space<semaphore_mem>>)
      %dma_wait3A = arith.constant 0 : i32
      %dma_wait3A_32 = arith.constant 0 : i32
      %dma_wait3A_33 = tpu.memref_slice %arg2[%dma_wait3A, %dma_wait3A_32] : memref<10000x128xf32, #tpu.memory_space<hbm>> -> memref<10000x128xf32, #tpu.memory_space<hbm>>
      tpu.wait_indirect_dma semaphore(%arg18 : memref<!tpu.dma_semaphore, #tpu.memory_space<semaphore_mem>>) src(%dma_wait3A_33 : memref<10000x128xf32, #tpu.memory_space<hbm>>) dst(%arg16 : memref<80x128xf32, #tpu.memory_space<vmem>>)
      "tpu.region"() ({
        %run_scoped3A = tpu.sem_alloc : memref<!tpu.dma_semaphore, #tpu.memory_space<semaphore_mem>>
        %dma_start3A_34 = arith.constant 0 : i32
        %dma_start3A_35 = arith.constant 0 : i32
        %dma_start3A_36 = tpu.memref_slice %arg8[%dma_start3A_34, %dma_start3A_35] : memref<10000x128xf32, #tpu.memory_space<vmem_shared>> -> memref<10000x128xf32, #tpu.memory_space<vmem_shared>>
        tpu.enqueue_indirect_dma source(%arg16 : memref<80x128xf32, #tpu.memory_space<vmem>>) target(%dma_start3A_36 : memref<10000x128xf32, #tpu.memory_space<vmem_shared>>) offsets(%arg12 : memref<80xi32, #tpu.memory_space<vmem>>) semaphore(%run_scoped3A : memref<!tpu.dma_semaphore, #tpu.memory_space<semaphore_mem>>) {add = true}
        %dma_wait3A_37 = arith.constant 0 : i32
        %dma_wait3A_38 = arith.constant 0 : i32
        %dma_wait3A_39 = tpu.memref_slice %arg8[%dma_wait3A_37, %dma_wait3A_38] : memref<10000x128xf32, #tpu.memory_space<vmem_shared>> -> memref<10000x128xf32, #tpu.memory_space<vmem_shared>>
        tpu.wait_indirect_dma semaphore(%run_scoped3A : memref<!tpu.dma_semaphore, #tpu.memory_space<semaphore_mem>>) src(%arg16 : memref<80x128xf32, #tpu.memory_space<vmem>>) dst(%dma_wait3A_39 : memref<10000x128xf32, #tpu.memory_space<vmem_shared>>)
        tpu.yield
      }) : () -> ()
    }
    %scan3A_17 = arith.constant 125 : i32
    %barrier3A_18 = arith.constant 0 : index
    tpu.barrier barrier_id(%barrier3A_18)
    %barrier3A_19 = arith.constant 0 : index
    tpu.barrier barrier_id(%barrier3A_19)
    %lt3A = arith.constant 15 : i32
    %lt3A_20 = arith.cmpi slt, %arg1, %lt3A : i32
    %convert_element_type3A = arith.extui %lt3A_20 : i1 to i32
    %cond3A = arith.constant 0 : i32
    %cond3A_21 = arith.cmpi ne, %convert_element_type3A, %cond3A : i32
    scf.if %cond3A_21 {
      %mul3A_26 = arith.constant 632 : i32
      %mul3A_27 = arith.muli %arg1, %mul3A_26 : i32
      %mul3A_28 = arith.constant 632 : i32
      %mul3A_29 = arith.muli %arg1, %mul3A_28 : i32
      "tpu.region"() ({
        %run_scoped3A = tpu.sem_alloc : memref<!tpu.dma_semaphore, #tpu.memory_space<semaphore_mem>>
        %dma_start3A = arith.constant 0 : i32
        %dma_start3A_30 = tpu.memref_slice %arg7[%arg0, %mul3A_29, %dma_start3A] : memref<2x10000x128xf32, #tpu.memory_space<hbm>> -> memref<1x632x128xf32, #tpu.memory_space<hbm>>
        %dma_start3A_31 = tpu.memref_squeeze %dma_start3A_30 : memref<1x632x128xf32, #tpu.memory_space<hbm>> -> memref<632x128xf32, #tpu.memory_space<hbm>>
        %dma_start3A_32 = arith.constant 0 : i32
        %dma_start3A_33 = tpu.memref_slice %arg8[%mul3A_27, %dma_start3A_32] : memref<10000x128xf32, #tpu.memory_space<vmem_shared>> -> memref<632x128xf32, #tpu.memory_space<vmem_shared>>
        tpu.enqueue_dma source(%dma_start3A_33 : memref<632x128xf32, #tpu.memory_space<vmem_shared>>) target(%dma_start3A_31 : memref<632x128xf32, #tpu.memory_space<hbm>>) target_semaphore(%run_scoped3A : memref<!tpu.dma_semaphore, #tpu.memory_space<semaphore_mem>>)
        %dma_wait3A = arith.constant 0 : i32
        %dma_wait3A_34 = tpu.memref_slice %arg7[%arg0, %mul3A_29, %dma_wait3A] : memref<2x10000x128xf32, #tpu.memory_space<hbm>> -> memref<1x632x128xf32, #tpu.memory_space<hbm>>
        %dma_wait3A_35 = tpu.memref_squeeze %dma_wait3A_34 : memref<1x632x128xf32, #tpu.memory_space<hbm>> -> memref<632x128xf32, #tpu.memory_space<hbm>>
        %dma_wait3A_36 = arith.constant 0 : i32
        %dma_wait3A_37 = tpu.memref_slice %arg8[%mul3A_27, %dma_wait3A_36] : memref<10000x128xf32, #tpu.memory_space<vmem_shared>> -> memref<632x128xf32, #tpu.memory_space<vmem_shared>>
        tpu.wait_dma2 semaphore(%run_scoped3A : memref<!tpu.dma_semaphore, #tpu.memory_space<semaphore_mem>>) src(%dma_wait3A_37 : memref<632x128xf32, #tpu.memory_space<vmem_shared>>) dst(%dma_wait3A_35 : memref<632x128xf32, #tpu.memory_space<hbm>>)
        tpu.yield
      }) : () -> ()
    } else {
    }
    %eq3A = arith.constant 15 : i32
    %eq3A_22 = arith.cmpi eq, %arg1, %eq3A : i32
    %convert_element_type3A_23 = arith.extui %eq3A_22 : i1 to i32
    %cond3A_24 = arith.constant 0 : i32
    %cond3A_25 = arith.cmpi ne, %convert_element_type3A_23, %cond3A_24 : i32
    scf.if %cond3A_25 {
      "tpu.region"() ({
        %run_scoped3A = tpu.sem_alloc : memref<!tpu.dma_semaphore, #tpu.memory_space<semaphore_mem>>
        %dma_start3A = arith.constant 9480 : i32
        %dma_start3A_26 = arith.constant 0 : i32
        %dma_start3A_27 = tpu.memref_slice %arg7[%arg0, %dma_start3A, %dma_start3A_26] : memref<2x10000x128xf32, #tpu.memory_space<hbm>> -> memref<1x520x128xf32, #tpu.memory_space<hbm>>
        %dma_start3A_28 = tpu.memref_squeeze %dma_start3A_27 : memref<1x520x128xf32, #tpu.memory_space<hbm>> -> memref<520x128xf32, #tpu.memory_space<hbm>>
        %dma_start3A_29 = arith.constant 9480 : i32
        %dma_start3A_30 = arith.constant 0 : i32
        %dma_start3A_31 = tpu.memref_slice %arg8[%dma_start3A_29, %dma_start3A_30] : memref<10000x128xf32, #tpu.memory_space<vmem_shared>> -> memref<520x128xf32, #tpu.memory_space<vmem_shared>>
        tpu.enqueue_dma source(%dma_start3A_31 : memref<520x128xf32, #tpu.memory_space<vmem_shared>>) target(%dma_start3A_28 : memref<520x128xf32, #tpu.memory_space<hbm>>) target_semaphore(%run_scoped3A : memref<!tpu.dma_semaphore, #tpu.memory_space<semaphore_mem>>)
        %dma_wait3A = arith.constant 9480 : i32
        %dma_wait3A_32 = arith.constant 0 : i32
        %dma_wait3A_33 = tpu.memref_slice %arg7[%arg0, %dma_wait3A, %dma_wait3A_32] : memref<2x10000x128xf32, #tpu.memory_space<hbm>> -> memref<1x520x128xf32, #tpu.memory_space<hbm>>
        %dma_wait3A_34 = tpu.memref_squeeze %dma_wait3A_33 : memref<1x520x128xf32, #tpu.memory_space<hbm>> -> memref<520x128xf32, #tpu.memory_space<hbm>>
        %dma_wait3A_35 = arith.constant 9480 : i32
        %dma_wait3A_36 = arith.constant 0 : i32
        %dma_wait3A_37 = tpu.memref_slice %arg8[%dma_wait3A_35, %dma_wait3A_36] : memref<10000x128xf32, #tpu.memory_space<vmem_shared>> -> memref<520x128xf32, #tpu.memory_space<vmem_shared>>
        tpu.wait_dma2 semaphore(%run_scoped3A : memref<!tpu.dma_semaphore, #tpu.memory_space<semaphore_mem>>) src(%dma_wait3A_37 : memref<520x128xf32, #tpu.memory_space<vmem_shared>>) dst(%dma_wait3A_34 : memref<520x128xf32, #tpu.memory_space<hbm>>)
        tpu.yield
      }) : () -> ()
    } else {
    }
    return
  }
}

#map = affine_map<(d0, d1) -> (0, 0)>
#map1 = affine_map<(d0, d1) -> (0)>
#map2 = affine_map<(d0, d1) -> (0, 0, 0)>
module attributes {stable_mosaic.version = 14 : i64} {
  func.func @agg(%arg0: i32, %arg1: i32, %arg2: memref<10000x128xf32, #tpu.memory_space<hbm>>, %arg3: memref<320000xi32, #tpu.memory_space<hbm>>, %arg4: memref<320000xi32, #tpu.memory_space<hbm>>, %arg5: memref<8x128xf32, #tpu.memory_space<hbm>>, %arg6: memref<80xi32, #tpu.memory_space<hbm>>, %arg7: memref<2x10000x128xf32, #tpu.memory_space<hbm>>, %arg8: memref<10000x128xf32, #tpu.memory_space<vmem_shared>>, %arg9: memref<8x128xf32, #tpu.memory_space<vmem>>, %arg10: memref<80xi32, #tpu.memory_space<vmem>>, %arg11: memref<80xi32, #tpu.memory_space<vmem>>, %arg12: memref<80xi32, #tpu.memory_space<vmem>>, %arg13: memref<80xi32, #tpu.memory_space<vmem>>, %arg14: memref<80xi32, #tpu.memory_space<vmem>>, %arg15: memref<80xi32, #tpu.memory_space<vmem>>, %arg16: memref<80x128xf32, #tpu.memory_space<vmem>>, %arg17: memref<80x128xf32, #tpu.memory_space<vmem>>, %arg18: memref<!tpu.dma_semaphore, #tpu.memory_space<semaphore_mem>>, %arg19: memref<!tpu.dma_semaphore, #tpu.memory_space<semaphore_mem>>, %arg20: memref<!tpu.dma_semaphore, #tpu.memory_space<semaphore_mem>>, %arg21: memref<!tpu.dma_semaphore, #tpu.memory_space<semaphore_mem>>) attributes {dimension_semantics = [#tpu.dimension_semantics<core_parallel>, #tpu.dimension_semantics<subcore_parallel>], iteration_bounds = array<i64: 2, 16>, scalar_prefetch = 0 : i64, scratch_operands = 14 : i64, tpu.core_type = #tpu.core_type<sc_vector_subcore>, window_params = [{transform_indices = #map}, {transform_indices = #map1}, {transform_indices = #map1}, {transform_indices = #map}, {transform_indices = #map1}, {transform_indices = #map2}]} {
    "tpu.region"() ({
      %run_scoped3A = tpu.sem_alloc : memref<!tpu.dma_semaphore, #tpu.memory_space<semaphore_mem>>
      tpu.enqueue_dma source(%arg6 : memref<80xi32, #tpu.memory_space<hbm>>) target(%arg14 : memref<80xi32, #tpu.memory_space<vmem>>) target_semaphore(%run_scoped3A : memref<!tpu.dma_semaphore, #tpu.memory_space<semaphore_mem>>)
      tpu.wait_dma2 semaphore(%run_scoped3A : memref<!tpu.dma_semaphore, #tpu.memory_space<semaphore_mem>>) src(%arg6 : memref<80xi32, #tpu.memory_space<hbm>>) dst(%arg14 : memref<80xi32, #tpu.memory_space<vmem>>)
      tpu.yield
    }) : () -> ()
    "tpu.region"() ({
      %run_scoped3A = tpu.sem_alloc : memref<!tpu.dma_semaphore, #tpu.memory_space<semaphore_mem>>
      tpu.enqueue_dma source(%arg5 : memref<8x128xf32, #tpu.memory_space<hbm>>) target(%arg9 : memref<8x128xf32, #tpu.memory_space<vmem>>) target_semaphore(%run_scoped3A : memref<!tpu.dma_semaphore, #tpu.memory_space<semaphore_mem>>)
      tpu.wait_dma2 semaphore(%run_scoped3A : memref<!tpu.dma_semaphore, #tpu.memory_space<semaphore_mem>>) src(%arg5 : memref<8x128xf32, #tpu.memory_space<hbm>>) dst(%arg9 : memref<8x128xf32, #tpu.memory_space<vmem>>)
      tpu.yield
    }) : () -> ()
    %mul3A = arith.constant 632 : i32
    %mul3A_0 = arith.muli %arg1, %mul3A : i32
    %min3A = arith.constant 9368 : i32
    %min3A_1 = arith.minsi %mul3A_0, %min3A : i32
    %scan3A = arith.constant 0 : i32
    %scan3A_2 = arith.constant 0 : i32
    %scan3A_3 = arith.constant 79 : i32
    %scan3A_4 = arith.addi %scan3A_2, %scan3A_3 : i32
    %scan3A_5 = arith.constant 1 : i32
    scf.for %scan3A_26 = %scan3A_2 to %scan3A_4 step %scan3A_5  : i32 {
      %mul3A_27 = arith.constant 8 : i32
      %mul3A_28 = arith.muli %scan3A_26, %mul3A_27 : i32
      %add3A_29 = arith.addi %min3A_1, %mul3A_28 : i32
      "tpu.region"() ({
        %run_scoped3A = tpu.sem_alloc : memref<!tpu.dma_semaphore, #tpu.memory_space<semaphore_mem>>
        %dma_start3A = arith.constant 0 : i32
        %dma_start3A_30 = tpu.memref_slice %arg8[%add3A_29, %dma_start3A] : memref<10000x128xf32, #tpu.memory_space<vmem_shared>> -> memref<8x128xf32, #tpu.memory_space<vmem_shared>>
        %dma_start3A_31 = arith.constant 0 : i32
        %dma_start3A_32 = tpu.memref_slice %arg8[%add3A_29, %dma_start3A_31] : memref<10000x128xf32, #tpu.memory_space<vmem_shared>> -> memref<8x128xf32, #tpu.memory_space<vmem_shared>>
        tpu.enqueue_dma source(%arg9 : memref<8x128xf32, #tpu.memory_space<vmem>>) target(%dma_start3A_32 : memref<8x128xf32, #tpu.memory_space<vmem_shared>>) target_semaphore(%run_scoped3A : memref<!tpu.dma_semaphore, #tpu.memory_space<semaphore_mem>>)
        %dma_wait3A = arith.constant 0 : i32
        %dma_wait3A_33 = tpu.memref_slice %arg8[%add3A_29, %dma_wait3A] : memref<10000x128xf32, #tpu.memory_space<vmem_shared>> -> memref<8x128xf32, #tpu.memory_space<vmem_shared>>
        %dma_wait3A_34 = arith.constant 0 : i32
        %dma_wait3A_35 = tpu.memref_slice %arg8[%add3A_29, %dma_wait3A_34] : memref<10000x128xf32, #tpu.memory_space<vmem_shared>> -> memref<8x128xf32, #tpu.memory_space<vmem_shared>>
        tpu.wait_dma2 semaphore(%run_scoped3A : memref<!tpu.dma_semaphore, #tpu.memory_space<semaphore_mem>>) src(%arg9 : memref<8x128xf32, #tpu.memory_space<vmem>>) dst(%dma_wait3A_35 : memref<8x128xf32, #tpu.memory_space<vmem_shared>>)
        tpu.yield
      }) : () -> ()
    }
    %scan3A_6 = arith.constant 79 : i32
    %barrier3A = arith.constant 0 : index
    tpu.barrier barrier_id(%barrier3A)
    %barrier3A_7 = arith.constant 0 : index
    tpu.barrier barrier_id(%barrier3A_7)
    %mul3A_8 = arith.constant 2 : i32
    %mul3A_9 = arith.muli %arg1, %mul3A_8 : i32
    %add3A = arith.addi %mul3A_9, %arg0 : i32
    %mul3A_10 = arith.constant 10000 : i32
    %mul3A_11 = arith.muli %add3A, %mul3A_10 : i32
    %scan3A_12 = arith.constant 0 : i32
    %scan3A_13 = arith.constant 0 : i32
    %scan3A_14 = arith.constant 125 : i32
    %scan3A_15 = arith.addi %scan3A_13, %scan3A_14 : i32
    %scan3A_16 = arith.constant 1 : i32
    scf.for %scan3A_26 = %scan3A_13 to %scan3A_15 step %scan3A_16  : i32 {
      %mul3A_27 = arith.constant 80 : i32
      %mul3A_28 = arith.muli %scan3A_26, %mul3A_27 : i32
      %add3A_29 = arith.addi %mul3A_11, %mul3A_28 : i32
      "tpu.region"() ({
        %run_scoped3A = tpu.sem_alloc : memref<!tpu.dma_semaphore, #tpu.memory_space<semaphore_mem>>
        %dma_start3A_34 = tpu.memref_slice %arg3[%add3A_29] : memref<320000xi32, #tpu.memory_space<hbm>> -> memref<80xi32, #tpu.memory_space<hbm>>
        %dma_start3A_35 = tpu.memref_slice %arg3[%add3A_29] : memref<320000xi32, #tpu.memory_space<hbm>> -> memref<80xi32, #tpu.memory_space<hbm>>
        tpu.enqueue_dma source(%dma_start3A_35 : memref<80xi32, #tpu.memory_space<hbm>>) target(%arg10 : memref<80xi32, #tpu.memory_space<vmem>>) target_semaphore(%run_scoped3A : memref<!tpu.dma_semaphore, #tpu.memory_space<semaphore_mem>>)
        %dma_wait3A_36 = tpu.memref_slice %arg3[%add3A_29] : memref<320000xi32, #tpu.memory_space<hbm>> -> memref<80xi32, #tpu.memory_space<hbm>>
        %dma_wait3A_37 = tpu.memref_slice %arg3[%add3A_29] : memref<320000xi32, #tpu.memory_space<hbm>> -> memref<80xi32, #tpu.memory_space<hbm>>
        tpu.wait_dma2 semaphore(%run_scoped3A : memref<!tpu.dma_semaphore, #tpu.memory_space<semaphore_mem>>) src(%dma_wait3A_37 : memref<80xi32, #tpu.memory_space<hbm>>) dst(%arg10 : memref<80xi32, #tpu.memory_space<vmem>>)
        tpu.yield
      }) : () -> ()
      "tpu.region"() ({
        %run_scoped3A = tpu.sem_alloc : memref<!tpu.dma_semaphore, #tpu.memory_space<semaphore_mem>>
        %dma_start3A_34 = tpu.memref_slice %arg4[%add3A_29] : memref<320000xi32, #tpu.memory_space<hbm>> -> memref<80xi32, #tpu.memory_space<hbm>>
        %dma_start3A_35 = tpu.memref_slice %arg4[%add3A_29] : memref<320000xi32, #tpu.memory_space<hbm>> -> memref<80xi32, #tpu.memory_space<hbm>>
        tpu.enqueue_dma source(%dma_start3A_35 : memref<80xi32, #tpu.memory_space<hbm>>) target(%arg12 : memref<80xi32, #tpu.memory_space<vmem>>) target_semaphore(%run_scoped3A : memref<!tpu.dma_semaphore, #tpu.memory_space<semaphore_mem>>)
        %dma_wait3A_36 = tpu.memref_slice %arg4[%add3A_29] : memref<320000xi32, #tpu.memory_space<hbm>> -> memref<80xi32, #tpu.memory_space<hbm>>
        %dma_wait3A_37 = tpu.memref_slice %arg4[%add3A_29] : memref<320000xi32, #tpu.memory_space<hbm>> -> memref<80xi32, #tpu.memory_space<hbm>>
        tpu.wait_dma2 semaphore(%run_scoped3A : memref<!tpu.dma_semaphore, #tpu.memory_space<semaphore_mem>>) src(%dma_wait3A_37 : memref<80xi32, #tpu.memory_space<hbm>>) dst(%arg12 : memref<80xi32, #tpu.memory_space<vmem>>)
        tpu.yield
      }) : () -> ()
      %dma_start3A = arith.constant 0 : i32
      %dma_start3A_30 = arith.constant 0 : i32
      %dma_start3A_31 = tpu.memref_slice %arg2[%dma_start3A, %dma_start3A_30] : memref<10000x128xf32, #tpu.memory_space<hbm>> -> memref<10000x128xf32, #tpu.memory_space<hbm>>
      tpu.enqueue_indirect_dma source(%dma_start3A_31 : memref<10000x128xf32, #tpu.memory_space<hbm>>) target(%arg16 : memref<80x128xf32, #tpu.memory_space<vmem>>) offsets(%arg10 : memref<80xi32, #tpu.memory_space<vmem>>) semaphore(%arg18 : memref<!tpu.dma_semaphore, #tpu.memory_space<semaphore_mem>>)
      %dma_wait3A = arith.constant 0 : i32
      %dma_wait3A_32 = arith.constant 0 : i32
      %dma_wait3A_33 = tpu.memref_slice %arg2[%dma_wait3A, %dma_wait3A_32] : memref<10000x128xf32, #tpu.memory_space<hbm>> -> memref<10000x128xf32, #tpu.memory_space<hbm>>
      tpu.wait_indirect_dma semaphore(%arg18 : memref<!tpu.dma_semaphore, #tpu.memory_space<semaphore_mem>>) src(%dma_wait3A_33 : memref<10000x128xf32, #tpu.memory_space<hbm>>) dst(%arg16 : memref<80x128xf32, #tpu.memory_space<vmem>>)
      "tpu.region"() ({
        %run_scoped3A = tpu.sem_alloc : memref<!tpu.dma_semaphore, #tpu.memory_space<semaphore_mem>>
        %dma_start3A_34 = arith.constant 0 : i32
        %dma_start3A_35 = arith.constant 0 : i32
        %dma_start3A_36 = tpu.memref_slice %arg8[%dma_start3A_34, %dma_start3A_35] : memref<10000x128xf32, #tpu.memory_space<vmem_shared>> -> memref<10000x128xf32, #tpu.memory_space<vmem_shared>>
        tpu.enqueue_indirect_dma source(%arg16 : memref<80x128xf32, #tpu.memory_space<vmem>>) target(%dma_start3A_36 : memref<10000x128xf32, #tpu.memory_space<vmem_shared>>) offsets(%arg12 : memref<80xi32, #tpu.memory_space<vmem>>) semaphore(%run_scoped3A : memref<!tpu.dma_semaphore, #tpu.memory_space<semaphore_mem>>) {add = true}
        %dma_wait3A_37 = arith.constant 0 : i32
        %dma_wait3A_38 = arith.constant 0 : i32
        %dma_wait3A_39 = tpu.memref_slice %arg8[%dma_wait3A_37, %dma_wait3A_38] : memref<10000x128xf32, #tpu.memory_space<vmem_shared>> -> memref<10000x128xf32, #tpu.memory_space<vmem_shared>>
        tpu.wait_indirect_dma semaphore(%run_scoped3A : memref<!tpu.dma_semaphore, #tpu.memory_space<semaphore_mem>>) src(%arg16 : memref<80x128xf32, #tpu.memory_space<vmem>>) dst(%dma_wait3A_39 : memref<10000x128xf32, #tpu.memory_space<vmem_shared>>)
        tpu.yield
      }) : () -> ()
    }
    %scan3A_17 = arith.constant 125 : i32
    %barrier3A_18 = arith.constant 0 : index
    tpu.barrier barrier_id(%barrier3A_18)
    %barrier3A_19 = arith.constant 0 : index
    tpu.barrier barrier_id(%barrier3A_19)
    %lt3A = arith.constant 15 : i32
    %lt3A_20 = arith.cmpi slt, %arg1, %lt3A : i32
    %convert_element_type3A = arith.extui %lt3A_20 : i1 to i32
    %cond3A = arith.constant 0 : i32
    %cond3A_21 = arith.cmpi ne, %convert_element_type3A, %cond3A : i32
    scf.if %cond3A_21 {
      %mul3A_26 = arith.constant 632 : i32
      %mul3A_27 = arith.muli %arg1, %mul3A_26 : i32
      %mul3A_28 = arith.constant 632 : i32
      %mul3A_29 = arith.muli %arg1, %mul3A_28 : i32
      "tpu.region"() ({
        %run_scoped3A = tpu.sem_alloc : memref<!tpu.dma_semaphore, #tpu.memory_space<semaphore_mem>>
        %dma_start3A = arith.constant 0 : i32
        %dma_start3A_30 = tpu.memref_slice %arg7[%arg0, %mul3A_29, %dma_start3A] : memref<2x10000x128xf32, #tpu.memory_space<hbm>> -> memref<1x632x128xf32, #tpu.memory_space<hbm>>
        %dma_start3A_31 = tpu.memref_squeeze %dma_start3A_30 : memref<1x632x128xf32, #tpu.memory_space<hbm>> -> memref<632x128xf32, #tpu.memory_space<hbm>>
        %dma_start3A_32 = arith.constant 0 : i32
        %dma_start3A_33 = tpu.memref_slice %arg8[%mul3A_27, %dma_start3A_32] : memref<10000x128xf32, #tpu.memory_space<vmem_shared>> -> memref<632x128xf32, #tpu.memory_space<vmem_shared>>
        tpu.enqueue_dma source(%dma_start3A_33 : memref<632x128xf32, #tpu.memory_space<vmem_shared>>) target(%dma_start3A_31 : memref<632x128xf32, #tpu.memory_space<hbm>>) target_semaphore(%run_scoped3A : memref<!tpu.dma_semaphore, #tpu.memory_space<semaphore_mem>>)
        %dma_wait3A = arith.constant 0 : i32
        %dma_wait3A_34 = tpu.memref_slice %arg7[%arg0, %mul3A_29, %dma_wait3A] : memref<2x10000x128xf32, #tpu.memory_space<hbm>> -> memref<1x632x128xf32, #tpu.memory_space<hbm>>
        %dma_wait3A_35 = tpu.memref_squeeze %dma_wait3A_34 : memref<1x632x128xf32, #tpu.memory_space<hbm>> -> memref<632x128xf32, #tpu.memory_space<hbm>>
        %dma_wait3A_36 = arith.constant 0 : i32
        %dma_wait3A_37 = tpu.memref_slice %arg8[%mul3A_27, %dma_wait3A_36] : memref<10000x128xf32, #tpu.memory_space<vmem_shared>> -> memref<632x128xf32, #tpu.memory_space<vmem_shared>>
        tpu.wait_dma2 semaphore(%run_scoped3A : memref<!tpu.dma_semaphore, #tpu.memory_space<semaphore_mem>>) src(%dma_wait3A_37 : memref<632x128xf32, #tpu.memory_space<vmem_shared>>) dst(%dma_wait3A_35 : memref<632x128xf32, #tpu.memory_space<hbm>>)
        tpu.yield
      }) : () -> ()
    } else {
    }
    %eq3A = arith.constant 15 : i32
    %eq3A_22 = arith.cmpi eq, %arg1, %eq3A : i32
    %convert_element_type3A_23 = arith.extui %eq3A_22 : i1 to i32
    %cond3A_24 = arith.constant 0 : i32
    %cond3A_25 = arith.cmpi ne, %convert_element_type3A_23, %cond3A_24 : i32
    scf.if %cond3A_25 {
      "tpu.region"() ({
        %run_scoped3A = tpu.sem_alloc : memref<!tpu.dma_semaphore, #tpu.memory_space<semaphore_mem>>
        %dma_start3A = arith.constant 9480 : i32
        %dma_start3A_26 = arith.constant 0 : i32
        %dma_start3A_27 = tpu.memref_slice %arg7[%arg0, %dma_start3A, %dma_start3A_26] : memref<2x10000x128xf32, #tpu.memory_space<hbm>> -> memref<1x520x128xf32, #tpu.memory_space<hbm>>
        %dma_start3A_28 = tpu.memref_squeeze %dma_start3A_27 : memref<1x520x128xf32, #tpu.memory_space<hbm>> -> memref<520x128xf32, #tpu.memory_space<hbm>>
        %dma_start3A_29 = arith.constant 9480 : i32
        %dma_start3A_30 = arith.constant 0 : i32
        %dma_start3A_31 = tpu.memref_slice %arg8[%dma_start3A_29, %dma_start3A_30] : memref<10000x128xf32, #tpu.memory_space<vmem_shared>> -> memref<520x128xf32, #tpu.memory_space<vmem_shared>>
        tpu.enqueue_dma source(%dma_start3A_31 : memref<520x128xf32, #tpu.memory_space<vmem_shared>>) target(%dma_start3A_28 : memref<520x128xf32, #tpu.memory_space<hbm>>) target_semaphore(%run_scoped3A : memref<!tpu.dma_semaphore, #tpu.memory_space<semaphore_mem>>)
        %dma_wait3A = arith.constant 9480 : i32
        %dma_wait3A_32 = arith.constant 0 : i32
        %dma_wait3A_33 = tpu.memref_slice %arg7[%arg0, %dma_wait3A, %dma_wait3A_32] : memref<2x10000x128xf32, #tpu.memory_space<hbm>> -> memref<1x520x128xf32, #tpu.memory_space<hbm>>
        %dma_wait3A_34 = tpu.memref_squeeze %dma_wait3A_33 : memref<1x520x128xf32, #tpu.memory_space<hbm>> -> memref<520x128xf32, #tpu.memory_space<hbm>>
        %dma_wait3A_35 = arith.constant 9480 : i32
        %dma_wait3A_36 = arith.constant 0 : i32
        %dma_wait3A_37 = tpu.memref_slice %arg8[%dma_wait3A_35, %dma_wait3A_36] : memref<10000x128xf32, #tpu.memory_space<vmem_shared>> -> memref<520x128xf32, #tpu.memory_space<vmem_shared>>
        tpu.wait_dma2 semaphore(%run_scoped3A : memref<!tpu.dma_semaphore, #tpu.memory_space<semaphore_mem>>) src(%dma_wait3A_37 : memref<520x128xf32, #tpu.memory_space<vmem_shared>>) dst(%dma_wait3A_34 : memref<520x128xf32, #tpu.memory_space<hbm>>)
        tpu.yield
      }) : () -> ()
    } else {
    }
    return
  }
}

#map = affine_map<(d0, d1) -> (0, 0)>
#map1 = affine_map<(d0, d1) -> (0)>
#map2 = affine_map<(d0, d1) -> (0, 0, 0)>
module attributes {stable_mosaic.version = 14 : i64} {
  func.func @agg(%arg0: i32, %arg1: i32, %arg2: memref<20000x128xf32, #tpu.memory_space<hbm>>, %arg3: memref<640000xi32, #tpu.memory_space<hbm>>, %arg4: memref<320000xi32, #tpu.memory_space<hbm>>, %arg5: memref<8x128xf32, #tpu.memory_space<hbm>>, %arg6: memref<80xi32, #tpu.memory_space<hbm>>, %arg7: memref<2x10000x128xf32, #tpu.memory_space<hbm>>, %arg8: memref<10000x128xf32, #tpu.memory_space<vmem_shared>>, %arg9: memref<8x128xf32, #tpu.memory_space<vmem>>, %arg10: memref<80xi32, #tpu.memory_space<vmem>>, %arg11: memref<80xi32, #tpu.memory_space<vmem>>, %arg12: memref<80xi32, #tpu.memory_space<vmem>>, %arg13: memref<80xi32, #tpu.memory_space<vmem>>, %arg14: memref<80xi32, #tpu.memory_space<vmem>>, %arg15: memref<80xi32, #tpu.memory_space<vmem>>, %arg16: memref<80x128xf32, #tpu.memory_space<vmem>>, %arg17: memref<80x128xf32, #tpu.memory_space<vmem>>, %arg18: memref<!tpu.dma_semaphore, #tpu.memory_space<semaphore_mem>>, %arg19: memref<!tpu.dma_semaphore, #tpu.memory_space<semaphore_mem>>, %arg20: memref<!tpu.dma_semaphore, #tpu.memory_space<semaphore_mem>>, %arg21: memref<!tpu.dma_semaphore, #tpu.memory_space<semaphore_mem>>) attributes {dimension_semantics = [#tpu.dimension_semantics<core_parallel>, #tpu.dimension_semantics<subcore_parallel>], iteration_bounds = array<i64: 2, 16>, scalar_prefetch = 0 : i64, scratch_operands = 14 : i64, tpu.core_type = #tpu.core_type<sc_vector_subcore>, window_params = [{transform_indices = #map}, {transform_indices = #map1}, {transform_indices = #map1}, {transform_indices = #map}, {transform_indices = #map1}, {transform_indices = #map2}]} {
    "tpu.region"() ({
      %run_scoped3A = tpu.sem_alloc : memref<!tpu.dma_semaphore, #tpu.memory_space<semaphore_mem>>
      tpu.enqueue_dma source(%arg6 : memref<80xi32, #tpu.memory_space<hbm>>) target(%arg14 : memref<80xi32, #tpu.memory_space<vmem>>) target_semaphore(%run_scoped3A : memref<!tpu.dma_semaphore, #tpu.memory_space<semaphore_mem>>)
      tpu.wait_dma2 semaphore(%run_scoped3A : memref<!tpu.dma_semaphore, #tpu.memory_space<semaphore_mem>>) src(%arg6 : memref<80xi32, #tpu.memory_space<hbm>>) dst(%arg14 : memref<80xi32, #tpu.memory_space<vmem>>)
      tpu.yield
    }) : () -> ()
    "tpu.region"() ({
      %run_scoped3A = tpu.sem_alloc : memref<!tpu.dma_semaphore, #tpu.memory_space<semaphore_mem>>
      tpu.enqueue_dma source(%arg5 : memref<8x128xf32, #tpu.memory_space<hbm>>) target(%arg9 : memref<8x128xf32, #tpu.memory_space<vmem>>) target_semaphore(%run_scoped3A : memref<!tpu.dma_semaphore, #tpu.memory_space<semaphore_mem>>)
      tpu.wait_dma2 semaphore(%run_scoped3A : memref<!tpu.dma_semaphore, #tpu.memory_space<semaphore_mem>>) src(%arg5 : memref<8x128xf32, #tpu.memory_space<hbm>>) dst(%arg9 : memref<8x128xf32, #tpu.memory_space<vmem>>)
      tpu.yield
    }) : () -> ()
    %mul3A = arith.constant 632 : i32
    %mul3A_0 = arith.muli %arg1, %mul3A : i32
    %min3A = arith.constant 9368 : i32
    %min3A_1 = arith.minsi %mul3A_0, %min3A : i32
    %scan3A = arith.constant 0 : i32
    %scan3A_2 = arith.constant 0 : i32
    %scan3A_3 = arith.constant 79 : i32
    %scan3A_4 = arith.addi %scan3A_2, %scan3A_3 : i32
    %scan3A_5 = arith.constant 1 : i32
    scf.for %scan3A_24 = %scan3A_2 to %scan3A_4 step %scan3A_5  : i32 {
      %mul3A_25 = arith.constant 8 : i32
      %mul3A_26 = arith.muli %scan3A_24, %mul3A_25 : i32
      %add3A = arith.addi %min3A_1, %mul3A_26 : i32
      "tpu.region"() ({
        %run_scoped3A = tpu.sem_alloc : memref<!tpu.dma_semaphore, #tpu.memory_space<semaphore_mem>>
        %dma_start3A = arith.constant 0 : i32
        %dma_start3A_27 = tpu.memref_slice %arg8[%add3A, %dma_start3A] : memref<10000x128xf32, #tpu.memory_space<vmem_shared>> -> memref<8x128xf32, #tpu.memory_space<vmem_shared>>
        %dma_start3A_28 = arith.constant 0 : i32
        %dma_start3A_29 = tpu.memref_slice %arg8[%add3A, %dma_start3A_28] : memref<10000x128xf32, #tpu.memory_space<vmem_shared>> -> memref<8x128xf32, #tpu.memory_space<vmem_shared>>
        tpu.enqueue_dma source(%arg9 : memref<8x128xf32, #tpu.memory_space<vmem>>) target(%dma_start3A_29 : memref<8x128xf32, #tpu.memory_space<vmem_shared>>) target_semaphore(%run_scoped3A : memref<!tpu.dma_semaphore, #tpu.memory_space<semaphore_mem>>)
        %dma_wait3A = arith.constant 0 : i32
        %dma_wait3A_30 = tpu.memref_slice %arg8[%add3A, %dma_wait3A] : memref<10000x128xf32, #tpu.memory_space<vmem_shared>> -> memref<8x128xf32, #tpu.memory_space<vmem_shared>>
        %dma_wait3A_31 = arith.constant 0 : i32
        %dma_wait3A_32 = tpu.memref_slice %arg8[%add3A, %dma_wait3A_31] : memref<10000x128xf32, #tpu.memory_space<vmem_shared>> -> memref<8x128xf32, #tpu.memory_space<vmem_shared>>
        tpu.wait_dma2 semaphore(%run_scoped3A : memref<!tpu.dma_semaphore, #tpu.memory_space<semaphore_mem>>) src(%arg9 : memref<8x128xf32, #tpu.memory_space<vmem>>) dst(%dma_wait3A_32 : memref<8x128xf32, #tpu.memory_space<vmem_shared>>)
        tpu.yield
      }) : () -> ()
    }
    %scan3A_6 = arith.constant 79 : i32
    %barrier3A = arith.constant 0 : index
    tpu.barrier barrier_id(%barrier3A)
    %barrier3A_7 = arith.constant 0 : index
    tpu.barrier barrier_id(%barrier3A_7)
    %mul3A_8 = arith.constant 20000 : i32
    %mul3A_9 = arith.muli %arg1, %mul3A_8 : i32
    %scan3A_10 = arith.constant 0 : i32
    %scan3A_11 = arith.constant 0 : i32
    %scan3A_12 = arith.constant 250 : i32
    %scan3A_13 = arith.addi %scan3A_11, %scan3A_12 : i32
    %scan3A_14 = arith.constant 1 : i32
    scf.for %scan3A_24 = %scan3A_11 to %scan3A_13 step %scan3A_14  : i32 {
      %mul3A_25 = arith.constant 80 : i32
      %mul3A_26 = arith.muli %scan3A_24, %mul3A_25 : i32
      %add3A = arith.addi %mul3A_9, %mul3A_26 : i32
      %mul3A_27 = arith.constant 320000 : i32
      %mul3A_28 = arith.muli %arg0, %mul3A_27 : i32
      %add3A_29 = arith.addi %mul3A_28, %add3A : i32
      "tpu.region"() ({
        %run_scoped3A = tpu.sem_alloc : memref<!tpu.dma_semaphore, #tpu.memory_space<semaphore_mem>>
        %dma_start3A_34 = tpu.memref_slice %arg3[%add3A_29] : memref<640000xi32, #tpu.memory_space<hbm>> -> memref<80xi32, #tpu.memory_space<hbm>>
        %dma_start3A_35 = tpu.memref_slice %arg3[%add3A_29] : memref<640000xi32, #tpu.memory_space<hbm>> -> memref<80xi32, #tpu.memory_space<hbm>>
        tpu.enqueue_dma source(%dma_start3A_35 : memref<80xi32, #tpu.memory_space<hbm>>) target(%arg10 : memref<80xi32, #tpu.memory_space<vmem>>) target_semaphore(%run_scoped3A : memref<!tpu.dma_semaphore, #tpu.memory_space<semaphore_mem>>)
        %dma_wait3A_36 = tpu.memref_slice %arg3[%add3A_29] : memref<640000xi32, #tpu.memory_space<hbm>> -> memref<80xi32, #tpu.memory_space<hbm>>
        %dma_wait3A_37 = tpu.memref_slice %arg3[%add3A_29] : memref<640000xi32, #tpu.memory_space<hbm>> -> memref<80xi32, #tpu.memory_space<hbm>>
        tpu.wait_dma2 semaphore(%run_scoped3A : memref<!tpu.dma_semaphore, #tpu.memory_space<semaphore_mem>>) src(%dma_wait3A_37 : memref<80xi32, #tpu.memory_space<hbm>>) dst(%arg10 : memref<80xi32, #tpu.memory_space<vmem>>)
        tpu.yield
      }) : () -> ()
      "tpu.region"() ({
        %run_scoped3A = tpu.sem_alloc : memref<!tpu.dma_semaphore, #tpu.memory_space<semaphore_mem>>
        %dma_start3A_34 = tpu.memref_slice %arg4[%add3A] : memref<320000xi32, #tpu.memory_space<hbm>> -> memref<80xi32, #tpu.memory_space<hbm>>
        %dma_start3A_35 = tpu.memref_slice %arg4[%add3A] : memref<320000xi32, #tpu.memory_space<hbm>> -> memref<80xi32, #tpu.memory_space<hbm>>
        tpu.enqueue_dma source(%dma_start3A_35 : memref<80xi32, #tpu.memory_space<hbm>>) target(%arg12 : memref<80xi32, #tpu.memory_space<vmem>>) target_semaphore(%run_scoped3A : memref<!tpu.dma_semaphore, #tpu.memory_space<semaphore_mem>>)
        %dma_wait3A_36 = tpu.memref_slice %arg4[%add3A] : memref<320000xi32, #tpu.memory_space<hbm>> -> memref<80xi32, #tpu.memory_space<hbm>>
        %dma_wait3A_37 = tpu.memref_slice %arg4[%add3A] : memref<320000xi32, #tpu.memory_space<hbm>> -> memref<80xi32, #tpu.memory_space<hbm>>
        tpu.wait_dma2 semaphore(%run_scoped3A : memref<!tpu.dma_semaphore, #tpu.memory_space<semaphore_mem>>) src(%dma_wait3A_37 : memref<80xi32, #tpu.memory_space<hbm>>) dst(%arg12 : memref<80xi32, #tpu.memory_space<vmem>>)
        tpu.yield
      }) : () -> ()
      %dma_start3A = arith.constant 0 : i32
      %dma_start3A_30 = arith.constant 0 : i32
      %dma_start3A_31 = tpu.memref_slice %arg2[%dma_start3A, %dma_start3A_30] : memref<20000x128xf32, #tpu.memory_space<hbm>> -> memref<20000x128xf32, #tpu.memory_space<hbm>>
      tpu.enqueue_indirect_dma source(%dma_start3A_31 : memref<20000x128xf32, #tpu.memory_space<hbm>>) target(%arg16 : memref<80x128xf32, #tpu.memory_space<vmem>>) offsets(%arg10 : memref<80xi32, #tpu.memory_space<vmem>>) semaphore(%arg18 : memref<!tpu.dma_semaphore, #tpu.memory_space<semaphore_mem>>)
      %dma_wait3A = arith.constant 0 : i32
      %dma_wait3A_32 = arith.constant 0 : i32
      %dma_wait3A_33 = tpu.memref_slice %arg2[%dma_wait3A, %dma_wait3A_32] : memref<20000x128xf32, #tpu.memory_space<hbm>> -> memref<20000x128xf32, #tpu.memory_space<hbm>>
      tpu.wait_indirect_dma semaphore(%arg18 : memref<!tpu.dma_semaphore, #tpu.memory_space<semaphore_mem>>) src(%dma_wait3A_33 : memref<20000x128xf32, #tpu.memory_space<hbm>>) dst(%arg16 : memref<80x128xf32, #tpu.memory_space<vmem>>)
      "tpu.region"() ({
        %run_scoped3A = tpu.sem_alloc : memref<!tpu.dma_semaphore, #tpu.memory_space<semaphore_mem>>
        %dma_start3A_34 = arith.constant 0 : i32
        %dma_start3A_35 = arith.constant 0 : i32
        %dma_start3A_36 = tpu.memref_slice %arg8[%dma_start3A_34, %dma_start3A_35] : memref<10000x128xf32, #tpu.memory_space<vmem_shared>> -> memref<10000x128xf32, #tpu.memory_space<vmem_shared>>
        tpu.enqueue_indirect_dma source(%arg16 : memref<80x128xf32, #tpu.memory_space<vmem>>) target(%dma_start3A_36 : memref<10000x128xf32, #tpu.memory_space<vmem_shared>>) offsets(%arg12 : memref<80xi32, #tpu.memory_space<vmem>>) semaphore(%run_scoped3A : memref<!tpu.dma_semaphore, #tpu.memory_space<semaphore_mem>>) {add = true}
        %dma_wait3A_37 = arith.constant 0 : i32
        %dma_wait3A_38 = arith.constant 0 : i32
        %dma_wait3A_39 = tpu.memref_slice %arg8[%dma_wait3A_37, %dma_wait3A_38] : memref<10000x128xf32, #tpu.memory_space<vmem_shared>> -> memref<10000x128xf32, #tpu.memory_space<vmem_shared>>
        tpu.wait_indirect_dma semaphore(%run_scoped3A : memref<!tpu.dma_semaphore, #tpu.memory_space<semaphore_mem>>) src(%arg16 : memref<80x128xf32, #tpu.memory_space<vmem>>) dst(%dma_wait3A_39 : memref<10000x128xf32, #tpu.memory_space<vmem_shared>>)
        tpu.yield
      }) : () -> ()
    }
    %scan3A_15 = arith.constant 250 : i32
    %barrier3A_16 = arith.constant 0 : index
    tpu.barrier barrier_id(%barrier3A_16)
    %barrier3A_17 = arith.constant 0 : index
    tpu.barrier barrier_id(%barrier3A_17)
    %lt3A = arith.constant 15 : i32
    %lt3A_18 = arith.cmpi slt, %arg1, %lt3A : i32
    %convert_element_type3A = arith.extui %lt3A_18 : i1 to i32
    %cond3A = arith.constant 0 : i32
    %cond3A_19 = arith.cmpi ne, %convert_element_type3A, %cond3A : i32
    scf.if %cond3A_19 {
      %mul3A_24 = arith.constant 632 : i32
      %mul3A_25 = arith.muli %arg1, %mul3A_24 : i32
      %mul3A_26 = arith.constant 632 : i32
      %mul3A_27 = arith.muli %arg1, %mul3A_26 : i32
      "tpu.region"() ({
        %run_scoped3A = tpu.sem_alloc : memref<!tpu.dma_semaphore, #tpu.memory_space<semaphore_mem>>
        %dma_start3A = arith.constant 0 : i32
        %dma_start3A_28 = tpu.memref_slice %arg7[%arg0, %mul3A_27, %dma_start3A] : memref<2x10000x128xf32, #tpu.memory_space<hbm>> -> memref<1x632x128xf32, #tpu.memory_space<hbm>>
        %dma_start3A_29 = tpu.memref_squeeze %dma_start3A_28 : memref<1x632x128xf32, #tpu.memory_space<hbm>> -> memref<632x128xf32, #tpu.memory_space<hbm>>
        %dma_start3A_30 = arith.constant 0 : i32
        %dma_start3A_31 = tpu.memref_slice %arg8[%mul3A_25, %dma_start3A_30] : memref<10000x128xf32, #tpu.memory_space<vmem_shared>> -> memref<632x128xf32, #tpu.memory_space<vmem_shared>>
        tpu.enqueue_dma source(%dma_start3A_31 : memref<632x128xf32, #tpu.memory_space<vmem_shared>>) target(%dma_start3A_29 : memref<632x128xf32, #tpu.memory_space<hbm>>) target_semaphore(%run_scoped3A : memref<!tpu.dma_semaphore, #tpu.memory_space<semaphore_mem>>)
        %dma_wait3A = arith.constant 0 : i32
        %dma_wait3A_32 = tpu.memref_slice %arg7[%arg0, %mul3A_27, %dma_wait3A] : memref<2x10000x128xf32, #tpu.memory_space<hbm>> -> memref<1x632x128xf32, #tpu.memory_space<hbm>>
        %dma_wait3A_33 = tpu.memref_squeeze %dma_wait3A_32 : memref<1x632x128xf32, #tpu.memory_space<hbm>> -> memref<632x128xf32, #tpu.memory_space<hbm>>
        %dma_wait3A_34 = arith.constant 0 : i32
        %dma_wait3A_35 = tpu.memref_slice %arg8[%mul3A_25, %dma_wait3A_34] : memref<10000x128xf32, #tpu.memory_space<vmem_shared>> -> memref<632x128xf32, #tpu.memory_space<vmem_shared>>
        tpu.wait_dma2 semaphore(%run_scoped3A : memref<!tpu.dma_semaphore, #tpu.memory_space<semaphore_mem>>) src(%dma_wait3A_35 : memref<632x128xf32, #tpu.memory_space<vmem_shared>>) dst(%dma_wait3A_33 : memref<632x128xf32, #tpu.memory_space<hbm>>)
        tpu.yield
      }) : () -> ()
    } else {
    }
    %eq3A = arith.constant 15 : i32
    %eq3A_20 = arith.cmpi eq, %arg1, %eq3A : i32
    %convert_element_type3A_21 = arith.extui %eq3A_20 : i1 to i32
    %cond3A_22 = arith.constant 0 : i32
    %cond3A_23 = arith.cmpi ne, %convert_element_type3A_21, %cond3A_22 : i32
    scf.if %cond3A_23 {
      "tpu.region"() ({
        %run_scoped3A = tpu.sem_alloc : memref<!tpu.dma_semaphore, #tpu.memory_space<semaphore_mem>>
        %dma_start3A = arith.constant 9480 : i32
        %dma_start3A_24 = arith.constant 0 : i32
        %dma_start3A_25 = tpu.memref_slice %arg7[%arg0, %dma_start3A, %dma_start3A_24] : memref<2x10000x128xf32, #tpu.memory_space<hbm>> -> memref<1x520x128xf32, #tpu.memory_space<hbm>>
        %dma_start3A_26 = tpu.memref_squeeze %dma_start3A_25 : memref<1x520x128xf32, #tpu.memory_space<hbm>> -> memref<520x128xf32, #tpu.memory_space<hbm>>
        %dma_start3A_27 = arith.constant 9480 : i32
        %dma_start3A_28 = arith.constant 0 : i32
        %dma_start3A_29 = tpu.memref_slice %arg8[%dma_start3A_27, %dma_start3A_28] : memref<10000x128xf32, #tpu.memory_space<vmem_shared>> -> memref<520x128xf32, #tpu.memory_space<vmem_shared>>
        tpu.enqueue_dma source(%dma_start3A_29 : memref<520x128xf32, #tpu.memory_space<vmem_shared>>) target(%dma_start3A_26 : memref<520x128xf32, #tpu.memory_space<hbm>>) target_semaphore(%run_scoped3A : memref<!tpu.dma_semaphore, #tpu.memory_space<semaphore_mem>>)
        %dma_wait3A = arith.constant 9480 : i32
        %dma_wait3A_30 = arith.constant 0 : i32
        %dma_wait3A_31 = tpu.memref_slice %arg7[%arg0, %dma_wait3A, %dma_wait3A_30] : memref<2x10000x128xf32, #tpu.memory_space<hbm>> -> memref<1x520x128xf32, #tpu.memory_space<hbm>>
        %dma_wait3A_32 = tpu.memref_squeeze %dma_wait3A_31 : memref<1x520x128xf32, #tpu.memory_space<hbm>> -> memref<520x128xf32, #tpu.memory_space<hbm>>
        %dma_wait3A_33 = arith.constant 9480 : i32
        %dma_wait3A_34 = arith.constant 0 : i32
        %dma_wait3A_35 = tpu.memref_slice %arg8[%dma_wait3A_33, %dma_wait3A_34] : memref<10000x128xf32, #tpu.memory_space<vmem_shared>> -> memref<520x128xf32, #tpu.memory_space<vmem_shared>>
        tpu.wait_dma2 semaphore(%run_scoped3A : memref<!tpu.dma_semaphore, #tpu.memory_space<semaphore_mem>>) src(%dma_wait3A_35 : memref<520x128xf32, #tpu.memory_space<vmem_shared>>) dst(%dma_wait3A_32 : memref<520x128xf32, #tpu.memory_space<hbm>>)
        tpu.yield
      }) : () -> ()
    } else {
    }
    return
  }
}

#map = affine_map<(d0, d1) -> (0, 0)>
#map1 = affine_map<(d0, d1) -> (0)>
#map2 = affine_map<(d0, d1) -> (0, 0, 0)>
module attributes {stable_mosaic.version = 14 : i64} {
  func.func @agg(%arg0: i32, %arg1: i32, %arg2: memref<10000x128xf32, #tpu.memory_space<hbm>>, %arg3: memref<320000xi32, #tpu.memory_space<hbm>>, %arg4: memref<320000xi32, #tpu.memory_space<hbm>>, %arg5: memref<8x128xf32, #tpu.memory_space<hbm>>, %arg6: memref<80xi32, #tpu.memory_space<hbm>>, %arg7: memref<2x10000x128xf32, #tpu.memory_space<hbm>>, %arg8: memref<10000x128xf32, #tpu.memory_space<vmem_shared>>, %arg9: memref<8x128xf32, #tpu.memory_space<vmem>>, %arg10: memref<80xi32, #tpu.memory_space<vmem>>, %arg11: memref<80xi32, #tpu.memory_space<vmem>>, %arg12: memref<80xi32, #tpu.memory_space<vmem>>, %arg13: memref<80xi32, #tpu.memory_space<vmem>>, %arg14: memref<80xi32, #tpu.memory_space<vmem>>, %arg15: memref<80xi32, #tpu.memory_space<vmem>>, %arg16: memref<80x128xf32, #tpu.memory_space<vmem>>, %arg17: memref<80x128xf32, #tpu.memory_space<vmem>>, %arg18: memref<!tpu.dma_semaphore, #tpu.memory_space<semaphore_mem>>, %arg19: memref<!tpu.dma_semaphore, #tpu.memory_space<semaphore_mem>>, %arg20: memref<!tpu.dma_semaphore, #tpu.memory_space<semaphore_mem>>, %arg21: memref<!tpu.dma_semaphore, #tpu.memory_space<semaphore_mem>>) attributes {dimension_semantics = [#tpu.dimension_semantics<core_parallel>, #tpu.dimension_semantics<subcore_parallel>], iteration_bounds = array<i64: 2, 16>, scalar_prefetch = 0 : i64, scratch_operands = 14 : i64, tpu.core_type = #tpu.core_type<sc_vector_subcore>, window_params = [{transform_indices = #map}, {transform_indices = #map1}, {transform_indices = #map1}, {transform_indices = #map}, {transform_indices = #map1}, {transform_indices = #map2}]} {
    "tpu.region"() ({
      %run_scoped3A = tpu.sem_alloc : memref<!tpu.dma_semaphore, #tpu.memory_space<semaphore_mem>>
      tpu.enqueue_dma source(%arg6 : memref<80xi32, #tpu.memory_space<hbm>>) target(%arg14 : memref<80xi32, #tpu.memory_space<vmem>>) target_semaphore(%run_scoped3A : memref<!tpu.dma_semaphore, #tpu.memory_space<semaphore_mem>>)
      tpu.wait_dma2 semaphore(%run_scoped3A : memref<!tpu.dma_semaphore, #tpu.memory_space<semaphore_mem>>) src(%arg6 : memref<80xi32, #tpu.memory_space<hbm>>) dst(%arg14 : memref<80xi32, #tpu.memory_space<vmem>>)
      tpu.yield
    }) : () -> ()
    "tpu.region"() ({
      %run_scoped3A = tpu.sem_alloc : memref<!tpu.dma_semaphore, #tpu.memory_space<semaphore_mem>>
      tpu.enqueue_dma source(%arg5 : memref<8x128xf32, #tpu.memory_space<hbm>>) target(%arg9 : memref<8x128xf32, #tpu.memory_space<vmem>>) target_semaphore(%run_scoped3A : memref<!tpu.dma_semaphore, #tpu.memory_space<semaphore_mem>>)
      tpu.wait_dma2 semaphore(%run_scoped3A : memref<!tpu.dma_semaphore, #tpu.memory_space<semaphore_mem>>) src(%arg5 : memref<8x128xf32, #tpu.memory_space<hbm>>) dst(%arg9 : memref<8x128xf32, #tpu.memory_space<vmem>>)
      tpu.yield
    }) : () -> ()
    %mul3A = arith.constant 632 : i32
    %mul3A_0 = arith.muli %arg1, %mul3A : i32
    %min3A = arith.constant 9368 : i32
    %min3A_1 = arith.minsi %mul3A_0, %min3A : i32
    %scan3A = arith.constant 0 : i32
    %scan3A_2 = arith.constant 0 : i32
    %scan3A_3 = arith.constant 79 : i32
    %scan3A_4 = arith.addi %scan3A_2, %scan3A_3 : i32
    %scan3A_5 = arith.constant 1 : i32
    scf.for %scan3A_26 = %scan3A_2 to %scan3A_4 step %scan3A_5  : i32 {
      %mul3A_27 = arith.constant 8 : i32
      %mul3A_28 = arith.muli %scan3A_26, %mul3A_27 : i32
      %add3A_29 = arith.addi %min3A_1, %mul3A_28 : i32
      "tpu.region"() ({
        %run_scoped3A = tpu.sem_alloc : memref<!tpu.dma_semaphore, #tpu.memory_space<semaphore_mem>>
        %dma_start3A = arith.constant 0 : i32
        %dma_start3A_30 = tpu.memref_slice %arg8[%add3A_29, %dma_start3A] : memref<10000x128xf32, #tpu.memory_space<vmem_shared>> -> memref<8x128xf32, #tpu.memory_space<vmem_shared>>
        %dma_start3A_31 = arith.constant 0 : i32
        %dma_start3A_32 = tpu.memref_slice %arg8[%add3A_29, %dma_start3A_31] : memref<10000x128xf32, #tpu.memory_space<vmem_shared>> -> memref<8x128xf32, #tpu.memory_space<vmem_shared>>
        tpu.enqueue_dma source(%arg9 : memref<8x128xf32, #tpu.memory_space<vmem>>) target(%dma_start3A_32 : memref<8x128xf32, #tpu.memory_space<vmem_shared>>) target_semaphore(%run_scoped3A : memref<!tpu.dma_semaphore, #tpu.memory_space<semaphore_mem>>)
        %dma_wait3A = arith.constant 0 : i32
        %dma_wait3A_33 = tpu.memref_slice %arg8[%add3A_29, %dma_wait3A] : memref<10000x128xf32, #tpu.memory_space<vmem_shared>> -> memref<8x128xf32, #tpu.memory_space<vmem_shared>>
        %dma_wait3A_34 = arith.constant 0 : i32
        %dma_wait3A_35 = tpu.memref_slice %arg8[%add3A_29, %dma_wait3A_34] : memref<10000x128xf32, #tpu.memory_space<vmem_shared>> -> memref<8x128xf32, #tpu.memory_space<vmem_shared>>
        tpu.wait_dma2 semaphore(%run_scoped3A : memref<!tpu.dma_semaphore, #tpu.memory_space<semaphore_mem>>) src(%arg9 : memref<8x128xf32, #tpu.memory_space<vmem>>) dst(%dma_wait3A_35 : memref<8x128xf32, #tpu.memory_space<vmem_shared>>)
        tpu.yield
      }) : () -> ()
    }
    %scan3A_6 = arith.constant 79 : i32
    %barrier3A = arith.constant 0 : index
    tpu.barrier barrier_id(%barrier3A)
    %barrier3A_7 = arith.constant 0 : index
    tpu.barrier barrier_id(%barrier3A_7)
    %mul3A_8 = arith.constant 2 : i32
    %mul3A_9 = arith.muli %arg1, %mul3A_8 : i32
    %add3A = arith.addi %mul3A_9, %arg0 : i32
    %mul3A_10 = arith.constant 10000 : i32
    %mul3A_11 = arith.muli %add3A, %mul3A_10 : i32
    %scan3A_12 = arith.constant 0 : i32
    %scan3A_13 = arith.constant 0 : i32
    %scan3A_14 = arith.constant 125 : i32
    %scan3A_15 = arith.addi %scan3A_13, %scan3A_14 : i32
    %scan3A_16 = arith.constant 1 : i32
    scf.for %scan3A_26 = %scan3A_13 to %scan3A_15 step %scan3A_16  : i32 {
      %mul3A_27 = arith.constant 80 : i32
      %mul3A_28 = arith.muli %scan3A_26, %mul3A_27 : i32
      %add3A_29 = arith.addi %mul3A_11, %mul3A_28 : i32
      "tpu.region"() ({
        %run_scoped3A = tpu.sem_alloc : memref<!tpu.dma_semaphore, #tpu.memory_space<semaphore_mem>>
        %dma_start3A_34 = tpu.memref_slice %arg3[%add3A_29] : memref<320000xi32, #tpu.memory_space<hbm>> -> memref<80xi32, #tpu.memory_space<hbm>>
        %dma_start3A_35 = tpu.memref_slice %arg3[%add3A_29] : memref<320000xi32, #tpu.memory_space<hbm>> -> memref<80xi32, #tpu.memory_space<hbm>>
        tpu.enqueue_dma source(%dma_start3A_35 : memref<80xi32, #tpu.memory_space<hbm>>) target(%arg10 : memref<80xi32, #tpu.memory_space<vmem>>) target_semaphore(%run_scoped3A : memref<!tpu.dma_semaphore, #tpu.memory_space<semaphore_mem>>)
        %dma_wait3A_36 = tpu.memref_slice %arg3[%add3A_29] : memref<320000xi32, #tpu.memory_space<hbm>> -> memref<80xi32, #tpu.memory_space<hbm>>
        %dma_wait3A_37 = tpu.memref_slice %arg3[%add3A_29] : memref<320000xi32, #tpu.memory_space<hbm>> -> memref<80xi32, #tpu.memory_space<hbm>>
        tpu.wait_dma2 semaphore(%run_scoped3A : memref<!tpu.dma_semaphore, #tpu.memory_space<semaphore_mem>>) src(%dma_wait3A_37 : memref<80xi32, #tpu.memory_space<hbm>>) dst(%arg10 : memref<80xi32, #tpu.memory_space<vmem>>)
        tpu.yield
      }) : () -> ()
      "tpu.region"() ({
        %run_scoped3A = tpu.sem_alloc : memref<!tpu.dma_semaphore, #tpu.memory_space<semaphore_mem>>
        %dma_start3A_34 = tpu.memref_slice %arg4[%add3A_29] : memref<320000xi32, #tpu.memory_space<hbm>> -> memref<80xi32, #tpu.memory_space<hbm>>
        %dma_start3A_35 = tpu.memref_slice %arg4[%add3A_29] : memref<320000xi32, #tpu.memory_space<hbm>> -> memref<80xi32, #tpu.memory_space<hbm>>
        tpu.enqueue_dma source(%dma_start3A_35 : memref<80xi32, #tpu.memory_space<hbm>>) target(%arg12 : memref<80xi32, #tpu.memory_space<vmem>>) target_semaphore(%run_scoped3A : memref<!tpu.dma_semaphore, #tpu.memory_space<semaphore_mem>>)
        %dma_wait3A_36 = tpu.memref_slice %arg4[%add3A_29] : memref<320000xi32, #tpu.memory_space<hbm>> -> memref<80xi32, #tpu.memory_space<hbm>>
        %dma_wait3A_37 = tpu.memref_slice %arg4[%add3A_29] : memref<320000xi32, #tpu.memory_space<hbm>> -> memref<80xi32, #tpu.memory_space<hbm>>
        tpu.wait_dma2 semaphore(%run_scoped3A : memref<!tpu.dma_semaphore, #tpu.memory_space<semaphore_mem>>) src(%dma_wait3A_37 : memref<80xi32, #tpu.memory_space<hbm>>) dst(%arg12 : memref<80xi32, #tpu.memory_space<vmem>>)
        tpu.yield
      }) : () -> ()
      %dma_start3A = arith.constant 0 : i32
      %dma_start3A_30 = arith.constant 0 : i32
      %dma_start3A_31 = tpu.memref_slice %arg2[%dma_start3A, %dma_start3A_30] : memref<10000x128xf32, #tpu.memory_space<hbm>> -> memref<10000x128xf32, #tpu.memory_space<hbm>>
      tpu.enqueue_indirect_dma source(%dma_start3A_31 : memref<10000x128xf32, #tpu.memory_space<hbm>>) target(%arg16 : memref<80x128xf32, #tpu.memory_space<vmem>>) offsets(%arg10 : memref<80xi32, #tpu.memory_space<vmem>>) semaphore(%arg18 : memref<!tpu.dma_semaphore, #tpu.memory_space<semaphore_mem>>)
      %dma_wait3A = arith.constant 0 : i32
      %dma_wait3A_32 = arith.constant 0 : i32
      %dma_wait3A_33 = tpu.memref_slice %arg2[%dma_wait3A, %dma_wait3A_32] : memref<10000x128xf32, #tpu.memory_space<hbm>> -> memref<10000x128xf32, #tpu.memory_space<hbm>>
      tpu.wait_indirect_dma semaphore(%arg18 : memref<!tpu.dma_semaphore, #tpu.memory_space<semaphore_mem>>) src(%dma_wait3A_33 : memref<10000x128xf32, #tpu.memory_space<hbm>>) dst(%arg16 : memref<80x128xf32, #tpu.memory_space<vmem>>)
      "tpu.region"() ({
        %run_scoped3A = tpu.sem_alloc : memref<!tpu.dma_semaphore, #tpu.memory_space<semaphore_mem>>
        %dma_start3A_34 = arith.constant 0 : i32
        %dma_start3A_35 = arith.constant 0 : i32
        %dma_start3A_36 = tpu.memref_slice %arg8[%dma_start3A_34, %dma_start3A_35] : memref<10000x128xf32, #tpu.memory_space<vmem_shared>> -> memref<10000x128xf32, #tpu.memory_space<vmem_shared>>
        tpu.enqueue_indirect_dma source(%arg16 : memref<80x128xf32, #tpu.memory_space<vmem>>) target(%dma_start3A_36 : memref<10000x128xf32, #tpu.memory_space<vmem_shared>>) offsets(%arg12 : memref<80xi32, #tpu.memory_space<vmem>>) semaphore(%run_scoped3A : memref<!tpu.dma_semaphore, #tpu.memory_space<semaphore_mem>>) {add = true}
        %dma_wait3A_37 = arith.constant 0 : i32
        %dma_wait3A_38 = arith.constant 0 : i32
        %dma_wait3A_39 = tpu.memref_slice %arg8[%dma_wait3A_37, %dma_wait3A_38] : memref<10000x128xf32, #tpu.memory_space<vmem_shared>> -> memref<10000x128xf32, #tpu.memory_space<vmem_shared>>
        tpu.wait_indirect_dma semaphore(%run_scoped3A : memref<!tpu.dma_semaphore, #tpu.memory_space<semaphore_mem>>) src(%arg16 : memref<80x128xf32, #tpu.memory_space<vmem>>) dst(%dma_wait3A_39 : memref<10000x128xf32, #tpu.memory_space<vmem_shared>>)
        tpu.yield
      }) : () -> ()
    }
    %scan3A_17 = arith.constant 125 : i32
    %barrier3A_18 = arith.constant 0 : index
    tpu.barrier barrier_id(%barrier3A_18)
    %barrier3A_19 = arith.constant 0 : index
    tpu.barrier barrier_id(%barrier3A_19)
    %lt3A = arith.constant 15 : i32
    %lt3A_20 = arith.cmpi slt, %arg1, %lt3A : i32
    %convert_element_type3A = arith.extui %lt3A_20 : i1 to i32
    %cond3A = arith.constant 0 : i32
    %cond3A_21 = arith.cmpi ne, %convert_element_type3A, %cond3A : i32
    scf.if %cond3A_21 {
      %mul3A_26 = arith.constant 632 : i32
      %mul3A_27 = arith.muli %arg1, %mul3A_26 : i32
      %mul3A_28 = arith.constant 632 : i32
      %mul3A_29 = arith.muli %arg1, %mul3A_28 : i32
      "tpu.region"() ({
        %run_scoped3A = tpu.sem_alloc : memref<!tpu.dma_semaphore, #tpu.memory_space<semaphore_mem>>
        %dma_start3A = arith.constant 0 : i32
        %dma_start3A_30 = tpu.memref_slice %arg7[%arg0, %mul3A_29, %dma_start3A] : memref<2x10000x128xf32, #tpu.memory_space<hbm>> -> memref<1x632x128xf32, #tpu.memory_space<hbm>>
        %dma_start3A_31 = tpu.memref_squeeze %dma_start3A_30 : memref<1x632x128xf32, #tpu.memory_space<hbm>> -> memref<632x128xf32, #tpu.memory_space<hbm>>
        %dma_start3A_32 = arith.constant 0 : i32
        %dma_start3A_33 = tpu.memref_slice %arg8[%mul3A_27, %dma_start3A_32] : memref<10000x128xf32, #tpu.memory_space<vmem_shared>> -> memref<632x128xf32, #tpu.memory_space<vmem_shared>>
        tpu.enqueue_dma source(%dma_start3A_33 : memref<632x128xf32, #tpu.memory_space<vmem_shared>>) target(%dma_start3A_31 : memref<632x128xf32, #tpu.memory_space<hbm>>) target_semaphore(%run_scoped3A : memref<!tpu.dma_semaphore, #tpu.memory_space<semaphore_mem>>)
        %dma_wait3A = arith.constant 0 : i32
        %dma_wait3A_34 = tpu.memref_slice %arg7[%arg0, %mul3A_29, %dma_wait3A] : memref<2x10000x128xf32, #tpu.memory_space<hbm>> -> memref<1x632x128xf32, #tpu.memory_space<hbm>>
        %dma_wait3A_35 = tpu.memref_squeeze %dma_wait3A_34 : memref<1x632x128xf32, #tpu.memory_space<hbm>> -> memref<632x128xf32, #tpu.memory_space<hbm>>
        %dma_wait3A_36 = arith.constant 0 : i32
        %dma_wait3A_37 = tpu.memref_slice %arg8[%mul3A_27, %dma_wait3A_36] : memref<10000x128xf32, #tpu.memory_space<vmem_shared>> -> memref<632x128xf32, #tpu.memory_space<vmem_shared>>
        tpu.wait_dma2 semaphore(%run_scoped3A : memref<!tpu.dma_semaphore, #tpu.memory_space<semaphore_mem>>) src(%dma_wait3A_37 : memref<632x128xf32, #tpu.memory_space<vmem_shared>>) dst(%dma_wait3A_35 : memref<632x128xf32, #tpu.memory_space<hbm>>)
        tpu.yield
      }) : () -> ()
    } else {
    }
    %eq3A = arith.constant 15 : i32
    %eq3A_22 = arith.cmpi eq, %arg1, %eq3A : i32
    %convert_element_type3A_23 = arith.extui %eq3A_22 : i1 to i32
    %cond3A_24 = arith.constant 0 : i32
    %cond3A_25 = arith.cmpi ne, %convert_element_type3A_23, %cond3A_24 : i32
    scf.if %cond3A_25 {
      "tpu.region"() ({
        %run_scoped3A = tpu.sem_alloc : memref<!tpu.dma_semaphore, #tpu.memory_space<semaphore_mem>>
        %dma_start3A = arith.constant 9480 : i32
        %dma_start3A_26 = arith.constant 0 : i32
        %dma_start3A_27 = tpu.memref_slice %arg7[%arg0, %dma_start3A, %dma_start3A_26] : memref<2x10000x128xf32, #tpu.memory_space<hbm>> -> memref<1x520x128xf32, #tpu.memory_space<hbm>>
        %dma_start3A_28 = tpu.memref_squeeze %dma_start3A_27 : memref<1x520x128xf32, #tpu.memory_space<hbm>> -> memref<520x128xf32, #tpu.memory_space<hbm>>
        %dma_start3A_29 = arith.constant 9480 : i32
        %dma_start3A_30 = arith.constant 0 : i32
        %dma_start3A_31 = tpu.memref_slice %arg8[%dma_start3A_29, %dma_start3A_30] : memref<10000x128xf32, #tpu.memory_space<vmem_shared>> -> memref<520x128xf32, #tpu.memory_space<vmem_shared>>
        tpu.enqueue_dma source(%dma_start3A_31 : memref<520x128xf32, #tpu.memory_space<vmem_shared>>) target(%dma_start3A_28 : memref<520x128xf32, #tpu.memory_space<hbm>>) target_semaphore(%run_scoped3A : memref<!tpu.dma_semaphore, #tpu.memory_space<semaphore_mem>>)
        %dma_wait3A = arith.constant 9480 : i32
        %dma_wait3A_32 = arith.constant 0 : i32
        %dma_wait3A_33 = tpu.memref_slice %arg7[%arg0, %dma_wait3A, %dma_wait3A_32] : memref<2x10000x128xf32, #tpu.memory_space<hbm>> -> memref<1x520x128xf32, #tpu.memory_space<hbm>>
        %dma_wait3A_34 = tpu.memref_squeeze %dma_wait3A_33 : memref<1x520x128xf32, #tpu.memory_space<hbm>> -> memref<520x128xf32, #tpu.memory_space<hbm>>
        %dma_wait3A_35 = arith.constant 9480 : i32
        %dma_wait3A_36 = arith.constant 0 : i32
        %dma_wait3A_37 = tpu.memref_slice %arg8[%dma_wait3A_35, %dma_wait3A_36] : memref<10000x128xf32, #tpu.memory_space<vmem_shared>> -> memref<520x128xf32, #tpu.memory_space<vmem_shared>>
        tpu.wait_dma2 semaphore(%run_scoped3A : memref<!tpu.dma_semaphore, #tpu.memory_space<semaphore_mem>>) src(%dma_wait3A_37 : memref<520x128xf32, #tpu.memory_space<vmem_shared>>) dst(%dma_wait3A_34 : memref<520x128xf32, #tpu.memory_space<hbm>>)
        tpu.yield
      }) : () -> ()
    } else {
    }
    return
  }
}

module attributes {stable_mosaic.version = 14 : i64} {
  func.func @_dinv_body(%arg0: i32, %arg1: memref<1000x16xf32, #tpu.memory_space<vmem>>, %arg2: memref<1000x16xf32, #tpu.memory_space<vmem>>, %arg3: memref<1000x1xf32, #tpu.memory_space<vmem>>) attributes {dimension_semantics = [#tpu.dimension_semantics<arbitrary>], iteration_bounds = array<i64: 10>, scalar_prefetch = 0 : i64, scratch_operands = 0 : i64, tpu.core_type = #tpu.core_type<tc>, window_params = [{transform_indices = @transform_0, window_bounds = array<i64: 1000, 16>}, {transform_indices = @transform_1, window_bounds = array<i64: 1000, 16>}, {transform_indices = @transform_2, window_bounds = array<i64: 1000, 1>}]} {
    %get3A = arith.constant 0 : index
    %get3A_0 = arith.constant 0 : index
    %get3A_1 = vector.load %arg1[%get3A, %get3A_0] : memref<1000x16xf32, #tpu.memory_space<vmem>>, vector<1000x1xf32>
    %get3A_2 = arith.constant 0 : index
    %get3A_3 = arith.constant 0 : index
    %get3A_4 = vector.load %arg2[%get3A_2, %get3A_3] : memref<1000x16xf32, #tpu.memory_space<vmem>>, vector<1000x1xf32>
    %add3A = arith.addf %get3A_1, %get3A_4 : vector<1000x1xf32>
    %add3A_5 = arith.constant 1.000000e+00 : f32
    %add3A_6 = vector.broadcast %add3A_5 : f32 to vector<1000x1xf32>
    %add3A_7 = arith.addf %add3A, %add3A_6 : vector<1000x1xf32>
    %rsqrt3A = math.rsqrt %add3A_7 : vector<1000x1xf32>
    %swap3A = arith.constant 0 : index
    %swap3A_8 = arith.constant 0 : index
    %swap3A_9 = vector.load %arg3[%swap3A, %swap3A_8] : memref<1000x1xf32, #tpu.memory_space<vmem>>, vector<1000x1xf32>
    tpu.vector_store %arg3[%swap3A, %swap3A_8], %rsqrt3A {strides = array<i32>} : memref<1000x1xf32, #tpu.memory_space<vmem>>, vector<1000x1xf32>,
    return
  }
  func.func @transform_0(%arg0: i32) -> (i32, i32) {
    %c0_i32 = arith.constant 0 : i32
    %c0_i32_0 = arith.constant 0 : i32
    return %arg0, %c0_i32 : i32, i32
  }
  func.func @transform_1(%arg0: i32) -> (i32, i32) {
    %c0_i32 = arith.constant 0 : i32
    %c0_i32_0 = arith.constant 0 : i32
    return %arg0, %c0_i32 : i32, i32
  }
  func.func @transform_2(%arg0: i32) -> (i32, i32) {
    %c0_i32 = arith.constant 0 : i32
    %c0_i32_0 = arith.constant 0 : i32
    return %arg0, %c0_i32 : i32, i32
  }
}

module attributes {stable_mosaic.version = 14 : i64} {
  func.func @_lin2p_body(%arg0: i32, %arg1: memref<1000x128xf32, #tpu.memory_space<vmem>>, %arg2: memref<1000x128xf32, #tpu.memory_space<vmem>>, %arg3: memref<128x64xf32, #tpu.memory_space<vmem>>, %arg4: memref<128x64xf32, #tpu.memory_space<vmem>>, %arg5: memref<1x128xf32, #tpu.memory_space<vmem>>, %arg6: memref<1000x1xf32, #tpu.memory_space<vmem>>, %arg7: memref<1000x128xf32, #tpu.memory_space<vmem>>, %arg8: memref<1000x128xf32, #tpu.memory_space<vmem>>) attributes {dimension_semantics = [#tpu.dimension_semantics<arbitrary>], iteration_bounds = array<i64: 10>, scalar_prefetch = 0 : i64, scratch_operands = 0 : i64, tpu.core_type = #tpu.core_type<tc>, window_params = [{transform_indices = @transform_0, window_bounds = array<i64: 1000, 128>}, {transform_indices = @transform_1, window_bounds = array<i64: 1000, 128>}, {pipeline_mode = #tpu.pipeline_mode<synchronous>, transform_indices = @transform_2, window_bounds = array<i64: 128, 64>}, {pipeline_mode = #tpu.pipeline_mode<synchronous>, transform_indices = @transform_3, window_bounds = array<i64: 128, 64>}, {pipeline_mode = #tpu.pipeline_mode<synchronous>, transform_indices = @transform_4, window_bounds = array<i64: 1, 128>}, {transform_indices = @transform_5, window_bounds = array<i64: 1000, 1>}, {transform_indices = @transform_6, window_bounds = array<i64: 1000, 128>}, {transform_indices = @transform_7, window_bounds = array<i64: 1000, 128>}]} {
    %get3A = arith.constant 0 : index
    %get3A_0 = arith.constant 0 : index
    %get3A_1 = vector.load %arg1[%get3A, %get3A_0] : memref<1000x128xf32, #tpu.memory_space<vmem>>, vector<1000x128xf32>
    %get3A_2 = arith.constant 0 : index
    %get3A_3 = arith.constant 0 : index
    %get3A_4 = vector.load %arg3[%get3A_2, %get3A_3] : memref<128x64xf32, #tpu.memory_space<vmem>>, vector<128x64xf32>
    %dot_general3A = arith.constant dense<0.000000e+00> : vector<1000x64xf32>
    %dot_general3A_5 = tpu.matmul %get3A_1, %get3A_4, %dot_general3A {dimension_numbers = #tpu.dot_dimension_numbers<[1], [0], [0], [1], [0, 0, 1, 1], [], []>, transpose_lhs_hint = false} : vector<1000x128xf32>, vector<128x64xf32>, vector<1000x64xf32> -> vector<1000x64xf32>
    %get3A_6 = arith.constant 0 : index
    %get3A_7 = arith.constant 0 : index
    %get3A_8 = vector.load %arg2[%get3A_6, %get3A_7] : memref<1000x128xf32, #tpu.memory_space<vmem>>, vector<1000x128xf32>
    %get3A_9 = arith.constant 0 : index
    %get3A_10 = arith.constant 0 : index
    %get3A_11 = vector.load %arg3[%get3A_9, %get3A_10] : memref<128x64xf32, #tpu.memory_space<vmem>>, vector<128x64xf32>
    %dot_general3A_12 = arith.constant dense<0.000000e+00> : vector<1000x64xf32>
    %dot_general3A_13 = tpu.matmul %get3A_8, %get3A_11, %dot_general3A_12 {dimension_numbers = #tpu.dot_dimension_numbers<[1], [0], [0], [1], [0, 0, 1, 1], [], []>, transpose_lhs_hint = false} : vector<1000x128xf32>, vector<128x64xf32>, vector<1000x64xf32> -> vector<1000x64xf32>
    %concatenate3A = tpu.concatenate %dot_general3A_5, %dot_general3A_13 in 1 : vector<1000x64xf32>, vector<1000x64xf32> -> vector<1000x128xf32>
    %get3A_14 = arith.constant 0 : index
    %get3A_15 = arith.constant 0 : index
    %get3A_16 = vector.load %arg6[%get3A_14, %get3A_15] : memref<1000x1xf32, #tpu.memory_space<vmem>>, vector<1000x1xf32>
    %mul3A = vector.broadcast %get3A_16 : vector<1000x1xf32> to vector<1000x128xf32>
    %mul3A_17 = arith.mulf %concatenate3A, %mul3A : vector<1000x128xf32>
    %swap3A = arith.constant 0 : index
    %swap3A_18 = arith.constant 0 : index
    %swap3A_19 = vector.load %arg7[%swap3A, %swap3A_18] : memref<1000x128xf32, #tpu.memory_space<vmem>>, vector<1000x128xf32>
    tpu.vector_store %arg7[%swap3A, %swap3A_18], %mul3A_17 {strides = array<i32>} : memref<1000x128xf32, #tpu.memory_space<vmem>>, vector<1000x128xf32>,
    %get3A_20 = arith.constant 0 : index
    %get3A_21 = arith.constant 0 : index
    %get3A_22 = vector.load %arg1[%get3A_20, %get3A_21] : memref<1000x128xf32, #tpu.memory_space<vmem>>, vector<1000x128xf32>
    %get3A_23 = arith.constant 0 : index
    %get3A_24 = arith.constant 0 : index
    %get3A_25 = vector.load %arg4[%get3A_23, %get3A_24] : memref<128x64xf32, #tpu.memory_space<vmem>>, vector<128x64xf32>
    %dot_general3A_26 = arith.constant dense<0.000000e+00> : vector<1000x64xf32>
    %dot_general3A_27 = tpu.matmul %get3A_22, %get3A_25, %dot_general3A_26 {dimension_numbers = #tpu.dot_dimension_numbers<[1], [0], [0], [1], [0, 0, 1, 1], [], []>, transpose_lhs_hint = false} : vector<1000x128xf32>, vector<128x64xf32>, vector<1000x64xf32> -> vector<1000x64xf32>
    %get3A_28 = arith.constant 0 : index
    %get3A_29 = arith.constant 0 : index
    %get3A_30 = vector.load %arg2[%get3A_28, %get3A_29] : memref<1000x128xf32, #tpu.memory_space<vmem>>, vector<1000x128xf32>
    %get3A_31 = arith.constant 0 : index
    %get3A_32 = arith.constant 0 : index
    %get3A_33 = vector.load %arg4[%get3A_31, %get3A_32] : memref<128x64xf32, #tpu.memory_space<vmem>>, vector<128x64xf32>
    %dot_general3A_34 = arith.constant dense<0.000000e+00> : vector<1000x64xf32>
    %dot_general3A_35 = tpu.matmul %get3A_30, %get3A_33, %dot_general3A_34 {dimension_numbers = #tpu.dot_dimension_numbers<[1], [0], [0], [1], [0, 0, 1, 1], [], []>, transpose_lhs_hint = false} : vector<1000x128xf32>, vector<128x64xf32>, vector<1000x64xf32> -> vector<1000x64xf32>
    %concatenate3A_36 = tpu.concatenate %dot_general3A_27, %dot_general3A_35 in 1 : vector<1000x64xf32>, vector<1000x64xf32> -> vector<1000x128xf32>
    %get3A_37 = arith.constant 0 : index
    %get3A_38 = arith.constant 0 : index
    %get3A_39 = vector.load %arg5[%get3A_37, %get3A_38] : memref<1x128xf32, #tpu.memory_space<vmem>>, vector<1x128xf32>
    %add3A = vector.broadcast %get3A_39 : vector<1x128xf32> to vector<1000x128xf32>
    %add3A_40 = arith.addf %concatenate3A_36, %add3A : vector<1000x128xf32>
    %swap3A_41 = arith.constant 0 : index
    %swap3A_42 = arith.constant 0 : index
    %swap3A_43 = vector.load %arg8[%swap3A_41, %swap3A_42] : memref<1000x128xf32, #tpu.memory_space<vmem>>, vector<1000x128xf32>
    tpu.vector_store %arg8[%swap3A_41, %swap3A_42], %add3A_40 {strides = array<i32>} : memref<1000x128xf32, #tpu.memory_space<vmem>>, vector<1000x128xf32>,
    return
  }
  func.func @transform_0(%arg0: i32) -> (i32, i32) {
    %c0_i32 = arith.constant 0 : i32
    %c0_i32_0 = arith.constant 0 : i32
    return %arg0, %c0_i32 : i32, i32
  }
  func.func @transform_1(%arg0: i32) -> (i32, i32) {
    %c0_i32 = arith.constant 0 : i32
    %c0_i32_0 = arith.constant 0 : i32
    return %arg0, %c0_i32 : i32, i32
  }
  func.func @transform_2(%arg0: i32) -> (i32, i32) {
    %c0_i32 = arith.constant 0 : i32
    %c0_i32_0 = arith.constant 0 : i32
    %c0_i32_1 = arith.constant 0 : i32
    return %c0_i32, %c0_i32_0 : i32, i32
  }
  func.func @transform_3(%arg0: i32) -> (i32, i32) {
    %c0_i32 = arith.constant 0 : i32
    %c0_i32_0 = arith.constant 0 : i32
    %c0_i32_1 = arith.constant 0 : i32
    return %c0_i32, %c0_i32_0 : i32, i32
  }
  func.func @transform_4(%arg0: i32) -> (i32, i32) {
    %c0_i32 = arith.constant 0 : i32
    %c0_i32_0 = arith.constant 0 : i32
    %c0_i32_1 = arith.constant 0 : i32
    return %c0_i32, %c0_i32_0 : i32, i32
  }
  func.func @transform_5(%arg0: i32) -> (i32, i32) {
    %c0_i32 = arith.constant 0 : i32
    %c0_i32_0 = arith.constant 0 : i32
    return %arg0, %c0_i32 : i32, i32
  }
  func.func @transform_6(%arg0: i32) -> (i32, i32) {
    %c0_i32 = arith.constant 0 : i32
    %c0_i32_0 = arith.constant 0 : i32
    return %arg0, %c0_i32 : i32, i32
  }
  func.func @transform_7(%arg0: i32) -> (i32, i32) {
    %c0_i32 = arith.constant 0 : i32
    %c0_i32_0 = arith.constant 0 : i32
    return %arg0, %c0_i32 : i32, i32
  }
}

module attributes {stable_mosaic.version = 14 : i64} {
  func.func @_post_body(%arg0: i32, %arg1: memref<2x1000x128xf32, #tpu.memory_space<vmem>>, %arg2: memref<1000x128xf32, #tpu.memory_space<vmem>>, %arg3: memref<1000x1xf32, #tpu.memory_space<vmem>>, %arg4: memref<1x128xf32, #tpu.memory_space<vmem>>, %arg5: memref<1000x128xf32, #tpu.memory_space<vmem>>, %arg6: memref<8x128xf32, #tpu.memory_space<vmem>>, %arg7: memref<8x128xf32, #tpu.memory_space<vmem>>) attributes {dimension_semantics = [#tpu.dimension_semantics<arbitrary>], iteration_bounds = array<i64: 10>, scalar_prefetch = 0 : i64, scratch_operands = 0 : i64, tpu.core_type = #tpu.core_type<tc>, window_params = [{transform_indices = @transform_0, window_bounds = array<i64: 2, 1000, 128>}, {transform_indices = @transform_1, window_bounds = array<i64: 1000, 128>}, {transform_indices = @transform_2, window_bounds = array<i64: 1000, 1>}, {pipeline_mode = #tpu.pipeline_mode<synchronous>, transform_indices = @transform_3, window_bounds = array<i64: 1, 128>}, {transform_indices = @transform_4, window_bounds = array<i64: 1000, 128>}, {pipeline_mode = #tpu.pipeline_mode<synchronous>, transform_indices = @transform_5, window_bounds = array<i64: 8, 128>}, {pipeline_mode = #tpu.pipeline_mode<synchronous>, transform_indices = @transform_6, window_bounds = array<i64: 8, 128>}]} {
    %get3A = arith.constant 0 : index
    %get3A_0 = arith.constant 0 : index
    %get3A_1 = arith.constant 0 : index
    %get3A_2 = vector.load %arg1[%get3A, %get3A_0, %get3A_1] : memref<2x1000x128xf32, #tpu.memory_space<vmem>>, vector<1x1000x128xf32>
    %get3A_3 = vector.shape_cast %get3A_2 : vector<1x1000x128xf32> to vector<1000x128xf32>
    %get3A_4 = arith.constant 1 : index
    %get3A_5 = arith.constant 0 : index
    %get3A_6 = arith.constant 0 : index
    %get3A_7 = vector.load %arg1[%get3A_4, %get3A_5, %get3A_6] : memref<2x1000x128xf32, #tpu.memory_space<vmem>>, vector<1x1000x128xf32>
    %get3A_8 = vector.shape_cast %get3A_7 : vector<1x1000x128xf32> to vector<1000x128xf32>
    %add3A = arith.addf %get3A_3, %get3A_8 : vector<1000x128xf32>
    %get3A_9 = arith.constant 0 : index
    %get3A_10 = arith.constant 0 : index
    %get3A_11 = vector.load %arg2[%get3A_9, %get3A_10] : memref<1000x128xf32, #tpu.memory_space<vmem>>, vector<1000x128xf32>
    %add3A_12 = arith.addf %add3A, %get3A_11 : vector<1000x128xf32>
    %get3A_13 = arith.constant 0 : index
    %get3A_14 = arith.constant 0 : index
    %get3A_15 = vector.load %arg3[%get3A_13, %get3A_14] : memref<1000x1xf32, #tpu.memory_space<vmem>>, vector<1000x1xf32>
    %mul3A = vector.broadcast %get3A_15 : vector<1000x1xf32> to vector<1000x128xf32>
    %mul3A_16 = arith.mulf %add3A_12, %mul3A : vector<1000x128xf32>
    %get3A_17 = arith.constant 0 : index
    %get3A_18 = arith.constant 0 : index
    %get3A_19 = vector.load %arg4[%get3A_17, %get3A_18] : memref<1x128xf32, #tpu.memory_space<vmem>>, vector<1x128xf32>
    %add3A_20 = vector.broadcast %get3A_19 : vector<1x128xf32> to vector<1000x128xf32>
    %add3A_21 = arith.addf %mul3A_16, %add3A_20 : vector<1000x128xf32>
    %swap3A = arith.constant 0 : index
    %swap3A_22 = arith.constant 0 : index
    %swap3A_23 = vector.load %arg5[%swap3A, %swap3A_22] : memref<1000x128xf32, #tpu.memory_space<vmem>>, vector<1000x128xf32>
    tpu.vector_store %arg5[%swap3A, %swap3A_22], %add3A_21 {strides = array<i32>} : memref<1000x128xf32, #tpu.memory_space<vmem>>, vector<1000x128xf32>,
    %eq3A = arith.constant 0 : i32
    %eq3A_24 = arith.cmpi eq, %arg0, %eq3A : i32
    %convert_element_type3A = arith.extui %eq3A_24 : i1 to i32
    %cond3A = arith.constant 0 : i32
    %cond3A_25 = arith.cmpi ne, %convert_element_type3A, %cond3A : i32
    scf.if %cond3A_25 {
      %broadcast_in_dim3A_49 = arith.constant 0.000000e+00 : f32
      %broadcast_in_dim3A_50 = vector.broadcast %broadcast_in_dim3A_49 : f32 to vector<8x128xf32>
      %swap3A_51 = arith.constant 0 : index
      %swap3A_52 = arith.constant 0 : index
      %swap3A_53 = vector.load %arg6[%swap3A_51, %swap3A_52] : memref<8x128xf32, #tpu.memory_space<vmem>>, vector<8x128xf32>
      tpu.vector_store %arg6[%swap3A_51, %swap3A_52], %broadcast_in_dim3A_50 {strides = array<i32>} : memref<8x128xf32, #tpu.memory_space<vmem>>, vector<8x128xf32>,
      %broadcast_in_dim3A_54 = arith.constant 0.000000e+00 : f32
      %broadcast_in_dim3A_55 = vector.broadcast %broadcast_in_dim3A_54 : f32 to vector<8x128xf32>
      %swap3A_56 = arith.constant 0 : index
      %swap3A_57 = arith.constant 0 : index
      %swap3A_58 = vector.load %arg7[%swap3A_56, %swap3A_57] : memref<8x128xf32, #tpu.memory_space<vmem>>, vector<8x128xf32>
      tpu.vector_store %arg7[%swap3A_56, %swap3A_57], %broadcast_in_dim3A_55 {strides = array<i32>} : memref<8x128xf32, #tpu.memory_space<vmem>>, vector<8x128xf32>,
    } else {
    }
    %get3A_26 = arith.constant 0 : index
    %get3A_27 = arith.constant 0 : index
    %get3A_28 = vector.load %arg6[%get3A_26, %get3A_27] : memref<8x128xf32, #tpu.memory_space<vmem>>, vector<8x128xf32>
    %reduce_sum3A = arith.constant dense<0.000000e+00> : vector<128xf32>
    %reduce_sum3A_29 = vector.multi_reduction <add>, %add3A_21, %reduce_sum3A [0] : vector<1000x128xf32> to vector<128xf32>
    %broadcast_in_dim3A = vector.shape_cast %reduce_sum3A_29 : vector<128xf32> to vector<1x128xf32>
    %broadcast_in_dim3A_30 = vector.shape_cast %broadcast_in_dim3A : vector<1x128xf32> to vector<1x128xf32>
    %broadcast_in_dim3A_31 = vector.broadcast %broadcast_in_dim3A_30 : vector<1x128xf32> to vector<8x128xf32>
    %add3A_32 = arith.addf %get3A_28, %broadcast_in_dim3A_31 : vector<8x128xf32>
    %swap3A_33 = arith.constant 0 : index
    %swap3A_34 = arith.constant 0 : index
    %swap3A_35 = vector.load %arg6[%swap3A_33, %swap3A_34] : memref<8x128xf32, #tpu.memory_space<vmem>>, vector<8x128xf32>
    tpu.vector_store %arg6[%swap3A_33, %swap3A_34], %add3A_32 {strides = array<i32>} : memref<8x128xf32, #tpu.memory_space<vmem>>, vector<8x128xf32>,
    %get3A_36 = arith.constant 0 : index
    %get3A_37 = arith.constant 0 : index
    %get3A_38 = vector.load %arg7[%get3A_36, %get3A_37] : memref<8x128xf32, #tpu.memory_space<vmem>>, vector<8x128xf32>
    %mul3A_39 = arith.mulf %add3A_21, %add3A_21 : vector<1000x128xf32>
    %reduce_sum3A_40 = arith.constant dense<0.000000e+00> : vector<128xf32>
    %reduce_sum3A_41 = vector.multi_reduction <add>, %mul3A_39, %reduce_sum3A_40 [0] : vector<1000x128xf32> to vector<128xf32>
    %broadcast_in_dim3A_42 = vector.shape_cast %reduce_sum3A_41 : vector<128xf32> to vector<1x128xf32>
    %broadcast_in_dim3A_43 = vector.shape_cast %broadcast_in_dim3A_42 : vector<1x128xf32> to vector<1x128xf32>
    %broadcast_in_dim3A_44 = vector.broadcast %broadcast_in_dim3A_43 : vector<1x128xf32> to vector<8x128xf32>
    %add3A_45 = arith.addf %get3A_38, %broadcast_in_dim3A_44 : vector<8x128xf32>
    %swap3A_46 = arith.constant 0 : index
    %swap3A_47 = arith.constant 0 : index
    %swap3A_48 = vector.load %arg7[%swap3A_46, %swap3A_47] : memref<8x128xf32, #tpu.memory_space<vmem>>, vector<8x128xf32>
    tpu.vector_store %arg7[%swap3A_46, %swap3A_47], %add3A_45 {strides = array<i32>} : memref<8x128xf32, #tpu.memory_space<vmem>>, vector<8x128xf32>,
    return
  }
  func.func @transform_0(%arg0: i32) -> (i32, i32, i32) {
    %c0_i32 = arith.constant 0 : i32
    %c0_i32_0 = arith.constant 0 : i32
    %c0_i32_1 = arith.constant 0 : i32
    return %c0_i32, %arg0, %c0_i32_0 : i32, i32, i32
  }
  func.func @transform_1(%arg0: i32) -> (i32, i32) {
    %c0_i32 = arith.constant 0 : i32
    %c0_i32_0 = arith.constant 0 : i32
    return %arg0, %c0_i32 : i32, i32
  }
  func.func @transform_2(%arg0: i32) -> (i32, i32) {
    %c0_i32 = arith.constant 0 : i32
    %c0_i32_0 = arith.constant 0 : i32
    return %arg0, %c0_i32 : i32, i32
  }
  func.func @transform_3(%arg0: i32) -> (i32, i32) {
    %c0_i32 = arith.constant 0 : i32
    %c0_i32_0 = arith.constant 0 : i32
    %c0_i32_1 = arith.constant 0 : i32
    return %c0_i32, %c0_i32_0 : i32, i32
  }
  func.func @transform_4(%arg0: i32) -> (i32, i32) {
    %c0_i32 = arith.constant 0 : i32
    %c0_i32_0 = arith.constant 0 : i32
    return %arg0, %c0_i32 : i32, i32
  }
  func.func @transform_5(%arg0: i32) -> (i32, i32) {
    %c0_i32 = arith.constant 0 : i32
    %c0_i32_0 = arith.constant 0 : i32
    %c0_i32_1 = arith.constant 0 : i32
    return %c0_i32, %c0_i32_0 : i32, i32
  }
  func.func @transform_6(%arg0: i32) -> (i32, i32) {
    %c0_i32 = arith.constant 0 : i32
    %c0_i32_0 = arith.constant 0 : i32
    %c0_i32_1 = arith.constant 0 : i32
    return %c0_i32, %c0_i32_0 : i32, i32
  }
}

module attributes {stable_mosaic.version = 14 : i64} {
  func.func @_bn_elu_body(%arg0: i32, %arg1: memref<1000x128xf32, #tpu.memory_space<vmem>>, %arg2: memref<1000x128xf32, #tpu.memory_space<vmem>>, %arg3: memref<8x128xf32, #tpu.memory_space<vmem>>, %arg4: memref<8x128xf32, #tpu.memory_space<vmem>>, %arg5: memref<1x128xf32, #tpu.memory_space<vmem>>, %arg6: memref<1x128xf32, #tpu.memory_space<vmem>>, %arg7: memref<1000x128xf32, #tpu.memory_space<vmem>>) attributes {dimension_semantics = [#tpu.dimension_semantics<arbitrary>], iteration_bounds = array<i64: 10>, scalar_prefetch = 0 : i64, scratch_operands = 0 : i64, tpu.core_type = #tpu.core_type<tc>, window_params = [{transform_indices = @transform_0, window_bounds = array<i64: 1000, 128>}, {transform_indices = @transform_1, window_bounds = array<i64: 1000, 128>}, {pipeline_mode = #tpu.pipeline_mode<synchronous>, transform_indices = @transform_2, window_bounds = array<i64: 8, 128>}, {pipeline_mode = #tpu.pipeline_mode<synchronous>, transform_indices = @transform_3, window_bounds = array<i64: 8, 128>}, {pipeline_mode = #tpu.pipeline_mode<synchronous>, transform_indices = @transform_4, window_bounds = array<i64: 1, 128>}, {pipeline_mode = #tpu.pipeline_mode<synchronous>, transform_indices = @transform_5, window_bounds = array<i64: 1, 128>}, {transform_indices = @transform_6, window_bounds = array<i64: 1000, 128>}]} {
    %get3A = arith.constant 0 : index
    %get3A_0 = arith.constant 0 : index
    %get3A_1 = vector.load %arg3[%get3A, %get3A_0] : memref<8x128xf32, #tpu.memory_space<vmem>>, vector<1x128xf32>
    %mul3A = arith.constant 9.99999974E-5 : f32
    %mul3A_2 = vector.broadcast %mul3A : f32 to vector<1x128xf32>
    %mul3A_3 = arith.mulf %get3A_1, %mul3A_2 : vector<1x128xf32>
    %get3A_4 = arith.constant 0 : index
    %get3A_5 = arith.constant 0 : index
    %get3A_6 = vector.load %arg4[%get3A_4, %get3A_5] : memref<8x128xf32, #tpu.memory_space<vmem>>, vector<1x128xf32>
    %mul3A_7 = arith.constant 9.99999974E-5 : f32
    %mul3A_8 = vector.broadcast %mul3A_7 : f32 to vector<1x128xf32>
    %mul3A_9 = arith.mulf %get3A_6, %mul3A_8 : vector<1x128xf32>
    %mul3A_10 = arith.mulf %mul3A_3, %mul3A_3 : vector<1x128xf32>
    %sub3A = arith.subf %mul3A_9, %mul3A_10 : vector<1x128xf32>
    %add3A = arith.constant 9.99999974E-6 : f32
    %add3A_11 = vector.broadcast %add3A : f32 to vector<1x128xf32>
    %add3A_12 = arith.addf %sub3A, %add3A_11 : vector<1x128xf32>
    %rsqrt3A = math.rsqrt %add3A_12 : vector<1x128xf32>
    %get3A_13 = arith.constant 0 : index
    %get3A_14 = arith.constant 0 : index
    %get3A_15 = vector.load %arg5[%get3A_13, %get3A_14] : memref<1x128xf32, #tpu.memory_space<vmem>>, vector<1x128xf32>
    %get3A_16 = arith.constant 0 : index
    %get3A_17 = arith.constant 0 : index
    %get3A_18 = vector.load %arg1[%get3A_16, %get3A_17] : memref<1000x128xf32, #tpu.memory_space<vmem>>, vector<1000x128xf32>
    %sub3A_19 = vector.broadcast %mul3A_3 : vector<1x128xf32> to vector<1000x128xf32>
    %sub3A_20 = arith.subf %get3A_18, %sub3A_19 : vector<1000x128xf32>
    %mul3A_21 = vector.broadcast %get3A_15 : vector<1x128xf32> to vector<1000x128xf32>
    %mul3A_22 = arith.mulf %mul3A_21, %sub3A_20 : vector<1000x128xf32>
    %mul3A_23 = vector.broadcast %rsqrt3A : vector<1x128xf32> to vector<1000x128xf32>
    %mul3A_24 = arith.mulf %mul3A_22, %mul3A_23 : vector<1000x128xf32>
    %get3A_25 = arith.constant 0 : index
    %get3A_26 = arith.constant 0 : index
    %get3A_27 = vector.load %arg6[%get3A_25, %get3A_26] : memref<1x128xf32, #tpu.memory_space<vmem>>, vector<1x128xf32>
    %add3A_28 = vector.broadcast %get3A_27 : vector<1x128xf32> to vector<1000x128xf32>
    %add3A_29 = arith.addf %mul3A_24, %add3A_28 : vector<1000x128xf32>
    %get3A_30 = arith.constant 0 : index
    %get3A_31 = arith.constant 0 : index
    %get3A_32 = vector.load %arg2[%get3A_30, %get3A_31] : memref<1000x128xf32, #tpu.memory_space<vmem>>, vector<1000x128xf32>
    %add3A_33 = arith.addf %add3A_29, %get3A_32 : vector<1000x128xf32>
    %gt3A = arith.constant 0.000000e+00 : f32
    %gt3A_34 = vector.broadcast %gt3A : f32 to vector<1000x128xf32>
    %gt3A_35 = arith.cmpf ogt, %add3A_33, %gt3A_34 : vector<1000x128xf32>
    %min3A = arith.constant 0.000000e+00 : f32
    %min3A_36 = vector.broadcast %min3A : f32 to vector<1000x128xf32>
    %min3A_37 = arith.minimumf %add3A_33, %min3A_36 : vector<1000x128xf32>
    %exp3A = math.exp %min3A_37 : vector<1000x128xf32>
    %sub3A_38 = arith.constant 1.000000e+00 : f32
    %sub3A_39 = vector.broadcast %sub3A_38 : f32 to vector<1000x128xf32>
    %sub3A_40 = arith.subf %exp3A, %sub3A_39 : vector<1000x128xf32>
    %select_n3A = arith.select %gt3A_35, %add3A_33, %sub3A_40 : vector<1000x128xi1>, vector<1000x128xf32>
    %swap3A = arith.constant 0 : index
    %swap3A_41 = arith.constant 0 : index
    %swap3A_42 = vector.load %arg7[%swap3A, %swap3A_41] : memref<1000x128xf32, #tpu.memory_space<vmem>>, vector<1000x128xf32>
    tpu.vector_store %arg7[%swap3A, %swap3A_41], %select_n3A {strides = array<i32>} : memref<1000x128xf32, #tpu.memory_space<vmem>>, vector<1000x128xf32>,
    return
  }
  func.func @transform_0(%arg0: i32) -> (i32, i32) {
    %c0_i32 = arith.constant 0 : i32
    %c0_i32_0 = arith.constant 0 : i32
    return %arg0, %c0_i32 : i32, i32
  }
  func.func @transform_1(%arg0: i32) -> (i32, i32) {
    %c0_i32 = arith.constant 0 : i32
    %c0_i32_0 = arith.constant 0 : i32
    return %arg0, %c0_i32 : i32, i32
  }
  func.func @transform_2(%arg0: i32) -> (i32, i32) {
    %c0_i32 = arith.constant 0 : i32
    %c0_i32_0 = arith.constant 0 : i32
    %c0_i32_1 = arith.constant 0 : i32
    return %c0_i32, %c0_i32_0 : i32, i32
  }
  func.func @transform_3(%arg0: i32) -> (i32, i32) {
    %c0_i32 = arith.constant 0 : i32
    %c0_i32_0 = arith.constant 0 : i32
    %c0_i32_1 = arith.constant 0 : i32
    return %c0_i32, %c0_i32_0 : i32, i32
  }
  func.func @transform_4(%arg0: i32) -> (i32, i32) {
    %c0_i32 = arith.constant 0 : i32
    %c0_i32_0 = arith.constant 0 : i32
    %c0_i32_1 = arith.constant 0 : i32
    return %c0_i32, %c0_i32_0 : i32, i32
  }
  func.func @transform_5(%arg0: i32) -> (i32, i32) {
    %c0_i32 = arith.constant 0 : i32
    %c0_i32_0 = arith.constant 0 : i32
    %c0_i32_1 = arith.constant 0 : i32
    return %c0_i32, %c0_i32_0 : i32, i32
  }
  func.func @transform_6(%arg0: i32) -> (i32, i32) {
    %c0_i32 = arith.constant 0 : i32
    %c0_i32_0 = arith.constant 0 : i32
    return %arg0, %c0_i32 : i32, i32
  }
}

module attributes {stable_mosaic.version = 14 : i64} {
  func.func @_lin2_body(%arg0: i32, %arg1: memref<1000x128xf32, #tpu.memory_space<vmem>>, %arg2: memref<1000x128xf32, #tpu.memory_space<vmem>>, %arg3: memref<128x128xf32, #tpu.memory_space<vmem>>, %arg4: memref<128x128xf32, #tpu.memory_space<vmem>>, %arg5: memref<1x128xf32, #tpu.memory_space<vmem>>, %arg6: memref<1000x1xf32, #tpu.memory_space<vmem>>, %arg7: memref<1000x128xf32, #tpu.memory_space<vmem>>, %arg8: memref<1000x128xf32, #tpu.memory_space<vmem>>) attributes {dimension_semantics = [#tpu.dimension_semantics<arbitrary>], iteration_bounds = array<i64: 10>, scalar_prefetch = 0 : i64, scratch_operands = 0 : i64, tpu.core_type = #tpu.core_type<tc>, window_params = [{transform_indices = @transform_0, window_bounds = array<i64: 1000, 128>}, {transform_indices = @transform_1, window_bounds = array<i64: 1000, 128>}, {pipeline_mode = #tpu.pipeline_mode<synchronous>, transform_indices = @transform_2, window_bounds = array<i64: 128, 128>}, {pipeline_mode = #tpu.pipeline_mode<synchronous>, transform_indices = @transform_3, window_bounds = array<i64: 128, 128>}, {pipeline_mode = #tpu.pipeline_mode<synchronous>, transform_indices = @transform_4, window_bounds = array<i64: 1, 128>}, {transform_indices = @transform_5, window_bounds = array<i64: 1000, 1>}, {transform_indices = @transform_6, window_bounds = array<i64: 1000, 128>}, {transform_indices = @transform_7, window_bounds = array<i64: 1000, 128>}]} {
    %get3A = arith.constant 0 : index
    %get3A_0 = arith.constant 0 : index
    %get3A_1 = vector.load %arg1[%get3A, %get3A_0] : memref<1000x128xf32, #tpu.memory_space<vmem>>, vector<1000x128xf32>
    %get3A_2 = arith.constant 0 : index
    %get3A_3 = arith.constant 0 : index
    %get3A_4 = vector.load %arg3[%get3A_2, %get3A_3] : memref<128x128xf32, #tpu.memory_space<vmem>>, vector<128x128xf32>
    %dot_general3A = arith.constant dense<0.000000e+00> : vector<1000x128xf32>
    %dot_general3A_5 = tpu.matmul %get3A_1, %get3A_4, %dot_general3A {dimension_numbers = #tpu.dot_dimension_numbers<[1], [0], [0], [1], [0, 0, 1, 1], [], []>, transpose_lhs_hint = false} : vector<1000x128xf32>, vector<128x128xf32>, vector<1000x128xf32> -> vector<1000x128xf32>
    %get3A_6 = arith.constant 0 : index
    %get3A_7 = arith.constant 0 : index
    %get3A_8 = vector.load %arg6[%get3A_6, %get3A_7] : memref<1000x1xf32, #tpu.memory_space<vmem>>, vector<1000x1xf32>
    %mul3A = vector.broadcast %get3A_8 : vector<1000x1xf32> to vector<1000x128xf32>
    %mul3A_9 = arith.mulf %dot_general3A_5, %mul3A : vector<1000x128xf32>
    %swap3A = arith.constant 0 : index
    %swap3A_10 = arith.constant 0 : index
    %swap3A_11 = vector.load %arg7[%swap3A, %swap3A_10] : memref<1000x128xf32, #tpu.memory_space<vmem>>, vector<1000x128xf32>
    tpu.vector_store %arg7[%swap3A, %swap3A_10], %mul3A_9 {strides = array<i32>} : memref<1000x128xf32, #tpu.memory_space<vmem>>, vector<1000x128xf32>,
    %get3A_12 = arith.constant 0 : index
    %get3A_13 = arith.constant 0 : index
    %get3A_14 = vector.load %arg2[%get3A_12, %get3A_13] : memref<1000x128xf32, #tpu.memory_space<vmem>>, vector<1000x128xf32>
    %get3A_15 = arith.constant 0 : index
    %get3A_16 = arith.constant 0 : index
    %get3A_17 = vector.load %arg4[%get3A_15, %get3A_16] : memref<128x128xf32, #tpu.memory_space<vmem>>, vector<128x128xf32>
    %dot_general3A_18 = arith.constant dense<0.000000e+00> : vector<1000x128xf32>
    %dot_general3A_19 = tpu.matmul %get3A_14, %get3A_17, %dot_general3A_18 {dimension_numbers = #tpu.dot_dimension_numbers<[1], [0], [0], [1], [0, 0, 1, 1], [], []>, transpose_lhs_hint = false} : vector<1000x128xf32>, vector<128x128xf32>, vector<1000x128xf32> -> vector<1000x128xf32>
    %get3A_20 = arith.constant 0 : index
    %get3A_21 = arith.constant 0 : index
    %get3A_22 = vector.load %arg5[%get3A_20, %get3A_21] : memref<1x128xf32, #tpu.memory_space<vmem>>, vector<1x128xf32>
    %add3A = vector.broadcast %get3A_22 : vector<1x128xf32> to vector<1000x128xf32>
    %add3A_23 = arith.addf %dot_general3A_19, %add3A : vector<1000x128xf32>
    %swap3A_24 = arith.constant 0 : index
    %swap3A_25 = arith.constant 0 : index
    %swap3A_26 = vector.load %arg8[%swap3A_24, %swap3A_25] : memref<1000x128xf32, #tpu.memory_space<vmem>>, vector<1000x128xf32>
    tpu.vector_store %arg8[%swap3A_24, %swap3A_25], %add3A_23 {strides = array<i32>} : memref<1000x128xf32, #tpu.memory_space<vmem>>, vector<1000x128xf32>,
    return
  }
  func.func @transform_0(%arg0: i32) -> (i32, i32) {
    %c0_i32 = arith.constant 0 : i32
    %c0_i32_0 = arith.constant 0 : i32
    return %arg0, %c0_i32 : i32, i32
  }
  func.func @transform_1(%arg0: i32) -> (i32, i32) {
    %c0_i32 = arith.constant 0 : i32
    %c0_i32_0 = arith.constant 0 : i32
    return %arg0, %c0_i32 : i32, i32
  }
  func.func @transform_2(%arg0: i32) -> (i32, i32) {
    %c0_i32 = arith.constant 0 : i32
    %c0_i32_0 = arith.constant 0 : i32
    %c0_i32_1 = arith.constant 0 : i32
    return %c0_i32, %c0_i32_0 : i32, i32
  }
  func.func @transform_3(%arg0: i32) -> (i32, i32) {
    %c0_i32 = arith.constant 0 : i32
    %c0_i32_0 = arith.constant 0 : i32
    %c0_i32_1 = arith.constant 0 : i32
    return %c0_i32, %c0_i32_0 : i32, i32
  }
  func.func @transform_4(%arg0: i32) -> (i32, i32) {
    %c0_i32 = arith.constant 0 : i32
    %c0_i32_0 = arith.constant 0 : i32
    %c0_i32_1 = arith.constant 0 : i32
    return %c0_i32, %c0_i32_0 : i32, i32
  }
  func.func @transform_5(%arg0: i32) -> (i32, i32) {
    %c0_i32 = arith.constant 0 : i32
    %c0_i32_0 = arith.constant 0 : i32
    return %arg0, %c0_i32 : i32, i32
  }
  func.func @transform_6(%arg0: i32) -> (i32, i32) {
    %c0_i32 = arith.constant 0 : i32
    %c0_i32_0 = arith.constant 0 : i32
    return %arg0, %c0_i32 : i32, i32
  }
  func.func @transform_7(%arg0: i32) -> (i32, i32) {
    %c0_i32 = arith.constant 0 : i32
    %c0_i32_0 = arith.constant 0 : i32
    return %arg0, %c0_i32 : i32, i32
  }
}

module attributes {stable_mosaic.version = 14 : i64} {
  func.func @_lin2_body(%arg0: i32, %arg1: memref<1000x128xf32, #tpu.memory_space<vmem>>, %arg2: memref<1000x128xf32, #tpu.memory_space<vmem>>, %arg3: memref<128x256xf32, #tpu.memory_space<vmem>>, %arg4: memref<128x256xf32, #tpu.memory_space<vmem>>, %arg5: memref<1x256xf32, #tpu.memory_space<vmem>>, %arg6: memref<1000x1xf32, #tpu.memory_space<vmem>>, %arg7: memref<1000x256xf32, #tpu.memory_space<vmem>>, %arg8: memref<1000x256xf32, #tpu.memory_space<vmem>>) attributes {dimension_semantics = [#tpu.dimension_semantics<arbitrary>], iteration_bounds = array<i64: 10>, scalar_prefetch = 0 : i64, scratch_operands = 0 : i64, tpu.core_type = #tpu.core_type<tc>, window_params = [{transform_indices = @transform_0, window_bounds = array<i64: 1000, 128>}, {transform_indices = @transform_1, window_bounds = array<i64: 1000, 128>}, {pipeline_mode = #tpu.pipeline_mode<synchronous>, transform_indices = @transform_2, window_bounds = array<i64: 128, 256>}, {pipeline_mode = #tpu.pipeline_mode<synchronous>, transform_indices = @transform_3, window_bounds = array<i64: 128, 256>}, {pipeline_mode = #tpu.pipeline_mode<synchronous>, transform_indices = @transform_4, window_bounds = array<i64: 1, 256>}, {transform_indices = @transform_5, window_bounds = array<i64: 1000, 1>}, {transform_indices = @transform_6, window_bounds = array<i64: 1000, 256>}, {transform_indices = @transform_7, window_bounds = array<i64: 1000, 256>}]} {
    %get3A = arith.constant 0 : index
    %get3A_0 = arith.constant 0 : index
    %get3A_1 = vector.load %arg1[%get3A, %get3A_0] : memref<1000x128xf32, #tpu.memory_space<vmem>>, vector<1000x128xf32>
    %get3A_2 = arith.constant 0 : index
    %get3A_3 = arith.constant 0 : index
    %get3A_4 = vector.load %arg3[%get3A_2, %get3A_3] : memref<128x256xf32, #tpu.memory_space<vmem>>, vector<128x256xf32>
    %dot_general3A = arith.constant dense<0.000000e+00> : vector<1000x256xf32>
    %dot_general3A_5 = tpu.matmul %get3A_1, %get3A_4, %dot_general3A {dimension_numbers = #tpu.dot_dimension_numbers<[1], [0], [0], [1], [0, 0, 1, 1], [], []>, transpose_lhs_hint = false} : vector<1000x128xf32>, vector<128x256xf32>, vector<1000x256xf32> -> vector<1000x256xf32>
    %get3A_6 = arith.constant 0 : index
    %get3A_7 = arith.constant 0 : index
    %get3A_8 = vector.load %arg6[%get3A_6, %get3A_7] : memref<1000x1xf32, #tpu.memory_space<vmem>>, vector<1000x1xf32>
    %mul3A = vector.broadcast %get3A_8 : vector<1000x1xf32> to vector<1000x256xf32>
    %mul3A_9 = arith.mulf %dot_general3A_5, %mul3A : vector<1000x256xf32>
    %swap3A = arith.constant 0 : index
    %swap3A_10 = arith.constant 0 : index
    %swap3A_11 = vector.load %arg7[%swap3A, %swap3A_10] : memref<1000x256xf32, #tpu.memory_space<vmem>>, vector<1000x256xf32>
    tpu.vector_store %arg7[%swap3A, %swap3A_10], %mul3A_9 {strides = array<i32>} : memref<1000x256xf32, #tpu.memory_space<vmem>>, vector<1000x256xf32>,
    %get3A_12 = arith.constant 0 : index
    %get3A_13 = arith.constant 0 : index
    %get3A_14 = vector.load %arg2[%get3A_12, %get3A_13] : memref<1000x128xf32, #tpu.memory_space<vmem>>, vector<1000x128xf32>
    %get3A_15 = arith.constant 0 : index
    %get3A_16 = arith.constant 0 : index
    %get3A_17 = vector.load %arg4[%get3A_15, %get3A_16] : memref<128x256xf32, #tpu.memory_space<vmem>>, vector<128x256xf32>
    %dot_general3A_18 = arith.constant dense<0.000000e+00> : vector<1000x256xf32>
    %dot_general3A_19 = tpu.matmul %get3A_14, %get3A_17, %dot_general3A_18 {dimension_numbers = #tpu.dot_dimension_numbers<[1], [0], [0], [1], [0, 0, 1, 1], [], []>, transpose_lhs_hint = false} : vector<1000x128xf32>, vector<128x256xf32>, vector<1000x256xf32> -> vector<1000x256xf32>
    %get3A_20 = arith.constant 0 : index
    %get3A_21 = arith.constant 0 : index
    %get3A_22 = vector.load %arg5[%get3A_20, %get3A_21] : memref<1x256xf32, #tpu.memory_space<vmem>>, vector<1x256xf32>
    %add3A = vector.broadcast %get3A_22 : vector<1x256xf32> to vector<1000x256xf32>
    %add3A_23 = arith.addf %dot_general3A_19, %add3A : vector<1000x256xf32>
    %swap3A_24 = arith.constant 0 : index
    %swap3A_25 = arith.constant 0 : index
    %swap3A_26 = vector.load %arg8[%swap3A_24, %swap3A_25] : memref<1000x256xf32, #tpu.memory_space<vmem>>, vector<1000x256xf32>
    tpu.vector_store %arg8[%swap3A_24, %swap3A_25], %add3A_23 {strides = array<i32>} : memref<1000x256xf32, #tpu.memory_space<vmem>>, vector<1000x256xf32>,
    return
  }
  func.func @transform_0(%arg0: i32) -> (i32, i32) {
    %c0_i32 = arith.constant 0 : i32
    %c0_i32_0 = arith.constant 0 : i32
    return %arg0, %c0_i32 : i32, i32
  }
  func.func @transform_1(%arg0: i32) -> (i32, i32) {
    %c0_i32 = arith.constant 0 : i32
    %c0_i32_0 = arith.constant 0 : i32
    return %arg0, %c0_i32 : i32, i32
  }
  func.func @transform_2(%arg0: i32) -> (i32, i32) {
    %c0_i32 = arith.constant 0 : i32
    %c0_i32_0 = arith.constant 0 : i32
    %c0_i32_1 = arith.constant 0 : i32
    return %c0_i32, %c0_i32_0 : i32, i32
  }
  func.func @transform_3(%arg0: i32) -> (i32, i32) {
    %c0_i32 = arith.constant 0 : i32
    %c0_i32_0 = arith.constant 0 : i32
    %c0_i32_1 = arith.constant 0 : i32
    return %c0_i32, %c0_i32_0 : i32, i32
  }
  func.func @transform_4(%arg0: i32) -> (i32, i32) {
    %c0_i32 = arith.constant 0 : i32
    %c0_i32_0 = arith.constant 0 : i32
    %c0_i32_1 = arith.constant 0 : i32
    return %c0_i32, %c0_i32_0 : i32, i32
  }
  func.func @transform_5(%arg0: i32) -> (i32, i32) {
    %c0_i32 = arith.constant 0 : i32
    %c0_i32_0 = arith.constant 0 : i32
    return %arg0, %c0_i32 : i32, i32
  }
  func.func @transform_6(%arg0: i32) -> (i32, i32) {
    %c0_i32 = arith.constant 0 : i32
    %c0_i32_0 = arith.constant 0 : i32
    return %arg0, %c0_i32 : i32, i32
  }
  func.func @transform_7(%arg0: i32) -> (i32, i32) {
    %c0_i32 = arith.constant 0 : i32
    %c0_i32_0 = arith.constant 0 : i32
    return %arg0, %c0_i32 : i32, i32
  }
}

module attributes {stable_mosaic.version = 14 : i64} {
  func.func @_post_body(%arg0: i32, %arg1: memref<2x1000x128xf32, #tpu.memory_space<vmem>>, %arg2: memref<1000x256xf32, #tpu.memory_space<vmem>>, %arg3: memref<1000x1xf32, #tpu.memory_space<vmem>>, %arg4: memref<1x256xf32, #tpu.memory_space<vmem>>, %arg5: memref<1000x256xf32, #tpu.memory_space<vmem>>, %arg6: memref<8x256xf32, #tpu.memory_space<vmem>>, %arg7: memref<8x256xf32, #tpu.memory_space<vmem>>) attributes {dimension_semantics = [#tpu.dimension_semantics<arbitrary>], iteration_bounds = array<i64: 10>, scalar_prefetch = 0 : i64, scratch_operands = 0 : i64, tpu.core_type = #tpu.core_type<tc>, window_params = [{transform_indices = @transform_0, window_bounds = array<i64: 2, 1000, 128>}, {transform_indices = @transform_1, window_bounds = array<i64: 1000, 256>}, {transform_indices = @transform_2, window_bounds = array<i64: 1000, 1>}, {pipeline_mode = #tpu.pipeline_mode<synchronous>, transform_indices = @transform_3, window_bounds = array<i64: 1, 256>}, {transform_indices = @transform_4, window_bounds = array<i64: 1000, 256>}, {pipeline_mode = #tpu.pipeline_mode<synchronous>, transform_indices = @transform_5, window_bounds = array<i64: 8, 256>}, {pipeline_mode = #tpu.pipeline_mode<synchronous>, transform_indices = @transform_6, window_bounds = array<i64: 8, 256>}]} {
    %get3A = arith.constant 0 : index
    %get3A_0 = arith.constant 0 : index
    %get3A_1 = arith.constant 0 : index
    %get3A_2 = vector.load %arg1[%get3A, %get3A_0, %get3A_1] : memref<2x1000x128xf32, #tpu.memory_space<vmem>>, vector<1x1000x128xf32>
    %get3A_3 = vector.shape_cast %get3A_2 : vector<1x1000x128xf32> to vector<1000x128xf32>
    %get3A_4 = arith.constant 1 : index
    %get3A_5 = arith.constant 0 : index
    %get3A_6 = arith.constant 0 : index
    %get3A_7 = vector.load %arg1[%get3A_4, %get3A_5, %get3A_6] : memref<2x1000x128xf32, #tpu.memory_space<vmem>>, vector<1x1000x128xf32>
    %get3A_8 = vector.shape_cast %get3A_7 : vector<1x1000x128xf32> to vector<1000x128xf32>
    %concatenate3A = tpu.concatenate %get3A_3, %get3A_8 in 1 : vector<1000x128xf32>, vector<1000x128xf32> -> vector<1000x256xf32>
    %get3A_9 = arith.constant 0 : index
    %get3A_10 = arith.constant 0 : index
    %get3A_11 = vector.load %arg2[%get3A_9, %get3A_10] : memref<1000x256xf32, #tpu.memory_space<vmem>>, vector<1000x256xf32>
    %add3A = arith.addf %concatenate3A, %get3A_11 : vector<1000x256xf32>
    %get3A_12 = arith.constant 0 : index
    %get3A_13 = arith.constant 0 : index
    %get3A_14 = vector.load %arg3[%get3A_12, %get3A_13] : memref<1000x1xf32, #tpu.memory_space<vmem>>, vector<1000x1xf32>
    %mul3A = vector.broadcast %get3A_14 : vector<1000x1xf32> to vector<1000x256xf32>
    %mul3A_15 = arith.mulf %add3A, %mul3A : vector<1000x256xf32>
    %get3A_16 = arith.constant 0 : index
    %get3A_17 = arith.constant 0 : index
    %get3A_18 = vector.load %arg4[%get3A_16, %get3A_17] : memref<1x256xf32, #tpu.memory_space<vmem>>, vector<1x256xf32>
    %add3A_19 = vector.broadcast %get3A_18 : vector<1x256xf32> to vector<1000x256xf32>
    %add3A_20 = arith.addf %mul3A_15, %add3A_19 : vector<1000x256xf32>
    %swap3A = arith.constant 0 : index
    %swap3A_21 = arith.constant 0 : index
    %swap3A_22 = vector.load %arg5[%swap3A, %swap3A_21] : memref<1000x256xf32, #tpu.memory_space<vmem>>, vector<1000x256xf32>
    tpu.vector_store %arg5[%swap3A, %swap3A_21], %add3A_20 {strides = array<i32>} : memref<1000x256xf32, #tpu.memory_space<vmem>>, vector<1000x256xf32>,
    %eq3A = arith.constant 0 : i32
    %eq3A_23 = arith.cmpi eq, %arg0, %eq3A : i32
    %convert_element_type3A = arith.extui %eq3A_23 : i1 to i32
    %cond3A = arith.constant 0 : i32
    %cond3A_24 = arith.cmpi ne, %convert_element_type3A, %cond3A : i32
    scf.if %cond3A_24 {
      %broadcast_in_dim3A_48 = arith.constant 0.000000e+00 : f32
      %broadcast_in_dim3A_49 = vector.broadcast %broadcast_in_dim3A_48 : f32 to vector<8x256xf32>
      %swap3A_50 = arith.constant 0 : index
      %swap3A_51 = arith.constant 0 : index
      %swap3A_52 = vector.load %arg6[%swap3A_50, %swap3A_51] : memref<8x256xf32, #tpu.memory_space<vmem>>, vector<8x256xf32>
      tpu.vector_store %arg6[%swap3A_50, %swap3A_51], %broadcast_in_dim3A_49 {strides = array<i32>} : memref<8x256xf32, #tpu.memory_space<vmem>>, vector<8x256xf32>,
      %broadcast_in_dim3A_53 = arith.constant 0.000000e+00 : f32
      %broadcast_in_dim3A_54 = vector.broadcast %broadcast_in_dim3A_53 : f32 to vector<8x256xf32>
      %swap3A_55 = arith.constant 0 : index
      %swap3A_56 = arith.constant 0 : index
      %swap3A_57 = vector.load %arg7[%swap3A_55, %swap3A_56] : memref<8x256xf32, #tpu.memory_space<vmem>>, vector<8x256xf32>
      tpu.vector_store %arg7[%swap3A_55, %swap3A_56], %broadcast_in_dim3A_54 {strides = array<i32>} : memref<8x256xf32, #tpu.memory_space<vmem>>, vector<8x256xf32>,
    } else {
    }
    %get3A_25 = arith.constant 0 : index
    %get3A_26 = arith.constant 0 : index
    %get3A_27 = vector.load %arg6[%get3A_25, %get3A_26] : memref<8x256xf32, #tpu.memory_space<vmem>>, vector<8x256xf32>
    %reduce_sum3A = arith.constant dense<0.000000e+00> : vector<256xf32>
    %reduce_sum3A_28 = vector.multi_reduction <add>, %add3A_20, %reduce_sum3A [0] : vector<1000x256xf32> to vector<256xf32>
    %broadcast_in_dim3A = vector.shape_cast %reduce_sum3A_28 : vector<256xf32> to vector<1x256xf32>
    %broadcast_in_dim3A_29 = vector.shape_cast %broadcast_in_dim3A : vector<1x256xf32> to vector<1x256xf32>
    %broadcast_in_dim3A_30 = vector.broadcast %broadcast_in_dim3A_29 : vector<1x256xf32> to vector<8x256xf32>
    %add3A_31 = arith.addf %get3A_27, %broadcast_in_dim3A_30 : vector<8x256xf32>
    %swap3A_32 = arith.constant 0 : index
    %swap3A_33 = arith.constant 0 : index
    %swap3A_34 = vector.load %arg6[%swap3A_32, %swap3A_33] : memref<8x256xf32, #tpu.memory_space<vmem>>, vector<8x256xf32>
    tpu.vector_store %arg6[%swap3A_32, %swap3A_33], %add3A_31 {strides = array<i32>} : memref<8x256xf32, #tpu.memory_space<vmem>>, vector<8x256xf32>,
    %get3A_35 = arith.constant 0 : index
    %get3A_36 = arith.constant 0 : index
    %get3A_37 = vector.load %arg7[%get3A_35, %get3A_36] : memref<8x256xf32, #tpu.memory_space<vmem>>, vector<8x256xf32>
    %mul3A_38 = arith.mulf %add3A_20, %add3A_20 : vector<1000x256xf32>
    %reduce_sum3A_39 = arith.constant dense<0.000000e+00> : vector<256xf32>
    %reduce_sum3A_40 = vector.multi_reduction <add>, %mul3A_38, %reduce_sum3A_39 [0] : vector<1000x256xf32> to vector<256xf32>
    %broadcast_in_dim3A_41 = vector.shape_cast %reduce_sum3A_40 : vector<256xf32> to vector<1x256xf32>
    %broadcast_in_dim3A_42 = vector.shape_cast %broadcast_in_dim3A_41 : vector<1x256xf32> to vector<1x256xf32>
    %broadcast_in_dim3A_43 = vector.broadcast %broadcast_in_dim3A_42 : vector<1x256xf32> to vector<8x256xf32>
    %add3A_44 = arith.addf %get3A_37, %broadcast_in_dim3A_43 : vector<8x256xf32>
    %swap3A_45 = arith.constant 0 : index
    %swap3A_46 = arith.constant 0 : index
    %swap3A_47 = vector.load %arg7[%swap3A_45, %swap3A_46] : memref<8x256xf32, #tpu.memory_space<vmem>>, vector<8x256xf32>
    tpu.vector_store %arg7[%swap3A_45, %swap3A_46], %add3A_44 {strides = array<i32>} : memref<8x256xf32, #tpu.memory_space<vmem>>, vector<8x256xf32>,
    return
  }
  func.func @transform_0(%arg0: i32) -> (i32, i32, i32) {
    %c0_i32 = arith.constant 0 : i32
    %c0_i32_0 = arith.constant 0 : i32
    %c0_i32_1 = arith.constant 0 : i32
    return %c0_i32, %arg0, %c0_i32_0 : i32, i32, i32
  }
  func.func @transform_1(%arg0: i32) -> (i32, i32) {
    %c0_i32 = arith.constant 0 : i32
    %c0_i32_0 = arith.constant 0 : i32
    return %arg0, %c0_i32 : i32, i32
  }
  func.func @transform_2(%arg0: i32) -> (i32, i32) {
    %c0_i32 = arith.constant 0 : i32
    %c0_i32_0 = arith.constant 0 : i32
    return %arg0, %c0_i32 : i32, i32
  }
  func.func @transform_3(%arg0: i32) -> (i32, i32) {
    %c0_i32 = arith.constant 0 : i32
    %c0_i32_0 = arith.constant 0 : i32
    %c0_i32_1 = arith.constant 0 : i32
    return %c0_i32, %c0_i32_0 : i32, i32
  }
  func.func @transform_4(%arg0: i32) -> (i32, i32) {
    %c0_i32 = arith.constant 0 : i32
    %c0_i32_0 = arith.constant 0 : i32
    return %arg0, %c0_i32 : i32, i32
  }
  func.func @transform_5(%arg0: i32) -> (i32, i32) {
    %c0_i32 = arith.constant 0 : i32
    %c0_i32_0 = arith.constant 0 : i32
    %c0_i32_1 = arith.constant 0 : i32
    return %c0_i32, %c0_i32_0 : i32, i32
  }
  func.func @transform_6(%arg0: i32) -> (i32, i32) {
    %c0_i32 = arith.constant 0 : i32
    %c0_i32_0 = arith.constant 0 : i32
    %c0_i32_1 = arith.constant 0 : i32
    return %c0_i32, %c0_i32_0 : i32, i32
  }
}

module attributes {stable_mosaic.version = 14 : i64} {
  func.func @_bn_elu_body(%arg0: i32, %arg1: memref<1000x256xf32, #tpu.memory_space<vmem>>, %arg2: memref<1000x256xf32, #tpu.memory_space<vmem>>, %arg3: memref<8x256xf32, #tpu.memory_space<vmem>>, %arg4: memref<8x256xf32, #tpu.memory_space<vmem>>, %arg5: memref<1x256xf32, #tpu.memory_space<vmem>>, %arg6: memref<1x256xf32, #tpu.memory_space<vmem>>, %arg7: memref<1000x256xf32, #tpu.memory_space<vmem>>) attributes {dimension_semantics = [#tpu.dimension_semantics<arbitrary>], iteration_bounds = array<i64: 10>, scalar_prefetch = 0 : i64, scratch_operands = 0 : i64, tpu.core_type = #tpu.core_type<tc>, window_params = [{transform_indices = @transform_0, window_bounds = array<i64: 1000, 256>}, {transform_indices = @transform_1, window_bounds = array<i64: 1000, 256>}, {pipeline_mode = #tpu.pipeline_mode<synchronous>, transform_indices = @transform_2, window_bounds = array<i64: 8, 256>}, {pipeline_mode = #tpu.pipeline_mode<synchronous>, transform_indices = @transform_3, window_bounds = array<i64: 8, 256>}, {pipeline_mode = #tpu.pipeline_mode<synchronous>, transform_indices = @transform_4, window_bounds = array<i64: 1, 256>}, {pipeline_mode = #tpu.pipeline_mode<synchronous>, transform_indices = @transform_5, window_bounds = array<i64: 1, 256>}, {transform_indices = @transform_6, window_bounds = array<i64: 1000, 256>}]} {
    %get3A = arith.constant 0 : index
    %get3A_0 = arith.constant 0 : index
    %get3A_1 = vector.load %arg3[%get3A, %get3A_0] : memref<8x256xf32, #tpu.memory_space<vmem>>, vector<1x256xf32>
    %mul3A = arith.constant 9.99999974E-5 : f32
    %mul3A_2 = vector.broadcast %mul3A : f32 to vector<1x256xf32>
    %mul3A_3 = arith.mulf %get3A_1, %mul3A_2 : vector<1x256xf32>
    %get3A_4 = arith.constant 0 : index
    %get3A_5 = arith.constant 0 : index
    %get3A_6 = vector.load %arg4[%get3A_4, %get3A_5] : memref<8x256xf32, #tpu.memory_space<vmem>>, vector<1x256xf32>
    %mul3A_7 = arith.constant 9.99999974E-5 : f32
    %mul3A_8 = vector.broadcast %mul3A_7 : f32 to vector<1x256xf32>
    %mul3A_9 = arith.mulf %get3A_6, %mul3A_8 : vector<1x256xf32>
    %mul3A_10 = arith.mulf %mul3A_3, %mul3A_3 : vector<1x256xf32>
    %sub3A = arith.subf %mul3A_9, %mul3A_10 : vector<1x256xf32>
    %add3A = arith.constant 9.99999974E-6 : f32
    %add3A_11 = vector.broadcast %add3A : f32 to vector<1x256xf32>
    %add3A_12 = arith.addf %sub3A, %add3A_11 : vector<1x256xf32>
    %rsqrt3A = math.rsqrt %add3A_12 : vector<1x256xf32>
    %get3A_13 = arith.constant 0 : index
    %get3A_14 = arith.constant 0 : index
    %get3A_15 = vector.load %arg5[%get3A_13, %get3A_14] : memref<1x256xf32, #tpu.memory_space<vmem>>, vector<1x256xf32>
    %get3A_16 = arith.constant 0 : index
    %get3A_17 = arith.constant 0 : index
    %get3A_18 = vector.load %arg1[%get3A_16, %get3A_17] : memref<1000x256xf32, #tpu.memory_space<vmem>>, vector<1000x256xf32>
    %sub3A_19 = vector.broadcast %mul3A_3 : vector<1x256xf32> to vector<1000x256xf32>
    %sub3A_20 = arith.subf %get3A_18, %sub3A_19 : vector<1000x256xf32>
    %mul3A_21 = vector.broadcast %get3A_15 : vector<1x256xf32> to vector<1000x256xf32>
    %mul3A_22 = arith.mulf %mul3A_21, %sub3A_20 : vector<1000x256xf32>
    %mul3A_23 = vector.broadcast %rsqrt3A : vector<1x256xf32> to vector<1000x256xf32>
    %mul3A_24 = arith.mulf %mul3A_22, %mul3A_23 : vector<1000x256xf32>
    %get3A_25 = arith.constant 0 : index
    %get3A_26 = arith.constant 0 : index
    %get3A_27 = vector.load %arg6[%get3A_25, %get3A_26] : memref<1x256xf32, #tpu.memory_space<vmem>>, vector<1x256xf32>
    %add3A_28 = vector.broadcast %get3A_27 : vector<1x256xf32> to vector<1000x256xf32>
    %add3A_29 = arith.addf %mul3A_24, %add3A_28 : vector<1000x256xf32>
    %get3A_30 = arith.constant 0 : index
    %get3A_31 = arith.constant 0 : index
    %get3A_32 = vector.load %arg2[%get3A_30, %get3A_31] : memref<1000x256xf32, #tpu.memory_space<vmem>>, vector<1000x256xf32>
    %add3A_33 = arith.addf %add3A_29, %get3A_32 : vector<1000x256xf32>
    %gt3A = arith.constant 0.000000e+00 : f32
    %gt3A_34 = vector.broadcast %gt3A : f32 to vector<1000x256xf32>
    %gt3A_35 = arith.cmpf ogt, %add3A_33, %gt3A_34 : vector<1000x256xf32>
    %min3A = arith.constant 0.000000e+00 : f32
    %min3A_36 = vector.broadcast %min3A : f32 to vector<1000x256xf32>
    %min3A_37 = arith.minimumf %add3A_33, %min3A_36 : vector<1000x256xf32>
    %exp3A = math.exp %min3A_37 : vector<1000x256xf32>
    %sub3A_38 = arith.constant 1.000000e+00 : f32
    %sub3A_39 = vector.broadcast %sub3A_38 : f32 to vector<1000x256xf32>
    %sub3A_40 = arith.subf %exp3A, %sub3A_39 : vector<1000x256xf32>
    %select_n3A = arith.select %gt3A_35, %add3A_33, %sub3A_40 : vector<1000x256xi1>, vector<1000x256xf32>
    %swap3A = arith.constant 0 : index
    %swap3A_41 = arith.constant 0 : index
    %swap3A_42 = vector.load %arg7[%swap3A, %swap3A_41] : memref<1000x256xf32, #tpu.memory_space<vmem>>, vector<1000x256xf32>
    tpu.vector_store %arg7[%swap3A, %swap3A_41], %select_n3A {strides = array<i32>} : memref<1000x256xf32, #tpu.memory_space<vmem>>, vector<1000x256xf32>,
    return
  }
  func.func @transform_0(%arg0: i32) -> (i32, i32) {
    %c0_i32 = arith.constant 0 : i32
    %c0_i32_0 = arith.constant 0 : i32
    return %arg0, %c0_i32 : i32, i32
  }
  func.func @transform_1(%arg0: i32) -> (i32, i32) {
    %c0_i32 = arith.constant 0 : i32
    %c0_i32_0 = arith.constant 0 : i32
    return %arg0, %c0_i32 : i32, i32
  }
  func.func @transform_2(%arg0: i32) -> (i32, i32) {
    %c0_i32 = arith.constant 0 : i32
    %c0_i32_0 = arith.constant 0 : i32
    %c0_i32_1 = arith.constant 0 : i32
    return %c0_i32, %c0_i32_0 : i32, i32
  }
  func.func @transform_3(%arg0: i32) -> (i32, i32) {
    %c0_i32 = arith.constant 0 : i32
    %c0_i32_0 = arith.constant 0 : i32
    %c0_i32_1 = arith.constant 0 : i32
    return %c0_i32, %c0_i32_0 : i32, i32
  }
  func.func @transform_4(%arg0: i32) -> (i32, i32) {
    %c0_i32 = arith.constant 0 : i32
    %c0_i32_0 = arith.constant 0 : i32
    %c0_i32_1 = arith.constant 0 : i32
    return %c0_i32, %c0_i32_0 : i32, i32
  }
  func.func @transform_5(%arg0: i32) -> (i32, i32) {
    %c0_i32 = arith.constant 0 : i32
    %c0_i32_0 = arith.constant 0 : i32
    %c0_i32_1 = arith.constant 0 : i32
    return %c0_i32, %c0_i32_0 : i32, i32
  }
  func.func @transform_6(%arg0: i32) -> (i32, i32) {
    %c0_i32 = arith.constant 0 : i32
    %c0_i32_0 = arith.constant 0 : i32
    return %arg0, %c0_i32 : i32, i32
  }
}

module attributes {stable_mosaic.version = 14 : i64} {
  func.func @_bn_elu_body(%arg0: i32, %arg1: memref<1000x256xf32, #tpu.memory_space<vmem>>, %arg2: memref<1000x256xf32, #tpu.memory_space<vmem>>, %arg3: memref<8x256xf32, #tpu.memory_space<vmem>>, %arg4: memref<8x256xf32, #tpu.memory_space<vmem>>, %arg5: memref<1x256xf32, #tpu.memory_space<vmem>>, %arg6: memref<1x256xf32, #tpu.memory_space<vmem>>, %arg7: memref<1000x256xf32, #tpu.memory_space<vmem>>) attributes {dimension_semantics = [#tpu.dimension_semantics<arbitrary>], iteration_bounds = array<i64: 10>, scalar_prefetch = 0 : i64, scratch_operands = 0 : i64, tpu.core_type = #tpu.core_type<tc>, window_params = [{transform_indices = @transform_0, window_bounds = array<i64: 1000, 256>}, {transform_indices = @transform_1, window_bounds = array<i64: 1000, 256>}, {pipeline_mode = #tpu.pipeline_mode<synchronous>, transform_indices = @transform_2, window_bounds = array<i64: 8, 256>}, {pipeline_mode = #tpu.pipeline_mode<synchronous>, transform_indices = @transform_3, window_bounds = array<i64: 8, 256>}, {pipeline_mode = #tpu.pipeline_mode<synchronous>, transform_indices = @transform_4, window_bounds = array<i64: 1, 256>}, {pipeline_mode = #tpu.pipeline_mode<synchronous>, transform_indices = @transform_5, window_bounds = array<i64: 1, 256>}, {transform_indices = @transform_6, window_bounds = array<i64: 1000, 256>}]} {
    %get3A = arith.constant 0 : index
    %get3A_0 = arith.constant 0 : index
    %get3A_1 = vector.load %arg3[%get3A, %get3A_0] : memref<8x256xf32, #tpu.memory_space<vmem>>, vector<1x256xf32>
    %mul3A = arith.constant 9.99999974E-5 : f32
    %mul3A_2 = vector.broadcast %mul3A : f32 to vector<1x256xf32>
    %mul3A_3 = arith.mulf %get3A_1, %mul3A_2 : vector<1x256xf32>
    %get3A_4 = arith.constant 0 : index
    %get3A_5 = arith.constant 0 : index
    %get3A_6 = vector.load %arg4[%get3A_4, %get3A_5] : memref<8x256xf32, #tpu.memory_space<vmem>>, vector<1x256xf32>
    %mul3A_7 = arith.constant 9.99999974E-5 : f32
    %mul3A_8 = vector.broadcast %mul3A_7 : f32 to vector<1x256xf32>
    %mul3A_9 = arith.mulf %get3A_6, %mul3A_8 : vector<1x256xf32>
    %mul3A_10 = arith.mulf %mul3A_3, %mul3A_3 : vector<1x256xf32>
    %sub3A = arith.subf %mul3A_9, %mul3A_10 : vector<1x256xf32>
    %add3A = arith.constant 9.99999974E-6 : f32
    %add3A_11 = vector.broadcast %add3A : f32 to vector<1x256xf32>
    %add3A_12 = arith.addf %sub3A, %add3A_11 : vector<1x256xf32>
    %rsqrt3A = math.rsqrt %add3A_12 : vector<1x256xf32>
    %get3A_13 = arith.constant 0 : index
    %get3A_14 = arith.constant 0 : index
    %get3A_15 = vector.load %arg5[%get3A_13, %get3A_14] : memref<1x256xf32, #tpu.memory_space<vmem>>, vector<1x256xf32>
    %get3A_16 = arith.constant 0 : index
    %get3A_17 = arith.constant 0 : index
    %get3A_18 = vector.load %arg1[%get3A_16, %get3A_17] : memref<1000x256xf32, #tpu.memory_space<vmem>>, vector<1000x256xf32>
    %sub3A_19 = vector.broadcast %mul3A_3 : vector<1x256xf32> to vector<1000x256xf32>
    %sub3A_20 = arith.subf %get3A_18, %sub3A_19 : vector<1000x256xf32>
    %mul3A_21 = vector.broadcast %get3A_15 : vector<1x256xf32> to vector<1000x256xf32>
    %mul3A_22 = arith.mulf %mul3A_21, %sub3A_20 : vector<1000x256xf32>
    %mul3A_23 = vector.broadcast %rsqrt3A : vector<1x256xf32> to vector<1000x256xf32>
    %mul3A_24 = arith.mulf %mul3A_22, %mul3A_23 : vector<1000x256xf32>
    %get3A_25 = arith.constant 0 : index
    %get3A_26 = arith.constant 0 : index
    %get3A_27 = vector.load %arg6[%get3A_25, %get3A_26] : memref<1x256xf32, #tpu.memory_space<vmem>>, vector<1x256xf32>
    %add3A_28 = vector.broadcast %get3A_27 : vector<1x256xf32> to vector<1000x256xf32>
    %add3A_29 = arith.addf %mul3A_24, %add3A_28 : vector<1000x256xf32>
    %get3A_30 = arith.constant 0 : index
    %get3A_31 = arith.constant 0 : index
    %get3A_32 = vector.load %arg2[%get3A_30, %get3A_31] : memref<1000x256xf32, #tpu.memory_space<vmem>>, vector<1000x256xf32>
    %add3A_33 = arith.addf %add3A_29, %get3A_32 : vector<1000x256xf32>
    %gt3A = arith.constant 0.000000e+00 : f32
    %gt3A_34 = vector.broadcast %gt3A : f32 to vector<1000x256xf32>
    %gt3A_35 = arith.cmpf ogt, %add3A_33, %gt3A_34 : vector<1000x256xf32>
    %min3A = arith.constant 0.000000e+00 : f32
    %min3A_36 = vector.broadcast %min3A : f32 to vector<1000x256xf32>
    %min3A_37 = arith.minimumf %add3A_33, %min3A_36 : vector<1000x256xf32>
    %exp3A = math.exp %min3A_37 : vector<1000x256xf32>
    %sub3A_38 = arith.constant 1.000000e+00 : f32
    %sub3A_39 = vector.broadcast %sub3A_38 : f32 to vector<1000x256xf32>
    %sub3A_40 = arith.subf %exp3A, %sub3A_39 : vector<1000x256xf32>
    %select_n3A = arith.select %gt3A_35, %add3A_33, %sub3A_40 : vector<1000x256xi1>, vector<1000x256xf32>
    %swap3A = arith.constant 0 : index
    %swap3A_41 = arith.constant 0 : index
    %swap3A_42 = vector.load %arg7[%swap3A, %swap3A_41] : memref<1000x256xf32, #tpu.memory_space<vmem>>, vector<1000x256xf32>
    tpu.vector_store %arg7[%swap3A, %swap3A_41], %select_n3A {strides = array<i32>} : memref<1000x256xf32, #tpu.memory_space<vmem>>, vector<1000x256xf32>,
    return
  }
  func.func @transform_0(%arg0: i32) -> (i32, i32) {
    %c0_i32 = arith.constant 0 : i32
    %c0_i32_0 = arith.constant 0 : i32
    return %arg0, %c0_i32 : i32, i32
  }
  func.func @transform_1(%arg0: i32) -> (i32, i32) {
    %c0_i32 = arith.constant 0 : i32
    %c0_i32_0 = arith.constant 0 : i32
    return %arg0, %c0_i32 : i32, i32
  }
  func.func @transform_2(%arg0: i32) -> (i32, i32) {
    %c0_i32 = arith.constant 0 : i32
    %c0_i32_0 = arith.constant 0 : i32
    %c0_i32_1 = arith.constant 0 : i32
    return %c0_i32, %c0_i32_0 : i32, i32
  }
  func.func @transform_3(%arg0: i32) -> (i32, i32) {
    %c0_i32 = arith.constant 0 : i32
    %c0_i32_0 = arith.constant 0 : i32
    %c0_i32_1 = arith.constant 0 : i32
    return %c0_i32, %c0_i32_0 : i32, i32
  }
  func.func @transform_4(%arg0: i32) -> (i32, i32) {
    %c0_i32 = arith.constant 0 : i32
    %c0_i32_0 = arith.constant 0 : i32
    %c0_i32_1 = arith.constant 0 : i32
    return %c0_i32, %c0_i32_0 : i32, i32
  }
  func.func @transform_5(%arg0: i32) -> (i32, i32) {
    %c0_i32 = arith.constant 0 : i32
    %c0_i32_0 = arith.constant 0 : i32
    %c0_i32_1 = arith.constant 0 : i32
    return %c0_i32, %c0_i32_0 : i32, i32
  }
  func.func @transform_6(%arg0: i32) -> (i32, i32) {
    %c0_i32 = arith.constant 0 : i32
    %c0_i32_0 = arith.constant 0 : i32
    return %arg0, %c0_i32 : i32, i32
  }
}

module attributes {stable_mosaic.version = 14 : i64} {
  func.func @_lin1p_body(%arg0: i32, %arg1: memref<1000x256xf32, #tpu.memory_space<vmem>>, %arg2: memref<1000x256xf32, #tpu.memory_space<vmem>>, %arg3: memref<256x64xf32, #tpu.memory_space<vmem>>, %arg4: memref<1000x1xf32, #tpu.memory_space<vmem>>, %arg5: memref<1000x128xf32, #tpu.memory_space<vmem>>) attributes {dimension_semantics = [#tpu.dimension_semantics<arbitrary>], iteration_bounds = array<i64: 10>, scalar_prefetch = 0 : i64, scratch_operands = 0 : i64, tpu.core_type = #tpu.core_type<tc>, window_params = [{transform_indices = @transform_0, window_bounds = array<i64: 1000, 256>}, {transform_indices = @transform_1, window_bounds = array<i64: 1000, 256>}, {pipeline_mode = #tpu.pipeline_mode<synchronous>, transform_indices = @transform_2, window_bounds = array<i64: 256, 64>}, {transform_indices = @transform_3, window_bounds = array<i64: 1000, 1>}, {transform_indices = @transform_4, window_bounds = array<i64: 1000, 128>}]} {
    %get3A = arith.constant 0 : index
    %get3A_0 = arith.constant 0 : index
    %get3A_1 = vector.load %arg1[%get3A, %get3A_0] : memref<1000x256xf32, #tpu.memory_space<vmem>>, vector<1000x256xf32>
    %get3A_2 = arith.constant 0 : index
    %get3A_3 = arith.constant 0 : index
    %get3A_4 = vector.load %arg3[%get3A_2, %get3A_3] : memref<256x64xf32, #tpu.memory_space<vmem>>, vector<256x64xf32>
    %dot_general3A = arith.constant dense<0.000000e+00> : vector<1000x64xf32>
    %dot_general3A_5 = tpu.matmul %get3A_1, %get3A_4, %dot_general3A {dimension_numbers = #tpu.dot_dimension_numbers<[1], [0], [0], [1], [0, 0, 1, 1], [], []>, transpose_lhs_hint = false} : vector<1000x256xf32>, vector<256x64xf32>, vector<1000x64xf32> -> vector<1000x64xf32>
    %get3A_6 = arith.constant 0 : index
    %get3A_7 = arith.constant 0 : index
    %get3A_8 = vector.load %arg2[%get3A_6, %get3A_7] : memref<1000x256xf32, #tpu.memory_space<vmem>>, vector<1000x256xf32>
    %get3A_9 = arith.constant 0 : index
    %get3A_10 = arith.constant 0 : index
    %get3A_11 = vector.load %arg3[%get3A_9, %get3A_10] : memref<256x64xf32, #tpu.memory_space<vmem>>, vector<256x64xf32>
    %dot_general3A_12 = arith.constant dense<0.000000e+00> : vector<1000x64xf32>
    %dot_general3A_13 = tpu.matmul %get3A_8, %get3A_11, %dot_general3A_12 {dimension_numbers = #tpu.dot_dimension_numbers<[1], [0], [0], [1], [0, 0, 1, 1], [], []>, transpose_lhs_hint = false} : vector<1000x256xf32>, vector<256x64xf32>, vector<1000x64xf32> -> vector<1000x64xf32>
    %concatenate3A = tpu.concatenate %dot_general3A_5, %dot_general3A_13 in 1 : vector<1000x64xf32>, vector<1000x64xf32> -> vector<1000x128xf32>
    %get3A_14 = arith.constant 0 : index
    %get3A_15 = arith.constant 0 : index
    %get3A_16 = vector.load %arg4[%get3A_14, %get3A_15] : memref<1000x1xf32, #tpu.memory_space<vmem>>, vector<1000x1xf32>
    %mul3A = vector.broadcast %get3A_16 : vector<1000x1xf32> to vector<1000x128xf32>
    %mul3A_17 = arith.mulf %concatenate3A, %mul3A : vector<1000x128xf32>
    %swap3A = arith.constant 0 : index
    %swap3A_18 = arith.constant 0 : index
    %swap3A_19 = vector.load %arg5[%swap3A, %swap3A_18] : memref<1000x128xf32, #tpu.memory_space<vmem>>, vector<1000x128xf32>
    tpu.vector_store %arg5[%swap3A, %swap3A_18], %mul3A_17 {strides = array<i32>} : memref<1000x128xf32, #tpu.memory_space<vmem>>, vector<1000x128xf32>,
    return
  }
  func.func @transform_0(%arg0: i32) -> (i32, i32) {
    %c0_i32 = arith.constant 0 : i32
    %c0_i32_0 = arith.constant 0 : i32
    return %arg0, %c0_i32 : i32, i32
  }
  func.func @transform_1(%arg0: i32) -> (i32, i32) {
    %c0_i32 = arith.constant 0 : i32
    %c0_i32_0 = arith.constant 0 : i32
    return %arg0, %c0_i32 : i32, i32
  }
  func.func @transform_2(%arg0: i32) -> (i32, i32) {
    %c0_i32 = arith.constant 0 : i32
    %c0_i32_0 = arith.constant 0 : i32
    %c0_i32_1 = arith.constant 0 : i32
    return %c0_i32, %c0_i32_0 : i32, i32
  }
  func.func @transform_3(%arg0: i32) -> (i32, i32) {
    %c0_i32 = arith.constant 0 : i32
    %c0_i32_0 = arith.constant 0 : i32
    return %arg0, %c0_i32 : i32, i32
  }
  func.func @transform_4(%arg0: i32) -> (i32, i32) {
    %c0_i32 = arith.constant 0 : i32
    %c0_i32_0 = arith.constant 0 : i32
    return %arg0, %c0_i32 : i32, i32
  }
}

module attributes {stable_mosaic.version = 14 : i64} {
  func.func @_bn_body(%arg0: i32, %arg1: memref<1000x128xf32, #tpu.memory_space<vmem>>, %arg2: memref<8x128xf32, #tpu.memory_space<vmem>>, %arg3: memref<8x128xf32, #tpu.memory_space<vmem>>, %arg4: memref<1x128xf32, #tpu.memory_space<vmem>>, %arg5: memref<1x128xf32, #tpu.memory_space<vmem>>, %arg6: memref<1000x128xf32, #tpu.memory_space<vmem>>) attributes {dimension_semantics = [#tpu.dimension_semantics<arbitrary>], iteration_bounds = array<i64: 10>, scalar_prefetch = 0 : i64, scratch_operands = 0 : i64, tpu.core_type = #tpu.core_type<tc>, window_params = [{transform_indices = @transform_0, window_bounds = array<i64: 1000, 128>}, {pipeline_mode = #tpu.pipeline_mode<synchronous>, transform_indices = @transform_1, window_bounds = array<i64: 8, 128>}, {pipeline_mode = #tpu.pipeline_mode<synchronous>, transform_indices = @transform_2, window_bounds = array<i64: 8, 128>}, {pipeline_mode = #tpu.pipeline_mode<synchronous>, transform_indices = @transform_3, window_bounds = array<i64: 1, 128>}, {pipeline_mode = #tpu.pipeline_mode<synchronous>, transform_indices = @transform_4, window_bounds = array<i64: 1, 128>}, {transform_indices = @transform_5, window_bounds = array<i64: 1000, 128>}]} {
    %get3A = arith.constant 0 : index
    %get3A_0 = arith.constant 0 : index
    %get3A_1 = vector.load %arg2[%get3A, %get3A_0] : memref<8x128xf32, #tpu.memory_space<vmem>>, vector<1x128xf32>
    %mul3A = arith.constant 9.99999974E-5 : f32
    %mul3A_2 = vector.broadcast %mul3A : f32 to vector<1x128xf32>
    %mul3A_3 = arith.mulf %get3A_1, %mul3A_2 : vector<1x128xf32>
    %get3A_4 = arith.constant 0 : index
    %get3A_5 = arith.constant 0 : index
    %get3A_6 = vector.load %arg3[%get3A_4, %get3A_5] : memref<8x128xf32, #tpu.memory_space<vmem>>, vector<1x128xf32>
    %mul3A_7 = arith.constant 9.99999974E-5 : f32
    %mul3A_8 = vector.broadcast %mul3A_7 : f32 to vector<1x128xf32>
    %mul3A_9 = arith.mulf %get3A_6, %mul3A_8 : vector<1x128xf32>
    %mul3A_10 = arith.mulf %mul3A_3, %mul3A_3 : vector<1x128xf32>
    %sub3A = arith.subf %mul3A_9, %mul3A_10 : vector<1x128xf32>
    %add3A = arith.constant 9.99999974E-6 : f32
    %add3A_11 = vector.broadcast %add3A : f32 to vector<1x128xf32>
    %add3A_12 = arith.addf %sub3A, %add3A_11 : vector<1x128xf32>
    %rsqrt3A = math.rsqrt %add3A_12 : vector<1x128xf32>
    %get3A_13 = arith.constant 0 : index
    %get3A_14 = arith.constant 0 : index
    %get3A_15 = vector.load %arg4[%get3A_13, %get3A_14] : memref<1x128xf32, #tpu.memory_space<vmem>>, vector<1x128xf32>
    %get3A_16 = arith.constant 0 : index
    %get3A_17 = arith.constant 0 : index
    %get3A_18 = vector.load %arg1[%get3A_16, %get3A_17] : memref<1000x128xf32, #tpu.memory_space<vmem>>, vector<1000x128xf32>
    %sub3A_19 = vector.broadcast %mul3A_3 : vector<1x128xf32> to vector<1000x128xf32>
    %sub3A_20 = arith.subf %get3A_18, %sub3A_19 : vector<1000x128xf32>
    %mul3A_21 = vector.broadcast %get3A_15 : vector<1x128xf32> to vector<1000x128xf32>
    %mul3A_22 = arith.mulf %mul3A_21, %sub3A_20 : vector<1000x128xf32>
    %mul3A_23 = vector.broadcast %rsqrt3A : vector<1x128xf32> to vector<1000x128xf32>
    %mul3A_24 = arith.mulf %mul3A_22, %mul3A_23 : vector<1000x128xf32>
    %get3A_25 = arith.constant 0 : index
    %get3A_26 = arith.constant 0 : index
    %get3A_27 = vector.load %arg5[%get3A_25, %get3A_26] : memref<1x128xf32, #tpu.memory_space<vmem>>, vector<1x128xf32>
    %add3A_28 = vector.broadcast %get3A_27 : vector<1x128xf32> to vector<1000x128xf32>
    %add3A_29 = arith.addf %mul3A_24, %add3A_28 : vector<1000x128xf32>
    %swap3A = arith.constant 0 : index
    %swap3A_30 = arith.constant 0 : index
    %swap3A_31 = vector.load %arg6[%swap3A, %swap3A_30] : memref<1000x128xf32, #tpu.memory_space<vmem>>, vector<1000x128xf32>
    tpu.vector_store %arg6[%swap3A, %swap3A_30], %add3A_29 {strides = array<i32>} : memref<1000x128xf32, #tpu.memory_space<vmem>>, vector<1000x128xf32>,
    return
  }
  func.func @transform_0(%arg0: i32) -> (i32, i32) {
    %c0_i32 = arith.constant 0 : i32
    %c0_i32_0 = arith.constant 0 : i32
    return %arg0, %c0_i32 : i32, i32
  }
  func.func @transform_1(%arg0: i32) -> (i32, i32) {
    %c0_i32 = arith.constant 0 : i32
    %c0_i32_0 = arith.constant 0 : i32
    %c0_i32_1 = arith.constant 0 : i32
    return %c0_i32, %c0_i32_0 : i32, i32
  }
  func.func @transform_2(%arg0: i32) -> (i32, i32) {
    %c0_i32 = arith.constant 0 : i32
    %c0_i32_0 = arith.constant 0 : i32
    %c0_i32_1 = arith.constant 0 : i32
    return %c0_i32, %c0_i32_0 : i32, i32
  }
  func.func @transform_3(%arg0: i32) -> (i32, i32) {
    %c0_i32 = arith.constant 0 : i32
    %c0_i32_0 = arith.constant 0 : i32
    %c0_i32_1 = arith.constant 0 : i32
    return %c0_i32, %c0_i32_0 : i32, i32
  }
  func.func @transform_4(%arg0: i32) -> (i32, i32) {
    %c0_i32 = arith.constant 0 : i32
    %c0_i32_0 = arith.constant 0 : i32
    %c0_i32_1 = arith.constant 0 : i32
    return %c0_i32, %c0_i32_0 : i32, i32
  }
  func.func @transform_5(%arg0: i32) -> (i32, i32) {
    %c0_i32 = arith.constant 0 : i32
    %c0_i32_0 = arith.constant 0 : i32
    return %arg0, %c0_i32 : i32, i32
  }
}

module attributes {stable_mosaic.version = 14 : i64} {
  func.func @_head_body(%arg0: i32, %arg1: memref<1000x32xf32, #tpu.memory_space<vmem>>, %arg2: memref<1000x32xf32, #tpu.memory_space<vmem>>, %arg3: memref<1000x32xf32, #tpu.memory_space<vmem>>, %arg4: memref<1000x32xf32, #tpu.memory_space<vmem>>, %arg5: memref<1000x32xf32, #tpu.memory_space<vmem>>, %arg6: memref<1000x32xf32, #tpu.memory_space<vmem>>, %arg7: memref<32x128xf32, #tpu.memory_space<vmem>>, %arg8: memref<1x128xf32, #tpu.memory_space<vmem>>, %arg9: memref<32x32xf32, #tpu.memory_space<vmem>>, %arg10: memref<1x1xf32, #tpu.memory_space<vmem>>, %arg11: memref<1000x128xf32, #tpu.memory_space<vmem>>, %arg12: memref<1000x2xf32, #tpu.memory_space<vmem>>, %arg13: memref<1000x2xf32, #tpu.memory_space<vmem>>) attributes {dimension_semantics = [#tpu.dimension_semantics<arbitrary>], iteration_bounds = array<i64: 10>, scalar_prefetch = 0 : i64, scratch_operands = 0 : i64, tpu.core_type = #tpu.core_type<tc>, window_params = [{transform_indices = @transform_0, window_bounds = array<i64: 1000, 32>}, {transform_indices = @transform_1, window_bounds = array<i64: 1000, 32>}, {transform_indices = @transform_2, window_bounds = array<i64: 1000, 32>}, {transform_indices = @transform_3, window_bounds = array<i64: 1000, 32>}, {transform_indices = @transform_4, window_bounds = array<i64: 1000, 32>}, {transform_indices = @transform_5, window_bounds = array<i64: 1000, 32>}, {pipeline_mode = #tpu.pipeline_mode<synchronous>, transform_indices = @transform_6, window_bounds = array<i64: 32, 128>}, {pipeline_mode = #tpu.pipeline_mode<synchronous>, transform_indices = @transform_7, window_bounds = array<i64: 1, 128>}, {pipeline_mode = #tpu.pipeline_mode<synchronous>, transform_indices = @transform_8, window_bounds = array<i64: 32, 32>}, {pipeline_mode = #tpu.pipeline_mode<synchronous>, transform_indices = @transform_9, window_bounds = array<i64: 1, 1>}, {transform_indices = @transform_10, window_bounds = array<i64: 1000, 128>}, {transform_indices = @transform_11, window_bounds = array<i64: 1000, 2>}, {transform_indices = @transform_12, window_bounds = array<i64: 1000, 2>}]} {
    %get3A = arith.constant 0 : index
    %get3A_0 = arith.constant 0 : index
    %get3A_1 = vector.load %arg1[%get3A, %get3A_0] : memref<1000x32xf32, #tpu.memory_space<vmem>>, vector<1000x32xf32>
    %get3A_2 = arith.constant 0 : index
    %get3A_3 = arith.constant 0 : index
    %get3A_4 = vector.load %arg3[%get3A_2, %get3A_3] : memref<1000x32xf32, #tpu.memory_space<vmem>>, vector<1000x32xf32>
    %get3A_5 = arith.constant 0 : index
    %get3A_6 = arith.constant 0 : index
    %get3A_7 = vector.load %arg2[%get3A_5, %get3A_6] : memref<1000x32xf32, #tpu.memory_space<vmem>>, vector<1000x32xf32>
    %mul3A = arith.constant 5.000000e-01 : f32
    %mul3A_8 = vector.broadcast %mul3A : f32 to vector<1000x32xf32>
    %mul3A_9 = arith.mulf %mul3A_8, %get3A_7 : vector<1000x32xf32>
    %exp3A = math.exp %mul3A_9 : vector<1000x32xf32>
    %mul3A_10 = arith.mulf %get3A_4, %exp3A : vector<1000x32xf32>
    %add3A = arith.addf %get3A_1, %mul3A_10 : vector<1000x32xf32>
    %get3A_11 = arith.constant 0 : index
    %get3A_12 = arith.constant 0 : index
    %get3A_13 = vector.load %arg4[%get3A_11, %get3A_12] : memref<1000x32xf32, #tpu.memory_space<vmem>>, vector<1000x32xf32>
    %get3A_14 = arith.constant 0 : index
    %get3A_15 = arith.constant 0 : index
    %get3A_16 = vector.load %arg6[%get3A_14, %get3A_15] : memref<1000x32xf32, #tpu.memory_space<vmem>>, vector<1000x32xf32>
    %get3A_17 = arith.constant 0 : index
    %get3A_18 = arith.constant 0 : index
    %get3A_19 = vector.load %arg5[%get3A_17, %get3A_18] : memref<1000x32xf32, #tpu.memory_space<vmem>>, vector<1000x32xf32>
    %mul3A_20 = arith.constant 5.000000e-01 : f32
    %mul3A_21 = vector.broadcast %mul3A_20 : f32 to vector<1000x32xf32>
    %mul3A_22 = arith.mulf %mul3A_21, %get3A_19 : vector<1000x32xf32>
    %exp3A_23 = math.exp %mul3A_22 : vector<1000x32xf32>
    %mul3A_24 = arith.mulf %get3A_16, %exp3A_23 : vector<1000x32xf32>
    %add3A_25 = arith.addf %get3A_13, %mul3A_24 : vector<1000x32xf32>
    %get3A_26 = arith.constant 0 : index
    %get3A_27 = arith.constant 0 : index
    %get3A_28 = vector.load %arg7[%get3A_26, %get3A_27] : memref<32x128xf32, #tpu.memory_space<vmem>>, vector<32x128xf32>
    %dot_general3A = arith.constant dense<0.000000e+00> : vector<1000x128xf32>
    %dot_general3A_29 = tpu.matmul %add3A, %get3A_28, %dot_general3A {dimension_numbers = #tpu.dot_dimension_numbers<[1], [0], [0], [1], [0, 0, 1, 1], [], []>, transpose_lhs_hint = false} : vector<1000x32xf32>, vector<32x128xf32>, vector<1000x128xf32> -> vector<1000x128xf32>
    %get3A_30 = arith.constant 0 : index
    %get3A_31 = arith.constant 0 : index
    %get3A_32 = vector.load %arg8[%get3A_30, %get3A_31] : memref<1x128xf32, #tpu.memory_space<vmem>>, vector<1x128xf32>
    %add3A_33 = vector.broadcast %get3A_32 : vector<1x128xf32> to vector<1000x128xf32>
    %add3A_34 = arith.addf %dot_general3A_29, %add3A_33 : vector<1000x128xf32>
    %swap3A = arith.constant 0 : index
    %swap3A_35 = arith.constant 0 : index
    %swap3A_36 = vector.load %arg11[%swap3A, %swap3A_35] : memref<1000x128xf32, #tpu.memory_space<vmem>>, vector<1000x128xf32>
    tpu.vector_store %arg11[%swap3A, %swap3A_35], %add3A_34 {strides = array<i32>} : memref<1000x128xf32, #tpu.memory_space<vmem>>, vector<1000x128xf32>,
    %mul3A_37 = arith.mulf %add3A, %add3A : vector<1000x32xf32>
    %reduce_sum3A = arith.constant dense<0.000000e+00> : vector<1000xf32>
    %reduce_sum3A_38 = vector.multi_reduction <add>, %mul3A_37, %reduce_sum3A [1] : vector<1000x32xf32> to vector<1000xf32>
    %broadcast_in_dim3A = vector.shape_cast %reduce_sum3A_38 : vector<1000xf32> to vector<1000x1xf32>
    %sqrt3A = math.sqrt %broadcast_in_dim3A : vector<1000x1xf32>
    %max3A = arith.constant 9.99999996E-13 : f32
    %max3A_39 = vector.broadcast %max3A : f32 to vector<1000x1xf32>
    %max3A_40 = arith.maximumf %sqrt3A, %max3A_39 : vector<1000x1xf32>
    %div3A = vector.broadcast %max3A_40 : vector<1000x1xf32> to vector<1000x32xf32>
    %div3A_41 = arith.divf %add3A, %div3A : vector<1000x32xf32>
    %mul3A_42 = arith.mulf %add3A_25, %add3A_25 : vector<1000x32xf32>
    %reduce_sum3A_43 = arith.constant dense<0.000000e+00> : vector<1000xf32>
    %reduce_sum3A_44 = vector.multi_reduction <add>, %mul3A_42, %reduce_sum3A_43 [1] : vector<1000x32xf32> to vector<1000xf32>
    %broadcast_in_dim3A_45 = vector.shape_cast %reduce_sum3A_44 : vector<1000xf32> to vector<1000x1xf32>
    %sqrt3A_46 = math.sqrt %broadcast_in_dim3A_45 : vector<1000x1xf32>
    %max3A_47 = arith.constant 9.99999996E-13 : f32
    %max3A_48 = vector.broadcast %max3A_47 : f32 to vector<1000x1xf32>
    %max3A_49 = arith.maximumf %sqrt3A_46, %max3A_48 : vector<1000x1xf32>
    %div3A_50 = vector.broadcast %max3A_49 : vector<1000x1xf32> to vector<1000x32xf32>
    %div3A_51 = arith.divf %add3A_25, %div3A_50 : vector<1000x32xf32>
    %get3A_52 = arith.constant 0 : index
    %get3A_53 = arith.constant 0 : index
    %get3A_54 = vector.load %arg9[%get3A_52, %get3A_53] : memref<32x32xf32, #tpu.memory_space<vmem>>, vector<32x32xf32>
    %dot_general3A_55 = arith.constant dense<0.000000e+00> : vector<1000x32xf32>
    %dot_general3A_56 = tpu.matmul %add3A, %get3A_54, %dot_general3A_55 {dimension_numbers = #tpu.dot_dimension_numbers<[1], [0], [0], [1], [0, 0, 1, 1], [], []>, transpose_lhs_hint = false} : vector<1000x32xf32>, vector<32x32xf32>, vector<1000x32xf32> -> vector<1000x32xf32>
    %get3A_57 = arith.constant 0 : index
    %get3A_58 = arith.constant 0 : index
    %get3A_59 = vector.load %arg9[%get3A_57, %get3A_58] : memref<32x32xf32, #tpu.memory_space<vmem>>, vector<32x32xf32>
    %dot_general3A_60 = arith.constant dense<0.000000e+00> : vector<1000x32xf32>
    %dot_general3A_61 = tpu.matmul %div3A_51, %get3A_59, %dot_general3A_60 {dimension_numbers = #tpu.dot_dimension_numbers<[1], [0], [0], [1], [0, 0, 1, 1], [], []>, transpose_lhs_hint = false} : vector<1000x32xf32>, vector<32x32xf32>, vector<1000x32xf32> -> vector<1000x32xf32>
    %get3A_62 = arith.constant 0 : index
    %get3A_63 = arith.constant 0 : index
    %get3A_64 = vector.load %arg10[%get3A_62, %get3A_63] : memref<1x1xf32, #tpu.memory_space<vmem>>, vector<1x1xf32>
    %get3A_65 = vector.extract %get3A_64[0, 0] : f32 from vector<1x1xf32>
    %mul3A_66 = arith.mulf %dot_general3A_56, %div3A_41 : vector<1000x32xf32>
    %reduce_sum3A_67 = arith.constant dense<0.000000e+00> : vector<1000xf32>
    %reduce_sum3A_68 = vector.multi_reduction <add>, %mul3A_66, %reduce_sum3A_67 [1] : vector<1000x32xf32> to vector<1000xf32>
    %broadcast_in_dim3A_69 = vector.shape_cast %reduce_sum3A_68 : vector<1000xf32> to vector<1000x1xf32>
    %mul3A_70 = arith.mulf %dot_general3A_61, %div3A_41 : vector<1000x32xf32>
    %reduce_sum3A_71 = arith.constant dense<0.000000e+00> : vector<1000xf32>
    %reduce_sum3A_72 = vector.multi_reduction <add>, %mul3A_70, %reduce_sum3A_71 [1] : vector<1000x32xf32> to vector<1000xf32>
    %broadcast_in_dim3A_73 = vector.shape_cast %reduce_sum3A_72 : vector<1000xf32> to vector<1000x1xf32>
    %concatenate3A = tpu.concatenate %broadcast_in_dim3A_69, %broadcast_in_dim3A_73 in 1 : vector<1000x1xf32>, vector<1000x1xf32> -> vector<1000x2xf32>
    %add3A_74 = vector.broadcast %get3A_65 : f32 to vector<1000x2xf32>
    %add3A_75 = arith.addf %concatenate3A, %add3A_74 : vector<1000x2xf32>
    %swap3A_76 = arith.constant 0 : index
    %swap3A_77 = arith.constant 0 : index
    %swap3A_78 = vector.load %arg12[%swap3A_76, %swap3A_77] : memref<1000x2xf32, #tpu.memory_space<vmem>>, vector<1000x2xf32>
    tpu.vector_store %arg12[%swap3A_76, %swap3A_77], %add3A_75 {strides = array<i32>} : memref<1000x2xf32, #tpu.memory_space<vmem>>, vector<1000x2xf32>,
    %mul3A_79 = arith.mulf %dot_general3A_61, %div3A_51 : vector<1000x32xf32>
    %reduce_sum3A_80 = arith.constant dense<0.000000e+00> : vector<1000xf32>
    %reduce_sum3A_81 = vector.multi_reduction <add>, %mul3A_79, %reduce_sum3A_80 [1] : vector<1000x32xf32> to vector<1000xf32>
    %broadcast_in_dim3A_82 = vector.shape_cast %reduce_sum3A_81 : vector<1000xf32> to vector<1000x1xf32>
    %mul3A_83 = arith.mulf %dot_general3A_56, %div3A_51 : vector<1000x32xf32>
    %reduce_sum3A_84 = arith.constant dense<0.000000e+00> : vector<1000xf32>
    %reduce_sum3A_85 = vector.multi_reduction <add>, %mul3A_83, %reduce_sum3A_84 [1] : vector<1000x32xf32> to vector<1000xf32>
    %broadcast_in_dim3A_86 = vector.shape_cast %reduce_sum3A_85 : vector<1000xf32> to vector<1000x1xf32>
    %concatenate3A_87 = tpu.concatenate %broadcast_in_dim3A_82, %broadcast_in_dim3A_86 in 1 : vector<1000x1xf32>, vector<1000x1xf32> -> vector<1000x2xf32>
    %add3A_88 = vector.broadcast %get3A_65 : f32 to vector<1000x2xf32>
    %add3A_89 = arith.addf %concatenate3A_87, %add3A_88 : vector<1000x2xf32>
    %swap3A_90 = arith.constant 0 : index
    %swap3A_91 = arith.constant 0 : index
    %swap3A_92 = vector.load %arg13[%swap3A_90, %swap3A_91] : memref<1000x2xf32, #tpu.memory_space<vmem>>, vector<1000x2xf32>
    tpu.vector_store %arg13[%swap3A_90, %swap3A_91], %add3A_89 {strides = array<i32>} : memref<1000x2xf32, #tpu.memory_space<vmem>>, vector<1000x2xf32>,
    return
  }
  func.func @transform_0(%arg0: i32) -> (i32, i32) {
    %c0_i32 = arith.constant 0 : i32
    %c0_i32_0 = arith.constant 0 : i32
    return %arg0, %c0_i32 : i32, i32
  }
  func.func @transform_1(%arg0: i32) -> (i32, i32) {
    %c0_i32 = arith.constant 0 : i32
    %c0_i32_0 = arith.constant 0 : i32
    return %arg0, %c0_i32 : i32, i32
  }
  func.func @transform_2(%arg0: i32) -> (i32, i32) {
    %c0_i32 = arith.constant 0 : i32
    %c0_i32_0 = arith.constant 0 : i32
    return %arg0, %c0_i32 : i32, i32
  }
  func.func @transform_3(%arg0: i32) -> (i32, i32) {
    %c0_i32 = arith.constant 0 : i32
    %c0_i32_0 = arith.constant 0 : i32
    return %arg0, %c0_i32 : i32, i32
  }
  func.func @transform_4(%arg0: i32) -> (i32, i32) {
    %c0_i32 = arith.constant 0 : i32
    %c0_i32_0 = arith.constant 0 : i32
    return %arg0, %c0_i32 : i32, i32
  }
  func.func @transform_5(%arg0: i32) -> (i32, i32) {
    %c0_i32 = arith.constant 0 : i32
    %c0_i32_0 = arith.constant 0 : i32
    return %arg0, %c0_i32 : i32, i32
  }
  func.func @transform_6(%arg0: i32) -> (i32, i32) {
    %c0_i32 = arith.constant 0 : i32
    %c0_i32_0 = arith.constant 0 : i32
    %c0_i32_1 = arith.constant 0 : i32
    return %c0_i32, %c0_i32_0 : i32, i32
  }
  func.func @transform_7(%arg0: i32) -> (i32, i32) {
    %c0_i32 = arith.constant 0 : i32
    %c0_i32_0 = arith.constant 0 : i32
    %c0_i32_1 = arith.constant 0 : i32
    return %c0_i32, %c0_i32_0 : i32, i32
  }
  func.func @transform_8(%arg0: i32) -> (i32, i32) {
    %c0_i32 = arith.constant 0 : i32
    %c0_i32_0 = arith.constant 0 : i32
    %c0_i32_1 = arith.constant 0 : i32
    return %c0_i32, %c0_i32_0 : i32, i32
  }
  func.func @transform_9(%arg0: i32) -> (i32, i32) {
    %c0_i32 = arith.constant 0 : i32
    %c0_i32_0 = arith.constant 0 : i32
    %c0_i32_1 = arith.constant 0 : i32
    return %c0_i32, %c0_i32_0 : i32, i32
  }
  func.func @transform_10(%arg0: i32) -> (i32, i32) {
    %c0_i32 = arith.constant 0 : i32
    %c0_i32_0 = arith.constant 0 : i32
    return %arg0, %c0_i32 : i32, i32
  }
  func.func @transform_11(%arg0: i32) -> (i32, i32) {
    %c0_i32 = arith.constant 0 : i32
    %c0_i32_0 = arith.constant 0 : i32
    return %arg0, %c0_i32 : i32, i32
  }
  func.func @transform_12(%arg0: i32) -> (i32, i32) {
    %c0_i32 = arith.constant 0 : i32
    %c0_i32_0 = arith.constant 0 : i32
    return %arg0, %c0_i32 : i32, i32
  }
}

</mosaic_0001>

<sc_bundles>
// kernel: kernel.29.cloned.1.call-start
scs
__scs_entry_jumppad:
0x0: {  	(pc) =	sbr.rel $0x88, $3  }
0x1: {  	(tag) =	ssettag $0x0;
	lr =	simm.s32 $0x1  }
0x2: {  	[smem:$0x3F7E] =	sst lr;
	_ =	strace $0xD0000000  }
0x3: {  	_ = 	snop  }
0x4: {  	_ = 	snop  }
0x5: {  	_ = 	snop  }
0x6: {  	_ = 	snop  }
0x7: {  	_ = 	snop  }
__scs_overlays_trampoline_lowered:
0x8: {  	[smem:$0x3F8D] =	sst s0  }
0x9: {  	[smem:$0x3F8E] =	sst s1  }
0xa: {  	[smem:$0x3F8F] =	sst s2  }
0xb: {  	[smem:$0x3F90] =	sst s3  }
0xc: {  	[smem:$0x3F91] =	sst s4  }
0xd: {  	[smem:$0x3F92] =	sst s5  }
0xe: {  	[smem:$0x3F93] =	sst s6  }
0xf: {  	[smem:$0x3F94] =	sst s7  }
0x10: {  	[smem:$0x3F95] =	sst s8  }
0x11: {  	[smem:$0x3F96] =	sst s9;
	s0 =	simm.s32 @!p0 $0x0  }
0x12: {  	s1 =	sld [smem:$0x3F7C];
	s0 =	simm.s32 @p0 $0x1  }
0x13: {  	[smem:$0x3F97] =	sst s0;
	s0 =	simm.s32 @!p1 $0x0  }
0x14: {  	s2 =	sld [smem:$0x3F7B];
	s0 =	simm.s32 @p1 $0x1  }
0x15: {  	[smem:$0x3F98] =	sst s0;
	s0 =	simm.s32 @!p2 $0x0  }
0x16: {  	s3 =	sld [smem:$0x3FDB];
	s0 =	simm.s32 @p2 $0x1  }
0x17: {  	s4 =	simm.s32 $0x1BF5;
	[smem:$0x3F9A] =	sst s0  }
0x18: {  	s0 =	sld [smem:$0x3F7D];
	_ =	swait.ge [sflag:s4], $0x0  }
0x19: {  	s7 =	sld [smem:$0x3F7E]  }
0x1a: {  	s8 =	sadd.s32 $0xFFFFE003, lr  }
0x1b: {  	s9 =	sadd.s32 $0xFFFFFEF7, lr;
	s5 =	simm.s32 $0xFFFFFFFF;
	p2 =	slt.u32 s8, $0xFFFFF086  }
0x1c: {  	p1 =	slt.u32 s9, $0xF7A;
	s5 =	simm.s32 @!p2 $0x0  }
0x1d: {  	s5 =	simm.s32 @p1 $0x1;
	p0 =	seq.s32 s7, s2  }
0x1e: {  	s7 =	smul.u32 @!p0 $0xF7A, s2;
	p2 =	seq.s32 @!p0 s5, $0x0  }
0x1f: {  	s9 =	smul.u32 $0xF7A, s1;
	s8 =	simm.s32 @!p0 $0x1BF5;
	p2 =	por !p2, p0  }
0x20: {  	[sflag:s8] =	ssyncset.s32 @!p0 $0xFFFFF086;
	s6 =	sadd.s32 @!p0 s3, s7;
	s7 =	simm.s32 @!p0 $0x108  }
0x21: {  	s3 =	sadd.s32 s3, s9;
	s6 =	sadd.s32 @!p0 $0x88, s6;
	s7 =	simm.s32 @p2 $0x1082  }
0x22: {  	[simem:s7], [sflag:s8] =	dma.local @!p0 [hbm:s6], $0xF7A  }
0x23: {  	s9 =	sor.u32 $0xD0000000, s2;
	s6 =	simm.s32 $0x108;
	_ =	swait.ge @!p0 [sflag:s8], $0x0  }
0x24: {  	s3 =	sadd.s32 $0x88, s3;
	s6 =	simm.s32 @!p1 $0x1082;
	[sflag:s4] =	ssyncset.s32 $0xFFFFF086  }
0x25: {  	[simem:s6], [sflag:s4] =	dma.local [hbm:s3], $0xF7A  }
0x26: {  	[smem:$0x3F7E] =	sst s1;
	(tag) =	ssettag s2;
	_ =	strace s9  }
0x27: {  	s1 =	sld [smem:$0x3F8E]  }
0x28: {  	s2 =	sld [smem:$0x3F8F]  }
0x29: {  	s4 =	sld [smem:$0x3F91]  }
0x2a: {  	p0 =	seq.s32 s5, $0x0;
	s5 =	sld [smem:$0x3F92]  }
0x2b: {  	s6 =	sld [smem:$0x3F93]  }
0x2c: {  	s7 =	sld [smem:$0x3F94]  }
0x2d: {  	s3 =	simm.s32 $0x108;
	s8 =	sld [smem:$0x3F95]  }
0x2e: {  	s3 =	simm.s32 @!p0 $0x1082;
	s9 =	sld [smem:$0x3F96]  }
0x2f: {  	lr =	sadd.s32 s0, s3;
	s0 =	sld [smem:$0x3F8D]  }
0x30: {  	s3 =	sld [smem:$0x3F90]  }
0x31: {  	[smem:$0x3F99] =	sst s10  }
0x32: {  	s10 =	sld [smem:$0x3F97];
	_ =	sdelay $0x3  }
0x33: {  	p0 =	seq.s32 s10, $0x1;
	s10 =	sld [smem:$0x3F99];
	_ =	sdelay $0x3  }
0x34: {  	[smem:$0x3F99] =	sst s10  }
0x35: {  	s10 =	sld [smem:$0x3F98];
	_ =	sdelay $0x3  }
0x36: {  	p1 =	seq.s32 s10, $0x1;
	s10 =	sld [smem:$0x3F99];
	_ =	sdelay $0x3  }
0x37: {  	[smem:$0x3F99] =	sst s10  }
0x38: {  	s10 =	sld [smem:$0x3F9A]  }
0x39: {  	_ = 	snop;
	(pc) =	sbr.ind lr, $3  }
0x3a: {  	_ = 	snop  }
0x3b: {  	_ = 	snop  }
0x3c: {  	p2 =	seq.s32 s10, $0x1;
	s10 =	sld [smem:$0x3F99]  }
0x3d: {  	_ =	shalt  }
0x3e: {  	_ =	shalt  }
0x3f: {  	_ =	shalt  }
0x40: {  	_ =	shalt  }
0x41: {  	_ =	shalt  }
0x42: {  	_ =	shalt  }
0x43: {  	_ =	shalt  }
0x44: {  	_ =	shalt  }
0x45: {  	_ =	shalt  }
0x46: {  	_ =	shalt  }
0x47: {  	_ =	shalt  }
0x48: {  	_ =	shalt  }
0x49: {  	_ =	shalt  }
0x4a: {  	_ =	shalt  }
0x4b: {  	_ =	shalt  }
0x4c: {  	_ =	shalt  }
0x4d: {  	_ =	shalt  }
0x4e: {  	_ =	shalt  }
0x4f: {  	_ =	shalt  }
0x50: {  	_ =	shalt  }
0x51: {  	_ =	shalt  }
0x52: {  	_ =	shalt  }
0x53: {  	_ =	shalt  }
0x54: {  	_ =	shalt  }
0x55: {  	_ =	shalt  }
0x56: {  	_ =	shalt  }
0x57: {  	_ =	shalt  }
0x58: {  	_ =	shalt  }
0x59: {  	_ =	shalt  }
0x5a: {  	_ =	shalt  }
0x5b: {  	_ =	shalt  }
0x5c: {  	_ =	shalt  }
0x5d: {  	_ =	shalt  }
0x5e: {  	_ =	shalt  }
0x5f: {  	_ =	shalt  }
0x60: {  	_ =	shalt  }
0x61: {  	_ =	shalt  }
0x62: {  	_ =	shalt  }
0x63: {  	_ =	shalt  }
0x64: {  	_ =	shalt  }
0x65: {  	_ =	shalt  }
0x66: {  	_ =	shalt  }
0x67: {  	_ =	shalt  }
0x68: {  	_ =	shalt  }
0x69: {  	_ =	shalt  }
0x6a: {  	_ =	shalt  }
0x6b: {  	_ =	shalt  }
0x6c: {  	_ =	shalt  }
0x6d: {  	_ =	shalt  }
0x6e: {  	_ =	shalt  }
0x6f: {  	_ =	shalt  }
0x70: {  	_ =	shalt  }
0x71: {  	_ =	shalt  }
0x72: {  	_ =	shalt  }
0x73: {  	_ =	shalt  }
0x74: {  	_ =	shalt  }
0x75: {  	_ =	shalt  }
0x76: {  	_ =	shalt  }
0x77: {  	_ =	shalt  }
0x78: {  	_ =	shalt  }
0x79: {  	_ =	shalt  }
0x7a: {  	_ =	shalt  }
0x7b: {  	_ =	shalt  }
0x7c: {  	_ =	shalt  }
0x7d: {  	_ =	shalt  }
0x7e: {  	_ =	shalt  }
0x7f: {  	_ =	shalt  }
0x80: {  	_ =	shalt  }
0x81: {  	_ =	shalt  }
0x82: {  	_ =	shalt  }
0x83: {  	_ =	shalt  }
0x84: {  	_ =	shalt  }
0x85: {  	_ =	shalt  }
0x86: {  	_ =	shalt  }
0x87: {  	_ =	shalt  }
.Lfunc_end0:
.L_simem_size_0:
called_computation_lowered:
.L_overlay_start_0:
0x88: {  	s2 =	sld [smem:$0x3FD9]  }
0x89: {  	s3 =	sld [smem:$0x3FFE];
	_ =	sdelay $0x1  }
0x8a: {  	s1 =	srdreg.scid  }
0x8b: {  	s0 =	sand.u32 $0x1, s1  }
0x8c: {  	s15 =	sshll.u32 s0, $0xA;
	s2 =	sadd.s32 s3, s2  }
0x8d: {  	s2 =	sadd.s32 s2, s15  }
0x8e: {  	[smem:$0x3FA5] =	sst s2  }
0x8f: {  	_ = 	snop  }
0x90: {  	s2 =	sld [smem:$0x3FD0];
	_ =	sdelay $0x2  }
0x91: {  	s16 =	simm.s32 $0xA;
	s4 =	simm.s32 $0x10  }
0x92: {  	[smem:s4], [sflag:s16] =	dma.local [hbm:s2], $0x1  }
0x93: {  	_ =	swait.eq [sflag:s16], $0x1  }
0x94: {  	s17 =	sld [smem:$0x10]  }
0x95: {  	s18 =	sld [smem:$0x12];
	[sflag:s16] =	ssyncset.done $0x0  }
0x96: {  	s5 =	sld [smem:$0x14];
	[sflag:s16] =	ssyncadd.s32 $0xFFFFFFFF  }
0x97: {  	s19 =	sld [smem:$0x15];
	(tm) =	ssettm $0x1  }
0x98: {  	s6 =	sld [smem:$0x3FFB];
	_ =	sdelay $0x3  }
0x99: {  	_ =	strace s6  }
0x9a: {  	s6 =	sld [smem:$0x3FFC];
	_ =	sdelay $0x3  }
0x9b: {  	_ =	strace s6  }
0x9c: {  	s6 =	sld [smem:$0x3FFD];
	_ =	sdelay $0x3  }
0x9d: {  	_ =	strace s6  }
0x9e: {  	_ =	strace $0x8FFFFFFF  }
0x9f: {  	s20 =	sld [smem:$0x3FDB];
	_ =	sdelay $0x1  }
0xa0: {  	s7 =	simm.s32 $_scs_section_size  }
0xa1: {  	s8 =	simm.s32 $_size__tile_overlayer_lowered;
	s9 =	simm.s32 $_tile_overlayer_lowered  }
0xa2: {  	s23 =	simm.s32 $0x1BFF;
	s22 =	sshll.u32 s9, $0x1;
	s6 =	sadd.s32 s7, s20  }
0xa3: {  	s10 =	simm.s32 $0x0;
	s21 =	sshll.u32 s8, $0x1;
	s8 =	sadd.s32 s22, s6  }
0xa4: {  	[timem:s10], [sflag:s23] =	dma.local [hbm:s8], s21  }
0xa5: {  	_ =	swait.ge [sflag:s23], s21  }
0xa6: {  	s7 =	ssub.s32 $0x0, s21;
	[sflag:s23] =	ssyncset.done $0x0  }
0xa7: {  	[sflag:s23] =	ssyncadd.s32 s7;
	_ =	sdelay $0x1  }
0xa8: {  	s24 =	simm.s32 $0x1B8B  }
0xa9: {  	_ =	swait.ge [sflag:s24], $0x1  }
0xaa: {  	[sflag:s24] =	ssyncset.done $0x0  }
0xab: {  	s25 =	simm.s32 $0x1B8E;
	[sflag:s24] =	ssyncadd.s32 $0xFFFFFFFF  }
0xac: {  	s26 =	simm.s32 $execute0_lowered;
	[smem:$0x3FD2] =	sst s25  }
0xad: {  	s7 =	sshll.u32 s26, $0x1;
	_ =	strace $0x80000046;
	[dreg:$0x1] =	wrdreg $0xFFFFFFFF  }
0xae: {  	s28 =	simm.s32 $_size_execute0_lowered;
	s6 =	sadd.s32 s6, s7;
	[dreg:$0x0] =	wrdreg $0x0  }
0xaf: {  	s7 =	sshll.u32 s28, $0x1;
	[dreg:$0x2] =	wrdreg s6  }
0xb0: {  	[dreg:$0x3] =	wrdreg s7  }
0xb1: {  	[dreg:$0x4] =	wrdreg $0xC0  }
0xb2: {  	_ =	task [dreg:s10], $0x5FFFF  }
0xb3: {  	[dreg:$0x1] =	wrdreg $0xFFFFFFFF  }
0xb4: {  	[dreg:$0x0] =	wrdreg $0x60  }
0xb5: {  	[dreg:$0x2] =	wrdreg s17  }
0xb6: {  	[dreg:$0x3] =	wrdreg s19  }
0xb7: {  	[dreg:$0x4] =	wrdreg s5  }
0xb8: {  	[dreg:$0x5] =	wrdreg s18  }
0xb9: {  	[dreg:$0x6] =	wrdreg $0x0  }
0xba: {  	[dreg:$0x7] =	wrdreg $0x9  }
0xbb: {  	_ =	task.clear_ibuf [dreg:s10], $0x8FFFF;
	_ =	strace $0x90000046  }
0xbc: {  	s29 =	simm.s32 $0x9;
	_ =	strace $0x80000048  }
0xbd: {  	_ =	swait.ge [sflag:s29], $0x1  }
0xbe: {  	[sflag:s29] =	ssyncadd.s32 $0xFFFFFFFF  }
0xbf: {  	_ =	strace $0x90000048  }
0xc0: {  	_ =	sfence  }
0xc1: {  	s30 =	sld [smem:$0x0];
	_ =	sdelay $0x2  }
0xc2: {  	s31 =	sshll.u32 s1, $0xD;
	s1 =	sshrl.u32 s1, $0x2  }
0xc3: {  	s3 =	sand.u32 $0x4000, s31;
	s1 =	sadd.s32 s1, s30  }
0xc4: {  	s0 =	sor.u32 s3, s0;
	s1 =	sshll.u32 s1, $0x11  }
0xc5: {  	s0 =	sor.u32 s1, s0  }
0xc6: {  	s0 =	sadd.s32 $0x8F2B, s0  }
0xc7: {  	[sflag:s0] =	ssyncadd.remote.s32 $0x1  }
0xc8: {  	_ =	sfence.sel $0xFFFF  }
0xc9: {  	[dreg:$0x0] =	wrdreg $0xFFFFFFFF;
	(pc) =	sbr.abs _section_cstart, $3  }
0xca: {  	[dreg:$0x1] =	wrdreg $0xFFFFFFFF  }
0xcb: {  	_ =	task.clear_ibuf [dreg:s10], $0x2FFFF;
	_ =	strace $0x9FFFFFFF  }
0xcc: {  	(tm) =	ssettm $0x7FFFFFFF  }
0xcd: {  	_ =	shalt  }
tec
execute0_lowered:
.L_overlay_start_1:
0x0: {  	(tag) =	ssettag $0x1  }
0x1: {  	s10 =	rddreg [dreg:$0x0]  }
0x2: {  	s1 =	rddreg [dreg:$0x1]  }
0x3: {  	s2 =	rddreg [dreg:$0x2]  }
0x4: {  	s8 =	rddreg [dreg:$0x3]  }
0x5: {  	s4 =	rddreg [dreg:$0x4];
	s3 =	stileid.u32  }
0x6: {  	s0 =	rddreg [dreg:$0x5];
	s5 =	simm.s32 $0x0;
	s29 =	smul.u32 $0x278, s3  }
0x7: {  	s6 =	srdreg.scid;
	s19 =	simm.s32 $0x0;
	s13 =	smul.u32 $0x13C00, s3  }
0x8: {  	[smem:$0x7FF] =	sst s5;
	s7 =	sand.u32 $0x1, s6;
	s30 =	smul.u32 $0x4F000, s3  }
0x9: {  	s14 =	smul.u32 $0x4E20, s3;
	s16 =	sadd.s32 $0x128400, s4;
	p0 =	seq.s32 s3, $0xF  }
0xa: {  	_ =	strace $0x80000047;
	s9 =	ssub.s32 $0x2, s7;
	s11 =	smul.u32 $0x138800, s7  }
0xb: {  	s15 =	smul.u32 $0x2710, s7;
	s16 =	sshrl.u32 @p0 s16, $0x3;
	s17 =	sshll.u32 @!p0 s3, $0x6  }
0xc: {  	s12 =	sshrl.u32 s9, $0x1;
	s6 =	smin.u32 s29, $0x2498;
	s17 =	sor.u32 @!p0 $0x1C01, s17  }
0xd: {  	s9 =	ssub.s32 s9, s12;
	s6 =	sshll.u32 s6, $0x7;
	s13 =	sadd.s32 s13, s11  }
0xe: {  	s11 =	sshrl.u32 s11, $0x3;
	s12 =	sshrl.u32 s30, $0x2;
	s31 =	sadd.s32 s15, s14  }
0xf: {  	s14 =	simm.s32 $0x5310;
	s15 =	simm.s32 $0x50;
	s6 =	sadd.s32 s6, s4  }
0x10: {  	s13 =	sshrl.u32 s13, $0x3;
	s18 =	sadd.s32 s12, s4;
	s9 =	smax.u32 s9, $0x1  }
0x11: {  	s12 =	simm.s32 $0x1;
	s7 =	sadd.s32 s8, s13;
	s8 =	sadd.s32 s8, s11  }
0x12: {  	s11 =	sshrl.u32 s31, $0x3;
	s13 =	simm.s32 $0x2B10;
	s18 =	sshrl.u32 @!p0 s18, $0x3  }
0x13: {  	s8 =	sadd.s32 $0x25080, s8;
	s10 =	sadd.s32 s11, s10;
	s11 =	simm.s32 $0x2710  }
.LBB2_1:
0x14: {  	[tilespmem:s11], [sflag:$0x1] =	stream.linear.gather [hbm4b:s2+s5], $0x400, $0x38;
	[tilespmem:$0x5390] =	vst v63  }
0x15: {  	_ =	swait.ge [sflag:s12], $0x400  }
0x16: {  	[sflag:s12] =	ssyncset.done $0x0  }
0x17: {  	[sflag:s12] =	ssyncadd.s32 $0xFFFFFC00  }
0x18: {  	[tilespmem:s13], [sflag:$0x1] =	stream.linear.gather [hbm4b:s1+s5], $0x2800, $0x38;
	[tilespmem:$0x5390] =	vst v63  }
0x19: {  	_ =	swait.ge [sflag:s12], $0x2800  }
0x1a: {  	[sflag:s12] =	ssyncset.done $0x0  }
0x1b: {  	s20 =	sadd.s32 $0x0, s6;
	[sflag:s12] =	ssyncadd.s32 $0xFFFFD800  }
0x1c: {  	[spmem:s20] =	stream.linear.scatter [tilespmem:s11], [sflag:$0x1], $0x400, $0x38;
	[tilespmem:$0x5390] =	vst v63  }
0x1d: {  	s20 =	simm.s32 $0x1000;
	_ =	swait.ge [sflag:s12], $0x400  }
.LBB2_2:
0x1e: {  	s21 =	sshra.s32 s20, $0x2;
	[sflag:s12] =	ssyncset.done $0x0;
	p1 =	sne.s32 s20, $0x4E000  }
.Ltmp0:
0x1f: {  	s21 =	sadd.s32 s21, s6;
	[sflag:s12] =	ssyncadd.s32 $0xFFFFFC00;
	(pc) =	sbr.rel @p1 .LBB2_2-.Ltmp0, $3  }
0x20: {  	[spmem:s21] =	stream.linear.scatter [tilespmem:s11], [sflag:$0x1], $0x400, $0x38;
	[tilespmem:$0x5390] =	vst v63  }
0x21: {  	s20 =	sadd.s32 $0x1000, s20;
	_ =	sdelay $0x1  }
0x22: {  	_ =	swait.ge [sflag:s12], $0x400  }
0x23: {  	[sflag:s12] =	ssyncset.done $0x0  }
0x24: {  	[sflag:s12] =	ssyncadd.s32 $0xFFFFFC00  }
0x25: {  	[bflag:$0x0] =	sbarrier.arrive $0xFFFF  }
0x26: {  	s20 =	sadd.s32 $0x0, s10;
	[bflag:$0x0] =	sbarrier.arrive $0xFFFF  }
0x27: {  	[tilespmem:s14], [sflag:$0x1] =	stream.linear.gather [hbm4b:s20+s5], $0x50, $0x38;
	[tilespmem:$0x5390] =	vst v63  }
0x28: {  	_ =	swait.ge [sflag:s12], $0x50  }
0x29: {  	[sflag:s12] =	ssyncset.done $0x0  }
0x2a: {  	[sflag:s12] =	ssyncadd.s32 $0xFFFFFFB0  }
0x2b: {  	[spmem:s4] =	stream.indirect.scatter.add.f32 [tilespmem:s13], [sflag:$0x1], $0x10, s14, s15, $0xb8;
	[tilespmem:$0x5390] =	vst v63  }
0x2c: {  	_ =	swait.ge [sflag:s12], $0x500  }
0x2d: {  	s21 =	simm.s32 $0x14;
	s20 =	simm.s32 $0xA;
	[sflag:s12] =	ssyncset.done $0x0  }
.LBB2_4:
0x2e: {  	s22 =	sadd.s32 s20, s10  }
0x2f: {  	[sflag:s12] =	ssyncadd.s32 $0xFFFFFB00;
	s20 =	smov.u32 s21;
	s23 =	sadd.s32 $0xA, s21  }
0x30: {  	[tilespmem:s14], [sflag:$0x1] =	stream.linear.gather [hbm4b:s22+s5], $0x50, $0x38;
	[tilespmem:$0x5390] =	vst v63  }
0x31: {  	p1 =	sne.s32 s21, $0x4D8;
	_ =	swait.ge [sflag:s12], $0x50  }
.Ltmp1:
0x32: {  	[sflag:s12] =	ssyncset.done $0x0;
	(pc) =	sbr.rel @p1 .LBB2_4-.Ltmp1, $4  }
0x33: {  	[sflag:s12] =	ssyncadd.s32 $0xFFFFFFB0  }
0x34: {  	[spmem:s4] =	stream.indirect.scatter.add.f32 [tilespmem:s13], [sflag:$0x1], $0x10, s14, s15, $0xb8;
	[tilespmem:$0x5390] =	vst v63  }
0x35: {  	_ =	swait.ge [sflag:s12], $0x500  }
0x36: {  	s21 =	smov.u32 s23;
	[sflag:s12] =	ssyncset.done $0x0  }
0x37: {  	s20 =	sadd.s32 s20, s10;
	[sflag:s12] =	ssyncadd.s32 $0xFFFFFB00  }
0x38: {  	[tilespmem:s14], [sflag:$0x1] =	stream.linear.gather [hbm4b:s20+s5], $0x50, $0x38;
	[tilespmem:$0x5390] =	vst v63  }
0x39: {  	_ =	swait.ge [sflag:s12], $0x50  }
0x3a: {  	[sflag:s12] =	ssyncset.done $0x0  }
0x3b: {  	[sflag:s12] =	ssyncadd.s32 $0xFFFFFFB0  }
0x3c: {  	[spmem:s4] =	stream.indirect.scatter.add.f32 [tilespmem:s13], [sflag:$0x1], $0x10, s14, s15, $0xb8;
	[tilespmem:$0x5390] =	vst v63  }
0x3d: {  	_ =	swait.ge [sflag:s12], $0x500  }
0x3e: {  	[sflag:s12] =	ssyncset.done $0x0  }
0x3f: {  	[sflag:s12] =	ssyncadd.s32 $0xFFFFFB00  }
0x40: {  	[bflag:$0x0] =	sbarrier.arrive $0xFFFF  }
0x41: {  	s20 =	simm.s32 @p0 $0x1FC1;
	[bflag:$0x0] =	sbarrier.arrive $0xFFFF  }
0x42: {  	[hbm:s8], [sflag:s20] =	dma.local @p0 [spmem:s16], $0x2080  }
0x43: {  	s20 =	simm.s32 @p0 $0x1  }
0x44: {  	s19 =	sadd.s32 $0x1, s19;
	_ =	swait.ge @p0 [sflag:s20], $0x2080  }
0x45: {  	p1 =	sne.s32 s19, s9;
	[sflag:s20] =	ssyncset.done @p0 $0x0  }
.Ltmp2:
0x46: {  	[sflag:s20] =	ssyncadd.s32 @p0 $0xFFFFDF80;
	s20 =	simm.s32 @!p0 $0x1;
	(pc) =	sbr.rel @p1 .LBB2_1-.Ltmp2, $4  }
0x47: {  	[hbm:s7], [sflag:s17] =	dma.local @!p0 [spmem:s18], $0x2780  }
0x48: {  	_ =	swait.ge @!p0 [sflag:s20], $0x2780  }
0x49: {  	[sflag:s20] =	ssyncset.done @!p0 $0x0  }
0x4a: {  	[sflag:s20] =	ssyncadd.s32 @!p0 $0xFFFFD880  }
0x4b: {  	_ =	sfence.sel $0x180000  }
0x4c: {  	[bflag:$0x0] =	sbarrier.arrive $0xFFFF  }
0x4d: {  	p0 =	sne.s32 s3, $0x0;
	_ =	strace $0x90000047  }
0x4e: {  	s0 =	sadd.s32 @!p0 $0x100000, s0;
	[bflag:$0x2] =	sbarrier.arrive $0xFFFF  }
0x4f: {  	[sflag:s0] =	ssyncadd.tile.s32 @!p0 $0x1;
	_ =	shalt  }
.Lfunc_end2:
_tile_overlayer_lowered:
.L_overlay_start_2:
0x50: {  	(tag) =	ssettag $0x2  }
0x51: {  	s0 =	rddreg [dreg:$0x0];
	s2 =	stileid.u32  }
0x52: {  	s1 =	rddreg [dreg:$0x1];
	p0 =	sne.s32 s2, $0x0  }
0x53: {  	s3 =	rddreg [dreg:$0x2];
	[bflag:$0x3] =	sbarrier.arrive $0xFFFF;
	s2 =	simm.s32 @!p0 $0x1C01  }
0x54: {  	[timem:s3], [sflag:s2] =	dma.local @!p0 [hbm:s0], s1  }
0x55: {  	s0 =	simm.s32 @!p0 $0x1  }
0x56: {  	_ =	swait.ge @!p0 [sflag:s0], s1  }
0x57: {  	s1 =	ssub.s32 @!p0 $0x0, s1;
	[sflag:s0] =	ssyncset.done @!p0 $0x0  }
0x58: {  	[sflag:s0] =	ssyncadd.s32 @!p0 s1  }
0x59: {  	[bflag:$0x3] =	sbarrier.arrive $0xFFFF  }
0x5a: {  	_ =	shalt  }

// kernel: kernel.32.cloned.1.call-start
scs
__scs_entry_jumppad:
0x0: {  	(pc) =	sbr.rel $0x88, $3  }
0x1: {  	(tag) =	ssettag $0x0;
	lr =	simm.s32 $0x1  }
0x2: {  	[smem:$0x3F7E] =	sst lr;
	_ =	strace $0xD0000000  }
0x3: {  	_ = 	snop  }
0x4: {  	_ = 	snop  }
0x5: {  	_ = 	snop  }
0x6: {  	_ = 	snop  }
0x7: {  	_ = 	snop  }
__scs_overlays_trampoline_lowered:
0x8: {  	[smem:$0x3F8D] =	sst s0  }
0x9: {  	[smem:$0x3F8E] =	sst s1  }
0xa: {  	[smem:$0x3F8F] =	sst s2  }
0xb: {  	[smem:$0x3F90] =	sst s3  }
0xc: {  	[smem:$0x3F91] =	sst s4  }
0xd: {  	[smem:$0x3F92] =	sst s5  }
0xe: {  	[smem:$0x3F93] =	sst s6  }
0xf: {  	[smem:$0x3F94] =	sst s7  }
0x10: {  	[smem:$0x3F95] =	sst s8  }
0x11: {  	[smem:$0x3F96] =	sst s9;
	s0 =	simm.s32 @!p0 $0x0  }
0x12: {  	s1 =	sld [smem:$0x3F7C];
	s0 =	simm.s32 @p0 $0x1  }
0x13: {  	[smem:$0x3F97] =	sst s0;
	s0 =	simm.s32 @!p1 $0x0  }
0x14: {  	s2 =	sld [smem:$0x3F7B];
	s0 =	simm.s32 @p1 $0x1  }
0x15: {  	[smem:$0x3F98] =	sst s0;
	s0 =	simm.s32 @!p2 $0x0  }
0x16: {  	s3 =	sld [smem:$0x3FDB];
	s0 =	simm.s32 @p2 $0x1  }
0x17: {  	s4 =	simm.s32 $0x1BF5;
	[smem:$0x3F9A] =	sst s0  }
0x18: {  	s0 =	sld [smem:$0x3F7D];
	_ =	swait.ge [sflag:s4], $0x0  }
0x19: {  	s7 =	sld [smem:$0x3F7E]  }
0x1a: {  	s8 =	sadd.s32 $0xFFFFE003, lr  }
0x1b: {  	s9 =	sadd.s32 $0xFFFFFEF7, lr;
	s5 =	simm.s32 $0xFFFFFFFF;
	p2 =	slt.u32 s8, $0xFFFFF086  }
0x1c: {  	p1 =	slt.u32 s9, $0xF7A;
	s5 =	simm.s32 @!p2 $0x0  }
0x1d: {  	s5 =	simm.s32 @p1 $0x1;
	p0 =	seq.s32 s7, s2  }
0x1e: {  	s7 =	smul.u32 @!p0 $0xF7A, s2;
	p2 =	seq.s32 @!p0 s5, $0x0  }
0x1f: {  	s9 =	smul.u32 $0xF7A, s1;
	s8 =	simm.s32 @!p0 $0x1BF5;
	p2 =	por !p2, p0  }
0x20: {  	[sflag:s8] =	ssyncset.s32 @!p0 $0xFFFFF086;
	s6 =	sadd.s32 @!p0 s3, s7;
	s7 =	simm.s32 @!p0 $0x108  }
0x21: {  	s3 =	sadd.s32 s3, s9;
	s6 =	sadd.s32 @!p0 $0x88, s6;
	s7 =	simm.s32 @p2 $0x1082  }
0x22: {  	[simem:s7], [sflag:s8] =	dma.local @!p0 [hbm:s6], $0xF7A  }
0x23: {  	s9 =	sor.u32 $0xD0000000, s2;
	s6 =	simm.s32 $0x108;
	_ =	swait.ge @!p0 [sflag:s8], $0x0  }
0x24: {  	s3 =	sadd.s32 $0x88, s3;
	s6 =	simm.s32 @!p1 $0x1082;
	[sflag:s4] =	ssyncset.s32 $0xFFFFF086  }
0x25: {  	[simem:s6], [sflag:s4] =	dma.local [hbm:s3], $0xF7A  }
0x26: {  	[smem:$0x3F7E] =	sst s1;
	(tag) =	ssettag s2;
	_ =	strace s9  }
0x27: {  	s1 =	sld [smem:$0x3F8E]  }
0x28: {  	s2 =	sld [smem:$0x3F8F]  }
0x29: {  	s4 =	sld [smem:$0x3F91]  }
0x2a: {  	p0 =	seq.s32 s5, $0x0;
	s5 =	sld [smem:$0x3F92]  }
0x2b: {  	s6 =	sld [smem:$0x3F93]  }
0x2c: {  	s7 =	sld [smem:$0x3F94]  }
0x2d: {  	s3 =	simm.s32 $0x108;
	s8 =	sld [smem:$0x3F95]  }
0x2e: {  	s3 =	simm.s32 @!p0 $0x1082;
	s9 =	sld [smem:$0x3F96]  }
0x2f: {  	lr =	sadd.s32 s0, s3;
	s0 =	sld [smem:$0x3F8D]  }
0x30: {  	s3 =	sld [smem:$0x3F90]  }
0x31: {  	[smem:$0x3F99] =	sst s10  }
0x32: {  	s10 =	sld [smem:$0x3F97];
	_ =	sdelay $0x3  }
0x33: {  	p0 =	seq.s32 s10, $0x1;
	s10 =	sld [smem:$0x3F99];
	_ =	sdelay $0x3  }
0x34: {  	[smem:$0x3F99] =	sst s10  }
0x35: {  	s10 =	sld [smem:$0x3F98];
	_ =	sdelay $0x3  }
0x36: {  	p1 =	seq.s32 s10, $0x1;
	s10 =	sld [smem:$0x3F99];
	_ =	sdelay $0x3  }
0x37: {  	[smem:$0x3F99] =	sst s10  }
0x38: {  	s10 =	sld [smem:$0x3F9A]  }
0x39: {  	_ = 	snop;
	(pc) =	sbr.ind lr, $3  }
0x3a: {  	_ = 	snop  }
0x3b: {  	_ = 	snop  }
0x3c: {  	p2 =	seq.s32 s10, $0x1;
	s10 =	sld [smem:$0x3F99]  }
0x3d: {  	_ =	shalt  }
0x3e: {  	_ =	shalt  }
0x3f: {  	_ =	shalt  }
0x40: {  	_ =	shalt  }
0x41: {  	_ =	shalt  }
0x42: {  	_ =	shalt  }
0x43: {  	_ =	shalt  }
0x44: {  	_ =	shalt  }
0x45: {  	_ =	shalt  }
0x46: {  	_ =	shalt  }
0x47: {  	_ =	shalt  }
0x48: {  	_ =	shalt  }
0x49: {  	_ =	shalt  }
0x4a: {  	_ =	shalt  }
0x4b: {  	_ =	shalt  }
0x4c: {  	_ =	shalt  }
0x4d: {  	_ =	shalt  }
0x4e: {  	_ =	shalt  }
0x4f: {  	_ =	shalt  }
0x50: {  	_ =	shalt  }
0x51: {  	_ =	shalt  }
0x52: {  	_ =	shalt  }
0x53: {  	_ =	shalt  }
0x54: {  	_ =	shalt  }
0x55: {  	_ =	shalt  }
0x56: {  	_ =	shalt  }
0x57: {  	_ =	shalt  }
0x58: {  	_ =	shalt  }
0x59: {  	_ =	shalt  }
0x5a: {  	_ =	shalt  }
0x5b: {  	_ =	shalt  }
0x5c: {  	_ =	shalt  }
0x5d: {  	_ =	shalt  }
0x5e: {  	_ =	shalt  }
0x5f: {  	_ =	shalt  }
0x60: {  	_ =	shalt  }
0x61: {  	_ =	shalt  }
0x62: {  	_ =	shalt  }
0x63: {  	_ =	shalt  }
0x64: {  	_ =	shalt  }
0x65: {  	_ =	shalt  }
0x66: {  	_ =	shalt  }
0x67: {  	_ =	shalt  }
0x68: {  	_ =	shalt  }
0x69: {  	_ =	shalt  }
0x6a: {  	_ =	shalt  }
0x6b: {  	_ =	shalt  }
0x6c: {  	_ =	shalt  }
0x6d: {  	_ =	shalt  }
0x6e: {  	_ =	shalt  }
0x6f: {  	_ =	shalt  }
0x70: {  	_ =	shalt  }
0x71: {  	_ =	shalt  }
0x72: {  	_ =	shalt  }
0x73: {  	_ =	shalt  }
0x74: {  	_ =	shalt  }
0x75: {  	_ =	shalt  }
0x76: {  	_ =	shalt  }
0x77: {  	_ =	shalt  }
0x78: {  	_ =	shalt  }
0x79: {  	_ =	shalt  }
0x7a: {  	_ =	shalt  }
0x7b: {  	_ =	shalt  }
0x7c: {  	_ =	shalt  }
0x7d: {  	_ =	shalt  }
0x7e: {  	_ =	shalt  }
0x7f: {  	_ =	shalt  }
0x80: {  	_ =	shalt  }
0x81: {  	_ =	shalt  }
0x82: {  	_ =	shalt  }
0x83: {  	_ =	shalt  }
0x84: {  	_ =	shalt  }
0x85: {  	_ =	shalt  }
0x86: {  	_ =	shalt  }
0x87: {  	_ =	shalt  }
.Lfunc_end0:
.L_simem_size_0:
called_computation.1_lowered:
.L_overlay_start_0:
0x88: {  	s2 =	sld [smem:$0x3FD9]  }
0x89: {  	s3 =	sld [smem:$0x3FFE];
	_ =	sdelay $0x1  }
0x8a: {  	s1 =	srdreg.scid  }
0x8b: {  	s0 =	sand.u32 $0x1, s1  }
0x8c: {  	s14 =	sshll.u32 s0, $0xA;
	s2 =	sadd.s32 s3, s2  }
0x8d: {  	s2 =	sadd.s32 s2, s14  }
0x8e: {  	[smem:$0x3FA5] =	sst s2  }
0x8f: {  	_ = 	snop  }
0x90: {  	s2 =	sld [smem:$0x3FD0];
	_ =	sdelay $0x2  }
0x91: {  	s15 =	simm.s32 $0xA;
	s4 =	simm.s32 $0x10  }
0x92: {  	[smem:s4], [sflag:s15] =	dma.local [hbm:s2], $0x1  }
0x93: {  	_ =	swait.eq [sflag:s15], $0x1  }
0x94: {  	s16 =	sld [smem:$0x10]  }
0x95: {  	s17 =	sld [smem:$0x11]  }
0x96: {  	s5 =	sld [smem:$0x12];
	[sflag:s15] =	ssyncset.done $0x0  }
0x97: {  	s6 =	sld [smem:$0x14];
	[sflag:s15] =	ssyncadd.s32 $0xFFFFFFFF  }
0x98: {  	s18 =	sld [smem:$0x15];
	(tm) =	ssettm $0x1  }
0x99: {  	s7 =	sld [smem:$0x3FFB];
	_ =	sdelay $0x3  }
0x9a: {  	_ =	strace s7  }
0x9b: {  	s7 =	sld [smem:$0x3FFC];
	_ =	sdelay $0x3  }
0x9c: {  	_ =	strace s7  }
0x9d: {  	s7 =	sld [smem:$0x3FFD];
	_ =	sdelay $0x3  }
0x9e: {  	_ =	strace s7  }
0x9f: {  	_ =	strace $0x8FFFFFFF  }
0xa0: {  	s19 =	sld [smem:$0x3FDB];
	_ =	sdelay $0x1  }
0xa1: {  	s8 =	simm.s32 $_scs_section_size  }
0xa2: {  	s9 =	simm.s32 $_size__tile_overlayer_lowered;
	s10 =	simm.s32 $_tile_overlayer_lowered  }
0xa3: {  	s22 =	simm.s32 $0x1BFF;
	s21 =	sshll.u32 s10, $0x1;
	s7 =	sadd.s32 s8, s19  }
0xa4: {  	s11 =	simm.s32 $0x0;
	s20 =	sshll.u32 s9, $0x1;
	s9 =	sadd.s32 s21, s7  }
0xa5: {  	[timem:s11], [sflag:s22] =	dma.local [hbm:s9], s20  }
0xa6: {  	_ =	swait.ge [sflag:s22], s20  }
0xa7: {  	s8 =	ssub.s32 $0x0, s20;
	[sflag:s22] =	ssyncset.done $0x0  }
0xa8: {  	[sflag:s22] =	ssyncadd.s32 s8;
	_ =	sdelay $0x1  }
0xa9: {  	s23 =	simm.s32 $0x1B8B  }
0xaa: {  	_ =	swait.ge [sflag:s23], $0x1  }
0xab: {  	[sflag:s23] =	ssyncset.done $0x0  }
0xac: {  	s25 =	simm.s32 $0x1B8E;
	s24 =	sld [smem:$0x3FFE];
	[sflag:s23] =	ssyncadd.s32 $0xFFFFFFFF  }
0xad: {  	s26 =	simm.s32 $execute0_lowered;
	[smem:$0x3FD2] =	sst s25  }
0xae: {  	s9 =	sshll.u32 s26, $0x1;
	_ =	strace $0x80000049;
	[dreg:$0x1] =	wrdreg $0xFFFFFFFF  }
0xaf: {  	s28 =	simm.s32 $_size_execute0_lowered;
	s7 =	sadd.s32 s7, s9;
	[dreg:$0x0] =	wrdreg $0x0  }
0xb0: {  	s9 =	sshll.u32 s28, $0x1;
	[dreg:$0x2] =	wrdreg s7  }
0xb1: {  	[dreg:$0x3] =	wrdreg s9  }
0xb2: {  	[dreg:$0x4] =	wrdreg $0xC0  }
0xb3: {  	_ =	task [dreg:s11], $0x5FFFF  }
0xb4: {  	[dreg:$0x1] =	wrdreg $0xFFFFFFFF  }
0xb5: {  	[dreg:$0x0] =	wrdreg $0x60  }
0xb6: {  	[dreg:$0x2] =	wrdreg s24  }
0xb7: {  	[dreg:$0x3] =	wrdreg s17  }
0xb8: {  	[dreg:$0x4] =	wrdreg s16  }
0xb9: {  	[dreg:$0x5] =	wrdreg s18  }
0xba: {  	[dreg:$0x6] =	wrdreg s6  }
0xbb: {  	[dreg:$0x7] =	wrdreg s5  }
0xbc: {  	[dreg:$0x8] =	wrdreg $0x0  }
0xbd: {  	[dreg:$0x9] =	wrdreg $0x9  }
0xbe: {  	_ =	task.clear_ibuf [dreg:s11], $0xAFFFF;
	_ =	strace $0x90000049  }
0xbf: {  	s29 =	simm.s32 $0x9;
	_ =	strace $0x8000004B  }
0xc0: {  	_ =	swait.ge [sflag:s29], $0x1  }
0xc1: {  	[sflag:s29] =	ssyncadd.s32 $0xFFFFFFFF  }
0xc2: {  	_ =	strace $0x9000004B  }
0xc3: {  	_ =	sfence  }
0xc4: {  	s30 =	sld [smem:$0x0];
	_ =	sdelay $0x2  }
0xc5: {  	s31 =	sshll.u32 s1, $0xD;
	s1 =	sshrl.u32 s1, $0x2  }
0xc6: {  	s3 =	sand.u32 $0x4000, s31;
	s1 =	sadd.s32 s1, s30  }
0xc7: {  	s0 =	sor.u32 s3, s0;
	s1 =	sshll.u32 s1, $0x11  }
0xc8: {  	s0 =	sor.u32 s1, s0  }
0xc9: {  	s0 =	sadd.s32 $0x8F2B, s0  }
0xca: {  	[sflag:s0] =	ssyncadd.remote.s32 $0x1  }
0xcb: {  	_ =	sfence.sel $0xFFFF  }
0xcc: {  	[dreg:$0x0] =	wrdreg $0xFFFFFFFF;
	(pc) =	sbr.abs _section_cstart, $3  }
0xcd: {  	[dreg:$0x1] =	wrdreg $0xFFFFFFFF  }
0xce: {  	_ =	task.clear_ibuf [dreg:s11], $0x2FFFF;
	_ =	strace $0x9FFFFFFF  }
0xcf: {  	(tm) =	ssettm $0x7FFFFFFF  }
tec
execute0_lowered:
.L_overlay_start_1:
0x0: {  	(tag) =	ssettag $0x1  }
0x1: {  	s6 =	rddreg [dreg:$0x0]  }
0x2: {  	s12 =	rddreg [dreg:$0x1]  }
0x3: {  	s11 =	rddreg [dreg:$0x2]  }
0x4: {  	s1 =	rddreg [dreg:$0x3]  }
0x5: {  	s2 =	rddreg [dreg:$0x4]  }
0x6: {  	s9 =	rddreg [dreg:$0x5]  }
0x7: {  	s4 =	rddreg [dreg:$0x6]  }
0x8: {  	s0 =	rddreg [dreg:$0x7]  }
0x9: {  	s7 =	srdreg.scid;
	s3 =	stileid.u32  }
0xa: {  	s5 =	simm.s32 $0x0;
	s18 =	simm.s32 $0x50;
	s8 =	smul.u32 $0x278, s3  }
0xb: {  	s19 =	simm.s32 $0x13E00;
	s20 =	simm.s32 $0x1;
	s15 =	smul.u32 $0x13C00, s3  }
0xc: {  	s24 =	simm.s32 $0x0;
	s7 =	sand.u32 $0x1, s7;
	s30 =	smul.u32 $0x4F000, s3  }
0xd: {  	[smem:$0x7FF] =	sst s5;
	s16 =	smul.u32 $0x4E20, s3;
	s21 =	sadd.s32 $0x128400, s4  }
0xe: {  	s6 =	sadd.s32 $0xAE00, s6;
	p0 =	seq.s32 s3, $0xF;
	s13 =	smul.u32 $0x138800, s7  }
0xf: {  	s10 =	ssub.s32 $0x2, s7;
	_ =	strace $0x8000004A;
	s17 =	smul.u32 $0x2710, s7  }
0x10: {  	s21 =	sshrl.u32 @p0 s21, $0x3;
	s22 =	sshll.u32 @!p0 s3, $0x6;
	s14 =	sshrl.u32 s10, $0x1  }
0x11: {  	s8 =	smin.u32 s8, $0x2498;
	s22 =	sor.u32 @!p0 $0x1C02, s22;
	s10 =	ssub.s32 s10, s14  }
0x12: {  	s15 =	sadd.s32 s15, s13;
	s8 =	sshll.u32 s8, $0x7;
	s13 =	sshrl.u32 s13, $0x3  }
0x13: {  	s14 =	sshrl.u32 s30, $0x2;
	s31 =	sadd.s32 s17, s16;
	s16 =	simm.s32 $0x13C80  }
0x14: {  	s17 =	simm.s32 $0x13D00;
	s15 =	sshrl.u32 s15, $0x3;
	s7 =	sadd.s32 s8, s4  }
0x15: {  	s23 =	sadd.s32 s14, s4;
	s10 =	smax.u32 s10, $0x1;
	s14 =	simm.s32 $0x2  }
0x16: {  	s8 =	sadd.s32 s9, s15;
	s9 =	sadd.s32 s9, s13;
	s13 =	sshrl.u32 s31, $0x3  }
0x17: {  	s15 =	simm.s32 $0x13880;
	s23 =	sshrl.u32 @!p0 s23, $0x3;
	s9 =	sadd.s32 $0x25080, s9  }
0x18: {  	s11 =	sadd.s32 s13, s11;
	s12 =	sadd.s32 s13, s12;
	s13 =	simm.s32 $0x13D80  }
.LBB2_1:
0x19: {  	[tilespmem:s13], [sflag:$0x2] =	stream.linear.gather [hbm4b:s2+s5], $0x80, $0x38;
	[tilespmem:$0x16600] =	vst v63  }
0x1a: {  	_ =	swait.ge [sflag:s14], $0x80  }
0x1b: {  	[sflag:s14] =	ssyncset.done $0x0  }
0x1c: {  	[sflag:s14] =	ssyncadd.s32 $0xFFFFFF80  }
0x1d: {  	[tilespmem:s15], [sflag:$0x2] =	stream.linear.gather [hbm4b:s1+s5], $0x400, $0x38;
	[tilespmem:$0x16600] =	vst v63  }
0x1e: {  	_ =	swait.ge [sflag:s14], $0x400  }
0x1f: {  	[sflag:s14] =	ssyncset.done $0x0  }
0x20: {  	s25 =	sadd.s32 $0x0, s7;
	[sflag:s14] =	ssyncadd.s32 $0xFFFFFC00  }
0x21: {  	[spmem:s25] =	stream.linear.scatter [tilespmem:s15], [sflag:$0x2], $0x400, $0x38;
	[tilespmem:$0x16600] =	vst v63  }
0x22: {  	s25 =	simm.s32 $0x1000;
	_ =	swait.ge [sflag:s14], $0x400  }
.LBB2_2:
0x23: {  	s26 =	sshra.s32 s25, $0x2;
	[sflag:s14] =	ssyncset.done $0x0;
	p1 =	sne.s32 s25, $0x4E000  }
.Ltmp0:
0x24: {  	s26 =	sadd.s32 s26, s7;
	[sflag:s14] =	ssyncadd.s32 $0xFFFFFC00;
	(pc) =	sbr.rel @p1 .LBB2_2-.Ltmp0, $3  }
0x25: {  	[spmem:s26] =	stream.linear.scatter [tilespmem:s15], [sflag:$0x2], $0x400, $0x38;
	[tilespmem:$0x16600] =	vst v63  }
0x26: {  	s25 =	sadd.s32 $0x1000, s25;
	_ =	sdelay $0x1  }
0x27: {  	_ =	swait.ge [sflag:s14], $0x400  }
0x28: {  	[sflag:s14] =	ssyncset.done $0x0  }
0x29: {  	[sflag:s14] =	ssyncadd.s32 $0xFFFFFC00  }
0x2a: {  	[bflag:$0x0] =	sbarrier.arrive $0xFFFF  }
0x2b: {  	s25 =	sadd.s32 $0x0, s12;
	[bflag:$0x0] =	sbarrier.arrive $0xFFFF  }
0x2c: {  	[tilespmem:s16], [sflag:$0x2] =	stream.linear.gather [hbm4b:s25+s5], $0x50, $0x38;
	[tilespmem:$0x16600] =	vst v63  }
0x2d: {  	_ =	swait.ge [sflag:s14], $0x50  }
0x2e: {  	[sflag:s14] =	ssyncset.done $0x0  }
0x2f: {  	s31 =	sadd.s32 $0x0, s11;
	[sflag:s14] =	ssyncadd.s32 $0xFFFFFFB0  }
0x30: {  	[tilespmem:s17], [sflag:$0x2] =	stream.linear.gather [hbm4b:s31+s5], $0x50, $0x38;
	[tilespmem:$0x16600] =	vst v63  }
0x31: {  	_ =	swait.ge [sflag:s14], $0x50  }
0x32: {  	[sflag:s14] =	ssyncset.done $0x0  }
0x33: {  	[sflag:s14] =	ssyncadd.s32 $0xFFFFFFB0  }
0x34: {  	[tilespmem:s19], [sflag:$0x1] =	stream.indirect.gather [hbm4b:s6+s18], $0x80, s16, s18, $0xb8;
	[tilespmem:$0x16600] =	vst v63  }
0x35: {  	_ =	swait.ge [sflag:s20], $0x2800  }
0x36: {  	[sflag:s20] =	ssyncset.done $0x0  }
0x37: {  	[sflag:s20] =	ssyncadd.s32 $0xFFFFD800  }
0x38: {  	[spmem:s4] =	stream.indirect.scatter.add.f32 [tilespmem:s19], [sflag:$0x2], $0x80, s17, s18, $0xb8;
	[tilespmem:$0x16600] =	vst v63  }
0x39: {  	_ =	swait.ge [sflag:s14], $0x2800  }
0x3a: {  	s26 =	simm.s32 $0x14;
	s25 =	simm.s32 $0xA;
	[sflag:s14] =	ssyncset.done $0x0  }
.LBB2_4:
0x3b: {  	s28 =	sadd.s32 s25, s12  }
0x3c: {  	[sflag:s14] =	ssyncadd.s32 $0xFFFFD800;
	s29 =	smov.u32 s26;
	s30 =	sadd.s32 $0xA, s26  }
0x3d: {  	[tilespmem:s16], [sflag:$0x2] =	stream.linear.gather [hbm4b:s28+s5], $0x50, $0x38;
	[tilespmem:$0x16600] =	vst v63  }
0x3e: {  	p1 =	sne.s32 s26, $0x4D8;
	_ =	swait.ge [sflag:s14], $0x50  }
0x3f: {  	[sflag:s14] =	ssyncset.done $0x0  }
0x40: {  	s26 =	sadd.s32 s25, s11;
	s25 =	smov.u32 s29;
	[sflag:s14] =	ssyncadd.s32 $0xFFFFFFB0  }
0x41: {  	[tilespmem:s17], [sflag:$0x2] =	stream.linear.gather [hbm4b:s26+s5], $0x50, $0x38;
	[tilespmem:$0x16600] =	vst v63  }
0x42: {  	_ =	swait.ge [sflag:s14], $0x50  }
0x43: {  	[sflag:s14] =	ssyncset.done $0x0  }
0x44: {  	[sflag:s14] =	ssyncadd.s32 $0xFFFFFFB0  }
0x45: {  	[tilespmem:s19], [sflag:$0x1] =	stream.indirect.gather [hbm4b:s6+s18], $0x80, s16, s18, $0xb8;
	[tilespmem:$0x16600] =	vst v63  }
0x46: {  	_ =	swait.ge [sflag:s20], $0x2800  }
.Ltmp1:
0x47: {  	[sflag:s20] =	ssyncset.done $0x0;
	(pc) =	sbr.rel @p1 .LBB2_4-.Ltmp1, $4  }
0x48: {  	[sflag:s20] =	ssyncadd.s32 $0xFFFFD800  }
0x49: {  	[spmem:s4] =	stream.indirect.scatter.add.f32 [tilespmem:s19], [sflag:$0x2], $0x80, s17, s18, $0xb8;
	[tilespmem:$0x16600] =	vst v63  }
0x4a: {  	_ =	swait.ge [sflag:s14], $0x2800  }
0x4b: {  	s26 =	smov.u32 s30;
	[sflag:s14] =	ssyncset.done $0x0  }
0x4c: {  	s26 =	sadd.s32 s25, s12;
	[sflag:s14] =	ssyncadd.s32 $0xFFFFD800  }
0x4d: {  	[tilespmem:s16], [sflag:$0x2] =	stream.linear.gather [hbm4b:s26+s5], $0x50, $0x38;
	[tilespmem:$0x16600] =	vst v63  }
0x4e: {  	_ =	swait.ge [sflag:s14], $0x50  }
0x4f: {  	[sflag:s14] =	ssyncset.done $0x0  }
0x50: {  	s31 =	sadd.s32 s25, s11;
	[sflag:s14] =	ssyncadd.s32 $0xFFFFFFB0  }
0x51: {  	[tilespmem:s17], [sflag:$0x2] =	stream.linear.gather [hbm4b:s31+s5], $0x50, $0x38;
	[tilespmem:$0x16600] =	vst v63  }
0x52: {  	_ =	swait.ge [sflag:s14], $0x50  }
0x53: {  	[sflag:s14] =	ssyncset.done $0x0  }
0x54: {  	[sflag:s14] =	ssyncadd.s32 $0xFFFFFFB0  }
0x55: {  	[tilespmem:s19], [sflag:$0x1] =	stream.indirect.gather [hbm4b:s6+s18], $0x80, s16, s18, $0xb8;
	[tilespmem:$0x16600] =	vst v63  }
0x56: {  	_ =	swait.ge [sflag:s20], $0x2800  }
0x57: {  	[sflag:s20] =	ssyncset.done $0x0  }
0x58: {  	[sflag:s20] =	ssyncadd.s32 $0xFFFFD800  }
0x59: {  	[spmem:s4] =	stream.indirect.scatter.add.f32 [tilespmem:s19], [sflag:$0x2], $0x80, s17, s18, $0xb8;
	[tilespmem:$0x16600] =	vst v63  }
0x5a: {  	_ =	swait.ge [sflag:s14], $0x2800  }
0x5b: {  	[sflag:s14] =	ssyncset.done $0x0  }
0x5c: {  	[sflag:s14] =	ssyncadd.s32 $0xFFFFD800  }
0x5d: {  	[bflag:$0x0] =	sbarrier.arrive $0xFFFF  }
0x5e: {  	s25 =	simm.s32 @p0 $0x1FC2;
	[bflag:$0x0] =	sbarrier.arrive $0xFFFF  }
0x5f: {  	[hbm:s9], [sflag:s25] =	dma.local @p0 [spmem:s21], $0x2080  }
0x60: {  	s25 =	simm.s32 @p0 $0x2  }
0x61: {  	s24 =	sadd.s32 $0x1, s24;
	_ =	swait.ge @p0 [sflag:s25], $0x2080  }
0x62: {  	p1 =	sne.s32 s24, s10;
	[sflag:s25] =	ssyncset.done @p0 $0x0  }
.Ltmp2:
0x63: {  	[sflag:s25] =	ssyncadd.s32 @p0 $0xFFFFDF80;
	s25 =	simm.s32 @!p0 $0x2;
	(pc) =	sbr.rel @p1 .LBB2_1-.Ltmp2, $4  }
0x64: {  	[hbm:s8], [sflag:s22] =	dma.local @!p0 [spmem:s23], $0x2780  }
0x65: {  	_ =	swait.ge @!p0 [sflag:s25], $0x2780  }
0x66: {  	[sflag:s25] =	ssyncset.done @!p0 $0x0  }
0x67: {  	[sflag:s25] =	ssyncadd.s32 @!p0 $0xFFFFD880  }
0x68: {  	_ =	sfence.sel $0x180000  }
0x69: {  	[bflag:$0x0] =	sbarrier.arrive $0xFFFF  }
0x6a: {  	p0 =	sne.s32 s3, $0x0;
	_ =	strace $0x9000004A  }
0x6b: {  	s0 =	sadd.s32 @!p0 $0x100000, s0;
	[bflag:$0x2] =	sbarrier.arrive $0xFFFF  }
0x6c: {  	[sflag:s0] =	ssyncadd.tile.s32 @!p0 $0x1;
	_ =	shalt  }
.Lfunc_end2:
_tile_overlayer_lowered:
.L_overlay_start_2:
0x6d: {  	(tag) =	ssettag $0x2  }
0x6e: {  	s0 =	rddreg [dreg:$0x0];
	s2 =	stileid.u32  }
0x6f: {  	s1 =	rddreg [dreg:$0x1];
	p0 =	sne.s32 s2, $0x0  }
0x70: {  	s3 =	rddreg [dreg:$0x2];
	[bflag:$0x3] =	sbarrier.arrive $0xFFFF;
	s2 =	simm.s32 @!p0 $0x1C02  }
0x71: {  	[timem:s3], [sflag:s2] =	dma.local @!p0 [hbm:s0], s1  }
0x72: {  	s0 =	simm.s32 @!p0 $0x2  }
0x73: {  	_ =	swait.ge @!p0 [sflag:s0], s1  }
0x74: {  	s1 =	ssub.s32 @!p0 $0x0, s1;
	[sflag:s0] =	ssyncset.done @!p0 $0x0  }
0x75: {  	[sflag:s0] =	ssyncadd.s32 @!p0 s1  }
0x76: {  	[bflag:$0x3] =	sbarrier.arrive $0xFFFF  }
0x77: {  	_ =	shalt  }

// kernel: kernel.35.cloned.1.call-start
scs
__scs_entry_jumppad:
0x0: {  	(pc) =	sbr.rel $0x88, $3  }
0x1: {  	(tag) =	ssettag $0x0;
	lr =	simm.s32 $0x1  }
0x2: {  	[smem:$0x3F7E] =	sst lr;
	_ =	strace $0xD0000000  }
0x3: {  	_ = 	snop  }
0x4: {  	_ = 	snop  }
0x5: {  	_ = 	snop  }
0x6: {  	_ = 	snop  }
0x7: {  	_ = 	snop  }
__scs_overlays_trampoline_lowered:
0x8: {  	[smem:$0x3F8D] =	sst s0  }
0x9: {  	[smem:$0x3F8E] =	sst s1  }
0xa: {  	[smem:$0x3F8F] =	sst s2  }
0xb: {  	[smem:$0x3F90] =	sst s3  }
0xc: {  	[smem:$0x3F91] =	sst s4  }
0xd: {  	[smem:$0x3F92] =	sst s5  }
0xe: {  	[smem:$0x3F93] =	sst s6  }
0xf: {  	[smem:$0x3F94] =	sst s7  }
0x10: {  	[smem:$0x3F95] =	sst s8  }
0x11: {  	[smem:$0x3F96] =	sst s9;
	s0 =	simm.s32 @!p0 $0x0  }
0x12: {  	s1 =	sld [smem:$0x3F7C];
	s0 =	simm.s32 @p0 $0x1  }
0x13: {  	[smem:$0x3F97] =	sst s0;
	s0 =	simm.s32 @!p1 $0x0  }
0x14: {  	s2 =	sld [smem:$0x3F7B];
	s0 =	simm.s32 @p1 $0x1  }
0x15: {  	[smem:$0x3F98] =	sst s0;
	s0 =	simm.s32 @!p2 $0x0  }
0x16: {  	s3 =	sld [smem:$0x3FDB];
	s0 =	simm.s32 @p2 $0x1  }
0x17: {  	s4 =	simm.s32 $0x1BF5;
	[smem:$0x3F9A] =	sst s0  }
0x18: {  	s0 =	sld [smem:$0x3F7D];
	_ =	swait.ge [sflag:s4], $0x0  }
0x19: {  	s7 =	sld [smem:$0x3F7E]  }
0x1a: {  	s8 =	sadd.s32 $0xFFFFE003, lr  }
0x1b: {  	s9 =	sadd.s32 $0xFFFFFEF7, lr;
	s5 =	simm.s32 $0xFFFFFFFF;
	p2 =	slt.u32 s8, $0xFFFFF086  }
0x1c: {  	p1 =	slt.u32 s9, $0xF7A;
	s5 =	simm.s32 @!p2 $0x0  }
0x1d: {  	s5 =	simm.s32 @p1 $0x1;
	p0 =	seq.s32 s7, s2  }
0x1e: {  	s7 =	smul.u32 @!p0 $0xF7A, s2;
	p2 =	seq.s32 @!p0 s5, $0x0  }
0x1f: {  	s9 =	smul.u32 $0xF7A, s1;
	s8 =	simm.s32 @!p0 $0x1BF5;
	p2 =	por !p2, p0  }
0x20: {  	[sflag:s8] =	ssyncset.s32 @!p0 $0xFFFFF086;
	s6 =	sadd.s32 @!p0 s3, s7;
	s7 =	simm.s32 @!p0 $0x108  }
0x21: {  	s3 =	sadd.s32 s3, s9;
	s6 =	sadd.s32 @!p0 $0x88, s6;
	s7 =	simm.s32 @p2 $0x1082  }
0x22: {  	[simem:s7], [sflag:s8] =	dma.local @!p0 [hbm:s6], $0xF7A  }
0x23: {  	s9 =	sor.u32 $0xD0000000, s2;
	s6 =	simm.s32 $0x108;
	_ =	swait.ge @!p0 [sflag:s8], $0x0  }
0x24: {  	s3 =	sadd.s32 $0x88, s3;
	s6 =	simm.s32 @!p1 $0x1082;
	[sflag:s4] =	ssyncset.s32 $0xFFFFF086  }
0x25: {  	[simem:s6], [sflag:s4] =	dma.local [hbm:s3], $0xF7A  }
0x26: {  	[smem:$0x3F7E] =	sst s1;
	(tag) =	ssettag s2;
	_ =	strace s9  }
0x27: {  	s1 =	sld [smem:$0x3F8E]  }
0x28: {  	s2 =	sld [smem:$0x3F8F]  }
0x29: {  	s4 =	sld [smem:$0x3F91]  }
0x2a: {  	p0 =	seq.s32 s5, $0x0;
	s5 =	sld [smem:$0x3F92]  }
0x2b: {  	s6 =	sld [smem:$0x3F93]  }
0x2c: {  	s7 =	sld [smem:$0x3F94]  }
0x2d: {  	s3 =	simm.s32 $0x108;
	s8 =	sld [smem:$0x3F95]  }
0x2e: {  	s3 =	simm.s32 @!p0 $0x1082;
	s9 =	sld [smem:$0x3F96]  }
0x2f: {  	lr =	sadd.s32 s0, s3;
	s0 =	sld [smem:$0x3F8D]  }
0x30: {  	s3 =	sld [smem:$0x3F90]  }
0x31: {  	[smem:$0x3F99] =	sst s10  }
0x32: {  	s10 =	sld [smem:$0x3F97];
	_ =	sdelay $0x3  }
0x33: {  	p0 =	seq.s32 s10, $0x1;
	s10 =	sld [smem:$0x3F99];
	_ =	sdelay $0x3  }
0x34: {  	[smem:$0x3F99] =	sst s10  }
0x35: {  	s10 =	sld [smem:$0x3F98];
	_ =	sdelay $0x3  }
0x36: {  	p1 =	seq.s32 s10, $0x1;
	s10 =	sld [smem:$0x3F99];
	_ =	sdelay $0x3  }
0x37: {  	[smem:$0x3F99] =	sst s10  }
0x38: {  	s10 =	sld [smem:$0x3F9A]  }
0x39: {  	_ = 	snop;
	(pc) =	sbr.ind lr, $3  }
0x3a: {  	_ = 	snop  }
0x3b: {  	_ = 	snop  }
0x3c: {  	p2 =	seq.s32 s10, $0x1;
	s10 =	sld [smem:$0x3F99]  }
0x3d: {  	_ =	shalt  }
0x3e: {  	_ =	shalt  }
0x3f: {  	_ =	shalt  }
0x40: {  	_ =	shalt  }
0x41: {  	_ =	shalt  }
0x42: {  	_ =	shalt  }
0x43: {  	_ =	shalt  }
0x44: {  	_ =	shalt  }
0x45: {  	_ =	shalt  }
0x46: {  	_ =	shalt  }
0x47: {  	_ =	shalt  }
0x48: {  	_ =	shalt  }
0x49: {  	_ =	shalt  }
0x4a: {  	_ =	shalt  }
0x4b: {  	_ =	shalt  }
0x4c: {  	_ =	shalt  }
0x4d: {  	_ =	shalt  }
0x4e: {  	_ =	shalt  }
0x4f: {  	_ =	shalt  }
0x50: {  	_ =	shalt  }
0x51: {  	_ =	shalt  }
0x52: {  	_ =	shalt  }
0x53: {  	_ =	shalt  }
0x54: {  	_ =	shalt  }
0x55: {  	_ =	shalt  }
0x56: {  	_ =	shalt  }
0x57: {  	_ =	shalt  }
0x58: {  	_ =	shalt  }
0x59: {  	_ =	shalt  }
0x5a: {  	_ =	shalt  }
0x5b: {  	_ =	shalt  }
0x5c: {  	_ =	shalt  }
0x5d: {  	_ =	shalt  }
0x5e: {  	_ =	shalt  }
0x5f: {  	_ =	shalt  }
0x60: {  	_ =	shalt  }
0x61: {  	_ =	shalt  }
0x62: {  	_ =	shalt  }
0x63: {  	_ =	shalt  }
0x64: {  	_ =	shalt  }
0x65: {  	_ =	shalt  }
0x66: {  	_ =	shalt  }
0x67: {  	_ =	shalt  }
0x68: {  	_ =	shalt  }
0x69: {  	_ =	shalt  }
0x6a: {  	_ =	shalt  }
0x6b: {  	_ =	shalt  }
0x6c: {  	_ =	shalt  }
0x6d: {  	_ =	shalt  }
0x6e: {  	_ =	shalt  }
0x6f: {  	_ =	shalt  }
0x70: {  	_ =	shalt  }
0x71: {  	_ =	shalt  }
0x72: {  	_ =	shalt  }
0x73: {  	_ =	shalt  }
0x74: {  	_ =	shalt  }
0x75: {  	_ =	shalt  }
0x76: {  	_ =	shalt  }
0x77: {  	_ =	shalt  }
0x78: {  	_ =	shalt  }
0x79: {  	_ =	shalt  }
0x7a: {  	_ =	shalt  }
0x7b: {  	_ =	shalt  }
0x7c: {  	_ =	shalt  }
0x7d: {  	_ =	shalt  }
0x7e: {  	_ =	shalt  }
0x7f: {  	_ =	shalt  }
0x80: {  	_ =	shalt  }
0x81: {  	_ =	shalt  }
0x82: {  	_ =	shalt  }
0x83: {  	_ =	shalt  }
0x84: {  	_ =	shalt  }
0x85: {  	_ =	shalt  }
0x86: {  	_ =	shalt  }
0x87: {  	_ =	shalt  }
.Lfunc_end0:
.L_simem_size_0:
called_computation.2_lowered:
.L_overlay_start_0:
0x88: {  	s2 =	sld [smem:$0x3FD9]  }
0x89: {  	s3 =	sld [smem:$0x3FFE];
	_ =	sdelay $0x1  }
0x8a: {  	s1 =	srdreg.scid  }
0x8b: {  	s0 =	sand.u32 $0x1, s1  }
0x8c: {  	s14 =	sshll.u32 s0, $0xA;
	s2 =	sadd.s32 s3, s2  }
0x8d: {  	s2 =	sadd.s32 s2, s14  }
0x8e: {  	[smem:$0x3FA5] =	sst s2  }
0x8f: {  	_ = 	snop  }
0x90: {  	s2 =	sld [smem:$0x3FD0];
	_ =	sdelay $0x2  }
0x91: {  	s15 =	simm.s32 $0xA;
	s4 =	simm.s32 $0x10  }
0x92: {  	[smem:s4], [sflag:s15] =	dma.local [hbm:s2], $0x1  }
0x93: {  	_ =	swait.eq [sflag:s15], $0x1  }
0x94: {  	s16 =	sld [smem:$0x10]  }
0x95: {  	s17 =	sld [smem:$0x11]  }
0x96: {  	s5 =	sld [smem:$0x13];
	[sflag:s15] =	ssyncset.done $0x0  }
0x97: {  	s6 =	sld [smem:$0x14];
	[sflag:s15] =	ssyncadd.s32 $0xFFFFFFFF  }
0x98: {  	s18 =	sld [smem:$0x15];
	(tm) =	ssettm $0x1  }
0x99: {  	s7 =	sld [smem:$0x3FFB];
	_ =	sdelay $0x3  }
0x9a: {  	_ =	strace s7  }
0x9b: {  	s7 =	sld [smem:$0x3FFC];
	_ =	sdelay $0x3  }
0x9c: {  	_ =	strace s7  }
0x9d: {  	s7 =	sld [smem:$0x3FFD];
	_ =	sdelay $0x3  }
0x9e: {  	_ =	strace s7  }
0x9f: {  	_ =	strace $0x8FFFFFFF  }
0xa0: {  	s19 =	sld [smem:$0x3FDB];
	_ =	sdelay $0x1  }
0xa1: {  	s8 =	simm.s32 $_scs_section_size  }
0xa2: {  	s9 =	simm.s32 $_size__tile_overlayer_lowered;
	s10 =	simm.s32 $_tile_overlayer_lowered  }
0xa3: {  	s22 =	simm.s32 $0x1BFF;
	s21 =	sshll.u32 s10, $0x1;
	s7 =	sadd.s32 s8, s19  }
0xa4: {  	s11 =	simm.s32 $0x0;
	s20 =	sshll.u32 s9, $0x1;
	s9 =	sadd.s32 s21, s7  }
0xa5: {  	[timem:s11], [sflag:s22] =	dma.local [hbm:s9], s20  }
0xa6: {  	_ =	swait.ge [sflag:s22], s20  }
0xa7: {  	s8 =	ssub.s32 $0x0, s20;
	[sflag:s22] =	ssyncset.done $0x0  }
0xa8: {  	[sflag:s22] =	ssyncadd.s32 s8;
	_ =	sdelay $0x1  }
0xa9: {  	s23 =	simm.s32 $0x1B8B  }
0xaa: {  	_ =	swait.ge [sflag:s23], $0x1  }
0xab: {  	[sflag:s23] =	ssyncset.done $0x0  }
0xac: {  	s25 =	simm.s32 $0x1B8E;
	s24 =	sld [smem:$0x3FFE];
	[sflag:s23] =	ssyncadd.s32 $0xFFFFFFFF  }
0xad: {  	s26 =	simm.s32 $execute0_lowered;
	[smem:$0x3FD2] =	sst s25  }
0xae: {  	s9 =	sshll.u32 s26, $0x1;
	_ =	strace $0x8000004C;
	[dreg:$0x1] =	wrdreg $0xFFFFFFFF  }
0xaf: {  	s28 =	simm.s32 $_size_execute0_lowered;
	s7 =	sadd.s32 s7, s9;
	[dreg:$0x0] =	wrdreg $0x0  }
0xb0: {  	s9 =	sshll.u32 s28, $0x1;
	[dreg:$0x2] =	wrdreg s7  }
0xb1: {  	[dreg:$0x3] =	wrdreg s9  }
0xb2: {  	[dreg:$0x4] =	wrdreg $0xC0  }
0xb3: {  	_ =	task [dreg:s11], $0x5FFFF  }
0xb4: {  	[dreg:$0x1] =	wrdreg $0xFFFFFFFF  }
0xb5: {  	[dreg:$0x0] =	wrdreg $0x60  }
0xb6: {  	[dreg:$0x2] =	wrdreg s5  }
0xb7: {  	[dreg:$0x3] =	wrdreg s17  }
0xb8: {  	[dreg:$0x4] =	wrdreg s16  }
0xb9: {  	[dreg:$0x5] =	wrdreg s18  }
0xba: {  	[dreg:$0x6] =	wrdreg s6  }
0xbb: {  	[dreg:$0x7] =	wrdreg s24  }
0xbc: {  	[dreg:$0x8] =	wrdreg $0x0  }
0xbd: {  	[dreg:$0x9] =	wrdreg $0x9  }
0xbe: {  	_ =	task.clear_ibuf [dreg:s11], $0xAFFFF;
	_ =	strace $0x9000004C  }
0xbf: {  	s29 =	simm.s32 $0x9;
	_ =	strace $0x8000004E  }
0xc0: {  	_ =	swait.ge [sflag:s29], $0x1  }
0xc1: {  	[sflag:s29] =	ssyncadd.s32 $0xFFFFFFFF  }
0xc2: {  	_ =	strace $0x9000004E  }
0xc3: {  	_ =	sfence  }
0xc4: {  	s30 =	sld [smem:$0x0];
	_ =	sdelay $0x2  }
0xc5: {  	s31 =	sshll.u32 s1, $0xD;
	s1 =	sshrl.u32 s1, $0x2  }
0xc6: {  	s3 =	sand.u32 $0x4000, s31;
	s1 =	sadd.s32 s1, s30  }
0xc7: {  	s0 =	sor.u32 s3, s0;
	s1 =	sshll.u32 s1, $0x11  }
0xc8: {  	s0 =	sor.u32 s1, s0  }
0xc9: {  	s0 =	sadd.s32 $0x8F2B, s0  }
0xca: {  	[sflag:s0] =	ssyncadd.remote.s32 $0x1  }
0xcb: {  	_ =	sfence.sel $0xFFFF  }
0xcc: {  	[dreg:$0x0] =	wrdreg $0xFFFFFFFF;
	(pc) =	sbr.abs _section_cstart, $3  }
0xcd: {  	[dreg:$0x1] =	wrdreg $0xFFFFFFFF  }
0xce: {  	_ =	task.clear_ibuf [dreg:s11], $0x2FFFF;
	_ =	strace $0x9FFFFFFF  }
0xcf: {  	(tm) =	ssettm $0x7FFFFFFF  }
tec
execute0_lowered:
.L_overlay_start_1:
0x0: {  	(tag) =	ssettag $0x1  }
0x1: {  	s0 =	rddreg [dreg:$0x0]  }
0x2: {  	s12 =	rddreg [dreg:$0x1]  }
0x3: {  	s11 =	rddreg [dreg:$0x2]  }
0x4: {  	s2 =	rddreg [dreg:$0x3]  }
0x5: {  	s3 =	rddreg [dreg:$0x4]  }
0x6: {  	s7 =	rddreg [dreg:$0x5]  }
0x7: {  	s5 =	rddreg [dreg:$0x6]  }
0x8: {  	s1 =	rddreg [dreg:$0x7]  }
0x9: {  	s8 =	srdreg.scid;
	s4 =	stileid.u32  }
0xa: {  	s6 =	simm.s32 $0x0;
	s18 =	simm.s32 $0x50;
	s9 =	smul.u32 $0x278, s4  }
0xb: {  	s19 =	simm.s32 $0x13E00;
	s20 =	simm.s32 $0x1;
	s15 =	smul.u32 $0x13C00, s4  }
0xc: {  	s8 =	sand.u32 $0x1, s8;
	[smem:$0x7FF] =	sst s6;
	s23 =	smul.u32 $0x4F000, s4  }
0xd: {  	s16 =	sadd.s32 $0x32000, s7;
	s26 =	smul.u32 $0x4E20, s4;
	s21 =	sadd.s32 $0x128400, s5  }
0xe: {  	p0 =	seq.s32 s4, $0xF;
	s10 =	ssub.s32 $0x2, s8;
	s13 =	smul.u32 $0x138800, s8  }
0xf: {  	_ =	strace $0x8000004D;
	s17 =	smul.u32 $0x2710, s8;
	s21 =	sshrl.u32 @p0 s21, $0x3  }
0x10: {  	s22 =	sshll.u32 @!p0 s4, $0x6;
	s14 =	sshrl.u32 s10, $0x1;
	s24 =	smin.u32 s9, $0x2498  }
0x11: {  	s29 =	sshrl.u32 s23, $0x2;
	s22 =	sor.u32 @!p0 $0x1C02, s22;
	s10 =	ssub.s32 s10, s14  }
0x12: {  	s25 =	sadd.s32 s15, s13;
	s7 =	sshll.u32 s24, $0x7;
	s28 =	sshrl.u32 s13, $0x3  }
0x13: {  	s30 =	sadd.s32 s17, s26;
	s23 =	sadd.s32 s29, s5;
	s13 =	simm.s32 $0x13D80  }
0x14: {  	s14 =	simm.s32 $0x2;
	s15 =	simm.s32 $0x13880;
	s17 =	simm.s32 $0x13D00  }
0x15: {  	s24 =	simm.s32 $0x0;
	s9 =	sshrl.u32 s25, $0x3;
	s7 =	sadd.s32 s7, s5  }
0x16: {  	s31 =	sshrl.u32 s30, $0x3;
	s10 =	smax.u32 s10, $0x1;
	s23 =	sshrl.u32 @!p0 s23, $0x3  }
0x17: {  	s8 =	sadd.s32 s16, s9;
	s9 =	sadd.s32 s16, s28;
	s11 =	sadd.s32 s31, s11  }
0x18: {  	s12 =	sadd.s32 s31, s12;
	s16 =	simm.s32 $0x13C80;
	s9 =	sadd.s32 $0x25080, s9  }
.LBB2_1:
0x19: {  	[tilespmem:s13], [sflag:$0x2] =	stream.linear.gather [hbm4b:s3+s6], $0x80, $0x38;
	[tilespmem:$0x16600] =	vst v63  }
0x1a: {  	_ =	swait.ge [sflag:s14], $0x80  }
0x1b: {  	[sflag:s14] =	ssyncset.done $0x0  }
0x1c: {  	[sflag:s14] =	ssyncadd.s32 $0xFFFFFF80  }
0x1d: {  	[tilespmem:s15], [sflag:$0x2] =	stream.linear.gather [hbm4b:s2+s6], $0x400, $0x38;
	[tilespmem:$0x16600] =	vst v63  }
0x1e: {  	_ =	swait.ge [sflag:s14], $0x400  }
0x1f: {  	[sflag:s14] =	ssyncset.done $0x0  }
0x20: {  	s25 =	sadd.s32 $0x0, s7;
	[sflag:s14] =	ssyncadd.s32 $0xFFFFFC00  }
0x21: {  	[spmem:s25] =	stream.linear.scatter [tilespmem:s15], [sflag:$0x2], $0x400, $0x38;
	[tilespmem:$0x16600] =	vst v63  }
0x22: {  	s25 =	simm.s32 $0x1000;
	_ =	swait.ge [sflag:s14], $0x400  }
.LBB2_2:
0x23: {  	s26 =	sshra.s32 s25, $0x2;
	[sflag:s14] =	ssyncset.done $0x0;
	p1 =	sne.s32 s25, $0x4E000  }
.Ltmp0:
0x24: {  	s26 =	sadd.s32 s26, s7;
	[sflag:s14] =	ssyncadd.s32 $0xFFFFFC00;
	(pc) =	sbr.rel @p1 .LBB2_2-.Ltmp0, $3  }
0x25: {  	[spmem:s26] =	stream.linear.scatter [tilespmem:s15], [sflag:$0x2], $0x400, $0x38;
	[tilespmem:$0x16600] =	vst v63  }
0x26: {  	s25 =	sadd.s32 $0x1000, s25;
	_ =	sdelay $0x1  }
0x27: {  	_ =	swait.ge [sflag:s14], $0x400  }
0x28: {  	[sflag:s14] =	ssyncset.done $0x0  }
0x29: {  	[sflag:s14] =	ssyncadd.s32 $0xFFFFFC00  }
0x2a: {  	[bflag:$0x0] =	sbarrier.arrive $0xFFFF  }
0x2b: {  	s25 =	sadd.s32 $0x0, s12;
	[bflag:$0x0] =	sbarrier.arrive $0xFFFF  }
0x2c: {  	[tilespmem:s16], [sflag:$0x2] =	stream.linear.gather [hbm4b:s25+s6], $0x50, $0x38;
	[tilespmem:$0x16600] =	vst v63  }
0x2d: {  	_ =	swait.ge [sflag:s14], $0x50  }
0x2e: {  	[sflag:s14] =	ssyncset.done $0x0  }
0x2f: {  	s31 =	sadd.s32 $0x0, s11;
	[sflag:s14] =	ssyncadd.s32 $0xFFFFFFB0  }
0x30: {  	[tilespmem:s17], [sflag:$0x2] =	stream.linear.gather [hbm4b:s31+s6], $0x50, $0x38;
	[tilespmem:$0x16600] =	vst v63  }
0x31: {  	_ =	swait.ge [sflag:s14], $0x50  }
0x32: {  	[sflag:s14] =	ssyncset.done $0x0  }
0x33: {  	[sflag:s14] =	ssyncadd.s32 $0xFFFFFFB0  }
0x34: {  	[tilespmem:s19], [sflag:$0x1] =	stream.indirect.gather [hbm4b:s0+s18], $0x80, s16, s18, $0xb8;
	[tilespmem:$0x16600] =	vst v63  }
0x35: {  	_ =	swait.ge [sflag:s20], $0x2800  }
0x36: {  	[sflag:s20] =	ssyncset.done $0x0  }
0x37: {  	[sflag:s20] =	ssyncadd.s32 $0xFFFFD800  }
0x38: {  	[spmem:s5] =	stream.indirect.scatter.add.f32 [tilespmem:s19], [sflag:$0x2], $0x80, s17, s18, $0xb8;
	[tilespmem:$0x16600] =	vst v63  }
0x39: {  	_ =	swait.ge [sflag:s14], $0x2800  }
0x3a: {  	s26 =	simm.s32 $0x14;
	s25 =	simm.s32 $0xA;
	[sflag:s14] =	ssyncset.done $0x0  }
.LBB2_4:
0x3b: {  	s28 =	sadd.s32 s25, s12  }
0x3c: {  	[sflag:s14] =	ssyncadd.s32 $0xFFFFD800;
	s29 =	smov.u32 s26;
	s30 =	sadd.s32 $0xA, s26  }
0x3d: {  	[tilespmem:s16], [sflag:$0x2] =	stream.linear.gather [hbm4b:s28+s6], $0x50, $0x38;
	[tilespmem:$0x16600] =	vst v63  }
0x3e: {  	p1 =	sne.s32 s26, $0x4D8;
	_ =	swait.ge [sflag:s14], $0x50  }
0x3f: {  	[sflag:s14] =	ssyncset.done $0x0  }
0x40: {  	s26 =	sadd.s32 s25, s11;
	s25 =	smov.u32 s29;
	[sflag:s14] =	ssyncadd.s32 $0xFFFFFFB0  }
0x41: {  	[tilespmem:s17], [sflag:$0x2] =	stream.linear.gather [hbm4b:s26+s6], $0x50, $0x38;
	[tilespmem:$0x16600] =	vst v63  }
0x42: {  	_ =	swait.ge [sflag:s14], $0x50  }
0x43: {  	[sflag:s14] =	ssyncset.done $0x0  }
0x44: {  	[sflag:s14] =	ssyncadd.s32 $0xFFFFFFB0  }
0x45: {  	[tilespmem:s19], [sflag:$0x1] =	stream.indirect.gather [hbm4b:s0+s18], $0x80, s16, s18, $0xb8;
	[tilespmem:$0x16600] =	vst v63  }
0x46: {  	_ =	swait.ge [sflag:s20], $0x2800  }
.Ltmp1:
0x47: {  	[sflag:s20] =	ssyncset.done $0x0;
	(pc) =	sbr.rel @p1 .LBB2_4-.Ltmp1, $4  }
0x48: {  	[sflag:s20] =	ssyncadd.s32 $0xFFFFD800  }
0x49: {  	[spmem:s5] =	stream.indirect.scatter.add.f32 [tilespmem:s19], [sflag:$0x2], $0x80, s17, s18, $0xb8;
	[tilespmem:$0x16600] =	vst v63  }
0x4a: {  	_ =	swait.ge [sflag:s14], $0x2800  }
0x4b: {  	s26 =	smov.u32 s30;
	[sflag:s14] =	ssyncset.done $0x0  }
0x4c: {  	s26 =	sadd.s32 s25, s12;
	[sflag:s14] =	ssyncadd.s32 $0xFFFFD800  }
0x4d: {  	[tilespmem:s16], [sflag:$0x2] =	stream.linear.gather [hbm4b:s26+s6], $0x50, $0x38;
	[tilespmem:$0x16600] =	vst v63  }
0x4e: {  	_ =	swait.ge [sflag:s14], $0x50  }
0x4f: {  	[sflag:s14] =	ssyncset.done $0x0  }
0x50: {  	s31 =	sadd.s32 s25, s11;
	[sflag:s14] =	ssyncadd.s32 $0xFFFFFFB0  }
0x51: {  	[tilespmem:s17], [sflag:$0x2] =	stream.linear.gather [hbm4b:s31+s6], $0x50, $0x38;
	[tilespmem:$0x16600] =	vst v63  }
0x52: {  	_ =	swait.ge [sflag:s14], $0x50  }
0x53: {  	[sflag:s14] =	ssyncset.done $0x0  }
0x54: {  	[sflag:s14] =	ssyncadd.s32 $0xFFFFFFB0  }
0x55: {  	[tilespmem:s19], [sflag:$0x1] =	stream.indirect.gather [hbm4b:s0+s18], $0x80, s16, s18, $0xb8;
	[tilespmem:$0x16600] =	vst v63  }
0x56: {  	_ =	swait.ge [sflag:s20], $0x2800  }
0x57: {  	[sflag:s20] =	ssyncset.done $0x0  }
0x58: {  	[sflag:s20] =	ssyncadd.s32 $0xFFFFD800  }
0x59: {  	[spmem:s5] =	stream.indirect.scatter.add.f32 [tilespmem:s19], [sflag:$0x2], $0x80, s17, s18, $0xb8;
	[tilespmem:$0x16600] =	vst v63  }
0x5a: {  	_ =	swait.ge [sflag:s14], $0x2800  }
0x5b: {  	[sflag:s14] =	ssyncset.done $0x0  }
0x5c: {  	[sflag:s14] =	ssyncadd.s32 $0xFFFFD800  }
0x5d: {  	[bflag:$0x0] =	sbarrier.arrive $0xFFFF  }
0x5e: {  	s25 =	simm.s32 @p0 $0x1FC2;
	[bflag:$0x0] =	sbarrier.arrive $0xFFFF  }
0x5f: {  	[hbm:s9], [sflag:s25] =	dma.local @p0 [spmem:s21], $0x2080  }
0x60: {  	s25 =	simm.s32 @p0 $0x2  }
0x61: {  	s24 =	sadd.s32 $0x1, s24;
	_ =	swait.ge @p0 [sflag:s25], $0x2080  }
0x62: {  	p1 =	sne.s32 s24, s10;
	[sflag:s25] =	ssyncset.done @p0 $0x0  }
.Ltmp2:
0x63: {  	[sflag:s25] =	ssyncadd.s32 @p0 $0xFFFFDF80;
	s25 =	simm.s32 @!p0 $0x2;
	(pc) =	sbr.rel @p1 .LBB2_1-.Ltmp2, $4  }
0x64: {  	[hbm:s8], [sflag:s22] =	dma.local @!p0 [spmem:s23], $0x2780  }
0x65: {  	_ =	swait.ge @!p0 [sflag:s25], $0x2780  }
0x66: {  	[sflag:s25] =	ssyncset.done @!p0 $0x0  }
0x67: {  	[sflag:s25] =	ssyncadd.s32 @!p0 $0xFFFFD880  }
0x68: {  	_ =	sfence.sel $0x180000  }
0x69: {  	[bflag:$0x0] =	sbarrier.arrive $0xFFFF  }
0x6a: {  	p0 =	sne.s32 s4, $0x0;
	_ =	strace $0x9000004D  }
0x6b: {  	s0 =	sadd.s32 @!p0 $0x100000, s1;
	[bflag:$0x2] =	sbarrier.arrive $0xFFFF  }
0x6c: {  	[sflag:s0] =	ssyncadd.tile.s32 @!p0 $0x1;
	_ =	shalt  }
.Lfunc_end2:
_tile_overlayer_lowered:
.L_overlay_start_2:
0x6d: {  	(tag) =	ssettag $0x2  }
0x6e: {  	s0 =	rddreg [dreg:$0x0];
	s2 =	stileid.u32  }
0x6f: {  	s1 =	rddreg [dreg:$0x1];
	p0 =	sne.s32 s2, $0x0  }
0x70: {  	s3 =	rddreg [dreg:$0x2];
	[bflag:$0x3] =	sbarrier.arrive $0xFFFF;
	s2 =	simm.s32 @!p0 $0x1C02  }
0x71: {  	[timem:s3], [sflag:s2] =	dma.local @!p0 [hbm:s0], s1  }
0x72: {  	s0 =	simm.s32 @!p0 $0x2  }
0x73: {  	_ =	swait.ge @!p0 [sflag:s0], s1  }
0x74: {  	s1 =	ssub.s32 @!p0 $0x0, s1;
	[sflag:s0] =	ssyncset.done @!p0 $0x0  }
0x75: {  	[sflag:s0] =	ssyncadd.s32 @!p0 s1  }
0x76: {  	[bflag:$0x3] =	sbarrier.arrive $0xFFFF  }
0x77: {  	_ =	shalt  }

// kernel: kernel.38.cloned.1.call-start
scs
__scs_entry_jumppad:
0x0: {  	(pc) =	sbr.rel $0x88, $3  }
0x1: {  	(tag) =	ssettag $0x0;
	lr =	simm.s32 $0x1  }
0x2: {  	[smem:$0x3F7E] =	sst lr;
	_ =	strace $0xD0000000  }
0x3: {  	_ = 	snop  }
0x4: {  	_ = 	snop  }
0x5: {  	_ = 	snop  }
0x6: {  	_ = 	snop  }
0x7: {  	_ = 	snop  }
__scs_overlays_trampoline_lowered:
0x8: {  	[smem:$0x3F8D] =	sst s0  }
0x9: {  	[smem:$0x3F8E] =	sst s1  }
0xa: {  	[smem:$0x3F8F] =	sst s2  }
0xb: {  	[smem:$0x3F90] =	sst s3  }
0xc: {  	[smem:$0x3F91] =	sst s4  }
0xd: {  	[smem:$0x3F92] =	sst s5  }
0xe: {  	[smem:$0x3F93] =	sst s6  }
0xf: {  	[smem:$0x3F94] =	sst s7  }
0x10: {  	[smem:$0x3F95] =	sst s8  }
0x11: {  	[smem:$0x3F96] =	sst s9;
	s0 =	simm.s32 @!p0 $0x0  }
0x12: {  	s1 =	sld [smem:$0x3F7C];
	s0 =	simm.s32 @p0 $0x1  }
0x13: {  	[smem:$0x3F97] =	sst s0;
	s0 =	simm.s32 @!p1 $0x0  }
0x14: {  	s2 =	sld [smem:$0x3F7B];
	s0 =	simm.s32 @p1 $0x1  }
0x15: {  	[smem:$0x3F98] =	sst s0;
	s0 =	simm.s32 @!p2 $0x0  }
0x16: {  	s3 =	sld [smem:$0x3FDB];
	s0 =	simm.s32 @p2 $0x1  }
0x17: {  	s4 =	simm.s32 $0x1BF5;
	[smem:$0x3F9A] =	sst s0  }
0x18: {  	s0 =	sld [smem:$0x3F7D];
	_ =	swait.ge [sflag:s4], $0x0  }
0x19: {  	s7 =	sld [smem:$0x3F7E]  }
0x1a: {  	s8 =	sadd.s32 $0xFFFFE003, lr  }
0x1b: {  	s9 =	sadd.s32 $0xFFFFFEF7, lr;
	s5 =	simm.s32 $0xFFFFFFFF;
	p2 =	slt.u32 s8, $0xFFFFF086  }
0x1c: {  	p1 =	slt.u32 s9, $0xF7A;
	s5 =	simm.s32 @!p2 $0x0  }
0x1d: {  	s5 =	simm.s32 @p1 $0x1;
	p0 =	seq.s32 s7, s2  }
0x1e: {  	s7 =	smul.u32 @!p0 $0xF7A, s2;
	p2 =	seq.s32 @!p0 s5, $0x0  }
0x1f: {  	s9 =	smul.u32 $0xF7A, s1;
	s8 =	simm.s32 @!p0 $0x1BF5;
	p2 =	por !p2, p0  }
0x20: {  	[sflag:s8] =	ssyncset.s32 @!p0 $0xFFFFF086;
	s6 =	sadd.s32 @!p0 s3, s7;
	s7 =	simm.s32 @!p0 $0x108  }
0x21: {  	s3 =	sadd.s32 s3, s9;
	s6 =	sadd.s32 @!p0 $0x88, s6;
	s7 =	simm.s32 @p2 $0x1082  }
0x22: {  	[simem:s7], [sflag:s8] =	dma.local @!p0 [hbm:s6], $0xF7A  }
0x23: {  	s9 =	sor.u32 $0xD0000000, s2;
	s6 =	simm.s32 $0x108;
	_ =	swait.ge @!p0 [sflag:s8], $0x0  }
0x24: {  	s3 =	sadd.s32 $0x88, s3;
	s6 =	simm.s32 @!p1 $0x1082;
	[sflag:s4] =	ssyncset.s32 $0xFFFFF086  }
0x25: {  	[simem:s6], [sflag:s4] =	dma.local [hbm:s3], $0xF7A  }
0x26: {  	[smem:$0x3F7E] =	sst s1;
	(tag) =	ssettag s2;
	_ =	strace s9  }
0x27: {  	s1 =	sld [smem:$0x3F8E]  }
0x28: {  	s2 =	sld [smem:$0x3F8F]  }
0x29: {  	s4 =	sld [smem:$0x3F91]  }
0x2a: {  	p0 =	seq.s32 s5, $0x0;
	s5 =	sld [smem:$0x3F92]  }
0x2b: {  	s6 =	sld [smem:$0x3F93]  }
0x2c: {  	s7 =	sld [smem:$0x3F94]  }
0x2d: {  	s3 =	simm.s32 $0x108;
	s8 =	sld [smem:$0x3F95]  }
0x2e: {  	s3 =	simm.s32 @!p0 $0x1082;
	s9 =	sld [smem:$0x3F96]  }
0x2f: {  	lr =	sadd.s32 s0, s3;
	s0 =	sld [smem:$0x3F8D]  }
0x30: {  	s3 =	sld [smem:$0x3F90]  }
0x31: {  	[smem:$0x3F99] =	sst s10  }
0x32: {  	s10 =	sld [smem:$0x3F97];
	_ =	sdelay $0x3  }
0x33: {  	p0 =	seq.s32 s10, $0x1;
	s10 =	sld [smem:$0x3F99];
	_ =	sdelay $0x3  }
0x34: {  	[smem:$0x3F99] =	sst s10  }
0x35: {  	s10 =	sld [smem:$0x3F98];
	_ =	sdelay $0x3  }
0x36: {  	p1 =	seq.s32 s10, $0x1;
	s10 =	sld [smem:$0x3F99];
	_ =	sdelay $0x3  }
0x37: {  	[smem:$0x3F99] =	sst s10  }
0x38: {  	s10 =	sld [smem:$0x3F9A]  }
0x39: {  	_ = 	snop;
	(pc) =	sbr.ind lr, $3  }
0x3a: {  	_ = 	snop  }
0x3b: {  	_ = 	snop  }
0x3c: {  	p2 =	seq.s32 s10, $0x1;
	s10 =	sld [smem:$0x3F99]  }
0x3d: {  	_ =	shalt  }
0x3e: {  	_ =	shalt  }
0x3f: {  	_ =	shalt  }
0x40: {  	_ =	shalt  }
0x41: {  	_ =	shalt  }
0x42: {  	_ =	shalt  }
0x43: {  	_ =	shalt  }
0x44: {  	_ =	shalt  }
0x45: {  	_ =	shalt  }
0x46: {  	_ =	shalt  }
0x47: {  	_ =	shalt  }
0x48: {  	_ =	shalt  }
0x49: {  	_ =	shalt  }
0x4a: {  	_ =	shalt  }
0x4b: {  	_ =	shalt  }
0x4c: {  	_ =	shalt  }
0x4d: {  	_ =	shalt  }
0x4e: {  	_ =	shalt  }
0x4f: {  	_ =	shalt  }
0x50: {  	_ =	shalt  }
0x51: {  	_ =	shalt  }
0x52: {  	_ =	shalt  }
0x53: {  	_ =	shalt  }
0x54: {  	_ =	shalt  }
0x55: {  	_ =	shalt  }
0x56: {  	_ =	shalt  }
0x57: {  	_ =	shalt  }
0x58: {  	_ =	shalt  }
0x59: {  	_ =	shalt  }
0x5a: {  	_ =	shalt  }
0x5b: {  	_ =	shalt  }
0x5c: {  	_ =	shalt  }
0x5d: {  	_ =	shalt  }
0x5e: {  	_ =	shalt  }
0x5f: {  	_ =	shalt  }
0x60: {  	_ =	shalt  }
0x61: {  	_ =	shalt  }
0x62: {  	_ =	shalt  }
0x63: {  	_ =	shalt  }
0x64: {  	_ =	shalt  }
0x65: {  	_ =	shalt  }
0x66: {  	_ =	shalt  }
0x67: {  	_ =	shalt  }
0x68: {  	_ =	shalt  }
0x69: {  	_ =	shalt  }
0x6a: {  	_ =	shalt  }
0x6b: {  	_ =	shalt  }
0x6c: {  	_ =	shalt  }
0x6d: {  	_ =	shalt  }
0x6e: {  	_ =	shalt  }
0x6f: {  	_ =	shalt  }
0x70: {  	_ =	shalt  }
0x71: {  	_ =	shalt  }
0x72: {  	_ =	shalt  }
0x73: {  	_ =	shalt  }
0x74: {  	_ =	shalt  }
0x75: {  	_ =	shalt  }
0x76: {  	_ =	shalt  }
0x77: {  	_ =	shalt  }
0x78: {  	_ =	shalt  }
0x79: {  	_ =	shalt  }
0x7a: {  	_ =	shalt  }
0x7b: {  	_ =	shalt  }
0x7c: {  	_ =	shalt  }
0x7d: {  	_ =	shalt  }
0x7e: {  	_ =	shalt  }
0x7f: {  	_ =	shalt  }
0x80: {  	_ =	shalt  }
0x81: {  	_ =	shalt  }
0x82: {  	_ =	shalt  }
0x83: {  	_ =	shalt  }
0x84: {  	_ =	shalt  }
0x85: {  	_ =	shalt  }
0x86: {  	_ =	shalt  }
0x87: {  	_ =	shalt  }
.Lfunc_end0:
.L_simem_size_0:
called_computation.3_lowered:
.L_overlay_start_0:
0x88: {  	s2 =	sld [smem:$0x3FD9]  }
0x89: {  	s3 =	sld [smem:$0x3FFE];
	_ =	sdelay $0x1  }
0x8a: {  	s1 =	srdreg.scid  }
0x8b: {  	s0 =	sand.u32 $0x1, s1  }
0x8c: {  	s14 =	sshll.u32 s0, $0xA;
	s2 =	sadd.s32 s3, s2  }
0x8d: {  	s2 =	sadd.s32 s2, s14  }
0x8e: {  	[smem:$0x3FA5] =	sst s2  }
0x8f: {  	_ = 	snop  }
0x90: {  	s2 =	sld [smem:$0x3FD0];
	_ =	sdelay $0x2  }
0x91: {  	s15 =	simm.s32 $0xA;
	s4 =	simm.s32 $0x10  }
0x92: {  	[smem:s4], [sflag:s15] =	dma.local [hbm:s2], $0x1  }
0x93: {  	_ =	swait.eq [sflag:s15], $0x1  }
0x94: {  	s16 =	sld [smem:$0x10];
	[sflag:s15] =	ssyncset.done $0x0  }
0x95: {  	s17 =	sld [smem:$0x14];
	[sflag:s15] =	ssyncadd.s32 $0xFFFFFFFF  }
0x96: {  	s18 =	sld [smem:$0x15];
	(tm) =	ssettm $0x1  }
0x97: {  	s5 =	sld [smem:$0x3FFB];
	_ =	sdelay $0x3  }
0x98: {  	_ =	strace s5  }
0x99: {  	s5 =	sld [smem:$0x3FFC];
	_ =	sdelay $0x3  }
0x9a: {  	_ =	strace s5  }
0x9b: {  	s5 =	sld [smem:$0x3FFD];
	_ =	sdelay $0x3  }
0x9c: {  	_ =	strace s5  }
0x9d: {  	_ =	strace $0x8FFFFFFF  }
0x9e: {  	s19 =	sld [smem:$0x3FDB];
	_ =	sdelay $0x1  }
0x9f: {  	s6 =	simm.s32 $_scs_section_size  }
0xa0: {  	s7 =	simm.s32 $_size__tile_overlayer_lowered;
	s8 =	simm.s32 $_tile_overlayer_lowered  }
0xa1: {  	s22 =	simm.s32 $0x1BFF;
	s21 =	sshll.u32 s8, $0x1;
	s5 =	sadd.s32 s6, s19  }
0xa2: {  	s9 =	simm.s32 $0x0;
	s20 =	sshll.u32 s7, $0x1;
	s7 =	sadd.s32 s21, s5  }
0xa3: {  	[timem:s9], [sflag:s22] =	dma.local [hbm:s7], s20  }
0xa4: {  	_ =	swait.ge [sflag:s22], s20  }
0xa5: {  	s6 =	ssub.s32 $0x0, s20;
	[sflag:s22] =	ssyncset.done $0x0  }
0xa6: {  	[sflag:s22] =	ssyncadd.s32 s6;
	_ =	sdelay $0x1  }
0xa7: {  	s23 =	simm.s32 $0x1B8B  }
0xa8: {  	_ =	swait.ge [sflag:s23], $0x1  }
0xa9: {  	[sflag:s23] =	ssyncset.done $0x0  }
0xaa: {  	s25 =	simm.s32 $0x1B8E;
	s24 =	sld [smem:$0x3FFE];
	[sflag:s23] =	ssyncadd.s32 $0xFFFFFFFF  }
0xab: {  	s26 =	simm.s32 $execute0_lowered;
	[smem:$0x3FD2] =	sst s25  }
0xac: {  	s7 =	sshll.u32 s26, $0x1;
	_ =	strace $0x8000004F;
	[dreg:$0x1] =	wrdreg $0xFFFFFFFF  }
0xad: {  	s28 =	simm.s32 $_size_execute0_lowered;
	s5 =	sadd.s32 s5, s7;
	[dreg:$0x0] =	wrdreg $0x0  }
0xae: {  	s7 =	sshll.u32 s28, $0x1;
	[dreg:$0x2] =	wrdreg s5  }
0xaf: {  	[dreg:$0x3] =	wrdreg s7  }
0xb0: {  	[dreg:$0x4] =	wrdreg $0xC0  }
0xb1: {  	_ =	task [dreg:s9], $0x5FFFF  }
0xb2: {  	[dreg:$0x1] =	wrdreg $0xFFFFFFFF  }
0xb3: {  	[dreg:$0x0] =	wrdreg $0x60  }
0xb4: {  	[dreg:$0x2] =	wrdreg s24  }
0xb5: {  	[dreg:$0x3] =	wrdreg s16  }
0xb6: {  	[dreg:$0x4] =	wrdreg s18  }
0xb7: {  	[dreg:$0x5] =	wrdreg s17  }
0xb8: {  	[dreg:$0x6] =	wrdreg $0x0  }
0xb9: {  	[dreg:$0x7] =	wrdreg $0x9  }
0xba: {  	_ =	task.clear_ibuf [dreg:s9], $0x8FFFF;
	_ =	strace $0x9000004F  }
0xbb: {  	s29 =	simm.s32 $0x9;
	_ =	strace $0x80000051  }
0xbc: {  	_ =	swait.ge [sflag:s29], $0x1  }
0xbd: {  	[sflag:s29] =	ssyncadd.s32 $0xFFFFFFFF  }
0xbe: {  	_ =	strace $0x90000051  }
0xbf: {  	_ =	sfence  }
0xc0: {  	s30 =	sld [smem:$0x0];
	_ =	sdelay $0x2  }
0xc1: {  	s31 =	sshll.u32 s1, $0xD;
	s1 =	sshrl.u32 s1, $0x2  }
0xc2: {  	s3 =	sand.u32 $0x4000, s31;
	s1 =	sadd.s32 s1, s30  }
0xc3: {  	s0 =	sor.u32 s3, s0;
	s1 =	sshll.u32 s1, $0x11  }
0xc4: {  	s0 =	sor.u32 s1, s0  }
0xc5: {  	s0 =	sadd.s32 $0x8F2B, s0  }
0xc6: {  	[sflag:s0] =	ssyncadd.remote.s32 $0x1  }
0xc7: {  	_ =	sfence.sel $0xFFFF  }
0xc8: {  	[dreg:$0x0] =	wrdreg $0xFFFFFFFF;
	(pc) =	sbr.abs _section_cstart, $3  }
0xc9: {  	[dreg:$0x1] =	wrdreg $0xFFFFFFFF  }
0xca: {  	_ =	task.clear_ibuf [dreg:s9], $0x2FFFF;
	_ =	strace $0x9FFFFFFF  }
0xcb: {  	(tm) =	ssettm $0x7FFFFFFF  }
tec
execute0_lowered:
.L_overlay_start_1:
0x0: {  	(tag) =	ssettag $0x1  }
0x1: {  	s7 =	rddreg [dreg:$0x0]  }
0x2: {  	s11 =	rddreg [dreg:$0x1]  }
0x3: {  	s1 =	rddreg [dreg:$0x2]  }
0x4: {  	s3 =	rddreg [dreg:$0x3]  }
0x5: {  	s4 =	rddreg [dreg:$0x4]  }
0x6: {  	s0 =	rddreg [dreg:$0x5]  }
0x7: {  	s6 =	srdreg.scid;
	s2 =	stileid.u32  }
0x8: {  	s5 =	simm.s32 $0x0;
	s17 =	simm.s32 $0x13D00;
	s9 =	smul.u32 $0x4E20, s2  }
0x9: {  	s18 =	simm.s32 $0x50;
	s19 =	simm.s32 $0x13E00;
	s25 =	smul.u32 $0x278, s2  }
0xa: {  	s20 =	simm.s32 $0x1;
	s24 =	simm.s32 $0x0;
	s14 =	smul.u32 $0x13C00, s2  }
0xb: {  	s8 =	sand.u32 $0x1, s6;
	[smem:$0x7FF] =	sst s5;
	s30 =	smul.u32 $0x4F000, s2  }
0xc: {  	s6 =	sadd.s32 $0xE1E00, s7;
	s15 =	sadd.s32 $0xAE00, s7;
	s16 =	smul.u32 $0x9C4, s2  }
0xd: {  	s21 =	sadd.s32 $0x128400, s4;
	p0 =	seq.s32 s2, $0xF;
	s10 =	smul.u32 $0x4E200, s8  }
0xe: {  	_ =	strace $0x80000050;
	s12 =	ssub.s32 $0x2, s8;
	s8 =	smul.u32 $0x138800, s8  }
0xf: {  	s21 =	sshrl.u32 @p0 s21, $0x3;
	s22 =	sshll.u32 @!p0 s2, $0x6;
	s26 =	sshrl.u32 s12, $0x1  }
0x10: {  	s28 =	smin.u32 s25, $0x2498;
	s11 =	sadd.s32 s16, s11;
	s16 =	simm.s32 $0x13C80  }
0x11: {  	s22 =	sor.u32 @!p0 $0x1C02, s22;
	s9 =	sadd.s32 s9, s10;
	s12 =	ssub.s32 s12, s26  }
0x12: {  	s29 =	sadd.s32 s14, s8;
	s8 =	sshrl.u32 s8, $0x3;
	s10 =	sshrl.u32 s30, $0x2  }
0x13: {  	s14 =	simm.s32 $0x2;
	s9 =	sshrl.u32 s9, $0x3;
	s31 =	sadd.s32 s15, s8  }
0x14: {  	s23 =	sadd.s32 s10, s4;
	s10 =	smax.u32 s12, $0x1;
	s13 =	sadd.s32 s9, s7  }
0x15: {  	s7 =	sshll.u32 s28, $0x7;
	s9 =	sshrl.u32 s29, $0x3;
	s23 =	sshrl.u32 @!p0 s23, $0x3  }
0x16: {  	s7 =	sadd.s32 s7, s4;
	s8 =	sadd.s32 s15, s9;
	s9 =	sadd.s32 $0x25080, s31  }
0x17: {  	s12 =	sadd.s32 $0x80200, s13;
	s13 =	simm.s32 $0x13D80;
	s15 =	simm.s32 $0x13880  }
.LBB2_1:
0x18: {  	[tilespmem:s13], [sflag:$0x2] =	stream.linear.gather [hbm4b:s3+s5], $0x80, $0x38;
	[tilespmem:$0x16600] =	vst v63  }
0x19: {  	_ =	swait.ge [sflag:s14], $0x80  }
0x1a: {  	[sflag:s14] =	ssyncset.done $0x0  }
0x1b: {  	[sflag:s14] =	ssyncadd.s32 $0xFFFFFF80  }
0x1c: {  	[tilespmem:s15], [sflag:$0x2] =	stream.linear.gather [hbm4b:s1+s5], $0x400, $0x38;
	[tilespmem:$0x16600] =	vst v63  }
0x1d: {  	_ =	swait.ge [sflag:s14], $0x400  }
0x1e: {  	[sflag:s14] =	ssyncset.done $0x0  }
0x1f: {  	s25 =	sadd.s32 $0x0, s7;
	[sflag:s14] =	ssyncadd.s32 $0xFFFFFC00  }
0x20: {  	[spmem:s25] =	stream.linear.scatter [tilespmem:s15], [sflag:$0x2], $0x400, $0x38;
	[tilespmem:$0x16600] =	vst v63  }
0x21: {  	s25 =	simm.s32 $0x1000;
	_ =	swait.ge [sflag:s14], $0x400  }
.LBB2_2:
0x22: {  	s26 =	sshra.s32 s25, $0x2;
	[sflag:s14] =	ssyncset.done $0x0;
	p1 =	sne.s32 s25, $0x4E000  }
.Ltmp0:
0x23: {  	s26 =	sadd.s32 s26, s7;
	[sflag:s14] =	ssyncadd.s32 $0xFFFFFC00;
	(pc) =	sbr.rel @p1 .LBB2_2-.Ltmp0, $3  }
0x24: {  	[spmem:s26] =	stream.linear.scatter [tilespmem:s15], [sflag:$0x2], $0x400, $0x38;
	[tilespmem:$0x16600] =	vst v63  }
0x25: {  	s25 =	sadd.s32 $0x1000, s25;
	_ =	sdelay $0x1  }
0x26: {  	_ =	swait.ge [sflag:s14], $0x400  }
0x27: {  	[sflag:s14] =	ssyncset.done $0x0  }
0x28: {  	[sflag:s14] =	ssyncadd.s32 $0xFFFFFC00  }
0x29: {  	[bflag:$0x0] =	sbarrier.arrive $0xFFFF  }
0x2a: {  	s25 =	sadd.s32 $0x0, s12;
	[bflag:$0x0] =	sbarrier.arrive $0xFFFF  }
0x2b: {  	[tilespmem:s16], [sflag:$0x2] =	stream.linear.gather [hbm4b:s25+s5], $0x50, $0x38;
	[tilespmem:$0x16600] =	vst v63  }
0x2c: {  	_ =	swait.ge [sflag:s14], $0x50  }
0x2d: {  	[sflag:s14] =	ssyncset.done $0x0  }
0x2e: {  	s31 =	sadd.s32 $0x0, s11;
	[sflag:s14] =	ssyncadd.s32 $0xFFFFFFB0  }
0x2f: {  	[tilespmem:s17], [sflag:$0x2] =	stream.linear.gather [hbm4b:s31+s5], $0x50, $0x38;
	[tilespmem:$0x16600] =	vst v63  }
0x30: {  	_ =	swait.ge [sflag:s14], $0x50  }
0x31: {  	[sflag:s14] =	ssyncset.done $0x0  }
0x32: {  	[sflag:s14] =	ssyncadd.s32 $0xFFFFFFB0  }
0x33: {  	[tilespmem:s19], [sflag:$0x1] =	stream.indirect.gather [hbm4b:s6+s18], $0x80, s16, s18, $0xb8;
	[tilespmem:$0x16600] =	vst v63  }
0x34: {  	_ =	swait.ge [sflag:s20], $0x2800  }
0x35: {  	[sflag:s20] =	ssyncset.done $0x0  }
0x36: {  	[sflag:s20] =	ssyncadd.s32 $0xFFFFD800  }
0x37: {  	[spmem:s4] =	stream.indirect.scatter.add.f32 [tilespmem:s19], [sflag:$0x2], $0x80, s17, s18, $0xb8;
	[tilespmem:$0x16600] =	vst v63  }
0x38: {  	_ =	swait.ge [sflag:s14], $0x2800  }
0x39: {  	s26 =	simm.s32 $0x14;
	s25 =	simm.s32 $0xA;
	[sflag:s14] =	ssyncset.done $0x0  }
.LBB2_4:
0x3a: {  	s28 =	sadd.s32 s25, s12  }
0x3b: {  	[sflag:s14] =	ssyncadd.s32 $0xFFFFD800;
	s29 =	smov.u32 s26;
	s30 =	sadd.s32 $0xA, s26  }
0x3c: {  	[tilespmem:s16], [sflag:$0x2] =	stream.linear.gather [hbm4b:s28+s5], $0x50, $0x38;
	[tilespmem:$0x16600] =	vst v63  }
0x3d: {  	p1 =	sne.s32 s26, $0x9BA;
	_ =	swait.ge [sflag:s14], $0x50  }
0x3e: {  	[sflag:s14] =	ssyncset.done $0x0  }
0x3f: {  	s26 =	sadd.s32 s25, s11;
	s25 =	smov.u32 s29;
	[sflag:s14] =	ssyncadd.s32 $0xFFFFFFB0  }
0x40: {  	[tilespmem:s17], [sflag:$0x2] =	stream.linear.gather [hbm4b:s26+s5], $0x50, $0x38;
	[tilespmem:$0x16600] =	vst v63  }
0x41: {  	_ =	swait.ge [sflag:s14], $0x50  }
0x42: {  	[sflag:s14] =	ssyncset.done $0x0  }
0x43: {  	[sflag:s14] =	ssyncadd.s32 $0xFFFFFFB0  }
0x44: {  	[tilespmem:s19], [sflag:$0x1] =	stream.indirect.gather [hbm4b:s6+s18], $0x80, s16, s18, $0xb8;
	[tilespmem:$0x16600] =	vst v63  }
0x45: {  	_ =	swait.ge [sflag:s20], $0x2800  }
.Ltmp1:
0x46: {  	[sflag:s20] =	ssyncset.done $0x0;
	(pc) =	sbr.rel @p1 .LBB2_4-.Ltmp1, $4  }
0x47: {  	[sflag:s20] =	ssyncadd.s32 $0xFFFFD800  }
0x48: {  	[spmem:s4] =	stream.indirect.scatter.add.f32 [tilespmem:s19], [sflag:$0x2], $0x80, s17, s18, $0xb8;
	[tilespmem:$0x16600] =	vst v63  }
0x49: {  	_ =	swait.ge [sflag:s14], $0x2800  }
0x4a: {  	s26 =	smov.u32 s30;
	[sflag:s14] =	ssyncset.done $0x0  }
0x4b: {  	s26 =	sadd.s32 s25, s12;
	[sflag:s14] =	ssyncadd.s32 $0xFFFFD800  }
0x4c: {  	[tilespmem:s16], [sflag:$0x2] =	stream.linear.gather [hbm4b:s26+s5], $0x50, $0x38;
	[tilespmem:$0x16600] =	vst v63  }
0x4d: {  	_ =	swait.ge [sflag:s14], $0x50  }
0x4e: {  	[sflag:s14] =	ssyncset.done $0x0  }
0x4f: {  	s31 =	sadd.s32 s25, s11;
	[sflag:s14] =	ssyncadd.s32 $0xFFFFFFB0  }
0x50: {  	[tilespmem:s17], [sflag:$0x2] =	stream.linear.gather [hbm4b:s31+s5], $0x50, $0x38;
	[tilespmem:$0x16600] =	vst v63  }
0x51: {  	_ =	swait.ge [sflag:s14], $0x50  }
0x52: {  	[sflag:s14] =	ssyncset.done $0x0  }
0x53: {  	[sflag:s14] =	ssyncadd.s32 $0xFFFFFFB0  }
0x54: {  	[tilespmem:s19], [sflag:$0x1] =	stream.indirect.gather [hbm4b:s6+s18], $0x80, s16, s18, $0xb8;
	[tilespmem:$0x16600] =	vst v63  }
0x55: {  	_ =	swait.ge [sflag:s20], $0x2800  }
0x56: {  	[sflag:s20] =	ssyncset.done $0x0  }
0x57: {  	[sflag:s20] =	ssyncadd.s32 $0xFFFFD800  }
0x58: {  	[spmem:s4] =	stream.indirect.scatter.add.f32 [tilespmem:s19], [sflag:$0x2], $0x80, s17, s18, $0xb8;
	[tilespmem:$0x16600] =	vst v63  }
0x59: {  	_ =	swait.ge [sflag:s14], $0x2800  }
0x5a: {  	[sflag:s14] =	ssyncset.done $0x0  }
0x5b: {  	[sflag:s14] =	ssyncadd.s32 $0xFFFFD800  }
0x5c: {  	[bflag:$0x0] =	sbarrier.arrive $0xFFFF  }
0x5d: {  	s25 =	simm.s32 @p0 $0x1FC2;
	[bflag:$0x0] =	sbarrier.arrive $0xFFFF  }
0x5e: {  	[hbm:s9], [sflag:s25] =	dma.local @p0 [spmem:s21], $0x2080  }
0x5f: {  	s25 =	simm.s32 @p0 $0x2  }
0x60: {  	s24 =	sadd.s32 $0x1, s24;
	_ =	swait.ge @p0 [sflag:s25], $0x2080  }
0x61: {  	p1 =	sne.s32 s24, s10;
	[sflag:s25] =	ssyncset.done @p0 $0x0  }
.Ltmp2:
0x62: {  	[sflag:s25] =	ssyncadd.s32 @p0 $0xFFFFDF80;
	s25 =	simm.s32 @!p0 $0x2;
	(pc) =	sbr.rel @p1 .LBB2_1-.Ltmp2, $4  }
0x63: {  	[hbm:s8], [sflag:s22] =	dma.local @!p0 [spmem:s23], $0x2780  }
0x64: {  	_ =	swait.ge @!p0 [sflag:s25], $0x2780  }
0x65: {  	[sflag:s25] =	ssyncset.done @!p0 $0x0  }
0x66: {  	[sflag:s25] =	ssyncadd.s32 @!p0 $0xFFFFD880  }
0x67: {  	_ =	sfence.sel $0x180000  }
0x68: {  	[bflag:$0x0] =	sbarrier.arrive $0xFFFF  }
0x69: {  	p0 =	sne.s32 s2, $0x0;
	_ =	strace $0x90000050  }
0x6a: {  	s0 =	sadd.s32 @!p0 $0x100000, s0;
	[bflag:$0x2] =	sbarrier.arrive $0xFFFF  }
0x6b: {  	[sflag:s0] =	ssyncadd.tile.s32 @!p0 $0x1;
	_ =	shalt  }
.Lfunc_end2:
_tile_overlayer_lowered:
.L_overlay_start_2:
0x6c: {  	(tag) =	ssettag $0x2  }
0x6d: {  	s0 =	rddreg [dreg:$0x0];
	s2 =	stileid.u32  }
0x6e: {  	s1 =	rddreg [dreg:$0x1];
	p0 =	sne.s32 s2, $0x0  }
0x6f: {  	s3 =	rddreg [dreg:$0x2];
	[bflag:$0x3] =	sbarrier.arrive $0xFFFF;
	s2 =	simm.s32 @!p0 $0x1C02  }
0x70: {  	[timem:s3], [sflag:s2] =	dma.local @!p0 [hbm:s0], s1  }
0x71: {  	s0 =	simm.s32 @!p0 $0x2  }
0x72: {  	_ =	swait.ge @!p0 [sflag:s0], s1  }
0x73: {  	s1 =	ssub.s32 @!p0 $0x0, s1;
	[sflag:s0] =	ssyncset.done @!p0 $0x0  }
0x74: {  	[sflag:s0] =	ssyncadd.s32 @!p0 s1  }
0x75: {  	[bflag:$0x3] =	sbarrier.arrive $0xFFFF  }
0x76: {  	_ =	shalt  }

// kernel: kernel.41.cloned.1.call-start
scs
__scs_entry_jumppad:
0x0: {  	(pc) =	sbr.rel $0x88, $3  }
0x1: {  	(tag) =	ssettag $0x0;
	lr =	simm.s32 $0x1  }
0x2: {  	[smem:$0x3F7E] =	sst lr;
	_ =	strace $0xD0000000  }
0x3: {  	_ = 	snop  }
0x4: {  	_ = 	snop  }
0x5: {  	_ = 	snop  }
0x6: {  	_ = 	snop  }
0x7: {  	_ = 	snop  }
__scs_overlays_trampoline_lowered:
0x8: {  	[smem:$0x3F8D] =	sst s0  }
0x9: {  	[smem:$0x3F8E] =	sst s1  }
0xa: {  	[smem:$0x3F8F] =	sst s2  }
0xb: {  	[smem:$0x3F90] =	sst s3  }
0xc: {  	[smem:$0x3F91] =	sst s4  }
0xd: {  	[smem:$0x3F92] =	sst s5  }
0xe: {  	[smem:$0x3F93] =	sst s6  }
0xf: {  	[smem:$0x3F94] =	sst s7  }
0x10: {  	[smem:$0x3F95] =	sst s8  }
0x11: {  	[smem:$0x3F96] =	sst s9;
	s0 =	simm.s32 @!p0 $0x0  }
0x12: {  	s1 =	sld [smem:$0x3F7C];
	s0 =	simm.s32 @p0 $0x1  }
0x13: {  	[smem:$0x3F97] =	sst s0;
	s0 =	simm.s32 @!p1 $0x0  }
0x14: {  	s2 =	sld [smem:$0x3F7B];
	s0 =	simm.s32 @p1 $0x1  }
0x15: {  	[smem:$0x3F98] =	sst s0;
	s0 =	simm.s32 @!p2 $0x0  }
0x16: {  	s3 =	sld [smem:$0x3FDB];
	s0 =	simm.s32 @p2 $0x1  }
0x17: {  	s4 =	simm.s32 $0x1BF5;
	[smem:$0x3F9A] =	sst s0  }
0x18: {  	s0 =	sld [smem:$0x3F7D];
	_ =	swait.ge [sflag:s4], $0x0  }
0x19: {  	s7 =	sld [smem:$0x3F7E]  }
0x1a: {  	s8 =	sadd.s32 $0xFFFFE003, lr  }
0x1b: {  	s9 =	sadd.s32 $0xFFFFFEF7, lr;
	s5 =	simm.s32 $0xFFFFFFFF;
	p2 =	slt.u32 s8, $0xFFFFF086  }
0x1c: {  	p1 =	slt.u32 s9, $0xF7A;
	s5 =	simm.s32 @!p2 $0x0  }
0x1d: {  	s5 =	simm.s32 @p1 $0x1;
	p0 =	seq.s32 s7, s2  }
0x1e: {  	s7 =	smul.u32 @!p0 $0xF7A, s2;
	p2 =	seq.s32 @!p0 s5, $0x0  }
0x1f: {  	s9 =	smul.u32 $0xF7A, s1;
	s8 =	simm.s32 @!p0 $0x1BF5;
	p2 =	por !p2, p0  }
0x20: {  	[sflag:s8] =	ssyncset.s32 @!p0 $0xFFFFF086;
	s6 =	sadd.s32 @!p0 s3, s7;
	s7 =	simm.s32 @!p0 $0x108  }
0x21: {  	s3 =	sadd.s32 s3, s9;
	s6 =	sadd.s32 @!p0 $0x88, s6;
	s7 =	simm.s32 @p2 $0x1082  }
0x22: {  	[simem:s7], [sflag:s8] =	dma.local @!p0 [hbm:s6], $0xF7A  }
0x23: {  	s9 =	sor.u32 $0xD0000000, s2;
	s6 =	simm.s32 $0x108;
	_ =	swait.ge @!p0 [sflag:s8], $0x0  }
0x24: {  	s3 =	sadd.s32 $0x88, s3;
	s6 =	simm.s32 @!p1 $0x1082;
	[sflag:s4] =	ssyncset.s32 $0xFFFFF086  }
0x25: {  	[simem:s6], [sflag:s4] =	dma.local [hbm:s3], $0xF7A  }
0x26: {  	[smem:$0x3F7E] =	sst s1;
	(tag) =	ssettag s2;
	_ =	strace s9  }
0x27: {  	s1 =	sld [smem:$0x3F8E]  }
0x28: {  	s2 =	sld [smem:$0x3F8F]  }
0x29: {  	s4 =	sld [smem:$0x3F91]  }
0x2a: {  	p0 =	seq.s32 s5, $0x0;
	s5 =	sld [smem:$0x3F92]  }
0x2b: {  	s6 =	sld [smem:$0x3F93]  }
0x2c: {  	s7 =	sld [smem:$0x3F94]  }
0x2d: {  	s3 =	simm.s32 $0x108;
	s8 =	sld [smem:$0x3F95]  }
0x2e: {  	s3 =	simm.s32 @!p0 $0x1082;
	s9 =	sld [smem:$0x3F96]  }
0x2f: {  	lr =	sadd.s32 s0, s3;
	s0 =	sld [smem:$0x3F8D]  }
0x30: {  	s3 =	sld [smem:$0x3F90]  }
0x31: {  	[smem:$0x3F99] =	sst s10  }
0x32: {  	s10 =	sld [smem:$0x3F97];
	_ =	sdelay $0x3  }
0x33: {  	p0 =	seq.s32 s10, $0x1;
	s10 =	sld [smem:$0x3F99];
	_ =	sdelay $0x3  }
0x34: {  	[smem:$0x3F99] =	sst s10  }
0x35: {  	s10 =	sld [smem:$0x3F98];
	_ =	sdelay $0x3  }
0x36: {  	p1 =	seq.s32 s10, $0x1;
	s10 =	sld [smem:$0x3F99];
	_ =	sdelay $0x3  }
0x37: {  	[smem:$0x3F99] =	sst s10  }
0x38: {  	s10 =	sld [smem:$0x3F9A]  }
0x39: {  	_ = 	snop;
	(pc) =	sbr.ind lr, $3  }
0x3a: {  	_ = 	snop  }
0x3b: {  	_ = 	snop  }
0x3c: {  	p2 =	seq.s32 s10, $0x1;
	s10 =	sld [smem:$0x3F99]  }
0x3d: {  	_ =	shalt  }
0x3e: {  	_ =	shalt  }
0x3f: {  	_ =	shalt  }
0x40: {  	_ =	shalt  }
0x41: {  	_ =	shalt  }
0x42: {  	_ =	shalt  }
0x43: {  	_ =	shalt  }
0x44: {  	_ =	shalt  }
0x45: {  	_ =	shalt  }
0x46: {  	_ =	shalt  }
0x47: {  	_ =	shalt  }
0x48: {  	_ =	shalt  }
0x49: {  	_ =	shalt  }
0x4a: {  	_ =	shalt  }
0x4b: {  	_ =	shalt  }
0x4c: {  	_ =	shalt  }
0x4d: {  	_ =	shalt  }
0x4e: {  	_ =	shalt  }
0x4f: {  	_ =	shalt  }
0x50: {  	_ =	shalt  }
0x51: {  	_ =	shalt  }
0x52: {  	_ =	shalt  }
0x53: {  	_ =	shalt  }
0x54: {  	_ =	shalt  }
0x55: {  	_ =	shalt  }
0x56: {  	_ =	shalt  }
0x57: {  	_ =	shalt  }
0x58: {  	_ =	shalt  }
0x59: {  	_ =	shalt  }
0x5a: {  	_ =	shalt  }
0x5b: {  	_ =	shalt  }
0x5c: {  	_ =	shalt  }
0x5d: {  	_ =	shalt  }
0x5e: {  	_ =	shalt  }
0x5f: {  	_ =	shalt  }
0x60: {  	_ =	shalt  }
0x61: {  	_ =	shalt  }
0x62: {  	_ =	shalt  }
0x63: {  	_ =	shalt  }
0x64: {  	_ =	shalt  }
0x65: {  	_ =	shalt  }
0x66: {  	_ =	shalt  }
0x67: {  	_ =	shalt  }
0x68: {  	_ =	shalt  }
0x69: {  	_ =	shalt  }
0x6a: {  	_ =	shalt  }
0x6b: {  	_ =	shalt  }
0x6c: {  	_ =	shalt  }
0x6d: {  	_ =	shalt  }
0x6e: {  	_ =	shalt  }
0x6f: {  	_ =	shalt  }
0x70: {  	_ =	shalt  }
0x71: {  	_ =	shalt  }
0x72: {  	_ =	shalt  }
0x73: {  	_ =	shalt  }
0x74: {  	_ =	shalt  }
0x75: {  	_ =	shalt  }
0x76: {  	_ =	shalt  }
0x77: {  	_ =	shalt  }
0x78: {  	_ =	shalt  }
0x79: {  	_ =	shalt  }
0x7a: {  	_ =	shalt  }
0x7b: {  	_ =	shalt  }
0x7c: {  	_ =	shalt  }
0x7d: {  	_ =	shalt  }
0x7e: {  	_ =	shalt  }
0x7f: {  	_ =	shalt  }
0x80: {  	_ =	shalt  }
0x81: {  	_ =	shalt  }
0x82: {  	_ =	shalt  }
0x83: {  	_ =	shalt  }
0x84: {  	_ =	shalt  }
0x85: {  	_ =	shalt  }
0x86: {  	_ =	shalt  }
0x87: {  	_ =	shalt  }
.Lfunc_end0:
.L_simem_size_0:
called_computation.4_lowered:
.L_overlay_start_0:
0x88: {  	s2 =	sld [smem:$0x3FD9]  }
0x89: {  	s3 =	sld [smem:$0x3FFE];
	_ =	sdelay $0x1  }
0x8a: {  	s1 =	srdreg.scid  }
0x8b: {  	s0 =	sand.u32 $0x1, s1  }
0x8c: {  	s14 =	sshll.u32 s0, $0xA;
	s2 =	sadd.s32 s3, s2  }
0x8d: {  	s2 =	sadd.s32 s2, s14  }
0x8e: {  	[smem:$0x3FA5] =	sst s2  }
0x8f: {  	_ = 	snop  }
0x90: {  	s2 =	sld [smem:$0x3FD0];
	_ =	sdelay $0x2  }
0x91: {  	s15 =	simm.s32 $0xA;
	s4 =	simm.s32 $0x10  }
0x92: {  	[smem:s4], [sflag:s15] =	dma.local [hbm:s2], $0x1  }
0x93: {  	_ =	swait.eq [sflag:s15], $0x1  }
0x94: {  	s16 =	sld [smem:$0x10]  }
0x95: {  	s17 =	sld [smem:$0x11]  }
0x96: {  	s5 =	sld [smem:$0x13];
	[sflag:s15] =	ssyncset.done $0x0  }
0x97: {  	s6 =	sld [smem:$0x14];
	[sflag:s15] =	ssyncadd.s32 $0xFFFFFFFF  }
0x98: {  	s18 =	sld [smem:$0x15];
	(tm) =	ssettm $0x1  }
0x99: {  	s7 =	sld [smem:$0x3FFB];
	_ =	sdelay $0x3  }
0x9a: {  	_ =	strace s7  }
0x9b: {  	s7 =	sld [smem:$0x3FFC];
	_ =	sdelay $0x3  }
0x9c: {  	_ =	strace s7  }
0x9d: {  	s7 =	sld [smem:$0x3FFD];
	_ =	sdelay $0x3  }
0x9e: {  	_ =	strace s7  }
0x9f: {  	_ =	strace $0x8FFFFFFF  }
0xa0: {  	s19 =	sld [smem:$0x3FDB];
	_ =	sdelay $0x1  }
0xa1: {  	s8 =	simm.s32 $_scs_section_size  }
0xa2: {  	s9 =	simm.s32 $_size__tile_overlayer_lowered;
	s10 =	simm.s32 $_tile_overlayer_lowered  }
0xa3: {  	s22 =	simm.s32 $0x1BFF;
	s21 =	sshll.u32 s10, $0x1;
	s7 =	sadd.s32 s8, s19  }
0xa4: {  	s11 =	simm.s32 $0x0;
	s20 =	sshll.u32 s9, $0x1;
	s9 =	sadd.s32 s21, s7  }
0xa5: {  	[timem:s11], [sflag:s22] =	dma.local [hbm:s9], s20  }
0xa6: {  	_ =	swait.ge [sflag:s22], s20  }
0xa7: {  	s8 =	ssub.s32 $0x0, s20;
	[sflag:s22] =	ssyncset.done $0x0  }
0xa8: {  	[sflag:s22] =	ssyncadd.s32 s8;
	_ =	sdelay $0x1  }
0xa9: {  	s23 =	simm.s32 $0x1B8B  }
0xaa: {  	_ =	swait.ge [sflag:s23], $0x1  }
0xab: {  	[sflag:s23] =	ssyncset.done $0x0  }
0xac: {  	s25 =	simm.s32 $0x1B8E;
	s24 =	sld [smem:$0x3FFE];
	[sflag:s23] =	ssyncadd.s32 $0xFFFFFFFF  }
0xad: {  	s26 =	simm.s32 $execute0_lowered;
	[smem:$0x3FD2] =	sst s25  }
0xae: {  	s9 =	sshll.u32 s26, $0x1;
	_ =	strace $0x80000052;
	[dreg:$0x1] =	wrdreg $0xFFFFFFFF  }
0xaf: {  	s28 =	simm.s32 $_size_execute0_lowered;
	s7 =	sadd.s32 s7, s9;
	[dreg:$0x0] =	wrdreg $0x0  }
0xb0: {  	s9 =	sshll.u32 s28, $0x1;
	[dreg:$0x2] =	wrdreg s7  }
0xb1: {  	[dreg:$0x3] =	wrdreg s9  }
0xb2: {  	[dreg:$0x4] =	wrdreg $0xC0  }
0xb3: {  	_ =	task [dreg:s11], $0x5FFFF  }
0xb4: {  	[dreg:$0x1] =	wrdreg $0xFFFFFFFF  }
0xb5: {  	[dreg:$0x0] =	wrdreg $0x60  }
0xb6: {  	[dreg:$0x2] =	wrdreg s5  }
0xb7: {  	[dreg:$0x3] =	wrdreg s17  }
0xb8: {  	[dreg:$0x4] =	wrdreg s16  }
0xb9: {  	[dreg:$0x5] =	wrdreg s18  }
0xba: {  	[dreg:$0x6] =	wrdreg s6  }
0xbb: {  	[dreg:$0x7] =	wrdreg s24  }
0xbc: {  	[dreg:$0x8] =	wrdreg $0x0  }
0xbd: {  	[dreg:$0x9] =	wrdreg $0x9  }
0xbe: {  	_ =	task.clear_ibuf [dreg:s11], $0xAFFFF;
	_ =	strace $0x90000052  }
0xbf: {  	s29 =	simm.s32 $0x9;
	_ =	strace $0x80000054  }
0xc0: {  	_ =	swait.ge [sflag:s29], $0x1  }
0xc1: {  	[sflag:s29] =	ssyncadd.s32 $0xFFFFFFFF  }
0xc2: {  	_ =	strace $0x90000054  }
0xc3: {  	_ =	sfence  }
0xc4: {  	s30 =	sld [smem:$0x0];
	_ =	sdelay $0x2  }
0xc5: {  	s31 =	sshll.u32 s1, $0xD;
	s1 =	sshrl.u32 s1, $0x2  }
0xc6: {  	s3 =	sand.u32 $0x4000, s31;
	s1 =	sadd.s32 s1, s30  }
0xc7: {  	s0 =	sor.u32 s3, s0;
	s1 =	sshll.u32 s1, $0x11  }
0xc8: {  	s0 =	sor.u32 s1, s0  }
0xc9: {  	s0 =	sadd.s32 $0x8F2B, s0  }
0xca: {  	[sflag:s0] =	ssyncadd.remote.s32 $0x1  }
0xcb: {  	_ =	sfence.sel $0xFFFF  }
0xcc: {  	[dreg:$0x0] =	wrdreg $0xFFFFFFFF;
	(pc) =	sbr.abs _section_cstart, $3  }
0xcd: {  	[dreg:$0x1] =	wrdreg $0xFFFFFFFF  }
0xce: {  	_ =	task.clear_ibuf [dreg:s11], $0x2FFFF;
	_ =	strace $0x9FFFFFFF  }
0xcf: {  	(tm) =	ssettm $0x7FFFFFFF  }
tec
execute0_lowered:
.L_overlay_start_1:
0x0: {  	(tag) =	ssettag $0x1  }
0x1: {  	s0 =	rddreg [dreg:$0x0]  }
0x2: {  	s12 =	rddreg [dreg:$0x1]  }
0x3: {  	s11 =	rddreg [dreg:$0x2]  }
0x4: {  	s2 =	rddreg [dreg:$0x3]  }
0x5: {  	s3 =	rddreg [dreg:$0x4]  }
0x6: {  	s7 =	rddreg [dreg:$0x5]  }
0x7: {  	s5 =	rddreg [dreg:$0x6]  }
0x8: {  	s1 =	rddreg [dreg:$0x7]  }
0x9: {  	s8 =	srdreg.scid;
	s4 =	stileid.u32  }
0xa: {  	s6 =	simm.s32 $0x0;
	s18 =	simm.s32 $0x50;
	s9 =	smul.u32 $0x278, s4  }
0xb: {  	s19 =	simm.s32 $0x13E00;
	s20 =	simm.s32 $0x1;
	s15 =	smul.u32 $0x13C00, s4  }
0xc: {  	s8 =	sand.u32 $0x1, s8;
	[smem:$0x7FF] =	sst s6;
	s23 =	smul.u32 $0x4F000, s4  }
0xd: {  	s16 =	sadd.s32 $0xE1E00, s7;
	s26 =	smul.u32 $0x4E20, s4;
	s21 =	sadd.s32 $0x128400, s5  }
0xe: {  	p0 =	seq.s32 s4, $0xF;
	s10 =	ssub.s32 $0x2, s8;
	s13 =	smul.u32 $0x138800, s8  }
0xf: {  	_ =	strace $0x80000053;
	s17 =	smul.u32 $0x2710, s8;
	s21 =	sshrl.u32 @p0 s21, $0x3  }
0x10: {  	s22 =	sshll.u32 @!p0 s4, $0x6;
	s14 =	sshrl.u32 s10, $0x1;
	s24 =	smin.u32 s9, $0x2498  }
0x11: {  	s29 =	sshrl.u32 s23, $0x2;
	s22 =	sor.u32 @!p0 $0x1C02, s22;
	s10 =	ssub.s32 s10, s14  }
0x12: {  	s25 =	sadd.s32 s15, s13;
	s7 =	sshll.u32 s24, $0x7;
	s28 =	sshrl.u32 s13, $0x3  }
0x13: {  	s30 =	sadd.s32 s17, s26;
	s23 =	sadd.s32 s29, s5;
	s13 =	simm.s32 $0x13D80  }
0x14: {  	s14 =	simm.s32 $0x2;
	s15 =	simm.s32 $0x13880;
	s17 =	simm.s32 $0x13D00  }
0x15: {  	s24 =	simm.s32 $0x0;
	s9 =	sshrl.u32 s25, $0x3;
	s7 =	sadd.s32 s7, s5  }
0x16: {  	s31 =	sshrl.u32 s30, $0x3;
	s10 =	smax.u32 s10, $0x1;
	s23 =	sshrl.u32 @!p0 s23, $0x3  }
0x17: {  	s8 =	sadd.s32 s16, s9;
	s9 =	sadd.s32 s16, s28;
	s11 =	sadd.s32 s31, s11  }
0x18: {  	s12 =	sadd.s32 s31, s12;
	s16 =	simm.s32 $0x13C80;
	s9 =	sadd.s32 $0x25080, s9  }
.LBB2_1:
0x19: {  	[tilespmem:s13], [sflag:$0x2] =	stream.linear.gather [hbm4b:s3+s6], $0x80, $0x38;
	[tilespmem:$0x16600] =	vst v63  }
0x1a: {  	_ =	swait.ge [sflag:s14], $0x80  }
0x1b: {  	[sflag:s14] =	ssyncset.done $0x0  }
0x1c: {  	[sflag:s14] =	ssyncadd.s32 $0xFFFFFF80  }
0x1d: {  	[tilespmem:s15], [sflag:$0x2] =	stream.linear.gather [hbm4b:s2+s6], $0x400, $0x38;
	[tilespmem:$0x16600] =	vst v63  }
0x1e: {  	_ =	swait.ge [sflag:s14], $0x400  }
0x1f: {  	[sflag:s14] =	ssyncset.done $0x0  }
0x20: {  	s25 =	sadd.s32 $0x0, s7;
	[sflag:s14] =	ssyncadd.s32 $0xFFFFFC00  }
0x21: {  	[spmem:s25] =	stream.linear.scatter [tilespmem:s15], [sflag:$0x2], $0x400, $0x38;
	[tilespmem:$0x16600] =	vst v63  }
0x22: {  	s25 =	simm.s32 $0x1000;
	_ =	swait.ge [sflag:s14], $0x400  }
.LBB2_2:
0x23: {  	s26 =	sshra.s32 s25, $0x2;
	[sflag:s14] =	ssyncset.done $0x0;
	p1 =	sne.s32 s25, $0x4E000  }
.Ltmp0:
0x24: {  	s26 =	sadd.s32 s26, s7;
	[sflag:s14] =	ssyncadd.s32 $0xFFFFFC00;
	(pc) =	sbr.rel @p1 .LBB2_2-.Ltmp0, $3  }
0x25: {  	[spmem:s26] =	stream.linear.scatter [tilespmem:s15], [sflag:$0x2], $0x400, $0x38;
	[tilespmem:$0x16600] =	vst v63  }
0x26: {  	s25 =	sadd.s32 $0x1000, s25;
	_ =	sdelay $0x1  }
0x27: {  	_ =	swait.ge [sflag:s14], $0x400  }
0x28: {  	[sflag:s14] =	ssyncset.done $0x0  }
0x29: {  	[sflag:s14] =	ssyncadd.s32 $0xFFFFFC00  }
0x2a: {  	[bflag:$0x0] =	sbarrier.arrive $0xFFFF  }
0x2b: {  	s25 =	sadd.s32 $0x0, s12;
	[bflag:$0x0] =	sbarrier.arrive $0xFFFF  }
0x2c: {  	[tilespmem:s16], [sflag:$0x2] =	stream.linear.gather [hbm4b:s25+s6], $0x50, $0x38;
	[tilespmem:$0x16600] =	vst v63  }
0x2d: {  	_ =	swait.ge [sflag:s14], $0x50  }
0x2e: {  	[sflag:s14] =	ssyncset.done $0x0  }
0x2f: {  	s31 =	sadd.s32 $0x0, s11;
	[sflag:s14] =	ssyncadd.s32 $0xFFFFFFB0  }
0x30: {  	[tilespmem:s17], [sflag:$0x2] =	stream.linear.gather [hbm4b:s31+s6], $0x50, $0x38;
	[tilespmem:$0x16600] =	vst v63  }
0x31: {  	_ =	swait.ge [sflag:s14], $0x50  }
0x32: {  	[sflag:s14] =	ssyncset.done $0x0  }
0x33: {  	[sflag:s14] =	ssyncadd.s32 $0xFFFFFFB0  }
0x34: {  	[tilespmem:s19], [sflag:$0x1] =	stream.indirect.gather [hbm4b:s0+s18], $0x80, s16, s18, $0xb8;
	[tilespmem:$0x16600] =	vst v63  }
0x35: {  	_ =	swait.ge [sflag:s20], $0x2800  }
0x36: {  	[sflag:s20] =	ssyncset.done $0x0  }
0x37: {  	[sflag:s20] =	ssyncadd.s32 $0xFFFFD800  }
0x38: {  	[spmem:s5] =	stream.indirect.scatter.add.f32 [tilespmem:s19], [sflag:$0x2], $0x80, s17, s18, $0xb8;
	[tilespmem:$0x16600] =	vst v63  }
0x39: {  	_ =	swait.ge [sflag:s14], $0x2800  }
0x3a: {  	s26 =	simm.s32 $0x14;
	s25 =	simm.s32 $0xA;
	[sflag:s14] =	ssyncset.done $0x0  }
.LBB2_4:
0x3b: {  	s28 =	sadd.s32 s25, s12  }
0x3c: {  	[sflag:s14] =	ssyncadd.s32 $0xFFFFD800;
	s29 =	smov.u32 s26;
	s30 =	sadd.s32 $0xA, s26  }
0x3d: {  	[tilespmem:s16], [sflag:$0x2] =	stream.linear.gather [hbm4b:s28+s6], $0x50, $0x38;
	[tilespmem:$0x16600] =	vst v63  }
0x3e: {  	p1 =	sne.s32 s26, $0x4D8;
	_ =	swait.ge [sflag:s14], $0x50  }
0x3f: {  	[sflag:s14] =	ssyncset.done $0x0  }
0x40: {  	s26 =	sadd.s32 s25, s11;
	s25 =	smov.u32 s29;
	[sflag:s14] =	ssyncadd.s32 $0xFFFFFFB0  }
0x41: {  	[tilespmem:s17], [sflag:$0x2] =	stream.linear.gather [hbm4b:s26+s6], $0x50, $0x38;
	[tilespmem:$0x16600] =	vst v63  }
0x42: {  	_ =	swait.ge [sflag:s14], $0x50  }
0x43: {  	[sflag:s14] =	ssyncset.done $0x0  }
0x44: {  	[sflag:s14] =	ssyncadd.s32 $0xFFFFFFB0  }
0x45: {  	[tilespmem:s19], [sflag:$0x1] =	stream.indirect.gather [hbm4b:s0+s18], $0x80, s16, s18, $0xb8;
	[tilespmem:$0x16600] =	vst v63  }
0x46: {  	_ =	swait.ge [sflag:s20], $0x2800  }
.Ltmp1:
0x47: {  	[sflag:s20] =	ssyncset.done $0x0;
	(pc) =	sbr.rel @p1 .LBB2_4-.Ltmp1, $4  }
0x48: {  	[sflag:s20] =	ssyncadd.s32 $0xFFFFD800  }
0x49: {  	[spmem:s5] =	stream.indirect.scatter.add.f32 [tilespmem:s19], [sflag:$0x2], $0x80, s17, s18, $0xb8;
	[tilespmem:$0x16600] =	vst v63  }
0x4a: {  	_ =	swait.ge [sflag:s14], $0x2800  }
0x4b: {  	s26 =	smov.u32 s30;
	[sflag:s14] =	ssyncset.done $0x0  }
0x4c: {  	s26 =	sadd.s32 s25, s12;
	[sflag:s14] =	ssyncadd.s32 $0xFFFFD800  }
0x4d: {  	[tilespmem:s16], [sflag:$0x2] =	stream.linear.gather [hbm4b:s26+s6], $0x50, $0x38;
	[tilespmem:$0x16600] =	vst v63  }
0x4e: {  	_ =	swait.ge [sflag:s14], $0x50  }
0x4f: {  	[sflag:s14] =	ssyncset.done $0x0  }
0x50: {  	s31 =	sadd.s32 s25, s11;
	[sflag:s14] =	ssyncadd.s32 $0xFFFFFFB0  }
0x51: {  	[tilespmem:s17], [sflag:$0x2] =	stream.linear.gather [hbm4b:s31+s6], $0x50, $0x38;
	[tilespmem:$0x16600] =	vst v63  }
0x52: {  	_ =	swait.ge [sflag:s14], $0x50  }
0x53: {  	[sflag:s14] =	ssyncset.done $0x0  }
0x54: {  	[sflag:s14] =	ssyncadd.s32 $0xFFFFFFB0  }
0x55: {  	[tilespmem:s19], [sflag:$0x1] =	stream.indirect.gather [hbm4b:s0+s18], $0x80, s16, s18, $0xb8;
	[tilespmem:$0x16600] =	vst v63  }
0x56: {  	_ =	swait.ge [sflag:s20], $0x2800  }
0x57: {  	[sflag:s20] =	ssyncset.done $0x0  }
0x58: {  	[sflag:s20] =	ssyncadd.s32 $0xFFFFD800  }
0x59: {  	[spmem:s5] =	stream.indirect.scatter.add.f32 [tilespmem:s19], [sflag:$0x2], $0x80, s17, s18, $0xb8;
	[tilespmem:$0x16600] =	vst v63  }
0x5a: {  	_ =	swait.ge [sflag:s14], $0x2800  }
0x5b: {  	[sflag:s14] =	ssyncset.done $0x0  }
0x5c: {  	[sflag:s14] =	ssyncadd.s32 $0xFFFFD800  }
0x5d: {  	[bflag:$0x0] =	sbarrier.arrive $0xFFFF  }
0x5e: {  	s25 =	simm.s32 @p0 $0x1FC2;
	[bflag:$0x0] =	sbarrier.arrive $0xFFFF  }
0x5f: {  	[hbm:s9], [sflag:s25] =	dma.local @p0 [spmem:s21], $0x2080  }
0x60: {  	s25 =	simm.s32 @p0 $0x2  }
0x61: {  	s24 =	sadd.s32 $0x1, s24;
	_ =	swait.ge @p0 [sflag:s25], $0x2080  }
0x62: {  	p1 =	sne.s32 s24, s10;
	[sflag:s25] =	ssyncset.done @p0 $0x0  }
.Ltmp2:
0x63: {  	[sflag:s25] =	ssyncadd.s32 @p0 $0xFFFFDF80;
	s25 =	simm.s32 @!p0 $0x2;
	(pc) =	sbr.rel @p1 .LBB2_1-.Ltmp2, $4  }
0x64: {  	[hbm:s8], [sflag:s22] =	dma.local @!p0 [spmem:s23], $0x2780  }
0x65: {  	_ =	swait.ge @!p0 [sflag:s25], $0x2780  }
0x66: {  	[sflag:s25] =	ssyncset.done @!p0 $0x0  }
0x67: {  	[sflag:s25] =	ssyncadd.s32 @!p0 $0xFFFFD880  }
0x68: {  	_ =	sfence.sel $0x180000  }
0x69: {  	[bflag:$0x0] =	sbarrier.arrive $0xFFFF  }
0x6a: {  	p0 =	sne.s32 s4, $0x0;
	_ =	strace $0x90000053  }
0x6b: {  	s0 =	sadd.s32 @!p0 $0x100000, s1;
	[bflag:$0x2] =	sbarrier.arrive $0xFFFF  }
0x6c: {  	[sflag:s0] =	ssyncadd.tile.s32 @!p0 $0x1;
	_ =	shalt  }
.Lfunc_end2:
_tile_overlayer_lowered:
.L_overlay_start_2:
0x6d: {  	(tag) =	ssettag $0x2  }
0x6e: {  	s0 =	rddreg [dreg:$0x0];
	s2 =	stileid.u32  }
0x6f: {  	s1 =	rddreg [dreg:$0x1];
	p0 =	sne.s32 s2, $0x0  }
0x70: {  	s3 =	rddreg [dreg:$0x2];
	[bflag:$0x3] =	sbarrier.arrive $0xFFFF;
	s2 =	simm.s32 @!p0 $0x1C02  }
0x71: {  	[timem:s3], [sflag:s2] =	dma.local @!p0 [hbm:s0], s1  }
0x72: {  	s0 =	simm.s32 @!p0 $0x2  }
0x73: {  	_ =	swait.ge @!p0 [sflag:s0], s1  }
0x74: {  	s1 =	ssub.s32 @!p0 $0x0, s1;
	[sflag:s0] =	ssyncset.done @!p0 $0x0  }
0x75: {  	[sflag:s0] =	ssyncadd.s32 @!p0 s1  }
0x76: {  	[bflag:$0x3] =	sbarrier.arrive $0xFFFF  }
0x77: {  	_ =	shalt  }

// kernel: kernel.44.cloned.1.call-start
scs
__scs_entry_jumppad:
0x0: {  	(pc) =	sbr.rel $0x88, $3  }
0x1: {  	(tag) =	ssettag $0x0;
	lr =	simm.s32 $0x1  }
0x2: {  	[smem:$0x3F7E] =	sst lr;
	_ =	strace $0xD0000000  }
0x3: {  	_ = 	snop  }
0x4: {  	_ = 	snop  }
0x5: {  	_ = 	snop  }
0x6: {  	_ = 	snop  }
0x7: {  	_ = 	snop  }
__scs_overlays_trampoline_lowered:
0x8: {  	[smem:$0x3F8D] =	sst s0  }
0x9: {  	[smem:$0x3F8E] =	sst s1  }
0xa: {  	[smem:$0x3F8F] =	sst s2  }
0xb: {  	[smem:$0x3F90] =	sst s3  }
0xc: {  	[smem:$0x3F91] =	sst s4  }
0xd: {  	[smem:$0x3F92] =	sst s5  }
0xe: {  	[smem:$0x3F93] =	sst s6  }
0xf: {  	[smem:$0x3F94] =	sst s7  }
0x10: {  	[smem:$0x3F95] =	sst s8  }
0x11: {  	[smem:$0x3F96] =	sst s9;
	s0 =	simm.s32 @!p0 $0x0  }
0x12: {  	s1 =	sld [smem:$0x3F7C];
	s0 =	simm.s32 @p0 $0x1  }
0x13: {  	[smem:$0x3F97] =	sst s0;
	s0 =	simm.s32 @!p1 $0x0  }
0x14: {  	s2 =	sld [smem:$0x3F7B];
	s0 =	simm.s32 @p1 $0x1  }
0x15: {  	[smem:$0x3F98] =	sst s0;
	s0 =	simm.s32 @!p2 $0x0  }
0x16: {  	s3 =	sld [smem:$0x3FDB];
	s0 =	simm.s32 @p2 $0x1  }
0x17: {  	s4 =	simm.s32 $0x1BF5;
	[smem:$0x3F9A] =	sst s0  }
0x18: {  	s0 =	sld [smem:$0x3F7D];
	_ =	swait.ge [sflag:s4], $0x0  }
0x19: {  	s7 =	sld [smem:$0x3F7E]  }
0x1a: {  	s8 =	sadd.s32 $0xFFFFE003, lr  }
0x1b: {  	s9 =	sadd.s32 $0xFFFFFEF7, lr;
	s5 =	simm.s32 $0xFFFFFFFF;
	p2 =	slt.u32 s8, $0xFFFFF086  }
0x1c: {  	p1 =	slt.u32 s9, $0xF7A;
	s5 =	simm.s32 @!p2 $0x0  }
0x1d: {  	s5 =	simm.s32 @p1 $0x1;
	p0 =	seq.s32 s7, s2  }
0x1e: {  	s7 =	smul.u32 @!p0 $0xF7A, s2;
	p2 =	seq.s32 @!p0 s5, $0x0  }
0x1f: {  	s9 =	smul.u32 $0xF7A, s1;
	s8 =	simm.s32 @!p0 $0x1BF5;
	p2 =	por !p2, p0  }
0x20: {  	[sflag:s8] =	ssyncset.s32 @!p0 $0xFFFFF086;
	s6 =	sadd.s32 @!p0 s3, s7;
	s7 =	simm.s32 @!p0 $0x108  }
0x21: {  	s3 =	sadd.s32 s3, s9;
	s6 =	sadd.s32 @!p0 $0x88, s6;
	s7 =	simm.s32 @p2 $0x1082  }
0x22: {  	[simem:s7], [sflag:s8] =	dma.local @!p0 [hbm:s6], $0xF7A  }
0x23: {  	s9 =	sor.u32 $0xD0000000, s2;
	s6 =	simm.s32 $0x108;
	_ =	swait.ge @!p0 [sflag:s8], $0x0  }
0x24: {  	s3 =	sadd.s32 $0x88, s3;
	s6 =	simm.s32 @!p1 $0x1082;
	[sflag:s4] =	ssyncset.s32 $0xFFFFF086  }
0x25: {  	[simem:s6], [sflag:s4] =	dma.local [hbm:s3], $0xF7A  }
0x26: {  	[smem:$0x3F7E] =	sst s1;
	(tag) =	ssettag s2;
	_ =	strace s9  }
0x27: {  	s1 =	sld [smem:$0x3F8E]  }
0x28: {  	s2 =	sld [smem:$0x3F8F]  }
0x29: {  	s4 =	sld [smem:$0x3F91]  }
0x2a: {  	p0 =	seq.s32 s5, $0x0;
	s5 =	sld [smem:$0x3F92]  }
0x2b: {  	s6 =	sld [smem:$0x3F93]  }
0x2c: {  	s7 =	sld [smem:$0x3F94]  }
0x2d: {  	s3 =	simm.s32 $0x108;
	s8 =	sld [smem:$0x3F95]  }
0x2e: {  	s3 =	simm.s32 @!p0 $0x1082;
	s9 =	sld [smem:$0x3F96]  }
0x2f: {  	lr =	sadd.s32 s0, s3;
	s0 =	sld [smem:$0x3F8D]  }
0x30: {  	s3 =	sld [smem:$0x3F90]  }
0x31: {  	[smem:$0x3F99] =	sst s10  }
0x32: {  	s10 =	sld [smem:$0x3F97];
	_ =	sdelay $0x3  }
0x33: {  	p0 =	seq.s32 s10, $0x1;
	s10 =	sld [smem:$0x3F99];
	_ =	sdelay $0x3  }
0x34: {  	[smem:$0x3F99] =	sst s10  }
0x35: {  	s10 =	sld [smem:$0x3F98];
	_ =	sdelay $0x3  }
0x36: {  	p1 =	seq.s32 s10, $0x1;
	s10 =	sld [smem:$0x3F99];
	_ =	sdelay $0x3  }
0x37: {  	[smem:$0x3F99] =	sst s10  }
0x38: {  	s10 =	sld [smem:$0x3F9A]  }
0x39: {  	_ = 	snop;
	(pc) =	sbr.ind lr, $3  }
0x3a: {  	_ = 	snop  }
0x3b: {  	_ = 	snop  }
0x3c: {  	p2 =	seq.s32 s10, $0x1;
	s10 =	sld [smem:$0x3F99]  }
0x3d: {  	_ =	shalt  }
0x3e: {  	_ =	shalt  }
0x3f: {  	_ =	shalt  }
0x40: {  	_ =	shalt  }
0x41: {  	_ =	shalt  }
0x42: {  	_ =	shalt  }
0x43: {  	_ =	shalt  }
0x44: {  	_ =	shalt  }
0x45: {  	_ =	shalt  }
0x46: {  	_ =	shalt  }
0x47: {  	_ =	shalt  }
0x48: {  	_ =	shalt  }
0x49: {  	_ =	shalt  }
0x4a: {  	_ =	shalt  }
0x4b: {  	_ =	shalt  }
0x4c: {  	_ =	shalt  }
0x4d: {  	_ =	shalt  }
0x4e: {  	_ =	shalt  }
0x4f: {  	_ =	shalt  }
0x50: {  	_ =	shalt  }
0x51: {  	_ =	shalt  }
0x52: {  	_ =	shalt  }
0x53: {  	_ =	shalt  }
0x54: {  	_ =	shalt  }
0x55: {  	_ =	shalt  }
0x56: {  	_ =	shalt  }
0x57: {  	_ =	shalt  }
0x58: {  	_ =	shalt  }
0x59: {  	_ =	shalt  }
0x5a: {  	_ =	shalt  }
0x5b: {  	_ =	shalt  }
0x5c: {  	_ =	shalt  }
0x5d: {  	_ =	shalt  }
0x5e: {  	_ =	shalt  }
0x5f: {  	_ =	shalt  }
0x60: {  	_ =	shalt  }
0x61: {  	_ =	shalt  }
0x62: {  	_ =	shalt  }
0x63: {  	_ =	shalt  }
0x64: {  	_ =	shalt  }
0x65: {  	_ =	shalt  }
0x66: {  	_ =	shalt  }
0x67: {  	_ =	shalt  }
0x68: {  	_ =	shalt  }
0x69: {  	_ =	shalt  }
0x6a: {  	_ =	shalt  }
0x6b: {  	_ =	shalt  }
0x6c: {  	_ =	shalt  }
0x6d: {  	_ =	shalt  }
0x6e: {  	_ =	shalt  }
0x6f: {  	_ =	shalt  }
0x70: {  	_ =	shalt  }
0x71: {  	_ =	shalt  }
0x72: {  	_ =	shalt  }
0x73: {  	_ =	shalt  }
0x74: {  	_ =	shalt  }
0x75: {  	_ =	shalt  }
0x76: {  	_ =	shalt  }
0x77: {  	_ =	shalt  }
0x78: {  	_ =	shalt  }
0x79: {  	_ =	shalt  }
0x7a: {  	_ =	shalt  }
0x7b: {  	_ =	shalt  }
0x7c: {  	_ =	shalt  }
0x7d: {  	_ =	shalt  }
0x7e: {  	_ =	shalt  }
0x7f: {  	_ =	shalt  }
0x80: {  	_ =	shalt  }
0x81: {  	_ =	shalt  }
0x82: {  	_ =	shalt  }
0x83: {  	_ =	shalt  }
0x84: {  	_ =	shalt  }
0x85: {  	_ =	shalt  }
0x86: {  	_ =	shalt  }
0x87: {  	_ =	shalt  }
.Lfunc_end0:
.L_simem_size_0:
called_computation.5_lowered:
.L_overlay_start_0:
0x88: {  	s2 =	sld [smem:$0x3FD9]  }
0x89: {  	s3 =	sld [smem:$0x3FFE];
	_ =	sdelay $0x1  }
0x8a: {  	s1 =	srdreg.scid  }
0x8b: {  	s0 =	sand.u32 $0x1, s1  }
0x8c: {  	s14 =	sshll.u32 s0, $0xA;
	s2 =	sadd.s32 s3, s2  }
0x8d: {  	s2 =	sadd.s32 s2, s14  }
0x8e: {  	[smem:$0x3FA5] =	sst s2  }
0x8f: {  	_ = 	snop  }
0x90: {  	s2 =	sld [smem:$0x3FD0];
	_ =	sdelay $0x2  }
0x91: {  	s15 =	simm.s32 $0xA;
	s4 =	simm.s32 $0x10  }
0x92: {  	[smem:s4], [sflag:s15] =	dma.local [hbm:s2], $0x1  }
0x93: {  	_ =	swait.eq [sflag:s15], $0x1  }
0x94: {  	s16 =	sld [smem:$0x10];
	[sflag:s15] =	ssyncset.done $0x0  }
0x95: {  	s17 =	sld [smem:$0x14];
	[sflag:s15] =	ssyncadd.s32 $0xFFFFFFFF  }
0x96: {  	s18 =	sld [smem:$0x15];
	(tm) =	ssettm $0x1  }
0x97: {  	s5 =	sld [smem:$0x3FFB];
	_ =	sdelay $0x3  }
0x98: {  	_ =	strace s5  }
0x99: {  	s5 =	sld [smem:$0x3FFC];
	_ =	sdelay $0x3  }
0x9a: {  	_ =	strace s5  }
0x9b: {  	s5 =	sld [smem:$0x3FFD];
	_ =	sdelay $0x3  }
0x9c: {  	_ =	strace s5  }
0x9d: {  	_ =	strace $0x8FFFFFFF  }
0x9e: {  	s19 =	sld [smem:$0x3FDB];
	_ =	sdelay $0x1  }
0x9f: {  	s6 =	simm.s32 $_scs_section_size  }
0xa0: {  	s7 =	simm.s32 $_size__tile_overlayer_lowered;
	s8 =	simm.s32 $_tile_overlayer_lowered  }
0xa1: {  	s22 =	simm.s32 $0x1BFF;
	s21 =	sshll.u32 s8, $0x1;
	s5 =	sadd.s32 s6, s19  }
0xa2: {  	s9 =	simm.s32 $0x0;
	s20 =	sshll.u32 s7, $0x1;
	s7 =	sadd.s32 s21, s5  }
0xa3: {  	[timem:s9], [sflag:s22] =	dma.local [hbm:s7], s20  }
0xa4: {  	_ =	swait.ge [sflag:s22], s20  }
0xa5: {  	s6 =	ssub.s32 $0x0, s20;
	[sflag:s22] =	ssyncset.done $0x0  }
0xa6: {  	[sflag:s22] =	ssyncadd.s32 s6;
	_ =	sdelay $0x1  }
0xa7: {  	s23 =	simm.s32 $0x1B8B  }
0xa8: {  	_ =	swait.ge [sflag:s23], $0x1  }
0xa9: {  	[sflag:s23] =	ssyncset.done $0x0  }
0xaa: {  	s25 =	simm.s32 $0x1B8E;
	s24 =	sld [smem:$0x3FFE];
	[sflag:s23] =	ssyncadd.s32 $0xFFFFFFFF  }
0xab: {  	s26 =	simm.s32 $execute0_lowered;
	[smem:$0x3FD2] =	sst s25  }
0xac: {  	s7 =	sshll.u32 s26, $0x1;
	_ =	strace $0x80000055;
	[dreg:$0x1] =	wrdreg $0xFFFFFFFF  }
0xad: {  	s28 =	simm.s32 $_size_execute0_lowered;
	s5 =	sadd.s32 s5, s7;
	[dreg:$0x0] =	wrdreg $0x0  }
0xae: {  	s7 =	sshll.u32 s28, $0x1;
	[dreg:$0x2] =	wrdreg s5  }
0xaf: {  	[dreg:$0x3] =	wrdreg s7  }
0xb0: {  	[dreg:$0x4] =	wrdreg $0xC0  }
0xb1: {  	_ =	task [dreg:s9], $0x5FFFF  }
0xb2: {  	[dreg:$0x1] =	wrdreg $0xFFFFFFFF  }
0xb3: {  	[dreg:$0x0] =	wrdreg $0x60  }
0xb4: {  	[dreg:$0x2] =	wrdreg s24  }
0xb5: {  	[dreg:$0x3] =	wrdreg s16  }
0xb6: {  	[dreg:$0x4] =	wrdreg s18  }
0xb7: {  	[dreg:$0x5] =	wrdreg s17  }
0xb8: {  	[dreg:$0x6] =	wrdreg $0x0  }
0xb9: {  	[dreg:$0x7] =	wrdreg $0x9  }
0xba: {  	_ =	task.clear_ibuf [dreg:s9], $0x8FFFF;
	_ =	strace $0x90000055  }
0xbb: {  	s29 =	simm.s32 $0x9;
	_ =	strace $0x80000057  }
0xbc: {  	_ =	swait.ge [sflag:s29], $0x1  }
0xbd: {  	[sflag:s29] =	ssyncadd.s32 $0xFFFFFFFF  }
0xbe: {  	_ =	strace $0x90000057  }
0xbf: {  	_ =	sfence  }
0xc0: {  	s30 =	sld [smem:$0x0];
	_ =	sdelay $0x2  }
0xc1: {  	s31 =	sshll.u32 s1, $0xD;
	s1 =	sshrl.u32 s1, $0x2  }
0xc2: {  	s3 =	sand.u32 $0x4000, s31;
	s1 =	sadd.s32 s1, s30  }
0xc3: {  	s0 =	sor.u32 s3, s0;
	s1 =	sshll.u32 s1, $0x11  }
0xc4: {  	s0 =	sor.u32 s1, s0  }
0xc5: {  	s0 =	sadd.s32 $0x8F2B, s0  }
0xc6: {  	[sflag:s0] =	ssyncadd.remote.s32 $0x1  }
0xc7: {  	_ =	sfence.sel $0xFFFF  }
0xc8: {  	[dreg:$0x0] =	wrdreg $0xFFFFFFFF;
	(pc) =	sbr.abs _section_cstart, $3  }
0xc9: {  	[dreg:$0x1] =	wrdreg $0xFFFFFFFF  }
0xca: {  	_ =	task.clear_ibuf [dreg:s9], $0x2FFFF;
	_ =	strace $0x9FFFFFFF  }
0xcb: {  	(tm) =	ssettm $0x7FFFFFFF  }
tec
execute0_lowered:
.L_overlay_start_1:
0x0: {  	(tag) =	ssettag $0x1  }
0x1: {  	s7 =	rddreg [dreg:$0x0]  }
0x2: {  	s11 =	rddreg [dreg:$0x1]  }
0x3: {  	s1 =	rddreg [dreg:$0x2]  }
0x4: {  	s3 =	rddreg [dreg:$0x3]  }
0x5: {  	s4 =	rddreg [dreg:$0x4]  }
0x6: {  	s0 =	rddreg [dreg:$0x5]  }
0x7: {  	s6 =	srdreg.scid;
	s2 =	stileid.u32  }
0x8: {  	s5 =	simm.s32 $0x0;
	s17 =	simm.s32 $0x13D00;
	s9 =	smul.u32 $0x4E20, s2  }
0x9: {  	s18 =	simm.s32 $0x50;
	s19 =	simm.s32 $0x13E00;
	s25 =	smul.u32 $0x278, s2  }
0xa: {  	s20 =	simm.s32 $0x1;
	s24 =	simm.s32 $0x0;
	s14 =	smul.u32 $0x13C00, s2  }
0xb: {  	s8 =	sand.u32 $0x1, s6;
	[smem:$0x7FF] =	sst s5;
	s30 =	smul.u32 $0x4F000, s2  }
0xc: {  	s6 =	sadd.s32 $0x1CC400, s7;
	s15 =	sadd.s32 $0xE1E00, s7;
	s16 =	smul.u32 $0x9C4, s2  }
0xd: {  	s21 =	sadd.s32 $0x128400, s4;
	p0 =	seq.s32 s2, $0xF;
	s10 =	smul.u32 $0x4E200, s8  }
0xe: {  	_ =	strace $0x80000056;
	s12 =	ssub.s32 $0x2, s8;
	s8 =	smul.u32 $0x138800, s8  }
0xf: {  	s21 =	sshrl.u32 @p0 s21, $0x3;
	s22 =	sshll.u32 @!p0 s2, $0x6;
	s26 =	sshrl.u32 s12, $0x1  }
0x10: {  	s28 =	smin.u32 s25, $0x2498;
	s11 =	sadd.s32 s16, s11;
	s16 =	simm.s32 $0x13C80  }
0x11: {  	s22 =	sor.u32 @!p0 $0x1C02, s22;
	s9 =	sadd.s32 s9, s10;
	s12 =	ssub.s32 s12, s26  }
0x12: {  	s29 =	sadd.s32 s14, s8;
	s8 =	sshrl.u32 s8, $0x3;
	s10 =	sshrl.u32 s30, $0x2  }
0x13: {  	s14 =	simm.s32 $0x2;
	s9 =	sshrl.u32 s9, $0x3;
	s31 =	sadd.s32 s15, s8  }
0x14: {  	s23 =	sadd.s32 s10, s4;
	s10 =	smax.u32 s12, $0x1;
	s13 =	sadd.s32 s9, s7  }
0x15: {  	s7 =	sshll.u32 s28, $0x7;
	s9 =	sshrl.u32 s29, $0x3;
	s23 =	sshrl.u32 @!p0 s23, $0x3  }
0x16: {  	s7 =	sadd.s32 s7, s4;
	s8 =	sadd.s32 s15, s9;
	s9 =	sadd.s32 $0x25080, s31  }
0x17: {  	s12 =	sadd.s32 $0x80200, s13;
	s13 =	simm.s32 $0x13D80;
	s15 =	simm.s32 $0x13880  }
.LBB2_1:
0x18: {  	[tilespmem:s13], [sflag:$0x2] =	stream.linear.gather [hbm4b:s3+s5], $0x80, $0x38;
	[tilespmem:$0x16600] =	vst v63  }
0x19: {  	_ =	swait.ge [sflag:s14], $0x80  }
0x1a: {  	[sflag:s14] =	ssyncset.done $0x0  }
0x1b: {  	[sflag:s14] =	ssyncadd.s32 $0xFFFFFF80  }
0x1c: {  	[tilespmem:s15], [sflag:$0x2] =	stream.linear.gather [hbm4b:s1+s5], $0x400, $0x38;
	[tilespmem:$0x16600] =	vst v63  }
0x1d: {  	_ =	swait.ge [sflag:s14], $0x400  }
0x1e: {  	[sflag:s14] =	ssyncset.done $0x0  }
0x1f: {  	s25 =	sadd.s32 $0x0, s7;
	[sflag:s14] =	ssyncadd.s32 $0xFFFFFC00  }
0x20: {  	[spmem:s25] =	stream.linear.scatter [tilespmem:s15], [sflag:$0x2], $0x400, $0x38;
	[tilespmem:$0x16600] =	vst v63  }
0x21: {  	s25 =	simm.s32 $0x1000;
	_ =	swait.ge [sflag:s14], $0x400  }
.LBB2_2:
0x22: {  	s26 =	sshra.s32 s25, $0x2;
	[sflag:s14] =	ssyncset.done $0x0;
	p1 =	sne.s32 s25, $0x4E000  }
.Ltmp0:
0x23: {  	s26 =	sadd.s32 s26, s7;
	[sflag:s14] =	ssyncadd.s32 $0xFFFFFC00;
	(pc) =	sbr.rel @p1 .LBB2_2-.Ltmp0, $3  }
0x24: {  	[spmem:s26] =	stream.linear.scatter [tilespmem:s15], [sflag:$0x2], $0x400, $0x38;
	[tilespmem:$0x16600] =	vst v63  }
0x25: {  	s25 =	sadd.s32 $0x1000, s25;
	_ =	sdelay $0x1  }
0x26: {  	_ =	swait.ge [sflag:s14], $0x400  }
0x27: {  	[sflag:s14] =	ssyncset.done $0x0  }
0x28: {  	[sflag:s14] =	ssyncadd.s32 $0xFFFFFC00  }
0x29: {  	[bflag:$0x0] =	sbarrier.arrive $0xFFFF  }
0x2a: {  	s25 =	sadd.s32 $0x0, s12;
	[bflag:$0x0] =	sbarrier.arrive $0xFFFF  }
0x2b: {  	[tilespmem:s16], [sflag:$0x2] =	stream.linear.gather [hbm4b:s25+s5], $0x50, $0x38;
	[tilespmem:$0x16600] =	vst v63  }
0x2c: {  	_ =	swait.ge [sflag:s14], $0x50  }
0x2d: {  	[sflag:s14] =	ssyncset.done $0x0  }
0x2e: {  	s31 =	sadd.s32 $0x0, s11;
	[sflag:s14] =	ssyncadd.s32 $0xFFFFFFB0  }
0x2f: {  	[tilespmem:s17], [sflag:$0x2] =	stream.linear.gather [hbm4b:s31+s5], $0x50, $0x38;
	[tilespmem:$0x16600] =	vst v63  }
0x30: {  	_ =	swait.ge [sflag:s14], $0x50  }
0x31: {  	[sflag:s14] =	ssyncset.done $0x0  }
0x32: {  	[sflag:s14] =	ssyncadd.s32 $0xFFFFFFB0  }
0x33: {  	[tilespmem:s19], [sflag:$0x1] =	stream.indirect.gather [hbm4b:s6+s18], $0x80, s16, s18, $0xb8;
	[tilespmem:$0x16600] =	vst v63  }
0x34: {  	_ =	swait.ge [sflag:s20], $0x2800  }
0x35: {  	[sflag:s20] =	ssyncset.done $0x0  }
0x36: {  	[sflag:s20] =	ssyncadd.s32 $0xFFFFD800  }
0x37: {  	[spmem:s4] =	stream.indirect.scatter.add.f32 [tilespmem:s19], [sflag:$0x2], $0x80, s17, s18, $0xb8;
	[tilespmem:$0x16600] =	vst v63  }
0x38: {  	_ =	swait.ge [sflag:s14], $0x2800  }
0x39: {  	s26 =	simm.s32 $0x14;
	s25 =	simm.s32 $0xA;
	[sflag:s14] =	ssyncset.done $0x0  }
.LBB2_4:
0x3a: {  	s28 =	sadd.s32 s25, s12  }
0x3b: {  	[sflag:s14] =	ssyncadd.s32 $0xFFFFD800;
	s29 =	smov.u32 s26;
	s30 =	sadd.s32 $0xA, s26  }
0x3c: {  	[tilespmem:s16], [sflag:$0x2] =	stream.linear.gather [hbm4b:s28+s5], $0x50, $0x38;
	[tilespmem:$0x16600] =	vst v63  }
0x3d: {  	p1 =	sne.s32 s26, $0x9BA;
	_ =	swait.ge [sflag:s14], $0x50  }
0x3e: {  	[sflag:s14] =	ssyncset.done $0x0  }
0x3f: {  	s26 =	sadd.s32 s25, s11;
	s25 =	smov.u32 s29;
	[sflag:s14] =	ssyncadd.s32 $0xFFFFFFB0  }
0x40: {  	[tilespmem:s17], [sflag:$0x2] =	stream.linear.gather [hbm4b:s26+s5], $0x50, $0x38;
	[tilespmem:$0x16600] =	vst v63  }
0x41: {  	_ =	swait.ge [sflag:s14], $0x50  }
0x42: {  	[sflag:s14] =	ssyncset.done $0x0  }
0x43: {  	[sflag:s14] =	ssyncadd.s32 $0xFFFFFFB0  }
0x44: {  	[tilespmem:s19], [sflag:$0x1] =	stream.indirect.gather [hbm4b:s6+s18], $0x80, s16, s18, $0xb8;
	[tilespmem:$0x16600] =	vst v63  }
0x45: {  	_ =	swait.ge [sflag:s20], $0x2800  }
.Ltmp1:
0x46: {  	[sflag:s20] =	ssyncset.done $0x0;
	(pc) =	sbr.rel @p1 .LBB2_4-.Ltmp1, $4  }
0x47: {  	[sflag:s20] =	ssyncadd.s32 $0xFFFFD800  }
0x48: {  	[spmem:s4] =	stream.indirect.scatter.add.f32 [tilespmem:s19], [sflag:$0x2], $0x80, s17, s18, $0xb8;
	[tilespmem:$0x16600] =	vst v63  }
0x49: {  	_ =	swait.ge [sflag:s14], $0x2800  }
0x4a: {  	s26 =	smov.u32 s30;
	[sflag:s14] =	ssyncset.done $0x0  }
0x4b: {  	s26 =	sadd.s32 s25, s12;
	[sflag:s14] =	ssyncadd.s32 $0xFFFFD800  }
0x4c: {  	[tilespmem:s16], [sflag:$0x2] =	stream.linear.gather [hbm4b:s26+s5], $0x50, $0x38;
	[tilespmem:$0x16600] =	vst v63  }
0x4d: {  	_ =	swait.ge [sflag:s14], $0x50  }
0x4e: {  	[sflag:s14] =	ssyncset.done $0x0  }
0x4f: {  	s31 =	sadd.s32 s25, s11;
	[sflag:s14] =	ssyncadd.s32 $0xFFFFFFB0  }
0x50: {  	[tilespmem:s17], [sflag:$0x2] =	stream.linear.gather [hbm4b:s31+s5], $0x50, $0x38;
	[tilespmem:$0x16600] =	vst v63  }
0x51: {  	_ =	swait.ge [sflag:s14], $0x50  }
0x52: {  	[sflag:s14] =	ssyncset.done $0x0  }
0x53: {  	[sflag:s14] =	ssyncadd.s32 $0xFFFFFFB0  }
0x54: {  	[tilespmem:s19], [sflag:$0x1] =	stream.indirect.gather [hbm4b:s6+s18], $0x80, s16, s18, $0xb8;
	[tilespmem:$0x16600] =	vst v63  }
0x55: {  	_ =	swait.ge [sflag:s20], $0x2800  }
0x56: {  	[sflag:s20] =	ssyncset.done $0x0  }
0x57: {  	[sflag:s20] =	ssyncadd.s32 $0xFFFFD800  }
0x58: {  	[spmem:s4] =	stream.indirect.scatter.add.f32 [tilespmem:s19], [sflag:$0x2], $0x80, s17, s18, $0xb8;
	[tilespmem:$0x16600] =	vst v63  }
0x59: {  	_ =	swait.ge [sflag:s14], $0x2800  }
0x5a: {  	[sflag:s14] =	ssyncset.done $0x0  }
0x5b: {  	[sflag:s14] =	ssyncadd.s32 $0xFFFFD800  }
0x5c: {  	[bflag:$0x0] =	sbarrier.arrive $0xFFFF  }
0x5d: {  	s25 =	simm.s32 @p0 $0x1FC2;
	[bflag:$0x0] =	sbarrier.arrive $0xFFFF  }
0x5e: {  	[hbm:s9], [sflag:s25] =	dma.local @p0 [spmem:s21], $0x2080  }
0x5f: {  	s25 =	simm.s32 @p0 $0x2  }
0x60: {  	s24 =	sadd.s32 $0x1, s24;
	_ =	swait.ge @p0 [sflag:s25], $0x2080  }
0x61: {  	p1 =	sne.s32 s24, s10;
	[sflag:s25] =	ssyncset.done @p0 $0x0  }
.Ltmp2:
0x62: {  	[sflag:s25] =	ssyncadd.s32 @p0 $0xFFFFDF80;
	s25 =	simm.s32 @!p0 $0x2;
	(pc) =	sbr.rel @p1 .LBB2_1-.Ltmp2, $4  }
0x63: {  	[hbm:s8], [sflag:s22] =	dma.local @!p0 [spmem:s23], $0x2780  }
0x64: {  	_ =	swait.ge @!p0 [sflag:s25], $0x2780  }
0x65: {  	[sflag:s25] =	ssyncset.done @!p0 $0x0  }
0x66: {  	[sflag:s25] =	ssyncadd.s32 @!p0 $0xFFFFD880  }
0x67: {  	_ =	sfence.sel $0x180000  }
0x68: {  	[bflag:$0x0] =	sbarrier.arrive $0xFFFF  }
0x69: {  	p0 =	sne.s32 s2, $0x0;
	_ =	strace $0x90000056  }
0x6a: {  	s0 =	sadd.s32 @!p0 $0x100000, s0;
	[bflag:$0x2] =	sbarrier.arrive $0xFFFF  }
0x6b: {  	[sflag:s0] =	ssyncadd.tile.s32 @!p0 $0x1;
	_ =	shalt  }
.Lfunc_end2:
_tile_overlayer_lowered:
.L_overlay_start_2:
0x6c: {  	(tag) =	ssettag $0x2  }
0x6d: {  	s0 =	rddreg [dreg:$0x0];
	s2 =	stileid.u32  }
0x6e: {  	s1 =	rddreg [dreg:$0x1];
	p0 =	sne.s32 s2, $0x0  }
0x6f: {  	s3 =	rddreg [dreg:$0x2];
	[bflag:$0x3] =	sbarrier.arrive $0xFFFF;
	s2 =	simm.s32 @!p0 $0x1C02  }
0x70: {  	[timem:s3], [sflag:s2] =	dma.local @!p0 [hbm:s0], s1  }
0x71: {  	s0 =	simm.s32 @!p0 $0x2  }
0x72: {  	_ =	swait.ge @!p0 [sflag:s0], s1  }
0x73: {  	s1 =	ssub.s32 @!p0 $0x0, s1;
	[sflag:s0] =	ssyncset.done @!p0 $0x0  }
0x74: {  	[sflag:s0] =	ssyncadd.s32 @!p0 s1  }
0x75: {  	[bflag:$0x3] =	sbarrier.arrive $0xFFFF  }
0x76: {  	_ =	shalt  }

// kernel: kernel.47.cloned.1.call-start
scs
__scs_entry_jumppad:
0x0: {  	(pc) =	sbr.rel $0x88, $3  }
0x1: {  	(tag) =	ssettag $0x0;
	lr =	simm.s32 $0x1  }
0x2: {  	[smem:$0x3F7E] =	sst lr;
	_ =	strace $0xD0000000  }
0x3: {  	_ = 	snop  }
0x4: {  	_ = 	snop  }
0x5: {  	_ = 	snop  }
0x6: {  	_ = 	snop  }
0x7: {  	_ = 	snop  }
__scs_overlays_trampoline_lowered:
0x8: {  	[smem:$0x3F8D] =	sst s0  }
0x9: {  	[smem:$0x3F8E] =	sst s1  }
0xa: {  	[smem:$0x3F8F] =	sst s2  }
0xb: {  	[smem:$0x3F90] =	sst s3  }
0xc: {  	[smem:$0x3F91] =	sst s4  }
0xd: {  	[smem:$0x3F92] =	sst s5  }
0xe: {  	[smem:$0x3F93] =	sst s6  }
0xf: {  	[smem:$0x3F94] =	sst s7  }
0x10: {  	[smem:$0x3F95] =	sst s8  }
0x11: {  	[smem:$0x3F96] =	sst s9;
	s0 =	simm.s32 @!p0 $0x0  }
0x12: {  	s1 =	sld [smem:$0x3F7C];
	s0 =	simm.s32 @p0 $0x1  }
0x13: {  	[smem:$0x3F97] =	sst s0;
	s0 =	simm.s32 @!p1 $0x0  }
0x14: {  	s2 =	sld [smem:$0x3F7B];
	s0 =	simm.s32 @p1 $0x1  }
0x15: {  	[smem:$0x3F98] =	sst s0;
	s0 =	simm.s32 @!p2 $0x0  }
0x16: {  	s3 =	sld [smem:$0x3FDB];
	s0 =	simm.s32 @p2 $0x1  }
0x17: {  	s4 =	simm.s32 $0x1BF5;
	[smem:$0x3F9A] =	sst s0  }
0x18: {  	s0 =	sld [smem:$0x3F7D];
	_ =	swait.ge [sflag:s4], $0x0  }
0x19: {  	s7 =	sld [smem:$0x3F7E]  }
0x1a: {  	s8 =	sadd.s32 $0xFFFFE003, lr  }
0x1b: {  	s9 =	sadd.s32 $0xFFFFFEF7, lr;
	s5 =	simm.s32 $0xFFFFFFFF;
	p2 =	slt.u32 s8, $0xFFFFF086  }
0x1c: {  	p1 =	slt.u32 s9, $0xF7A;
	s5 =	simm.s32 @!p2 $0x0  }
0x1d: {  	s5 =	simm.s32 @p1 $0x1;
	p0 =	seq.s32 s7, s2  }
0x1e: {  	s7 =	smul.u32 @!p0 $0xF7A, s2;
	p2 =	seq.s32 @!p0 s5, $0x0  }
0x1f: {  	s9 =	smul.u32 $0xF7A, s1;
	s8 =	simm.s32 @!p0 $0x1BF5;
	p2 =	por !p2, p0  }
0x20: {  	[sflag:s8] =	ssyncset.s32 @!p0 $0xFFFFF086;
	s6 =	sadd.s32 @!p0 s3, s7;
	s7 =	simm.s32 @!p0 $0x108  }
0x21: {  	s3 =	sadd.s32 s3, s9;
	s6 =	sadd.s32 @!p0 $0x88, s6;
	s7 =	simm.s32 @p2 $0x1082  }
0x22: {  	[simem:s7], [sflag:s8] =	dma.local @!p0 [hbm:s6], $0xF7A  }
0x23: {  	s9 =	sor.u32 $0xD0000000, s2;
	s6 =	simm.s32 $0x108;
	_ =	swait.ge @!p0 [sflag:s8], $0x0  }
0x24: {  	s3 =	sadd.s32 $0x88, s3;
	s6 =	simm.s32 @!p1 $0x1082;
	[sflag:s4] =	ssyncset.s32 $0xFFFFF086  }
0x25: {  	[simem:s6], [sflag:s4] =	dma.local [hbm:s3], $0xF7A  }
0x26: {  	[smem:$0x3F7E] =	sst s1;
	(tag) =	ssettag s2;
	_ =	strace s9  }
0x27: {  	s1 =	sld [smem:$0x3F8E]  }
0x28: {  	s2 =	sld [smem:$0x3F8F]  }
0x29: {  	s4 =	sld [smem:$0x3F91]  }
0x2a: {  	p0 =	seq.s32 s5, $0x0;
	s5 =	sld [smem:$0x3F92]  }
0x2b: {  	s6 =	sld [smem:$0x3F93]  }
0x2c: {  	s7 =	sld [smem:$0x3F94]  }
0x2d: {  	s3 =	simm.s32 $0x108;
	s8 =	sld [smem:$0x3F95]  }
0x2e: {  	s3 =	simm.s32 @!p0 $0x1082;
	s9 =	sld [smem:$0x3F96]  }
0x2f: {  	lr =	sadd.s32 s0, s3;
	s0 =	sld [smem:$0x3F8D]  }
0x30: {  	s3 =	sld [smem:$0x3F90]  }
0x31: {  	[smem:$0x3F99] =	sst s10  }
0x32: {  	s10 =	sld [smem:$0x3F97];
	_ =	sdelay $0x3  }
0x33: {  	p0 =	seq.s32 s10, $0x1;
	s10 =	sld [smem:$0x3F99];
	_ =	sdelay $0x3  }
0x34: {  	[smem:$0x3F99] =	sst s10  }
0x35: {  	s10 =	sld [smem:$0x3F98];
	_ =	sdelay $0x3  }
0x36: {  	p1 =	seq.s32 s10, $0x1;
	s10 =	sld [smem:$0x3F99];
	_ =	sdelay $0x3  }
0x37: {  	[smem:$0x3F99] =	sst s10  }
0x38: {  	s10 =	sld [smem:$0x3F9A]  }
0x39: {  	_ = 	snop;
	(pc) =	sbr.ind lr, $3  }
0x3a: {  	_ = 	snop  }
0x3b: {  	_ = 	snop  }
0x3c: {  	p2 =	seq.s32 s10, $0x1;
	s10 =	sld [smem:$0x3F99]  }
0x3d: {  	_ =	shalt  }
0x3e: {  	_ =	shalt  }
0x3f: {  	_ =	shalt  }
0x40: {  	_ =	shalt  }
0x41: {  	_ =	shalt  }
0x42: {  	_ =	shalt  }
0x43: {  	_ =	shalt  }
0x44: {  	_ =	shalt  }
0x45: {  	_ =	shalt  }
0x46: {  	_ =	shalt  }
0x47: {  	_ =	shalt  }
0x48: {  	_ =	shalt  }
0x49: {  	_ =	shalt  }
0x4a: {  	_ =	shalt  }
0x4b: {  	_ =	shalt  }
0x4c: {  	_ =	shalt  }
0x4d: {  	_ =	shalt  }
0x4e: {  	_ =	shalt  }
0x4f: {  	_ =	shalt  }
0x50: {  	_ =	shalt  }
0x51: {  	_ =	shalt  }
0x52: {  	_ =	shalt  }
0x53: {  	_ =	shalt  }
0x54: {  	_ =	shalt  }
0x55: {  	_ =	shalt  }
0x56: {  	_ =	shalt  }
0x57: {  	_ =	shalt  }
0x58: {  	_ =	shalt  }
0x59: {  	_ =	shalt  }
0x5a: {  	_ =	shalt  }
0x5b: {  	_ =	shalt  }
0x5c: {  	_ =	shalt  }
0x5d: {  	_ =	shalt  }
0x5e: {  	_ =	shalt  }
0x5f: {  	_ =	shalt  }
0x60: {  	_ =	shalt  }
0x61: {  	_ =	shalt  }
0x62: {  	_ =	shalt  }
0x63: {  	_ =	shalt  }
0x64: {  	_ =	shalt  }
0x65: {  	_ =	shalt  }
0x66: {  	_ =	shalt  }
0x67: {  	_ =	shalt  }
0x68: {  	_ =	shalt  }
0x69: {  	_ =	shalt  }
0x6a: {  	_ =	shalt  }
0x6b: {  	_ =	shalt  }
0x6c: {  	_ =	shalt  }
0x6d: {  	_ =	shalt  }
0x6e: {  	_ =	shalt  }
0x6f: {  	_ =	shalt  }
0x70: {  	_ =	shalt  }
0x71: {  	_ =	shalt  }
0x72: {  	_ =	shalt  }
0x73: {  	_ =	shalt  }
0x74: {  	_ =	shalt  }
0x75: {  	_ =	shalt  }
0x76: {  	_ =	shalt  }
0x77: {  	_ =	shalt  }
0x78: {  	_ =	shalt  }
0x79: {  	_ =	shalt  }
0x7a: {  	_ =	shalt  }
0x7b: {  	_ =	shalt  }
0x7c: {  	_ =	shalt  }
0x7d: {  	_ =	shalt  }
0x7e: {  	_ =	shalt  }
0x7f: {  	_ =	shalt  }
0x80: {  	_ =	shalt  }
0x81: {  	_ =	shalt  }
0x82: {  	_ =	shalt  }
0x83: {  	_ =	shalt  }
0x84: {  	_ =	shalt  }
0x85: {  	_ =	shalt  }
0x86: {  	_ =	shalt  }
0x87: {  	_ =	shalt  }
.Lfunc_end0:
.L_simem_size_0:
called_computation.6_lowered:
.L_overlay_start_0:
0x88: {  	s2 =	sld [smem:$0x3FD9]  }
0x89: {  	s3 =	sld [smem:$0x3FFE];
	_ =	sdelay $0x1  }
0x8a: {  	s1 =	srdreg.scid  }
0x8b: {  	s0 =	sand.u32 $0x1, s1  }
0x8c: {  	s14 =	sshll.u32 s0, $0xA;
	s2 =	sadd.s32 s3, s2  }
0x8d: {  	s2 =	sadd.s32 s2, s14  }
0x8e: {  	[smem:$0x3FA5] =	sst s2  }
0x8f: {  	_ = 	snop  }
0x90: {  	s2 =	sld [smem:$0x3FD0];
	_ =	sdelay $0x2  }
0x91: {  	s15 =	simm.s32 $0xA;
	s4 =	simm.s32 $0x10  }
0x92: {  	[smem:s4], [sflag:s15] =	dma.local [hbm:s2], $0x1  }
0x93: {  	_ =	swait.eq [sflag:s15], $0x1  }
0x94: {  	s16 =	sld [smem:$0x10]  }
0x95: {  	s17 =	sld [smem:$0x11]  }
0x96: {  	s5 =	sld [smem:$0x13];
	[sflag:s15] =	ssyncset.done $0x0  }
0x97: {  	s6 =	sld [smem:$0x14];
	[sflag:s15] =	ssyncadd.s32 $0xFFFFFFFF  }
0x98: {  	s18 =	sld [smem:$0x15];
	(tm) =	ssettm $0x1  }
0x99: {  	s7 =	sld [smem:$0x3FFB];
	_ =	sdelay $0x3  }
0x9a: {  	_ =	strace s7  }
0x9b: {  	s7 =	sld [smem:$0x3FFC];
	_ =	sdelay $0x3  }
0x9c: {  	_ =	strace s7  }
0x9d: {  	s7 =	sld [smem:$0x3FFD];
	_ =	sdelay $0x3  }
0x9e: {  	_ =	strace s7  }
0x9f: {  	_ =	strace $0x8FFFFFFF  }
0xa0: {  	s19 =	sld [smem:$0x3FDB];
	_ =	sdelay $0x1  }
0xa1: {  	s8 =	simm.s32 $_scs_section_size  }
0xa2: {  	s9 =	simm.s32 $_size__tile_overlayer_lowered;
	s10 =	simm.s32 $_tile_overlayer_lowered  }
0xa3: {  	s22 =	simm.s32 $0x1BFF;
	s21 =	sshll.u32 s10, $0x1;
	s7 =	sadd.s32 s8, s19  }
0xa4: {  	s11 =	simm.s32 $0x0;
	s20 =	sshll.u32 s9, $0x1;
	s9 =	sadd.s32 s21, s7  }
0xa5: {  	[timem:s11], [sflag:s22] =	dma.local [hbm:s9], s20  }
0xa6: {  	_ =	swait.ge [sflag:s22], s20  }
0xa7: {  	s8 =	ssub.s32 $0x0, s20;
	[sflag:s22] =	ssyncset.done $0x0  }
0xa8: {  	[sflag:s22] =	ssyncadd.s32 s8;
	_ =	sdelay $0x1  }
0xa9: {  	s23 =	simm.s32 $0x1B8B  }
0xaa: {  	_ =	swait.ge [sflag:s23], $0x1  }
0xab: {  	[sflag:s23] =	ssyncset.done $0x0  }
0xac: {  	s25 =	simm.s32 $0x1B8E;
	s24 =	sld [smem:$0x3FFE];
	[sflag:s23] =	ssyncadd.s32 $0xFFFFFFFF  }
0xad: {  	s26 =	simm.s32 $execute0_lowered;
	[smem:$0x3FD2] =	sst s25  }
0xae: {  	s9 =	sshll.u32 s26, $0x1;
	_ =	strace $0x80000058;
	[dreg:$0x1] =	wrdreg $0xFFFFFFFF  }
0xaf: {  	s28 =	simm.s32 $_size_execute0_lowered;
	s7 =	sadd.s32 s7, s9;
	[dreg:$0x0] =	wrdreg $0x0  }
0xb0: {  	s9 =	sshll.u32 s28, $0x1;
	[dreg:$0x2] =	wrdreg s7  }
0xb1: {  	[dreg:$0x3] =	wrdreg s9  }
0xb2: {  	[dreg:$0x4] =	wrdreg $0xC0  }
0xb3: {  	_ =	task [dreg:s11], $0x5FFFF  }
0xb4: {  	[dreg:$0x1] =	wrdreg $0xFFFFFFFF  }
0xb5: {  	[dreg:$0x0] =	wrdreg $0x60  }
0xb6: {  	[dreg:$0x2] =	wrdreg s5  }
0xb7: {  	[dreg:$0x3] =	wrdreg s17  }
0xb8: {  	[dreg:$0x4] =	wrdreg s16  }
0xb9: {  	[dreg:$0x5] =	wrdreg s18  }
0xba: {  	[dreg:$0x6] =	wrdreg s6  }
0xbb: {  	[dreg:$0x7] =	wrdreg s24  }
0xbc: {  	[dreg:$0x8] =	wrdreg $0x0  }
0xbd: {  	[dreg:$0x9] =	wrdreg $0x9  }
0xbe: {  	_ =	task.clear_ibuf [dreg:s11], $0xAFFFF;
	_ =	strace $0x90000058  }
0xbf: {  	s29 =	simm.s32 $0x9;
	_ =	strace $0x8000005A  }
0xc0: {  	_ =	swait.ge [sflag:s29], $0x1  }
0xc1: {  	[sflag:s29] =	ssyncadd.s32 $0xFFFFFFFF  }
0xc2: {  	_ =	strace $0x9000005A  }
0xc3: {  	_ =	sfence  }
0xc4: {  	s30 =	sld [smem:$0x0];
	_ =	sdelay $0x2  }
0xc5: {  	s31 =	sshll.u32 s1, $0xD;
	s1 =	sshrl.u32 s1, $0x2  }
0xc6: {  	s3 =	sand.u32 $0x4000, s31;
	s1 =	sadd.s32 s1, s30  }
0xc7: {  	s0 =	sor.u32 s3, s0;
	s1 =	sshll.u32 s1, $0x11  }
0xc8: {  	s0 =	sor.u32 s1, s0  }
0xc9: {  	s0 =	sadd.s32 $0x8F2B, s0  }
0xca: {  	[sflag:s0] =	ssyncadd.remote.s32 $0x1  }
0xcb: {  	_ =	sfence.sel $0xFFFF  }
0xcc: {  	[dreg:$0x0] =	wrdreg $0xFFFFFFFF;
	(pc) =	sbr.abs _section_cstart, $3  }
0xcd: {  	[dreg:$0x1] =	wrdreg $0xFFFFFFFF  }
0xce: {  	_ =	task.clear_ibuf [dreg:s11], $0x2FFFF;
	_ =	strace $0x9FFFFFFF  }
0xcf: {  	(tm) =	ssettm $0x7FFFFFFF  }
tec
execute0_lowered:
.L_overlay_start_1:
0x0: {  	(tag) =	ssettag $0x1  }
0x1: {  	s0 =	rddreg [dreg:$0x0]  }
0x2: {  	s12 =	rddreg [dreg:$0x1]  }
0x3: {  	s11 =	rddreg [dreg:$0x2]  }
0x4: {  	s2 =	rddreg [dreg:$0x3]  }
0x5: {  	s3 =	rddreg [dreg:$0x4]  }
0x6: {  	s7 =	rddreg [dreg:$0x5]  }
0x7: {  	s5 =	rddreg [dreg:$0x6]  }
0x8: {  	s1 =	rddreg [dreg:$0x7]  }
0x9: {  	s8 =	srdreg.scid;
	s4 =	stileid.u32  }
0xa: {  	s6 =	simm.s32 $0x0;
	s18 =	simm.s32 $0x50;
	s9 =	smul.u32 $0x278, s4  }
0xb: {  	s19 =	simm.s32 $0x13E00;
	s20 =	simm.s32 $0x1;
	s15 =	smul.u32 $0x13C00, s4  }
0xc: {  	s8 =	sand.u32 $0x1, s8;
	[smem:$0x7FF] =	sst s6;
	s23 =	smul.u32 $0x4F000, s4  }
0xd: {  	s16 =	sadd.s32 $0xAE00, s7;
	s26 =	smul.u32 $0x4E20, s4;
	s21 =	sadd.s32 $0x128400, s5  }
0xe: {  	p0 =	seq.s32 s4, $0xF;
	s10 =	ssub.s32 $0x2, s8;
	s13 =	smul.u32 $0x138800, s8  }
0xf: {  	_ =	strace $0x80000059;
	s17 =	smul.u32 $0x2710, s8;
	s21 =	sshrl.u32 @p0 s21, $0x3  }
0x10: {  	s22 =	sshll.u32 @!p0 s4, $0x6;
	s14 =	sshrl.u32 s10, $0x1;
	s24 =	smin.u32 s9, $0x2498  }
0x11: {  	s29 =	sshrl.u32 s23, $0x2;
	s22 =	sor.u32 @!p0 $0x1C02, s22;
	s10 =	ssub.s32 s10, s14  }
0x12: {  	s25 =	sadd.s32 s15, s13;
	s7 =	sshll.u32 s24, $0x7;
	s28 =	sshrl.u32 s13, $0x3  }
0x13: {  	s30 =	sadd.s32 s17, s26;
	s23 =	sadd.s32 s29, s5;
	s13 =	simm.s32 $0x13D80  }
0x14: {  	s14 =	simm.s32 $0x2;
	s15 =	simm.s32 $0x13880;
	s17 =	simm.s32 $0x13D00  }
0x15: {  	s24 =	simm.s32 $0x0;
	s9 =	sshrl.u32 s25, $0x3;
	s7 =	sadd.s32 s7, s5  }
0x16: {  	s31 =	sshrl.u32 s30, $0x3;
	s10 =	smax.u32 s10, $0x1;
	s23 =	sshrl.u32 @!p0 s23, $0x3  }
0x17: {  	s8 =	sadd.s32 s16, s9;
	s9 =	sadd.s32 s16, s28;
	s11 =	sadd.s32 s31, s11  }
0x18: {  	s12 =	sadd.s32 s31, s12;
	s16 =	simm.s32 $0x13C80;
	s9 =	sadd.s32 $0x25080, s9  }
.LBB2_1:
0x19: {  	[tilespmem:s13], [sflag:$0x2] =	stream.linear.gather [hbm4b:s3+s6], $0x80, $0x38;
	[tilespmem:$0x16600] =	vst v63  }
0x1a: {  	_ =	swait.ge [sflag:s14], $0x80  }
0x1b: {  	[sflag:s14] =	ssyncset.done $0x0  }
0x1c: {  	[sflag:s14] =	ssyncadd.s32 $0xFFFFFF80  }
0x1d: {  	[tilespmem:s15], [sflag:$0x2] =	stream.linear.gather [hbm4b:s2+s6], $0x400, $0x38;
	[tilespmem:$0x16600] =	vst v63  }
0x1e: {  	_ =	swait.ge [sflag:s14], $0x400  }
0x1f: {  	[sflag:s14] =	ssyncset.done $0x0  }
0x20: {  	s25 =	sadd.s32 $0x0, s7;
	[sflag:s14] =	ssyncadd.s32 $0xFFFFFC00  }
0x21: {  	[spmem:s25] =	stream.linear.scatter [tilespmem:s15], [sflag:$0x2], $0x400, $0x38;
	[tilespmem:$0x16600] =	vst v63  }
0x22: {  	s25 =	simm.s32 $0x1000;
	_ =	swait.ge [sflag:s14], $0x400  }
.LBB2_2:
0x23: {  	s26 =	sshra.s32 s25, $0x2;
	[sflag:s14] =	ssyncset.done $0x0;
	p1 =	sne.s32 s25, $0x4E000  }
.Ltmp0:
0x24: {  	s26 =	sadd.s32 s26, s7;
	[sflag:s14] =	ssyncadd.s32 $0xFFFFFC00;
	(pc) =	sbr.rel @p1 .LBB2_2-.Ltmp0, $3  }
0x25: {  	[spmem:s26] =	stream.linear.scatter [tilespmem:s15], [sflag:$0x2], $0x400, $0x38;
	[tilespmem:$0x16600] =	vst v63  }
0x26: {  	s25 =	sadd.s32 $0x1000, s25;
	_ =	sdelay $0x1  }
0x27: {  	_ =	swait.ge [sflag:s14], $0x400  }
0x28: {  	[sflag:s14] =	ssyncset.done $0x0  }
0x29: {  	[sflag:s14] =	ssyncadd.s32 $0xFFFFFC00  }
0x2a: {  	[bflag:$0x0] =	sbarrier.arrive $0xFFFF  }
0x2b: {  	s25 =	sadd.s32 $0x0, s12;
	[bflag:$0x0] =	sbarrier.arrive $0xFFFF  }
0x2c: {  	[tilespmem:s16], [sflag:$0x2] =	stream.linear.gather [hbm4b:s25+s6], $0x50, $0x38;
	[tilespmem:$0x16600] =	vst v63  }
0x2d: {  	_ =	swait.ge [sflag:s14], $0x50  }
0x2e: {  	[sflag:s14] =	ssyncset.done $0x0  }
0x2f: {  	s31 =	sadd.s32 $0x0, s11;
	[sflag:s14] =	ssyncadd.s32 $0xFFFFFFB0  }
0x30: {  	[tilespmem:s17], [sflag:$0x2] =	stream.linear.gather [hbm4b:s31+s6], $0x50, $0x38;
	[tilespmem:$0x16600] =	vst v63  }
0x31: {  	_ =	swait.ge [sflag:s14], $0x50  }
0x32: {  	[sflag:s14] =	ssyncset.done $0x0  }
0x33: {  	[sflag:s14] =	ssyncadd.s32 $0xFFFFFFB0  }
0x34: {  	[tilespmem:s19], [sflag:$0x1] =	stream.indirect.gather [hbm4b:s0+s18], $0x80, s16, s18, $0xb8;
	[tilespmem:$0x16600] =	vst v63  }
0x35: {  	_ =	swait.ge [sflag:s20], $0x2800  }
0x36: {  	[sflag:s20] =	ssyncset.done $0x0  }
0x37: {  	[sflag:s20] =	ssyncadd.s32 $0xFFFFD800  }
0x38: {  	[spmem:s5] =	stream.indirect.scatter.add.f32 [tilespmem:s19], [sflag:$0x2], $0x80, s17, s18, $0xb8;
	[tilespmem:$0x16600] =	vst v63  }
0x39: {  	_ =	swait.ge [sflag:s14], $0x2800  }
0x3a: {  	s26 =	simm.s32 $0x14;
	s25 =	simm.s32 $0xA;
	[sflag:s14] =	ssyncset.done $0x0  }
.LBB2_4:
0x3b: {  	s28 =	sadd.s32 s25, s12  }
0x3c: {  	[sflag:s14] =	ssyncadd.s32 $0xFFFFD800;
	s29 =	smov.u32 s26;
	s30 =	sadd.s32 $0xA, s26  }
0x3d: {  	[tilespmem:s16], [sflag:$0x2] =	stream.linear.gather [hbm4b:s28+s6], $0x50, $0x38;
	[tilespmem:$0x16600] =	vst v63  }
0x3e: {  	p1 =	sne.s32 s26, $0x4D8;
	_ =	swait.ge [sflag:s14], $0x50  }
0x3f: {  	[sflag:s14] =	ssyncset.done $0x0  }
0x40: {  	s26 =	sadd.s32 s25, s11;
	s25 =	smov.u32 s29;
	[sflag:s14] =	ssyncadd.s32 $0xFFFFFFB0  }
0x41: {  	[tilespmem:s17], [sflag:$0x2] =	stream.linear.gather [hbm4b:s26+s6], $0x50, $0x38;
	[tilespmem:$0x16600] =	vst v63  }
0x42: {  	_ =	swait.ge [sflag:s14], $0x50  }
0x43: {  	[sflag:s14] =	ssyncset.done $0x0  }
0x44: {  	[sflag:s14] =	ssyncadd.s32 $0xFFFFFFB0  }
0x45: {  	[tilespmem:s19], [sflag:$0x1] =	stream.indirect.gather [hbm4b:s0+s18], $0x80, s16, s18, $0xb8;
	[tilespmem:$0x16600] =	vst v63  }
0x46: {  	_ =	swait.ge [sflag:s20], $0x2800  }
.Ltmp1:
0x47: {  	[sflag:s20] =	ssyncset.done $0x0;
	(pc) =	sbr.rel @p1 .LBB2_4-.Ltmp1, $4  }
0x48: {  	[sflag:s20] =	ssyncadd.s32 $0xFFFFD800  }
0x49: {  	[spmem:s5] =	stream.indirect.scatter.add.f32 [tilespmem:s19], [sflag:$0x2], $0x80, s17, s18, $0xb8;
	[tilespmem:$0x16600] =	vst v63  }
0x4a: {  	_ =	swait.ge [sflag:s14], $0x2800  }
0x4b: {  	s26 =	smov.u32 s30;
	[sflag:s14] =	ssyncset.done $0x0  }
0x4c: {  	s26 =	sadd.s32 s25, s12;
	[sflag:s14] =	ssyncadd.s32 $0xFFFFD800  }
0x4d: {  	[tilespmem:s16], [sflag:$0x2] =	stream.linear.gather [hbm4b:s26+s6], $0x50, $0x38;
	[tilespmem:$0x16600] =	vst v63  }
0x4e: {  	_ =	swait.ge [sflag:s14], $0x50  }
0x4f: {  	[sflag:s14] =	ssyncset.done $0x0  }
0x50: {  	s31 =	sadd.s32 s25, s11;
	[sflag:s14] =	ssyncadd.s32 $0xFFFFFFB0  }
0x51: {  	[tilespmem:s17], [sflag:$0x2] =	stream.linear.gather [hbm4b:s31+s6], $0x50, $0x38;
	[tilespmem:$0x16600] =	vst v63  }
0x52: {  	_ =	swait.ge [sflag:s14], $0x50  }
0x53: {  	[sflag:s14] =	ssyncset.done $0x0  }
0x54: {  	[sflag:s14] =	ssyncadd.s32 $0xFFFFFFB0  }
0x55: {  	[tilespmem:s19], [sflag:$0x1] =	stream.indirect.gather [hbm4b:s0+s18], $0x80, s16, s18, $0xb8;
	[tilespmem:$0x16600] =	vst v63  }
0x56: {  	_ =	swait.ge [sflag:s20], $0x2800  }
0x57: {  	[sflag:s20] =	ssyncset.done $0x0  }
0x58: {  	[sflag:s20] =	ssyncadd.s32 $0xFFFFD800  }
0x59: {  	[spmem:s5] =	stream.indirect.scatter.add.f32 [tilespmem:s19], [sflag:$0x2], $0x80, s17, s18, $0xb8;
	[tilespmem:$0x16600] =	vst v63  }
0x5a: {  	_ =	swait.ge [sflag:s14], $0x2800  }
0x5b: {  	[sflag:s14] =	ssyncset.done $0x0  }
0x5c: {  	[sflag:s14] =	ssyncadd.s32 $0xFFFFD800  }
0x5d: {  	[bflag:$0x0] =	sbarrier.arrive $0xFFFF  }
0x5e: {  	s25 =	simm.s32 @p0 $0x1FC2;
	[bflag:$0x0] =	sbarrier.arrive $0xFFFF  }
0x5f: {  	[hbm:s9], [sflag:s25] =	dma.local @p0 [spmem:s21], $0x2080  }
0x60: {  	s25 =	simm.s32 @p0 $0x2  }
0x61: {  	s24 =	sadd.s32 $0x1, s24;
	_ =	swait.ge @p0 [sflag:s25], $0x2080  }
0x62: {  	p1 =	sne.s32 s24, s10;
	[sflag:s25] =	ssyncset.done @p0 $0x0  }
.Ltmp2:
0x63: {  	[sflag:s25] =	ssyncadd.s32 @p0 $0xFFFFDF80;
	s25 =	simm.s32 @!p0 $0x2;
	(pc) =	sbr.rel @p1 .LBB2_1-.Ltmp2, $4  }
0x64: {  	[hbm:s8], [sflag:s22] =	dma.local @!p0 [spmem:s23], $0x2780  }
0x65: {  	_ =	swait.ge @!p0 [sflag:s25], $0x2780  }
0x66: {  	[sflag:s25] =	ssyncset.done @!p0 $0x0  }
0x67: {  	[sflag:s25] =	ssyncadd.s32 @!p0 $0xFFFFD880  }
0x68: {  	_ =	sfence.sel $0x180000  }
0x69: {  	[bflag:$0x0] =	sbarrier.arrive $0xFFFF  }
0x6a: {  	p0 =	sne.s32 s4, $0x0;
	_ =	strace $0x90000059  }
0x6b: {  	s0 =	sadd.s32 @!p0 $0x100000, s1;
	[bflag:$0x2] =	sbarrier.arrive $0xFFFF  }
0x6c: {  	[sflag:s0] =	ssyncadd.tile.s32 @!p0 $0x1;
	_ =	shalt  }
.Lfunc_end2:
_tile_overlayer_lowered:
.L_overlay_start_2:
0x6d: {  	(tag) =	ssettag $0x2  }
0x6e: {  	s0 =	rddreg [dreg:$0x0];
	s2 =	stileid.u32  }
0x6f: {  	s1 =	rddreg [dreg:$0x1];
	p0 =	sne.s32 s2, $0x0  }
0x70: {  	s3 =	rddreg [dreg:$0x2];
	[bflag:$0x3] =	sbarrier.arrive $0xFFFF;
	s2 =	simm.s32 @!p0 $0x1C02  }
0x71: {  	[timem:s3], [sflag:s2] =	dma.local @!p0 [hbm:s0], s1  }
0x72: {  	s0 =	simm.s32 @!p0 $0x2  }
0x73: {  	_ =	swait.ge @!p0 [sflag:s0], s1  }
0x74: {  	s1 =	ssub.s32 @!p0 $0x0, s1;
	[sflag:s0] =	ssyncset.done @!p0 $0x0  }
0x75: {  	[sflag:s0] =	ssyncadd.s32 @!p0 s1  }
0x76: {  	[bflag:$0x3] =	sbarrier.arrive $0xFFFF  }
0x77: {  	_ =	shalt  }

</sc_bundles>
